<compile_context>
chip_gen: v7x
topology: tpu7x:2x2x1
jax: 0.10.2.dev20260603
libtpu: 0.0.44.dev20260713+nightly
codegen_flags: <defaults>
</compile_context>

<pallas_src>
import functools

import jax
import jax.numpy as jnp
from jax import lax
from jax.experimental import pallas as pl
from jax.experimental.pallas import tpu as pltpu
from jax.experimental.pallas import tpu_sc as plsc

N_NODES = 10000
N_EDGES = 160000
DIM = 256
HD = 128
ALPHA = 0.1
BETA = 0.5

NS = 16
K = 128
CHUNKS = 80
EPT = CHUNKS * K
E_PAD = NS * EPT
ROWS_PER_TILE = N_NODES // NS
ZR = 25


_GDN = lax.GatherDimensionNumbers(
    offset_dims=(), collapsed_slice_dims=(0,), start_index_map=(0,))


def _lane_bcast(vec16, j):
    return lax.gather(vec16, jnp.full((16, 1), j, jnp.int32), _GDN,
                      slice_sizes=(1,),
                      mode=lax.GatherScatterMode.PROMISE_IN_BOUNDS)


def _spmm_body(hcat_hbm, sv_hbm, dst_hbm, out_hbm, acc, zeros_v,
               dst_all, sv_a, sv_b, rows_a, rows_b,
               ls, ms_a, ms_b, gs_a, gs_b, ss_a, ss_b):
    c = lax.axis_index("c")
    s = lax.axis_index("s")
    sv_base = (c * NS + s) * CHUNKS

    pltpu.async_copy(dst_hbm.at[pl.ds(s * CHUNKS, CHUNKS)], dst_all, ls)

    def meta_start(i, sv, sem):
        pltpu.async_copy(sv_hbm.at[pl.ds((sv_base + i) * 2 * K, 2 * K)],
                         sv, sem)

    def meta_wait(i, sv, sem):
        pltpu.make_async_copy(
            sv_hbm.at[pl.ds((sv_base + i) * 2 * K, 2 * K)], sv, sem).wait()

    meta_start(0, sv_a, ms_a)
    meta_start(1, sv_b, ms_b)

    z16 = jnp.zeros((16,), jnp.float32)

    def zrow(r, carry):
        for k in range(HD // 16):
            zeros_v[r, pl.ds(k * 16, 16)] = z16
        return carry

    lax.fori_loop(0, ZR, zrow, 0)
    for j in range(ROWS_PER_TILE // ZR):
        pltpu.sync_copy(zeros_v, acc.at[pl.ds(s * ROWS_PER_TILE + j * ZR, ZR)])

    pltpu.make_async_copy(dst_hbm.at[pl.ds(s * CHUNKS, CHUNKS)], dst_all,
                          ls).wait()
    plsc.subcore_barrier()

    def g_start(sv, rows, sem):
        pltpu.async_copy(hcat_hbm.at[sv.at[pl.ds(0, K)]], rows, sem)

    def g_wait(sv, rows, sem):
        pltpu.make_async_copy(hcat_hbm.at[sv.at[pl.ds(0, K)]], rows,
                              sem).wait()

    def scat_start(i, rows, sem):
        pltpu.async_copy(rows, acc.at[dst_all.at[i]], sem, add=True)

    def scat_wait(i, rows, sem):
        pltpu.make_async_copy(rows, acc.at[dst_all.at[i]], sem).wait()

    def scale(sv, rows):
        def group(g, carry):
            val16 = lax.bitcast_convert_type(sv[pl.ds(K + g * 16, 16)],
                                             jnp.float32)
            for j in range(16):
                e = g * 16 + j
                vb = _lane_bcast(val16, j)
                for d in range(HD // 16):
                    x = rows[e, pl.ds(d * 16, 16)]
                    rows[e, pl.ds(d * 16, 16)] = x * vb
            return carry

        lax.fori_loop(0, K // 16, group, 0)

    meta_wait(0, sv_a, ms_a)
    g_start(sv_a, rows_a, gs_a)
    meta_wait(1, sv_b, ms_b)
    g_start(sv_b, rows_b, gs_b)

    def pipe(j, carry):
        c0 = 2 * j
        not_last = j < CHUNKS // 2 - 1

        g_wait(sv_a, rows_a, gs_a)
        scale(sv_a, rows_a)
        scat_start(c0, rows_a, ss_a)

        g_wait(sv_b, rows_b, gs_b)

        @pl.when(not_last)
        def _meta_a():
            meta_start(c0 + 2, sv_a, ms_a)

        scale(sv_b, rows_b)
        scat_start(c0 + 1, rows_b, ss_b)

        @pl.when(not_last)
        def _refill():
            meta_start(c0 + 3, sv_b, ms_b)
            scat_wait(c0, rows_a, ss_a)
            meta_wait(c0 + 2, sv_a, ms_a)
            g_start(sv_a, rows_a, gs_a)
            scat_wait(c0 + 1, rows_b, ss_b)
            meta_wait(c0 + 3, sv_b, ms_b)
            g_start(sv_b, rows_b, gs_b)

        return carry

    lax.fori_loop(0, CHUNKS // 2, pipe, 0)
    scat_wait(CHUNKS - 2, rows_a, ss_a)
    scat_wait(CHUNKS - 1, rows_b, ss_b)

    plsc.subcore_barrier()
    pltpu.sync_copy(acc.at[pl.ds(s * 624, 624)],
                    out_hbm.at[c, pl.ds(s * 624, 624)])

    @pl.when(s == 0)
    def _tail():
        pltpu.sync_copy(acc.at[pl.ds(9984, 16)],
                        out_hbm.at[c, pl.ds(9984, 16)])


_spmm = functools.partial(
    pl.kernel,
    mesh=plsc.VectorSubcoreMesh(core_axis_name="c", subcore_axis_name="s"),
    out_type=jax.ShapeDtypeStruct((2, N_NODES, HD), jnp.float32),
    scratch_types=[
        pltpu.VMEM_SHARED((N_NODES, HD), jnp.float32),
        pltpu.VMEM((ZR, HD), jnp.float32),
        pltpu.VMEM((CHUNKS, K), jnp.int32),
        pltpu.VMEM((2 * K,), jnp.int32),
        pltpu.VMEM((2 * K,), jnp.int32),
        pltpu.VMEM((K, HD), jnp.float32),
        pltpu.VMEM((K, HD), jnp.float32),
        pltpu.SemaphoreType.DMA,
        pltpu.SemaphoreType.DMA,
        pltpu.SemaphoreType.DMA,
        pltpu.SemaphoreType.DMA,
        pltpu.SemaphoreType.DMA,
        pltpu.SemaphoreType.DMA,
        pltpu.SemaphoreType.DMA,
    ],
)(_spmm_body)


_SQRT_HALF = 0.7071067811865476


def _erf(x):
    ax = jnp.abs(x)
    t = 1.0 / (1.0 + 0.3275911 * ax)
    poly = ((((1.061405429 * t - 1.453152027) * t + 1.421413741) * t
             - 0.284496736) * t + 0.254829592) * t
    e = 1.0 - poly * jnp.exp(-ax * ax)
    return jnp.sign(x) * e


def _dense_body(ma_ref, mb_ref, h0_ref, h_ref, wt_ref, b_ref, g_ref, be_ref,
                o_ref):
    mm = jnp.concatenate([ma_ref[...], mb_ref[...]], axis=1)
    mm = (1.0 - ALPHA) * mm + ALPHA * h0_ref[...]
    lin = jnp.dot(mm, wt_ref[...], preferred_element_type=jnp.float32)
    lin = lin + b_ref[...]
    x = (1.0 - BETA) * mm + BETA * lin
    g = 0.5 * x * (1.0 + _erf(x * _SQRT_HALF))
    y = g + h_ref[...]
    mean = jnp.mean(y, axis=1, keepdims=True)
    cen = y - mean
    var = jnp.mean(cen * cen, axis=1, keepdims=True)
    o_ref[...] = cen * lax.rsqrt(var + 1e-5) * g_ref[...] + be_ref[...]


R = 1000


def _dense(ma, mb, h0, h, wt, b2, g2, be2):
    grid = (N_NODES // R,)
    return pl.pallas_call(
        _dense_body,
        grid=grid,
        in_specs=[
            pl.BlockSpec((R, HD), lambda i: (i, 0)),
            pl.BlockSpec((R, HD), lambda i: (i, 0)),
            pl.BlockSpec((R, DIM), lambda i: (i, 0)),
            pl.BlockSpec((R, DIM), lambda i: (i, 0)),
            pl.BlockSpec((DIM, DIM), lambda i: (0, 0)),
            pl.BlockSpec((1, DIM), lambda i: (0, 0)),
            pl.BlockSpec((1, DIM), lambda i: (0, 0)),
            pl.BlockSpec((1, DIM), lambda i: (0, 0)),
        ],
        out_specs=pl.BlockSpec((R, DIM), lambda i: (i, 0)),
        out_shape=jax.ShapeDtypeStruct((N_NODES, DIM), jnp.float32),
    )(ma, mb, h0, h, wt, b2, g2, be2)


@jax.jit
def kernel(h, h0, adj_edge_index, adj_edge_values, W, b, ln_weight, ln_bias):
    src = adj_edge_index[0]
    dst = adj_edge_index[1]
    hcat = jnp.concatenate([h[:, :HD], h[:, HD:]], axis=0)
    pad = E_PAD - N_EDGES
    srcp = jnp.concatenate([src, jnp.zeros((pad,), jnp.int32)])
    dstp = jnp.concatenate([dst, jnp.zeros((pad,), jnp.int32)])
    valp = jnp.concatenate([adj_edge_values, jnp.zeros((pad,), jnp.float32)])
    src_chunks = srcp.reshape(NS * CHUNKS, K)
    valbits = lax.bitcast_convert_type(valp, jnp.int32).reshape(NS * CHUNKS, K)
    sv = jnp.concatenate([
        jnp.concatenate([src_chunks, valbits], axis=1),
        jnp.concatenate([src_chunks + N_NODES, valbits], axis=1),
    ], axis=0).reshape(-1)
    dst3 = dstp.reshape(NS * CHUNKS, K)
    m2 = _spmm(hcat, sv, dst3)
    out = _dense(m2[0], m2[1], h0, h, W.T,
                 b[None, :], ln_weight[None, :], ln_bias[None, :])
    return out

# --- scband reference (transcript-rebuilt; emitter-appended) ---
"""Pipeline reference for scband-gcniiblock-37237366456848 (READ-ONLY COPY).

The authoritative reference and input builder live on the scoring server;
editing this copy changes nothing except your own understanding.
"""

import jax, jax.numpy as jnp
import numpy as np

N_NODES = 10000
N_EDGES = 160000
DIM = 256
ALPHA = 0.1
BETA = 0.5


def setup_inputs(seed: int = 0) -> dict:
    key = jax.random.key(seed)
    k_h, k_h0, k_idx, k_val, k_w, k_b, k_g, k_be = jax.random.split(key, 8)
    h = jax.random.normal(k_h, (N_NODES, DIM), dtype=jnp.float32)
    h0 = jax.random.normal(k_h0, (N_NODES, DIM), dtype=jnp.float32)
    adj_edge_index = jax.random.randint(k_idx, (2, N_EDGES), 0, N_NODES, dtype=jnp.int64 if jax.config.jax_enable_x64 else jnp.int32).astype(jnp.int32)
    adj_edge_values = jax.random.uniform(k_val, (N_EDGES,), dtype=jnp.float32)
    # nn.Linear(dim, dim) params, kaiming-uniform-ish init
    bound = 1.0 / np.sqrt(DIM)
    W = jax.random.uniform(k_w, (DIM, DIM), minval=-bound, maxval=bound, dtype=jnp.float32)
    b = jax.random.uniform(k_b, (DIM,), minval=-bound, maxval=bound, dtype=jnp.float32)
    ln_weight = jnp.ones((DIM,), dtype=jnp.float32)
    ln_bias = jnp.zeros((DIM,), dtype=jnp.float32)
    return {
        "h": h,
        "h0": h0,
        "adj_edge_index": adj_edge_index,
        "adj_edge_values": adj_edge_values,
        "W": W,
        "b": b,
        "ln_weight": ln_weight,
        "ln_bias": ln_bias,
    }


def _layer_norm(x, gamma, beta, eps=1e-5):
    mean = jnp.mean(x, axis=-1, keepdims=True)
    var = jnp.var(x, axis=-1, keepdims=True)
    return (x - mean) / jnp.sqrt(var + eps) * gamma + beta


def reference(h, h0, adj_edge_index, adj_edge_values, W, b, ln_weight, ln_bias):
    src = adj_edge_index[0]
    dst = adj_edge_index[1]
    # sparse mm: m = A @ h  (A given in COO form, rows=dst, cols=src)
    gathered = adj_edge_values[:, None] * jnp.take(h, src, axis=0)
    m = jax.ops.segment_sum(gathered, dst, num_segments=N_NODES)
    # initial residual injection
    m = (1.0 - ALPHA) * m + ALPHA * h0
    # identity mapping
    m_lin = m @ W.T + b
    out = (1.0 - BETA) * m + BETA * m_lin
    out = jax.nn.gelu(out, approximate=False)
    # dropout p=0.0, eval-mode: no-op
    out = out + h
    out = _layer_norm(out, ln_weight, ln_bias)
    return out

if __name__ == "__main__":
    import jax
    _d = setup_inputs()
    print(jax.jit(kernel)(*tuple(_d.values())))

</pallas_src>

<mosaic_0001>
#map = affine_map<(d0, d1) -> (0, 0)>
#map1 = affine_map<(d0, d1) -> (0)>
#map2 = affine_map<(d0, d1) -> (0, 0, 0)>
module attributes {stable_mosaic.version = 14 : i64} {
  func.func @_spmm_body(%arg0: i32, %arg1: i32, %arg2: memref<20000x128xf32, #tpu.memory_space<hbm>>, %arg3: memref<655360xi32, #tpu.memory_space<hbm>>, %arg4: memref<1280x128xi32, #tpu.memory_space<hbm>>, %arg5: memref<2x10000x128xf32, #tpu.memory_space<hbm>>, %arg6: memref<10000x128xf32, #tpu.memory_space<vmem_shared>>, %arg7: memref<25x128xf32, #tpu.memory_space<vmem>>, %arg8: memref<80x128xi32, #tpu.memory_space<vmem>>, %arg9: memref<256xi32, #tpu.memory_space<vmem>>, %arg10: memref<256xi32, #tpu.memory_space<vmem>>, %arg11: memref<128x128xf32, #tpu.memory_space<vmem>>, %arg12: memref<128x128xf32, #tpu.memory_space<vmem>>, %arg13: memref<!tpu.dma_semaphore, #tpu.memory_space<semaphore_mem>>, %arg14: memref<!tpu.dma_semaphore, #tpu.memory_space<semaphore_mem>>, %arg15: memref<!tpu.dma_semaphore, #tpu.memory_space<semaphore_mem>>, %arg16: memref<!tpu.dma_semaphore, #tpu.memory_space<semaphore_mem>>, %arg17: memref<!tpu.dma_semaphore, #tpu.memory_space<semaphore_mem>>, %arg18: memref<!tpu.dma_semaphore, #tpu.memory_space<semaphore_mem>>, %arg19: memref<!tpu.dma_semaphore, #tpu.memory_space<semaphore_mem>>) attributes {dimension_semantics = [#tpu.dimension_semantics<core_parallel>, #tpu.dimension_semantics<subcore_parallel>], iteration_bounds = array<i64: 2, 16>, scalar_prefetch = 0 : i64, scratch_operands = 14 : i64, tpu.core_type = #tpu.core_type<sc_vector_subcore>, window_params = [{transform_indices = #map}, {transform_indices = #map1}, {transform_indices = #map}, {transform_indices = #map2}]} {
    %mul3A = arith.constant 16 : i32
    %mul3A_0 = arith.muli %arg0, %mul3A : i32
    %add3A = arith.addi %mul3A_0, %arg1 : i32
    %mul3A_1 = arith.constant 80 : i32
    %mul3A_2 = arith.muli %add3A, %mul3A_1 : i32
    %mul3A_3 = arith.constant 80 : i32
    %mul3A_4 = arith.muli %arg1, %mul3A_3 : i32
    %dma_start3A = arith.constant 0 : i32
    %dma_start3A_5 = tpu.memref_slice %arg4[%mul3A_4, %dma_start3A] : memref<1280x128xi32, #tpu.memory_space<hbm>> -> memref<80x128xi32, #tpu.memory_space<hbm>>
    %dma_start3A_6 = arith.constant 0 : i32
    %dma_start3A_7 = tpu.memref_slice %arg4[%mul3A_4, %dma_start3A_6] : memref<1280x128xi32, #tpu.memory_space<hbm>> -> memref<80x128xi32, #tpu.memory_space<hbm>>
    tpu.enqueue_dma source(%dma_start3A_7 : memref<80x128xi32, #tpu.memory_space<hbm>>) target(%arg8 : memref<80x128xi32, #tpu.memory_space<vmem>>) target_semaphore(%arg13 : memref<!tpu.dma_semaphore, #tpu.memory_space<semaphore_mem>>)
    %add3A_8 = arith.constant 0 : i32
    %add3A_9 = arith.addi %mul3A_2, %add3A_8 : i32
    %mul3A_10 = arith.constant 2 : i32
    %mul3A_11 = arith.muli %add3A_9, %mul3A_10 : i32
    %mul3A_12 = arith.constant 128 : i32
    %mul3A_13 = arith.muli %mul3A_11, %mul3A_12 : i32
    %dma_start3A_14 = tpu.memref_slice %arg3[%mul3A_13] : memref<655360xi32, #tpu.memory_space<hbm>> -> memref<256xi32, #tpu.memory_space<hbm>>
    %dma_start3A_15 = tpu.memref_slice %arg3[%mul3A_13] : memref<655360xi32, #tpu.memory_space<hbm>> -> memref<256xi32, #tpu.memory_space<hbm>>
    tpu.enqueue_dma source(%dma_start3A_15 : memref<256xi32, #tpu.memory_space<hbm>>) target(%arg9 : memref<256xi32, #tpu.memory_space<vmem>>) target_semaphore(%arg14 : memref<!tpu.dma_semaphore, #tpu.memory_space<semaphore_mem>>)
    %add3A_16 = arith.constant 1 : i32
    %add3A_17 = arith.addi %mul3A_2, %add3A_16 : i32
    %mul3A_18 = arith.constant 2 : i32
    %mul3A_19 = arith.muli %add3A_17, %mul3A_18 : i32
    %mul3A_20 = arith.constant 128 : i32
    %mul3A_21 = arith.muli %mul3A_19, %mul3A_20 : i32
    %dma_start3A_22 = tpu.memref_slice %arg3[%mul3A_21] : memref<655360xi32, #tpu.memory_space<hbm>> -> memref<256xi32, #tpu.memory_space<hbm>>
    %dma_start3A_23 = tpu.memref_slice %arg3[%mul3A_21] : memref<655360xi32, #tpu.memory_space<hbm>> -> memref<256xi32, #tpu.memory_space<hbm>>
    tpu.enqueue_dma source(%dma_start3A_23 : memref<256xi32, #tpu.memory_space<hbm>>) target(%arg10 : memref<256xi32, #tpu.memory_space<vmem>>) target_semaphore(%arg15 : memref<!tpu.dma_semaphore, #tpu.memory_space<semaphore_mem>>)
    %broadcast_in_dim3A = arith.constant 0.000000e+00 : f32
    %broadcast_in_dim3A_24 = vector.broadcast %broadcast_in_dim3A : f32 to vector<16xf32>
    %scan3A = arith.constant 0 : i32
    %scan3A_25 = arith.constant 0 : i32
    %scan3A_26 = arith.constant 25 : i32
    %scan3A_27 = arith.addi %scan3A_25, %scan3A_26 : i32
    %scan3A_28 = arith.constant 1 : i32
    scf.for %scan3A_188 = %scan3A_25 to %scan3A_27 step %scan3A_28  : i32 {
      %swap3A = arith.index_cast %scan3A_188 : i32 to index
      %swap3A_189 = arith.constant 0 : index
      %swap3A_190 = tpu.vector_load %arg7[%swap3A, %swap3A_189] {strides = array<i32>} : memref<25x128xf32, #tpu.memory_space<vmem>>, vector<1x16xf32>,
      %swap3A_191 = vector.shape_cast %swap3A_190 : vector<1x16xf32> to vector<16xf32>
      %swap3A_192 = vector.shape_cast %broadcast_in_dim3A_24 : vector<16xf32> to vector<1x16xf32>
      tpu.vector_store %arg7[%swap3A, %swap3A_189], %swap3A_192 {strides = array<i32>} : memref<25x128xf32, #tpu.memory_space<vmem>>, vector<1x16xf32>,
      %swap3A_193 = arith.index_cast %scan3A_188 : i32 to index
      %swap3A_194 = arith.constant 16 : index
      %swap3A_195 = tpu.vector_load %arg7[%swap3A_193, %swap3A_194] {strides = array<i32>} : memref<25x128xf32, #tpu.memory_space<vmem>>, vector<1x16xf32>,
      %swap3A_196 = vector.shape_cast %swap3A_195 : vector<1x16xf32> to vector<16xf32>
      %swap3A_197 = vector.shape_cast %broadcast_in_dim3A_24 : vector<16xf32> to vector<1x16xf32>
      tpu.vector_store %arg7[%swap3A_193, %swap3A_194], %swap3A_197 {strides = array<i32>} : memref<25x128xf32, #tpu.memory_space<vmem>>, vector<1x16xf32>,
      %swap3A_198 = arith.index_cast %scan3A_188 : i32 to index
      %swap3A_199 = arith.constant 32 : index
      %swap3A_200 = tpu.vector_load %arg7[%swap3A_198, %swap3A_199] {strides = array<i32>} : memref<25x128xf32, #tpu.memory_space<vmem>>, vector<1x16xf32>,
      %swap3A_201 = vector.shape_cast %swap3A_200 : vector<1x16xf32> to vector<16xf32>
      %swap3A_202 = vector.shape_cast %broadcast_in_dim3A_24 : vector<16xf32> to vector<1x16xf32>
      tpu.vector_store %arg7[%swap3A_198, %swap3A_199], %swap3A_202 {strides = array<i32>} : memref<25x128xf32, #tpu.memory_space<vmem>>, vector<1x16xf32>,
      %swap3A_203 = arith.index_cast %scan3A_188 : i32 to index
      %swap3A_204 = arith.constant 48 : index
      %swap3A_205 = tpu.vector_load %arg7[%swap3A_203, %swap3A_204] {strides = array<i32>} : memref<25x128xf32, #tpu.memory_space<vmem>>, vector<1x16xf32>,
      %swap3A_206 = vector.shape_cast %swap3A_205 : vector<1x16xf32> to vector<16xf32>
      %swap3A_207 = vector.shape_cast %broadcast_in_dim3A_24 : vector<16xf32> to vector<1x16xf32>
      tpu.vector_store %arg7[%swap3A_203, %swap3A_204], %swap3A_207 {strides = array<i32>} : memref<25x128xf32, #tpu.memory_space<vmem>>, vector<1x16xf32>,
      %swap3A_208 = arith.index_cast %scan3A_188 : i32 to index
      %swap3A_209 = arith.constant 64 : index
      %swap3A_210 = tpu.vector_load %arg7[%swap3A_208, %swap3A_209] {strides = array<i32>} : memref<25x128xf32, #tpu.memory_space<vmem>>, vector<1x16xf32>,
      %swap3A_211 = vector.shape_cast %swap3A_210 : vector<1x16xf32> to vector<16xf32>
      %swap3A_212 = vector.shape_cast %broadcast_in_dim3A_24 : vector<16xf32> to vector<1x16xf32>
      tpu.vector_store %arg7[%swap3A_208, %swap3A_209], %swap3A_212 {strides = array<i32>} : memref<25x128xf32, #tpu.memory_space<vmem>>, vector<1x16xf32>,
      %swap3A_213 = arith.index_cast %scan3A_188 : i32 to index
      %swap3A_214 = arith.constant 80 : index
      %swap3A_215 = tpu.vector_load %arg7[%swap3A_213, %swap3A_214] {strides = array<i32>} : memref<25x128xf32, #tpu.memory_space<vmem>>, vector<1x16xf32>,
      %swap3A_216 = vector.shape_cast %swap3A_215 : vector<1x16xf32> to vector<16xf32>
      %swap3A_217 = vector.shape_cast %broadcast_in_dim3A_24 : vector<16xf32> to vector<1x16xf32>
      tpu.vector_store %arg7[%swap3A_213, %swap3A_214], %swap3A_217 {strides = array<i32>} : memref<25x128xf32, #tpu.memory_space<vmem>>, vector<1x16xf32>,
      %swap3A_218 = arith.index_cast %scan3A_188 : i32 to index
      %swap3A_219 = arith.constant 96 : index
      %swap3A_220 = tpu.vector_load %arg7[%swap3A_218, %swap3A_219] {strides = array<i32>} : memref<25x128xf32, #tpu.memory_space<vmem>>, vector<1x16xf32>,
      %swap3A_221 = vector.shape_cast %swap3A_220 : vector<1x16xf32> to vector<16xf32>
      %swap3A_222 = vector.shape_cast %broadcast_in_dim3A_24 : vector<16xf32> to vector<1x16xf32>
      tpu.vector_store %arg7[%swap3A_218, %swap3A_219], %swap3A_222 {strides = array<i32>} : memref<25x128xf32, #tpu.memory_space<vmem>>, vector<1x16xf32>,
      %swap3A_223 = arith.index_cast %scan3A_188 : i32 to index
      %swap3A_224 = arith.constant 112 : index
      %swap3A_225 = tpu.vector_load %arg7[%swap3A_223, %swap3A_224] {strides = array<i32>} : memref<25x128xf32, #tpu.memory_space<vmem>>, vector<1x16xf32>,
      %swap3A_226 = vector.shape_cast %swap3A_225 : vector<1x16xf32> to vector<16xf32>
      %swap3A_227 = vector.shape_cast %broadcast_in_dim3A_24 : vector<16xf32> to vector<1x16xf32>
      tpu.vector_store %arg7[%swap3A_223, %swap3A_224], %swap3A_227 {strides = array<i32>} : memref<25x128xf32, #tpu.memory_space<vmem>>, vector<1x16xf32>,
    }
    %scan3A_29 = arith.constant 25 : i32
    %mul3A_30 = arith.constant 625 : i32
    %mul3A_31 = arith.muli %arg1, %mul3A_30 : i32
    %add3A_32 = arith.constant 0 : i32
    %add3A_33 = arith.addi %mul3A_31, %add3A_32 : i32
    "tpu.region"() ({
      %run_scoped3A = tpu.sem_alloc : memref<!tpu.dma_semaphore, #tpu.memory_space<semaphore_mem>>
      %dma_start3A_188 = arith.constant 0 : i32
      %dma_start3A_189 = tpu.memref_slice %arg6[%add3A_33, %dma_start3A_188] : memref<10000x128xf32, #tpu.memory_space<vmem_shared>> -> memref<25x128xf32, #tpu.memory_space<vmem_shared>>
      %dma_start3A_190 = arith.constant 0 : i32
      %dma_start3A_191 = tpu.memref_slice %arg6[%add3A_33, %dma_start3A_190] : memref<10000x128xf32, #tpu.memory_space<vmem_shared>> -> memref<25x128xf32, #tpu.memory_space<vmem_shared>>
      tpu.enqueue_dma source(%arg7 : memref<25x128xf32, #tpu.memory_space<vmem>>) target(%dma_start3A_191 : memref<25x128xf32, #tpu.memory_space<vmem_shared>>) target_semaphore(%run_scoped3A : memref<!tpu.dma_semaphore, #tpu.memory_space<semaphore_mem>>)
      %dma_wait3A_192 = arith.constant 0 : i32
      %dma_wait3A_193 = tpu.memref_slice %arg6[%add3A_33, %dma_wait3A_192] : memref<10000x128xf32, #tpu.memory_space<vmem_shared>> -> memref<25x128xf32, #tpu.memory_space<vmem_shared>>
      %dma_wait3A_194 = arith.constant 0 : i32
      %dma_wait3A_195 = tpu.memref_slice %arg6[%add3A_33, %dma_wait3A_194] : memref<10000x128xf32, #tpu.memory_space<vmem_shared>> -> memref<25x128xf32, #tpu.memory_space<vmem_shared>>
      tpu.wait_dma2 semaphore(%run_scoped3A : memref<!tpu.dma_semaphore, #tpu.memory_space<semaphore_mem>>) src(%arg7 : memref<25x128xf32, #tpu.memory_space<vmem>>) dst(%dma_wait3A_195 : memref<25x128xf32, #tpu.memory_space<vmem_shared>>)
      tpu.yield
    }) : () -> ()
    %mul3A_34 = arith.constant 625 : i32
    %mul3A_35 = arith.muli %arg1, %mul3A_34 : i32
    %add3A_36 = arith.constant 25 : i32
    %add3A_37 = arith.addi %mul3A_35, %add3A_36 : i32
    "tpu.region"() ({
      %run_scoped3A = tpu.sem_alloc : memref<!tpu.dma_semaphore, #tpu.memory_space<semaphore_mem>>
      %dma_start3A_188 = arith.constant 0 : i32
      %dma_start3A_189 = tpu.memref_slice %arg6[%add3A_37, %dma_start3A_188] : memref<10000x128xf32, #tpu.memory_space<vmem_shared>> -> memref<25x128xf32, #tpu.memory_space<vmem_shared>>
      %dma_start3A_190 = arith.constant 0 : i32
      %dma_start3A_191 = tpu.memref_slice %arg6[%add3A_37, %dma_start3A_190] : memref<10000x128xf32, #tpu.memory_space<vmem_shared>> -> memref<25x128xf32, #tpu.memory_space<vmem_shared>>
      tpu.enqueue_dma source(%arg7 : memref<25x128xf32, #tpu.memory_space<vmem>>) target(%dma_start3A_191 : memref<25x128xf32, #tpu.memory_space<vmem_shared>>) target_semaphore(%run_scoped3A : memref<!tpu.dma_semaphore, #tpu.memory_space<semaphore_mem>>)
      %dma_wait3A_192 = arith.constant 0 : i32
      %dma_wait3A_193 = tpu.memref_slice %arg6[%add3A_37, %dma_wait3A_192] : memref<10000x128xf32, #tpu.memory_space<vmem_shared>> -> memref<25x128xf32, #tpu.memory_space<vmem_shared>>
      %dma_wait3A_194 = arith.constant 0 : i32
      %dma_wait3A_195 = tpu.memref_slice %arg6[%add3A_37, %dma_wait3A_194] : memref<10000x128xf32, #tpu.memory_space<vmem_shared>> -> memref<25x128xf32, #tpu.memory_space<vmem_shared>>
      tpu.wait_dma2 semaphore(%run_scoped3A : memref<!tpu.dma_semaphore, #tpu.memory_space<semaphore_mem>>) src(%arg7 : memref<25x128xf32, #tpu.memory_space<vmem>>) dst(%dma_wait3A_195 : memref<25x128xf32, #tpu.memory_space<vmem_shared>>)
      tpu.yield
    }) : () -> ()
    %mul3A_38 = arith.constant 625 : i32
    %mul3A_39 = arith.muli %arg1, %mul3A_38 : i32
    %add3A_40 = arith.constant 50 : i32
    %add3A_41 = arith.addi %mul3A_39, %add3A_40 : i32
    "tpu.region"() ({
      %run_scoped3A = tpu.sem_alloc : memref<!tpu.dma_semaphore, #tpu.memory_space<semaphore_mem>>
      %dma_start3A_188 = arith.constant 0 : i32
      %dma_start3A_189 = tpu.memref_slice %arg6[%add3A_41, %dma_start3A_188] : memref<10000x128xf32, #tpu.memory_space<vmem_shared>> -> memref<25x128xf32, #tpu.memory_space<vmem_shared>>
      %dma_start3A_190 = arith.constant 0 : i32
      %dma_start3A_191 = tpu.memref_slice %arg6[%add3A_41, %dma_start3A_190] : memref<10000x128xf32, #tpu.memory_space<vmem_shared>> -> memref<25x128xf32, #tpu.memory_space<vmem_shared>>
      tpu.enqueue_dma source(%arg7 : memref<25x128xf32, #tpu.memory_space<vmem>>) target(%dma_start3A_191 : memref<25x128xf32, #tpu.memory_space<vmem_shared>>) target_semaphore(%run_scoped3A : memref<!tpu.dma_semaphore, #tpu.memory_space<semaphore_mem>>)
      %dma_wait3A_192 = arith.constant 0 : i32
      %dma_wait3A_193 = tpu.memref_slice %arg6[%add3A_41, %dma_wait3A_192] : memref<10000x128xf32, #tpu.memory_space<vmem_shared>> -> memref<25x128xf32, #tpu.memory_space<vmem_shared>>
      %dma_wait3A_194 = arith.constant 0 : i32
      %dma_wait3A_195 = tpu.memref_slice %arg6[%add3A_41, %dma_wait3A_194] : memref<10000x128xf32, #tpu.memory_space<vmem_shared>> -> memref<25x128xf32, #tpu.memory_space<vmem_shared>>
      tpu.wait_dma2 semaphore(%run_scoped3A : memref<!tpu.dma_semaphore, #tpu.memory_space<semaphore_mem>>) src(%arg7 : memref<25x128xf32, #tpu.memory_space<vmem>>) dst(%dma_wait3A_195 : memref<25x128xf32, #tpu.memory_space<vmem_shared>>)
      tpu.yield
    }) : () -> ()
    %mul3A_42 = arith.constant 625 : i32
    %mul3A_43 = arith.muli %arg1, %mul3A_42 : i32
    %add3A_44 = arith.constant 75 : i32
    %add3A_45 = arith.addi %mul3A_43, %add3A_44 : i32
    "tpu.region"() ({
      %run_scoped3A = tpu.sem_alloc : memref<!tpu.dma_semaphore, #tpu.memory_space<semaphore_mem>>
      %dma_start3A_188 = arith.constant 0 : i32
      %dma_start3A_189 = tpu.memref_slice %arg6[%add3A_45, %dma_start3A_188] : memref<10000x128xf32, #tpu.memory_space<vmem_shared>> -> memref<25x128xf32, #tpu.memory_space<vmem_shared>>
      %dma_start3A_190 = arith.constant 0 : i32
      %dma_start3A_191 = tpu.memref_slice %arg6[%add3A_45, %dma_start3A_190] : memref<10000x128xf32, #tpu.memory_space<vmem_shared>> -> memref<25x128xf32, #tpu.memory_space<vmem_shared>>
      tpu.enqueue_dma source(%arg7 : memref<25x128xf32, #tpu.memory_space<vmem>>) target(%dma_start3A_191 : memref<25x128xf32, #tpu.memory_space<vmem_shared>>) target_semaphore(%run_scoped3A : memref<!tpu.dma_semaphore, #tpu.memory_space<semaphore_mem>>)
      %dma_wait3A_192 = arith.constant 0 : i32
      %dma_wait3A_193 = tpu.memref_slice %arg6[%add3A_45, %dma_wait3A_192] : memref<10000x128xf32, #tpu.memory_space<vmem_shared>> -> memref<25x128xf32, #tpu.memory_space<vmem_shared>>
      %dma_wait3A_194 = arith.constant 0 : i32
      %dma_wait3A_195 = tpu.memref_slice %arg6[%add3A_45, %dma_wait3A_194] : memref<10000x128xf32, #tpu.memory_space<vmem_shared>> -> memref<25x128xf32, #tpu.memory_space<vmem_shared>>
      tpu.wait_dma2 semaphore(%run_scoped3A : memref<!tpu.dma_semaphore, #tpu.memory_space<semaphore_mem>>) src(%arg7 : memref<25x128xf32, #tpu.memory_space<vmem>>) dst(%dma_wait3A_195 : memref<25x128xf32, #tpu.memory_space<vmem_shared>>)
      tpu.yield
    }) : () -> ()
    %mul3A_46 = arith.constant 625 : i32
    %mul3A_47 = arith.muli %arg1, %mul3A_46 : i32
    %add3A_48 = arith.constant 100 : i32
    %add3A_49 = arith.addi %mul3A_47, %add3A_48 : i32
    "tpu.region"() ({
      %run_scoped3A = tpu.sem_alloc : memref<!tpu.dma_semaphore, #tpu.memory_space<semaphore_mem>>
      %dma_start3A_188 = arith.constant 0 : i32
      %dma_start3A_189 = tpu.memref_slice %arg6[%add3A_49, %dma_start3A_188] : memref<10000x128xf32, #tpu.memory_space<vmem_shared>> -> memref<25x128xf32, #tpu.memory_space<vmem_shared>>
      %dma_start3A_190 = arith.constant 0 : i32
      %dma_start3A_191 = tpu.memref_slice %arg6[%add3A_49, %dma_start3A_190] : memref<10000x128xf32, #tpu.memory_space<vmem_shared>> -> memref<25x128xf32, #tpu.memory_space<vmem_shared>>
      tpu.enqueue_dma source(%arg7 : memref<25x128xf32, #tpu.memory_space<vmem>>) target(%dma_start3A_191 : memref<25x128xf32, #tpu.memory_space<vmem_shared>>) target_semaphore(%run_scoped3A : memref<!tpu.dma_semaphore, #tpu.memory_space<semaphore_mem>>)
      %dma_wait3A_192 = arith.constant 0 : i32
      %dma_wait3A_193 = tpu.memref_slice %arg6[%add3A_49, %dma_wait3A_192] : memref<10000x128xf32, #tpu.memory_space<vmem_shared>> -> memref<25x128xf32, #tpu.memory_space<vmem_shared>>
      %dma_wait3A_194 = arith.constant 0 : i32
      %dma_wait3A_195 = tpu.memref_slice %arg6[%add3A_49, %dma_wait3A_194] : memref<10000x128xf32, #tpu.memory_space<vmem_shared>> -> memref<25x128xf32, #tpu.memory_space<vmem_shared>>
      tpu.wait_dma2 semaphore(%run_scoped3A : memref<!tpu.dma_semaphore, #tpu.memory_space<semaphore_mem>>) src(%arg7 : memref<25x128xf32, #tpu.memory_space<vmem>>) dst(%dma_wait3A_195 : memref<25x128xf32, #tpu.memory_space<vmem_shared>>)
      tpu.yield
    }) : () -> ()
    %mul3A_50 = arith.constant 625 : i32
    %mul3A_51 = arith.muli %arg1, %mul3A_50 : i32
    %add3A_52 = arith.constant 125 : i32
    %add3A_53 = arith.addi %mul3A_51, %add3A_52 : i32
    "tpu.region"() ({
      %run_scoped3A = tpu.sem_alloc : memref<!tpu.dma_semaphore, #tpu.memory_space<semaphore_mem>>
      %dma_start3A_188 = arith.constant 0 : i32
      %dma_start3A_189 = tpu.memref_slice %arg6[%add3A_53, %dma_start3A_188] : memref<10000x128xf32, #tpu.memory_space<vmem_shared>> -> memref<25x128xf32, #tpu.memory_space<vmem_shared>>
      %dma_start3A_190 = arith.constant 0 : i32
      %dma_start3A_191 = tpu.memref_slice %arg6[%add3A_53, %dma_start3A_190] : memref<10000x128xf32, #tpu.memory_space<vmem_shared>> -> memref<25x128xf32, #tpu.memory_space<vmem_shared>>
      tpu.enqueue_dma source(%arg7 : memref<25x128xf32, #tpu.memory_space<vmem>>) target(%dma_start3A_191 : memref<25x128xf32, #tpu.memory_space<vmem_shared>>) target_semaphore(%run_scoped3A : memref<!tpu.dma_semaphore, #tpu.memory_space<semaphore_mem>>)
      %dma_wait3A_192 = arith.constant 0 : i32
      %dma_wait3A_193 = tpu.memref_slice %arg6[%add3A_53, %dma_wait3A_192] : memref<10000x128xf32, #tpu.memory_space<vmem_shared>> -> memref<25x128xf32, #tpu.memory_space<vmem_shared>>
      %dma_wait3A_194 = arith.constant 0 : i32
      %dma_wait3A_195 = tpu.memref_slice %arg6[%add3A_53, %dma_wait3A_194] : memref<10000x128xf32, #tpu.memory_space<vmem_shared>> -> memref<25x128xf32, #tpu.memory_space<vmem_shared>>
      tpu.wait_dma2 semaphore(%run_scoped3A : memref<!tpu.dma_semaphore, #tpu.memory_space<semaphore_mem>>) src(%arg7 : memref<25x128xf32, #tpu.memory_space<vmem>>) dst(%dma_wait3A_195 : memref<25x128xf32, #tpu.memory_space<vmem_shared>>)
      tpu.yield
    }) : () -> ()
    %mul3A_54 = arith.constant 625 : i32
    %mul3A_55 = arith.muli %arg1, %mul3A_54 : i32
    %add3A_56 = arith.constant 150 : i32
    %add3A_57 = arith.addi %mul3A_55, %add3A_56 : i32
    "tpu.region"() ({
      %run_scoped3A = tpu.sem_alloc : memref<!tpu.dma_semaphore, #tpu.memory_space<semaphore_mem>>
      %dma_start3A_188 = arith.constant 0 : i32
      %dma_start3A_189 = tpu.memref_slice %arg6[%add3A_57, %dma_start3A_188] : memref<10000x128xf32, #tpu.memory_space<vmem_shared>> -> memref<25x128xf32, #tpu.memory_space<vmem_shared>>
      %dma_start3A_190 = arith.constant 0 : i32
      %dma_start3A_191 = tpu.memref_slice %arg6[%add3A_57, %dma_start3A_190] : memref<10000x128xf32, #tpu.memory_space<vmem_shared>> -> memref<25x128xf32, #tpu.memory_space<vmem_shared>>
      tpu.enqueue_dma source(%arg7 : memref<25x128xf32, #tpu.memory_space<vmem>>) target(%dma_start3A_191 : memref<25x128xf32, #tpu.memory_space<vmem_shared>>) target_semaphore(%run_scoped3A : memref<!tpu.dma_semaphore, #tpu.memory_space<semaphore_mem>>)
      %dma_wait3A_192 = arith.constant 0 : i32
      %dma_wait3A_193 = tpu.memref_slice %arg6[%add3A_57, %dma_wait3A_192] : memref<10000x128xf32, #tpu.memory_space<vmem_shared>> -> memref<25x128xf32, #tpu.memory_space<vmem_shared>>
      %dma_wait3A_194 = arith.constant 0 : i32
      %dma_wait3A_195 = tpu.memref_slice %arg6[%add3A_57, %dma_wait3A_194] : memref<10000x128xf32, #tpu.memory_space<vmem_shared>> -> memref<25x128xf32, #tpu.memory_space<vmem_shared>>
      tpu.wait_dma2 semaphore(%run_scoped3A : memref<!tpu.dma_semaphore, #tpu.memory_space<semaphore_mem>>) src(%arg7 : memref<25x128xf32, #tpu.memory_space<vmem>>) dst(%dma_wait3A_195 : memref<25x128xf32, #tpu.memory_space<vmem_shared>>)
      tpu.yield
    }) : () -> ()
    %mul3A_58 = arith.constant 625 : i32
    %mul3A_59 = arith.muli %arg1, %mul3A_58 : i32
    %add3A_60 = arith.constant 175 : i32
    %add3A_61 = arith.addi %mul3A_59, %add3A_60 : i32
    "tpu.region"() ({
      %run_scoped3A = tpu.sem_alloc : memref<!tpu.dma_semaphore, #tpu.memory_space<semaphore_mem>>
      %dma_start3A_188 = arith.constant 0 : i32
      %dma_start3A_189 = tpu.memref_slice %arg6[%add3A_61, %dma_start3A_188] : memref<10000x128xf32, #tpu.memory_space<vmem_shared>> -> memref<25x128xf32, #tpu.memory_space<vmem_shared>>
      %dma_start3A_190 = arith.constant 0 : i32
      %dma_start3A_191 = tpu.memref_slice %arg6[%add3A_61, %dma_start3A_190] : memref<10000x128xf32, #tpu.memory_space<vmem_shared>> -> memref<25x128xf32, #tpu.memory_space<vmem_shared>>
      tpu.enqueue_dma source(%arg7 : memref<25x128xf32, #tpu.memory_space<vmem>>) target(%dma_start3A_191 : memref<25x128xf32, #tpu.memory_space<vmem_shared>>) target_semaphore(%run_scoped3A : memref<!tpu.dma_semaphore, #tpu.memory_space<semaphore_mem>>)
      %dma_wait3A_192 = arith.constant 0 : i32
      %dma_wait3A_193 = tpu.memref_slice %arg6[%add3A_61, %dma_wait3A_192] : memref<10000x128xf32, #tpu.memory_space<vmem_shared>> -> memref<25x128xf32, #tpu.memory_space<vmem_shared>>
      %dma_wait3A_194 = arith.constant 0 : i32
      %dma_wait3A_195 = tpu.memref_slice %arg6[%add3A_61, %dma_wait3A_194] : memref<10000x128xf32, #tpu.memory_space<vmem_shared>> -> memref<25x128xf32, #tpu.memory_space<vmem_shared>>
      tpu.wait_dma2 semaphore(%run_scoped3A : memref<!tpu.dma_semaphore, #tpu.memory_space<semaphore_mem>>) src(%arg7 : memref<25x128xf32, #tpu.memory_space<vmem>>) dst(%dma_wait3A_195 : memref<25x128xf32, #tpu.memory_space<vmem_shared>>)
      tpu.yield
    }) : () -> ()
    %mul3A_62 = arith.constant 625 : i32
    %mul3A_63 = arith.muli %arg1, %mul3A_62 : i32
    %add3A_64 = arith.constant 200 : i32
    %add3A_65 = arith.addi %mul3A_63, %add3A_64 : i32
    "tpu.region"() ({
      %run_scoped3A = tpu.sem_alloc : memref<!tpu.dma_semaphore, #tpu.memory_space<semaphore_mem>>
      %dma_start3A_188 = arith.constant 0 : i32
      %dma_start3A_189 = tpu.memref_slice %arg6[%add3A_65, %dma_start3A_188] : memref<10000x128xf32, #tpu.memory_space<vmem_shared>> -> memref<25x128xf32, #tpu.memory_space<vmem_shared>>
      %dma_start3A_190 = arith.constant 0 : i32
      %dma_start3A_191 = tpu.memref_slice %arg6[%add3A_65, %dma_start3A_190] : memref<10000x128xf32, #tpu.memory_space<vmem_shared>> -> memref<25x128xf32, #tpu.memory_space<vmem_shared>>
      tpu.enqueue_dma source(%arg7 : memref<25x128xf32, #tpu.memory_space<vmem>>) target(%dma_start3A_191 : memref<25x128xf32, #tpu.memory_space<vmem_shared>>) target_semaphore(%run_scoped3A : memref<!tpu.dma_semaphore, #tpu.memory_space<semaphore_mem>>)
      %dma_wait3A_192 = arith.constant 0 : i32
      %dma_wait3A_193 = tpu.memref_slice %arg6[%add3A_65, %dma_wait3A_192] : memref<10000x128xf32, #tpu.memory_space<vmem_shared>> -> memref<25x128xf32, #tpu.memory_space<vmem_shared>>
      %dma_wait3A_194 = arith.constant 0 : i32
      %dma_wait3A_195 = tpu.memref_slice %arg6[%add3A_65, %dma_wait3A_194] : memref<10000x128xf32, #tpu.memory_space<vmem_shared>> -> memref<25x128xf32, #tpu.memory_space<vmem_shared>>
      tpu.wait_dma2 semaphore(%run_scoped3A : memref<!tpu.dma_semaphore, #tpu.memory_space<semaphore_mem>>) src(%arg7 : memref<25x128xf32, #tpu.memory_space<vmem>>) dst(%dma_wait3A_195 : memref<25x128xf32, #tpu.memory_space<vmem_shared>>)
      tpu.yield
    }) : () -> ()
    %mul3A_66 = arith.constant 625 : i32
    %mul3A_67 = arith.muli %arg1, %mul3A_66 : i32
    %add3A_68 = arith.constant 225 : i32
    %add3A_69 = arith.addi %mul3A_67, %add3A_68 : i32
    "tpu.region"() ({
      %run_scoped3A = tpu.sem_alloc : memref<!tpu.dma_semaphore, #tpu.memory_space<semaphore_mem>>
      %dma_start3A_188 = arith.constant 0 : i32
      %dma_start3A_189 = tpu.memref_slice %arg6[%add3A_69, %dma_start3A_188] : memref<10000x128xf32, #tpu.memory_space<vmem_shared>> -> memref<25x128xf32, #tpu.memory_space<vmem_shared>>
      %dma_start3A_190 = arith.constant 0 : i32
      %dma_start3A_191 = tpu.memref_slice %arg6[%add3A_69, %dma_start3A_190] : memref<10000x128xf32, #tpu.memory_space<vmem_shared>> -> memref<25x128xf32, #tpu.memory_space<vmem_shared>>
      tpu.enqueue_dma source(%arg7 : memref<25x128xf32, #tpu.memory_space<vmem>>) target(%dma_start3A_191 : memref<25x128xf32, #tpu.memory_space<vmem_shared>>) target_semaphore(%run_scoped3A : memref<!tpu.dma_semaphore, #tpu.memory_space<semaphore_mem>>)
      %dma_wait3A_192 = arith.constant 0 : i32
      %dma_wait3A_193 = tpu.memref_slice %arg6[%add3A_69, %dma_wait3A_192] : memref<10000x128xf32, #tpu.memory_space<vmem_shared>> -> memref<25x128xf32, #tpu.memory_space<vmem_shared>>
      %dma_wait3A_194 = arith.constant 0 : i32
      %dma_wait3A_195 = tpu.memref_slice %arg6[%add3A_69, %dma_wait3A_194] : memref<10000x128xf32, #tpu.memory_space<vmem_shared>> -> memref<25x128xf32, #tpu.memory_space<vmem_shared>>
      tpu.wait_dma2 semaphore(%run_scoped3A : memref<!tpu.dma_semaphore, #tpu.memory_space<semaphore_mem>>) src(%arg7 : memref<25x128xf32, #tpu.memory_space<vmem>>) dst(%dma_wait3A_195 : memref<25x128xf32, #tpu.memory_space<vmem_shared>>)
      tpu.yield
    }) : () -> ()
    %mul3A_70 = arith.constant 625 : i32
    %mul3A_71 = arith.muli %arg1, %mul3A_70 : i32
    %add3A_72 = arith.constant 250 : i32
    %add3A_73 = arith.addi %mul3A_71, %add3A_72 : i32
    "tpu.region"() ({
      %run_scoped3A = tpu.sem_alloc : memref<!tpu.dma_semaphore, #tpu.memory_space<semaphore_mem>>
      %dma_start3A_188 = arith.constant 0 : i32
      %dma_start3A_189 = tpu.memref_slice %arg6[%add3A_73, %dma_start3A_188] : memref<10000x128xf32, #tpu.memory_space<vmem_shared>> -> memref<25x128xf32, #tpu.memory_space<vmem_shared>>
      %dma_start3A_190 = arith.constant 0 : i32
      %dma_start3A_191 = tpu.memref_slice %arg6[%add3A_73, %dma_start3A_190] : memref<10000x128xf32, #tpu.memory_space<vmem_shared>> -> memref<25x128xf32, #tpu.memory_space<vmem_shared>>
      tpu.enqueue_dma source(%arg7 : memref<25x128xf32, #tpu.memory_space<vmem>>) target(%dma_start3A_191 : memref<25x128xf32, #tpu.memory_space<vmem_shared>>) target_semaphore(%run_scoped3A : memref<!tpu.dma_semaphore, #tpu.memory_space<semaphore_mem>>)
      %dma_wait3A_192 = arith.constant 0 : i32
      %dma_wait3A_193 = tpu.memref_slice %arg6[%add3A_73, %dma_wait3A_192] : memref<10000x128xf32, #tpu.memory_space<vmem_shared>> -> memref<25x128xf32, #tpu.memory_space<vmem_shared>>
      %dma_wait3A_194 = arith.constant 0 : i32
      %dma_wait3A_195 = tpu.memref_slice %arg6[%add3A_73, %dma_wait3A_194] : memref<10000x128xf32, #tpu.memory_space<vmem_shared>> -> memref<25x128xf32, #tpu.memory_space<vmem_shared>>
      tpu.wait_dma2 semaphore(%run_scoped3A : memref<!tpu.dma_semaphore, #tpu.memory_space<semaphore_mem>>) src(%arg7 : memref<25x128xf32, #tpu.memory_space<vmem>>) dst(%dma_wait3A_195 : memref<25x128xf32, #tpu.memory_space<vmem_shared>>)
      tpu.yield
    }) : () -> ()
    %mul3A_74 = arith.constant 625 : i32
    %mul3A_75 = arith.muli %arg1, %mul3A_74 : i32
    %add3A_76 = arith.constant 275 : i32
    %add3A_77 = arith.addi %mul3A_75, %add3A_76 : i32
    "tpu.region"() ({
      %run_scoped3A = tpu.sem_alloc : memref<!tpu.dma_semaphore, #tpu.memory_space<semaphore_mem>>
      %dma_start3A_188 = arith.constant 0 : i32
      %dma_start3A_189 = tpu.memref_slice %arg6[%add3A_77, %dma_start3A_188] : memref<10000x128xf32, #tpu.memory_space<vmem_shared>> -> memref<25x128xf32, #tpu.memory_space<vmem_shared>>
      %dma_start3A_190 = arith.constant 0 : i32
      %dma_start3A_191 = tpu.memref_slice %arg6[%add3A_77, %dma_start3A_190] : memref<10000x128xf32, #tpu.memory_space<vmem_shared>> -> memref<25x128xf32, #tpu.memory_space<vmem_shared>>
      tpu.enqueue_dma source(%arg7 : memref<25x128xf32, #tpu.memory_space<vmem>>) target(%dma_start3A_191 : memref<25x128xf32, #tpu.memory_space<vmem_shared>>) target_semaphore(%run_scoped3A : memref<!tpu.dma_semaphore, #tpu.memory_space<semaphore_mem>>)
      %dma_wait3A_192 = arith.constant 0 : i32
      %dma_wait3A_193 = tpu.memref_slice %arg6[%add3A_77, %dma_wait3A_192] : memref<10000x128xf32, #tpu.memory_space<vmem_shared>> -> memref<25x128xf32, #tpu.memory_space<vmem_shared>>
      %dma_wait3A_194 = arith.constant 0 : i32
      %dma_wait3A_195 = tpu.memref_slice %arg6[%add3A_77, %dma_wait3A_194] : memref<10000x128xf32, #tpu.memory_space<vmem_shared>> -> memref<25x128xf32, #tpu.memory_space<vmem_shared>>
      tpu.wait_dma2 semaphore(%run_scoped3A : memref<!tpu.dma_semaphore, #tpu.memory_space<semaphore_mem>>) src(%arg7 : memref<25x128xf32, #tpu.memory_space<vmem>>) dst(%dma_wait3A_195 : memref<25x128xf32, #tpu.memory_space<vmem_shared>>)
      tpu.yield
    }) : () -> ()
    %mul3A_78 = arith.constant 625 : i32
    %mul3A_79 = arith.muli %arg1, %mul3A_78 : i32
    %add3A_80 = arith.constant 300 : i32
    %add3A_81 = arith.addi %mul3A_79, %add3A_80 : i32
    "tpu.region"() ({
      %run_scoped3A = tpu.sem_alloc : memref<!tpu.dma_semaphore, #tpu.memory_space<semaphore_mem>>
      %dma_start3A_188 = arith.constant 0 : i32
      %dma_start3A_189 = tpu.memref_slice %arg6[%add3A_81, %dma_start3A_188] : memref<10000x128xf32, #tpu.memory_space<vmem_shared>> -> memref<25x128xf32, #tpu.memory_space<vmem_shared>>
      %dma_start3A_190 = arith.constant 0 : i32
      %dma_start3A_191 = tpu.memref_slice %arg6[%add3A_81, %dma_start3A_190] : memref<10000x128xf32, #tpu.memory_space<vmem_shared>> -> memref<25x128xf32, #tpu.memory_space<vmem_shared>>
      tpu.enqueue_dma source(%arg7 : memref<25x128xf32, #tpu.memory_space<vmem>>) target(%dma_start3A_191 : memref<25x128xf32, #tpu.memory_space<vmem_shared>>) target_semaphore(%run_scoped3A : memref<!tpu.dma_semaphore, #tpu.memory_space<semaphore_mem>>)
      %dma_wait3A_192 = arith.constant 0 : i32
      %dma_wait3A_193 = tpu.memref_slice %arg6[%add3A_81, %dma_wait3A_192] : memref<10000x128xf32, #tpu.memory_space<vmem_shared>> -> memref<25x128xf32, #tpu.memory_space<vmem_shared>>
      %dma_wait3A_194 = arith.constant 0 : i32
      %dma_wait3A_195 = tpu.memref_slice %arg6[%add3A_81, %dma_wait3A_194] : memref<10000x128xf32, #tpu.memory_space<vmem_shared>> -> memref<25x128xf32, #tpu.memory_space<vmem_shared>>
      tpu.wait_dma2 semaphore(%run_scoped3A : memref<!tpu.dma_semaphore, #tpu.memory_space<semaphore_mem>>) src(%arg7 : memref<25x128xf32, #tpu.memory_space<vmem>>) dst(%dma_wait3A_195 : memref<25x128xf32, #tpu.memory_space<vmem_shared>>)
      tpu.yield
    }) : () -> ()
    %mul3A_82 = arith.constant 625 : i32
    %mul3A_83 = arith.muli %arg1, %mul3A_82 : i32
    %add3A_84 = arith.constant 325 : i32
    %add3A_85 = arith.addi %mul3A_83, %add3A_84 : i32
    "tpu.region"() ({
      %run_scoped3A = tpu.sem_alloc : memref<!tpu.dma_semaphore, #tpu.memory_space<semaphore_mem>>
      %dma_start3A_188 = arith.constant 0 : i32
      %dma_start3A_189 = tpu.memref_slice %arg6[%add3A_85, %dma_start3A_188] : memref<10000x128xf32, #tpu.memory_space<vmem_shared>> -> memref<25x128xf32, #tpu.memory_space<vmem_shared>>
      %dma_start3A_190 = arith.constant 0 : i32
      %dma_start3A_191 = tpu.memref_slice %arg6[%add3A_85, %dma_start3A_190] : memref<10000x128xf32, #tpu.memory_space<vmem_shared>> -> memref<25x128xf32, #tpu.memory_space<vmem_shared>>
      tpu.enqueue_dma source(%arg7 : memref<25x128xf32, #tpu.memory_space<vmem>>) target(%dma_start3A_191 : memref<25x128xf32, #tpu.memory_space<vmem_shared>>) target_semaphore(%run_scoped3A : memref<!tpu.dma_semaphore, #tpu.memory_space<semaphore_mem>>)
      %dma_wait3A_192 = arith.constant 0 : i32
      %dma_wait3A_193 = tpu.memref_slice %arg6[%add3A_85, %dma_wait3A_192] : memref<10000x128xf32, #tpu.memory_space<vmem_shared>> -> memref<25x128xf32, #tpu.memory_space<vmem_shared>>
      %dma_wait3A_194 = arith.constant 0 : i32
      %dma_wait3A_195 = tpu.memref_slice %arg6[%add3A_85, %dma_wait3A_194] : memref<10000x128xf32, #tpu.memory_space<vmem_shared>> -> memref<25x128xf32, #tpu.memory_space<vmem_shared>>
      tpu.wait_dma2 semaphore(%run_scoped3A : memref<!tpu.dma_semaphore, #tpu.memory_space<semaphore_mem>>) src(%arg7 : memref<25x128xf32, #tpu.memory_space<vmem>>) dst(%dma_wait3A_195 : memref<25x128xf32, #tpu.memory_space<vmem_shared>>)
      tpu.yield
    }) : () -> ()
    %mul3A_86 = arith.constant 625 : i32
    %mul3A_87 = arith.muli %arg1, %mul3A_86 : i32
    %add3A_88 = arith.constant 350 : i32
    %add3A_89 = arith.addi %mul3A_87, %add3A_88 : i32
    "tpu.region"() ({
      %run_scoped3A = tpu.sem_alloc : memref<!tpu.dma_semaphore, #tpu.memory_space<semaphore_mem>>
      %dma_start3A_188 = arith.constant 0 : i32
      %dma_start3A_189 = tpu.memref_slice %arg6[%add3A_89, %dma_start3A_188] : memref<10000x128xf32, #tpu.memory_space<vmem_shared>> -> memref<25x128xf32, #tpu.memory_space<vmem_shared>>
      %dma_start3A_190 = arith.constant 0 : i32
      %dma_start3A_191 = tpu.memref_slice %arg6[%add3A_89, %dma_start3A_190] : memref<10000x128xf32, #tpu.memory_space<vmem_shared>> -> memref<25x128xf32, #tpu.memory_space<vmem_shared>>
      tpu.enqueue_dma source(%arg7 : memref<25x128xf32, #tpu.memory_space<vmem>>) target(%dma_start3A_191 : memref<25x128xf32, #tpu.memory_space<vmem_shared>>) target_semaphore(%run_scoped3A : memref<!tpu.dma_semaphore, #tpu.memory_space<semaphore_mem>>)
      %dma_wait3A_192 = arith.constant 0 : i32
      %dma_wait3A_193 = tpu.memref_slice %arg6[%add3A_89, %dma_wait3A_192] : memref<10000x128xf32, #tpu.memory_space<vmem_shared>> -> memref<25x128xf32, #tpu.memory_space<vmem_shared>>
      %dma_wait3A_194 = arith.constant 0 : i32
      %dma_wait3A_195 = tpu.memref_slice %arg6[%add3A_89, %dma_wait3A_194] : memref<10000x128xf32, #tpu.memory_space<vmem_shared>> -> memref<25x128xf32, #tpu.memory_space<vmem_shared>>
      tpu.wait_dma2 semaphore(%run_scoped3A : memref<!tpu.dma_semaphore, #tpu.memory_space<semaphore_mem>>) src(%arg7 : memref<25x128xf32, #tpu.memory_space<vmem>>) dst(%dma_wait3A_195 : memref<25x128xf32, #tpu.memory_space<vmem_shared>>)
      tpu.yield
    }) : () -> ()
    %mul3A_90 = arith.constant 625 : i32
    %mul3A_91 = arith.muli %arg1, %mul3A_90 : i32
    %add3A_92 = arith.constant 375 : i32
    %add3A_93 = arith.addi %mul3A_91, %add3A_92 : i32
    "tpu.region"() ({
      %run_scoped3A = tpu.sem_alloc : memref<!tpu.dma_semaphore, #tpu.memory_space<semaphore_mem>>
      %dma_start3A_188 = arith.constant 0 : i32
      %dma_start3A_189 = tpu.memref_slice %arg6[%add3A_93, %dma_start3A_188] : memref<10000x128xf32, #tpu.memory_space<vmem_shared>> -> memref<25x128xf32, #tpu.memory_space<vmem_shared>>
      %dma_start3A_190 = arith.constant 0 : i32
      %dma_start3A_191 = tpu.memref_slice %arg6[%add3A_93, %dma_start3A_190] : memref<10000x128xf32, #tpu.memory_space<vmem_shared>> -> memref<25x128xf32, #tpu.memory_space<vmem_shared>>
      tpu.enqueue_dma source(%arg7 : memref<25x128xf32, #tpu.memory_space<vmem>>) target(%dma_start3A_191 : memref<25x128xf32, #tpu.memory_space<vmem_shared>>) target_semaphore(%run_scoped3A : memref<!tpu.dma_semaphore, #tpu.memory_space<semaphore_mem>>)
      %dma_wait3A_192 = arith.constant 0 : i32
      %dma_wait3A_193 = tpu.memref_slice %arg6[%add3A_93, %dma_wait3A_192] : memref<10000x128xf32, #tpu.memory_space<vmem_shared>> -> memref<25x128xf32, #tpu.memory_space<vmem_shared>>
      %dma_wait3A_194 = arith.constant 0 : i32
      %dma_wait3A_195 = tpu.memref_slice %arg6[%add3A_93, %dma_wait3A_194] : memref<10000x128xf32, #tpu.memory_space<vmem_shared>> -> memref<25x128xf32, #tpu.memory_space<vmem_shared>>
      tpu.wait_dma2 semaphore(%run_scoped3A : memref<!tpu.dma_semaphore, #tpu.memory_space<semaphore_mem>>) src(%arg7 : memref<25x128xf32, #tpu.memory_space<vmem>>) dst(%dma_wait3A_195 : memref<25x128xf32, #tpu.memory_space<vmem_shared>>)
      tpu.yield
    }) : () -> ()
    %mul3A_94 = arith.constant 625 : i32
    %mul3A_95 = arith.muli %arg1, %mul3A_94 : i32
    %add3A_96 = arith.constant 400 : i32
    %add3A_97 = arith.addi %mul3A_95, %add3A_96 : i32
    "tpu.region"() ({
      %run_scoped3A = tpu.sem_alloc : memref<!tpu.dma_semaphore, #tpu.memory_space<semaphore_mem>>
      %dma_start3A_188 = arith.constant 0 : i32
      %dma_start3A_189 = tpu.memref_slice %arg6[%add3A_97, %dma_start3A_188] : memref<10000x128xf32, #tpu.memory_space<vmem_shared>> -> memref<25x128xf32, #tpu.memory_space<vmem_shared>>
      %dma_start3A_190 = arith.constant 0 : i32
      %dma_start3A_191 = tpu.memref_slice %arg6[%add3A_97, %dma_start3A_190] : memref<10000x128xf32, #tpu.memory_space<vmem_shared>> -> memref<25x128xf32, #tpu.memory_space<vmem_shared>>
      tpu.enqueue_dma source(%arg7 : memref<25x128xf32, #tpu.memory_space<vmem>>) target(%dma_start3A_191 : memref<25x128xf32, #tpu.memory_space<vmem_shared>>) target_semaphore(%run_scoped3A : memref<!tpu.dma_semaphore, #tpu.memory_space<semaphore_mem>>)
      %dma_wait3A_192 = arith.constant 0 : i32
      %dma_wait3A_193 = tpu.memref_slice %arg6[%add3A_97, %dma_wait3A_192] : memref<10000x128xf32, #tpu.memory_space<vmem_shared>> -> memref<25x128xf32, #tpu.memory_space<vmem_shared>>
      %dma_wait3A_194 = arith.constant 0 : i32
      %dma_wait3A_195 = tpu.memref_slice %arg6[%add3A_97, %dma_wait3A_194] : memref<10000x128xf32, #tpu.memory_space<vmem_shared>> -> memref<25x128xf32, #tpu.memory_space<vmem_shared>>
      tpu.wait_dma2 semaphore(%run_scoped3A : memref<!tpu.dma_semaphore, #tpu.memory_space<semaphore_mem>>) src(%arg7 : memref<25x128xf32, #tpu.memory_space<vmem>>) dst(%dma_wait3A_195 : memref<25x128xf32, #tpu.memory_space<vmem_shared>>)
      tpu.yield
    }) : () -> ()
    %mul3A_98 = arith.constant 625 : i32
    %mul3A_99 = arith.muli %arg1, %mul3A_98 : i32
    %add3A_100 = arith.constant 425 : i32
    %add3A_101 = arith.addi %mul3A_99, %add3A_100 : i32
    "tpu.region"() ({
      %run_scoped3A = tpu.sem_alloc : memref<!tpu.dma_semaphore, #tpu.memory_space<semaphore_mem>>
      %dma_start3A_188 = arith.constant 0 : i32
      %dma_start3A_189 = tpu.memref_slice %arg6[%add3A_101, %dma_start3A_188] : memref<10000x128xf32, #tpu.memory_space<vmem_shared>> -> memref<25x128xf32, #tpu.memory_space<vmem_shared>>
      %dma_start3A_190 = arith.constant 0 : i32
      %dma_start3A_191 = tpu.memref_slice %arg6[%add3A_101, %dma_start3A_190] : memref<10000x128xf32, #tpu.memory_space<vmem_shared>> -> memref<25x128xf32, #tpu.memory_space<vmem_shared>>
      tpu.enqueue_dma source(%arg7 : memref<25x128xf32, #tpu.memory_space<vmem>>) target(%dma_start3A_191 : memref<25x128xf32, #tpu.memory_space<vmem_shared>>) target_semaphore(%run_scoped3A : memref<!tpu.dma_semaphore, #tpu.memory_space<semaphore_mem>>)
      %dma_wait3A_192 = arith.constant 0 : i32
      %dma_wait3A_193 = tpu.memref_slice %arg6[%add3A_101, %dma_wait3A_192] : memref<10000x128xf32, #tpu.memory_space<vmem_shared>> -> memref<25x128xf32, #tpu.memory_space<vmem_shared>>
      %dma_wait3A_194 = arith.constant 0 : i32
      %dma_wait3A_195 = tpu.memref_slice %arg6[%add3A_101, %dma_wait3A_194] : memref<10000x128xf32, #tpu.memory_space<vmem_shared>> -> memref<25x128xf32, #tpu.memory_space<vmem_shared>>
      tpu.wait_dma2 semaphore(%run_scoped3A : memref<!tpu.dma_semaphore, #tpu.memory_space<semaphore_mem>>) src(%arg7 : memref<25x128xf32, #tpu.memory_space<vmem>>) dst(%dma_wait3A_195 : memref<25x128xf32, #tpu.memory_space<vmem_shared>>)
      tpu.yield
    }) : () -> ()
    %mul3A_102 = arith.constant 625 : i32
    %mul3A_103 = arith.muli %arg1, %mul3A_102 : i32
    %add3A_104 = arith.constant 450 : i32
    %add3A_105 = arith.addi %mul3A_103, %add3A_104 : i32
    "tpu.region"() ({
      %run_scoped3A = tpu.sem_alloc : memref<!tpu.dma_semaphore, #tpu.memory_space<semaphore_mem>>
      %dma_start3A_188 = arith.constant 0 : i32
      %dma_start3A_189 = tpu.memref_slice %arg6[%add3A_105, %dma_start3A_188] : memref<10000x128xf32, #tpu.memory_space<vmem_shared>> -> memref<25x128xf32, #tpu.memory_space<vmem_shared>>
      %dma_start3A_190 = arith.constant 0 : i32
      %dma_start3A_191 = tpu.memref_slice %arg6[%add3A_105, %dma_start3A_190] : memref<10000x128xf32, #tpu.memory_space<vmem_shared>> -> memref<25x128xf32, #tpu.memory_space<vmem_shared>>
      tpu.enqueue_dma source(%arg7 : memref<25x128xf32, #tpu.memory_space<vmem>>) target(%dma_start3A_191 : memref<25x128xf32, #tpu.memory_space<vmem_shared>>) target_semaphore(%run_scoped3A : memref<!tpu.dma_semaphore, #tpu.memory_space<semaphore_mem>>)
      %dma_wait3A_192 = arith.constant 0 : i32
      %dma_wait3A_193 = tpu.memref_slice %arg6[%add3A_105, %dma_wait3A_192] : memref<10000x128xf32, #tpu.memory_space<vmem_shared>> -> memref<25x128xf32, #tpu.memory_space<vmem_shared>>
      %dma_wait3A_194 = arith.constant 0 : i32
      %dma_wait3A_195 = tpu.memref_slice %arg6[%add3A_105, %dma_wait3A_194] : memref<10000x128xf32, #tpu.memory_space<vmem_shared>> -> memref<25x128xf32, #tpu.memory_space<vmem_shared>>
      tpu.wait_dma2 semaphore(%run_scoped3A : memref<!tpu.dma_semaphore, #tpu.memory_space<semaphore_mem>>) src(%arg7 : memref<25x128xf32, #tpu.memory_space<vmem>>) dst(%dma_wait3A_195 : memref<25x128xf32, #tpu.memory_space<vmem_shared>>)
      tpu.yield
    }) : () -> ()
    %mul3A_106 = arith.constant 625 : i32
    %mul3A_107 = arith.muli %arg1, %mul3A_106 : i32
    %add3A_108 = arith.constant 475 : i32
    %add3A_109 = arith.addi %mul3A_107, %add3A_108 : i32
    "tpu.region"() ({
      %run_scoped3A = tpu.sem_alloc : memref<!tpu.dma_semaphore, #tpu.memory_space<semaphore_mem>>
      %dma_start3A_188 = arith.constant 0 : i32
      %dma_start3A_189 = tpu.memref_slice %arg6[%add3A_109, %dma_start3A_188] : memref<10000x128xf32, #tpu.memory_space<vmem_shared>> -> memref<25x128xf32, #tpu.memory_space<vmem_shared>>
      %dma_start3A_190 = arith.constant 0 : i32
      %dma_start3A_191 = tpu.memref_slice %arg6[%add3A_109, %dma_start3A_190] : memref<10000x128xf32, #tpu.memory_space<vmem_shared>> -> memref<25x128xf32, #tpu.memory_space<vmem_shared>>
      tpu.enqueue_dma source(%arg7 : memref<25x128xf32, #tpu.memory_space<vmem>>) target(%dma_start3A_191 : memref<25x128xf32, #tpu.memory_space<vmem_shared>>) target_semaphore(%run_scoped3A : memref<!tpu.dma_semaphore, #tpu.memory_space<semaphore_mem>>)
      %dma_wait3A_192 = arith.constant 0 : i32
      %dma_wait3A_193 = tpu.memref_slice %arg6[%add3A_109, %dma_wait3A_192] : memref<10000x128xf32, #tpu.memory_space<vmem_shared>> -> memref<25x128xf32, #tpu.memory_space<vmem_shared>>
      %dma_wait3A_194 = arith.constant 0 : i32
      %dma_wait3A_195 = tpu.memref_slice %arg6[%add3A_109, %dma_wait3A_194] : memref<10000x128xf32, #tpu.memory_space<vmem_shared>> -> memref<25x128xf32, #tpu.memory_space<vmem_shared>>
      tpu.wait_dma2 semaphore(%run_scoped3A : memref<!tpu.dma_semaphore, #tpu.memory_space<semaphore_mem>>) src(%arg7 : memref<25x128xf32, #tpu.memory_space<vmem>>) dst(%dma_wait3A_195 : memref<25x128xf32, #tpu.memory_space<vmem_shared>>)
      tpu.yield
    }) : () -> ()
    %mul3A_110 = arith.constant 625 : i32
    %mul3A_111 = arith.muli %arg1, %mul3A_110 : i32
    %add3A_112 = arith.constant 500 : i32
    %add3A_113 = arith.addi %mul3A_111, %add3A_112 : i32
    "tpu.region"() ({
      %run_scoped3A = tpu.sem_alloc : memref<!tpu.dma_semaphore, #tpu.memory_space<semaphore_mem>>
      %dma_start3A_188 = arith.constant 0 : i32
      %dma_start3A_189 = tpu.memref_slice %arg6[%add3A_113, %dma_start3A_188] : memref<10000x128xf32, #tpu.memory_space<vmem_shared>> -> memref<25x128xf32, #tpu.memory_space<vmem_shared>>
      %dma_start3A_190 = arith.constant 0 : i32
      %dma_start3A_191 = tpu.memref_slice %arg6[%add3A_113, %dma_start3A_190] : memref<10000x128xf32, #tpu.memory_space<vmem_shared>> -> memref<25x128xf32, #tpu.memory_space<vmem_shared>>
      tpu.enqueue_dma source(%arg7 : memref<25x128xf32, #tpu.memory_space<vmem>>) target(%dma_start3A_191 : memref<25x128xf32, #tpu.memory_space<vmem_shared>>) target_semaphore(%run_scoped3A : memref<!tpu.dma_semaphore, #tpu.memory_space<semaphore_mem>>)
      %dma_wait3A_192 = arith.constant 0 : i32
      %dma_wait3A_193 = tpu.memref_slice %arg6[%add3A_113, %dma_wait3A_192] : memref<10000x128xf32, #tpu.memory_space<vmem_shared>> -> memref<25x128xf32, #tpu.memory_space<vmem_shared>>
      %dma_wait3A_194 = arith.constant 0 : i32
      %dma_wait3A_195 = tpu.memref_slice %arg6[%add3A_113, %dma_wait3A_194] : memref<10000x128xf32, #tpu.memory_space<vmem_shared>> -> memref<25x128xf32, #tpu.memory_space<vmem_shared>>
      tpu.wait_dma2 semaphore(%run_scoped3A : memref<!tpu.dma_semaphore, #tpu.memory_space<semaphore_mem>>) src(%arg7 : memref<25x128xf32, #tpu.memory_space<vmem>>) dst(%dma_wait3A_195 : memref<25x128xf32, #tpu.memory_space<vmem_shared>>)
      tpu.yield
    }) : () -> ()
    %mul3A_114 = arith.constant 625 : i32
    %mul3A_115 = arith.muli %arg1, %mul3A_114 : i32
    %add3A_116 = arith.constant 525 : i32
    %add3A_117 = arith.addi %mul3A_115, %add3A_116 : i32
    "tpu.region"() ({
      %run_scoped3A = tpu.sem_alloc : memref<!tpu.dma_semaphore, #tpu.memory_space<semaphore_mem>>
      %dma_start3A_188 = arith.constant 0 : i32
      %dma_start3A_189 = tpu.memref_slice %arg6[%add3A_117, %dma_start3A_188] : memref<10000x128xf32, #tpu.memory_space<vmem_shared>> -> memref<25x128xf32, #tpu.memory_space<vmem_shared>>
      %dma_start3A_190 = arith.constant 0 : i32
      %dma_start3A_191 = tpu.memref_slice %arg6[%add3A_117, %dma_start3A_190] : memref<10000x128xf32, #tpu.memory_space<vmem_shared>> -> memref<25x128xf32, #tpu.memory_space<vmem_shared>>
      tpu.enqueue_dma source(%arg7 : memref<25x128xf32, #tpu.memory_space<vmem>>) target(%dma_start3A_191 : memref<25x128xf32, #tpu.memory_space<vmem_shared>>) target_semaphore(%run_scoped3A : memref<!tpu.dma_semaphore, #tpu.memory_space<semaphore_mem>>)
      %dma_wait3A_192 = arith.constant 0 : i32
      %dma_wait3A_193 = tpu.memref_slice %arg6[%add3A_117, %dma_wait3A_192] : memref<10000x128xf32, #tpu.memory_space<vmem_shared>> -> memref<25x128xf32, #tpu.memory_space<vmem_shared>>
      %dma_wait3A_194 = arith.constant 0 : i32
      %dma_wait3A_195 = tpu.memref_slice %arg6[%add3A_117, %dma_wait3A_194] : memref<10000x128xf32, #tpu.memory_space<vmem_shared>> -> memref<25x128xf32, #tpu.memory_space<vmem_shared>>
      tpu.wait_dma2 semaphore(%run_scoped3A : memref<!tpu.dma_semaphore, #tpu.memory_space<semaphore_mem>>) src(%arg7 : memref<25x128xf32, #tpu.memory_space<vmem>>) dst(%dma_wait3A_195 : memref<25x128xf32, #tpu.memory_space<vmem_shared>>)
      tpu.yield
    }) : () -> ()
    %mul3A_118 = arith.constant 625 : i32
    %mul3A_119 = arith.muli %arg1, %mul3A_118 : i32
    %add3A_120 = arith.constant 550 : i32
    %add3A_121 = arith.addi %mul3A_119, %add3A_120 : i32
    "tpu.region"() ({
      %run_scoped3A = tpu.sem_alloc : memref<!tpu.dma_semaphore, #tpu.memory_space<semaphore_mem>>
      %dma_start3A_188 = arith.constant 0 : i32
      %dma_start3A_189 = tpu.memref_slice %arg6[%add3A_121, %dma_start3A_188] : memref<10000x128xf32, #tpu.memory_space<vmem_shared>> -> memref<25x128xf32, #tpu.memory_space<vmem_shared>>
      %dma_start3A_190 = arith.constant 0 : i32
      %dma_start3A_191 = tpu.memref_slice %arg6[%add3A_121, %dma_start3A_190] : memref<10000x128xf32, #tpu.memory_space<vmem_shared>> -> memref<25x128xf32, #tpu.memory_space<vmem_shared>>
      tpu.enqueue_dma source(%arg7 : memref<25x128xf32, #tpu.memory_space<vmem>>) target(%dma_start3A_191 : memref<25x128xf32, #tpu.memory_space<vmem_shared>>) target_semaphore(%run_scoped3A : memref<!tpu.dma_semaphore, #tpu.memory_space<semaphore_mem>>)
      %dma_wait3A_192 = arith.constant 0 : i32
      %dma_wait3A_193 = tpu.memref_slice %arg6[%add3A_121, %dma_wait3A_192] : memref<10000x128xf32, #tpu.memory_space<vmem_shared>> -> memref<25x128xf32, #tpu.memory_space<vmem_shared>>
      %dma_wait3A_194 = arith.constant 0 : i32
      %dma_wait3A_195 = tpu.memref_slice %arg6[%add3A_121, %dma_wait3A_194] : memref<10000x128xf32, #tpu.memory_space<vmem_shared>> -> memref<25x128xf32, #tpu.memory_space<vmem_shared>>
      tpu.wait_dma2 semaphore(%run_scoped3A : memref<!tpu.dma_semaphore, #tpu.memory_space<semaphore_mem>>) src(%arg7 : memref<25x128xf32, #tpu.memory_space<vmem>>) dst(%dma_wait3A_195 : memref<25x128xf32, #tpu.memory_space<vmem_shared>>)
      tpu.yield
    }) : () -> ()
    %mul3A_122 = arith.constant 625 : i32
    %mul3A_123 = arith.muli %arg1, %mul3A_122 : i32
    %add3A_124 = arith.constant 575 : i32
    %add3A_125 = arith.addi %mul3A_123, %add3A_124 : i32
    "tpu.region"() ({
      %run_scoped3A = tpu.sem_alloc : memref<!tpu.dma_semaphore, #tpu.memory_space<semaphore_mem>>
      %dma_start3A_188 = arith.constant 0 : i32
      %dma_start3A_189 = tpu.memref_slice %arg6[%add3A_125, %dma_start3A_188] : memref<10000x128xf32, #tpu.memory_space<vmem_shared>> -> memref<25x128xf32, #tpu.memory_space<vmem_shared>>
      %dma_start3A_190 = arith.constant 0 : i32
      %dma_start3A_191 = tpu.memref_slice %arg6[%add3A_125, %dma_start3A_190] : memref<10000x128xf32, #tpu.memory_space<vmem_shared>> -> memref<25x128xf32, #tpu.memory_space<vmem_shared>>
      tpu.enqueue_dma source(%arg7 : memref<25x128xf32, #tpu.memory_space<vmem>>) target(%dma_start3A_191 : memref<25x128xf32, #tpu.memory_space<vmem_shared>>) target_semaphore(%run_scoped3A : memref<!tpu.dma_semaphore, #tpu.memory_space<semaphore_mem>>)
      %dma_wait3A_192 = arith.constant 0 : i32
      %dma_wait3A_193 = tpu.memref_slice %arg6[%add3A_125, %dma_wait3A_192] : memref<10000x128xf32, #tpu.memory_space<vmem_shared>> -> memref<25x128xf32, #tpu.memory_space<vmem_shared>>
      %dma_wait3A_194 = arith.constant 0 : i32
      %dma_wait3A_195 = tpu.memref_slice %arg6[%add3A_125, %dma_wait3A_194] : memref<10000x128xf32, #tpu.memory_space<vmem_shared>> -> memref<25x128xf32, #tpu.memory_space<vmem_shared>>
      tpu.wait_dma2 semaphore(%run_scoped3A : memref<!tpu.dma_semaphore, #tpu.memory_space<semaphore_mem>>) src(%arg7 : memref<25x128xf32, #tpu.memory_space<vmem>>) dst(%dma_wait3A_195 : memref<25x128xf32, #tpu.memory_space<vmem_shared>>)
      tpu.yield
    }) : () -> ()
    %mul3A_126 = arith.constant 625 : i32
    %mul3A_127 = arith.muli %arg1, %mul3A_126 : i32
    %add3A_128 = arith.constant 600 : i32
    %add3A_129 = arith.addi %mul3A_127, %add3A_128 : i32
    "tpu.region"() ({
      %run_scoped3A = tpu.sem_alloc : memref<!tpu.dma_semaphore, #tpu.memory_space<semaphore_mem>>
      %dma_start3A_188 = arith.constant 0 : i32
      %dma_start3A_189 = tpu.memref_slice %arg6[%add3A_129, %dma_start3A_188] : memref<10000x128xf32, #tpu.memory_space<vmem_shared>> -> memref<25x128xf32, #tpu.memory_space<vmem_shared>>
      %dma_start3A_190 = arith.constant 0 : i32
      %dma_start3A_191 = tpu.memref_slice %arg6[%add3A_129, %dma_start3A_190] : memref<10000x128xf32, #tpu.memory_space<vmem_shared>> -> memref<25x128xf32, #tpu.memory_space<vmem_shared>>
      tpu.enqueue_dma source(%arg7 : memref<25x128xf32, #tpu.memory_space<vmem>>) target(%dma_start3A_191 : memref<25x128xf32, #tpu.memory_space<vmem_shared>>) target_semaphore(%run_scoped3A : memref<!tpu.dma_semaphore, #tpu.memory_space<semaphore_mem>>)
      %dma_wait3A_192 = arith.constant 0 : i32
      %dma_wait3A_193 = tpu.memref_slice %arg6[%add3A_129, %dma_wait3A_192] : memref<10000x128xf32, #tpu.memory_space<vmem_shared>> -> memref<25x128xf32, #tpu.memory_space<vmem_shared>>
      %dma_wait3A_194 = arith.constant 0 : i32
      %dma_wait3A_195 = tpu.memref_slice %arg6[%add3A_129, %dma_wait3A_194] : memref<10000x128xf32, #tpu.memory_space<vmem_shared>> -> memref<25x128xf32, #tpu.memory_space<vmem_shared>>
      tpu.wait_dma2 semaphore(%run_scoped3A : memref<!tpu.dma_semaphore, #tpu.memory_space<semaphore_mem>>) src(%arg7 : memref<25x128xf32, #tpu.memory_space<vmem>>) dst(%dma_wait3A_195 : memref<25x128xf32, #tpu.memory_space<vmem_shared>>)
      tpu.yield
    }) : () -> ()
    %mul3A_130 = arith.constant 80 : i32
    %mul3A_131 = arith.muli %arg1, %mul3A_130 : i32
    %dma_wait3A = arith.constant 0 : i32
    %dma_wait3A_132 = tpu.memref_slice %arg4[%mul3A_131, %dma_wait3A] : memref<1280x128xi32, #tpu.memory_space<hbm>> -> memref<80x128xi32, #tpu.memory_space<hbm>>
    %dma_wait3A_133 = arith.constant 0 : i32
    %dma_wait3A_134 = tpu.memref_slice %arg4[%mul3A_131, %dma_wait3A_133] : memref<1280x128xi32, #tpu.memory_space<hbm>> -> memref<80x128xi32, #tpu.memory_space<hbm>>
    tpu.wait_dma2 semaphore(%arg13 : memref<!tpu.dma_semaphore, #tpu.memory_space<semaphore_mem>>) src(%dma_wait3A_134 : memref<80x128xi32, #tpu.memory_space<hbm>>) dst(%arg8 : memref<80x128xi32, #tpu.memory_space<vmem>>)
    %barrier3A = arith.constant 0 : index
    tpu.barrier barrier_id(%barrier3A)
    %add3A_135 = arith.constant 0 : i32
    %add3A_136 = arith.addi %mul3A_2, %add3A_135 : i32
    %mul3A_137 = arith.constant 2 : i32
    %mul3A_138 = arith.muli %add3A_136, %mul3A_137 : i32
    %mul3A_139 = arith.constant 128 : i32
    %mul3A_140 = arith.muli %mul3A_138, %mul3A_139 : i32
    %dma_wait3A_141 = tpu.memref_slice %arg3[%mul3A_140] : memref<655360xi32, #tpu.memory_space<hbm>> -> memref<256xi32, #tpu.memory_space<hbm>>
    %dma_wait3A_142 = tpu.memref_slice %arg3[%mul3A_140] : memref<655360xi32, #tpu.memory_space<hbm>> -> memref<256xi32, #tpu.memory_space<hbm>>
    tpu.wait_dma2 semaphore(%arg14 : memref<!tpu.dma_semaphore, #tpu.memory_space<semaphore_mem>>) src(%dma_wait3A_142 : memref<256xi32, #tpu.memory_space<hbm>>) dst(%arg9 : memref<256xi32, #tpu.memory_space<vmem>>)
    %dma_start3A_143 = arith.constant 0 : i32
    %dma_start3A_144 = tpu.memref_slice %arg9[%dma_start3A_143] : memref<256xi32, #tpu.memory_space<vmem>> -> memref<128xi32, #tpu.memory_space<vmem>>
    %dma_start3A_145 = arith.constant 0 : i32
    %dma_start3A_146 = arith.constant 0 : i32
    %dma_start3A_147 = tpu.memref_slice %arg2[%dma_start3A_145, %dma_start3A_146] : memref<20000x128xf32, #tpu.memory_space<hbm>> -> memref<20000x128xf32, #tpu.memory_space<hbm>>
    tpu.enqueue_indirect_dma source(%dma_start3A_147 : memref<20000x128xf32, #tpu.memory_space<hbm>>) target(%arg11 : memref<128x128xf32, #tpu.memory_space<vmem>>) offsets(%dma_start3A_144 : memref<128xi32, #tpu.memory_space<vmem>>) semaphore(%arg16 : memref<!tpu.dma_semaphore, #tpu.memory_space<semaphore_mem>>)
    %add3A_148 = arith.constant 1 : i32
    %add3A_149 = arith.addi %mul3A_2, %add3A_148 : i32
    %mul3A_150 = arith.constant 2 : i32
    %mul3A_151 = arith.muli %add3A_149, %mul3A_150 : i32
    %mul3A_152 = arith.constant 128 : i32
    %mul3A_153 = arith.muli %mul3A_151, %mul3A_152 : i32
    %dma_wait3A_154 = tpu.memref_slice %arg3[%mul3A_153] : memref<655360xi32, #tpu.memory_space<hbm>> -> memref<256xi32, #tpu.memory_space<hbm>>
    %dma_wait3A_155 = tpu.memref_slice %arg3[%mul3A_153] : memref<655360xi32, #tpu.memory_space<hbm>> -> memref<256xi32, #tpu.memory_space<hbm>>
    tpu.wait_dma2 semaphore(%arg15 : memref<!tpu.dma_semaphore, #tpu.memory_space<semaphore_mem>>) src(%dma_wait3A_155 : memref<256xi32, #tpu.memory_space<hbm>>) dst(%arg10 : memref<256xi32, #tpu.memory_space<vmem>>)
    %dma_start3A_156 = arith.constant 0 : i32
    %dma_start3A_157 = tpu.memref_slice %arg10[%dma_start3A_156] : memref<256xi32, #tpu.memory_space<vmem>> -> memref<128xi32, #tpu.memory_space<vmem>>
    %dma_start3A_158 = arith.constant 0 : i32
    %dma_start3A_159 = arith.constant 0 : i32
    %dma_start3A_160 = tpu.memref_slice %arg2[%dma_start3A_158, %dma_start3A_159] : memref<20000x128xf32, #tpu.memory_space<hbm>> -> memref<20000x128xf32, #tpu.memory_space<hbm>>
    tpu.enqueue_indirect_dma source(%dma_start3A_160 : memref<20000x128xf32, #tpu.memory_space<hbm>>) target(%arg12 : memref<128x128xf32, #tpu.memory_space<vmem>>) offsets(%dma_start3A_157 : memref<128xi32, #tpu.memory_space<vmem>>) semaphore(%arg17 : memref<!tpu.dma_semaphore, #tpu.memory_space<semaphore_mem>>)
    %scan3A_161 = arith.constant 0 : i32
    %scan3A_162 = arith.constant 0 : i32
    %scan3A_163 = arith.constant 40 : i32
    %scan3A_164 = arith.addi %scan3A_162, %scan3A_163 : i32
    %scan3A_165 = arith.constant 1 : i32
    scf.for %scan3A_188 = %scan3A_162 to %scan3A_164 step %scan3A_165  : i32 {
      %mul3A_189 = arith.constant 2 : i32
      %mul3A_190 = arith.muli %mul3A_189, %scan3A_188 : i32
      %lt3A = arith.constant 39 : i32
      %lt3A_191 = arith.cmpi slt, %scan3A_188, %lt3A : i32
      %dma_wait3A_192 = arith.constant 0 : i32
      %dma_wait3A_193 = tpu.memref_slice %arg9[%dma_wait3A_192] : memref<256xi32, #tpu.memory_space<vmem>> -> memref<128xi32, #tpu.memory_space<vmem>>
      %dma_wait3A_194 = arith.constant 0 : i32
      %dma_wait3A_195 = arith.constant 0 : i32
      %dma_wait3A_196 = tpu.memref_slice %arg2[%dma_wait3A_194, %dma_wait3A_195] : memref<20000x128xf32, #tpu.memory_space<hbm>> -> memref<20000x128xf32, #tpu.memory_space<hbm>>
      tpu.wait_indirect_dma semaphore(%arg16 : memref<!tpu.dma_semaphore, #tpu.memory_space<semaphore_mem>>) src(%dma_wait3A_196 : memref<20000x128xf32, #tpu.memory_space<hbm>>) dst(%arg11 : memref<128x128xf32, #tpu.memory_space<vmem>>)
      %scan3A_197 = arith.constant 0 : i32
      %scan3A_198 = arith.constant 0 : i32
      %scan3A_199 = arith.constant 8 : i32
      %scan3A_200 = arith.addi %scan3A_198, %scan3A_199 : i32
      %scan3A_201 = arith.constant 1 : i32
      scf.for %scan3A_234 = %scan3A_198 to %scan3A_200 step %scan3A_201  : i32 {
        %mul3A_235 = arith.constant 16 : i32
        %mul3A_236 = arith.muli %scan3A_234, %mul3A_235 : i32
        %add3A_237 = arith.constant 128 : i32
        %add3A_238 = arith.addi %add3A_237, %mul3A_236 : i32
        %get3A = arith.index_cast %add3A_238 : i32 to index
        %get3A_239 = tpu.vector_load %arg9[%get3A] {strides = array<i32>} : memref<256xi32, #tpu.memory_space<vmem>>, vector<16xi32>,
        %get3A_240 = vector.shape_cast %get3A_239 : vector<16xi32> to vector<16xi32>
        %bitcast_convert_type3A = tpu.bitcast %get3A_240 : vector<16xi32> -> vector<16xf32>
        %mul3A_241 = arith.constant 16 : i32
        %mul3A_242 = arith.muli %scan3A_234, %mul3A_241 : i32
        %add3A_243 = arith.constant 0 : i32
        %add3A_244 = arith.addi %mul3A_242, %add3A_243 : i32
        %broadcast_in_dim3A_245 = arith.constant 0 : i32
        %broadcast_in_dim3A_246 = vector.broadcast %broadcast_in_dim3A_245 : i32 to vector<16x1xi32>
        %gather3A = vector.shape_cast %broadcast_in_dim3A_246 : vector<16x1xi32> to vector<16xi32>
        %gather3A_247 = tpu.dynamic_gather %bitcast_convert_type3A[%gather3A] in [0] : vector<16xf32>, vector<16xi32> -> vector<16xf32>
        %get3A_248 = arith.index_cast %add3A_244 : i32 to index
        %get3A_249 = arith.constant 0 : index
        %get3A_250 = tpu.vector_load %arg11[%get3A_248, %get3A_249] {strides = array<i32>} : memref<128x128xf32, #tpu.memory_space<vmem>>, vector<1x16xf32>,
        %get3A_251 = vector.shape_cast %get3A_250 : vector<1x16xf32> to vector<16xf32>
        %mul3A_252 = arith.mulf %get3A_251, %gather3A_247 : vector<16xf32>
        %swap3A = arith.index_cast %add3A_244 : i32 to index
        %swap3A_253 = arith.constant 0 : index
        %swap3A_254 = tpu.vector_load %arg11[%swap3A, %swap3A_253] {strides = array<i32>} : memref<128x128xf32, #tpu.memory_space<vmem>>, vector<1x16xf32>,
        %swap3A_255 = vector.shape_cast %swap3A_254 : vector<1x16xf32> to vector<16xf32>
        %swap3A_256 = vector.shape_cast %mul3A_252 : vector<16xf32> to vector<1x16xf32>
        tpu.vector_store %arg11[%swap3A, %swap3A_253], %swap3A_256 {strides = array<i32>} : memref<128x128xf32, #tpu.memory_space<vmem>>, vector<1x16xf32>,
        %get3A_257 = arith.index_cast %add3A_244 : i32 to index
        %get3A_258 = arith.constant 16 : index
        %get3A_259 = tpu.vector_load %arg11[%get3A_257, %get3A_258] {strides = array<i32>} : memref<128x128xf32, #tpu.memory_space<vmem>>, vector<1x16xf32>,
        %get3A_260 = vector.shape_cast %get3A_259 : vector<1x16xf32> to vector<16xf32>
        %mul3A_261 = arith.mulf %get3A_260, %gather3A_247 : vector<16xf32>
        %swap3A_262 = arith.index_cast %add3A_244 : i32 to index
        %swap3A_263 = arith.constant 16 : index
        %swap3A_264 = tpu.vector_load %arg11[%swap3A_262, %swap3A_263] {strides = array<i32>} : memref<128x128xf32, #tpu.memory_space<vmem>>, vector<1x16xf32>,
        %swap3A_265 = vector.shape_cast %swap3A_264 : vector<1x16xf32> to vector<16xf32>
        %swap3A_266 = vector.shape_cast %mul3A_261 : vector<16xf32> to vector<1x16xf32>
        tpu.vector_store %arg11[%swap3A_262, %swap3A_263], %swap3A_266 {strides = array<i32>} : memref<128x128xf32, #tpu.memory_space<vmem>>, vector<1x16xf32>,
        %get3A_267 = arith.index_cast %add3A_244 : i32 to index
        %get3A_268 = arith.constant 32 : index
        %get3A_269 = tpu.vector_load %arg11[%get3A_267, %get3A_268] {strides = array<i32>} : memref<128x128xf32, #tpu.memory_space<vmem>>, vector<1x16xf32>,
        %get3A_270 = vector.shape_cast %get3A_269 : vector<1x16xf32> to vector<16xf32>
        %mul3A_271 = arith.mulf %get3A_270, %gather3A_247 : vector<16xf32>
        %swap3A_272 = arith.index_cast %add3A_244 : i32 to index
        %swap3A_273 = arith.constant 32 : index
        %swap3A_274 = tpu.vector_load %arg11[%swap3A_272, %swap3A_273] {strides = array<i32>} : memref<128x128xf32, #tpu.memory_space<vmem>>, vector<1x16xf32>,
        %swap3A_275 = vector.shape_cast %swap3A_274 : vector<1x16xf32> to vector<16xf32>
        %swap3A_276 = vector.shape_cast %mul3A_271 : vector<16xf32> to vector<1x16xf32>
        tpu.vector_store %arg11[%swap3A_272, %swap3A_273], %swap3A_276 {strides = array<i32>} : memref<128x128xf32, #tpu.memory_space<vmem>>, vector<1x16xf32>,
        %get3A_277 = arith.index_cast %add3A_244 : i32 to index
        %get3A_278 = arith.constant 48 : index
        %get3A_279 = tpu.vector_load %arg11[%get3A_277, %get3A_278] {strides = array<i32>} : memref<128x128xf32, #tpu.memory_space<vmem>>, vector<1x16xf32>,
        %get3A_280 = vector.shape_cast %get3A_279 : vector<1x16xf32> to vector<16xf32>
        %mul3A_281 = arith.mulf %get3A_280, %gather3A_247 : vector<16xf32>
        %swap3A_282 = arith.index_cast %add3A_244 : i32 to index
        %swap3A_283 = arith.constant 48 : index
        %swap3A_284 = tpu.vector_load %arg11[%swap3A_282, %swap3A_283] {strides = array<i32>} : memref<128x128xf32, #tpu.memory_space<vmem>>, vector<1x16xf32>,
        %swap3A_285 = vector.shape_cast %swap3A_284 : vector<1x16xf32> to vector<16xf32>
        %swap3A_286 = vector.shape_cast %mul3A_281 : vector<16xf32> to vector<1x16xf32>
        tpu.vector_store %arg11[%swap3A_282, %swap3A_283], %swap3A_286 {strides = array<i32>} : memref<128x128xf32, #tpu.memory_space<vmem>>, vector<1x16xf32>,
        %get3A_287 = arith.index_cast %add3A_244 : i32 to index
        %get3A_288 = arith.constant 64 : index
        %get3A_289 = tpu.vector_load %arg11[%get3A_287, %get3A_288] {strides = array<i32>} : memref<128x128xf32, #tpu.memory_space<vmem>>, vector<1x16xf32>,
        %get3A_290 = vector.shape_cast %get3A_289 : vector<1x16xf32> to vector<16xf32>
        %mul3A_291 = arith.mulf %get3A_290, %gather3A_247 : vector<16xf32>
        %swap3A_292 = arith.index_cast %add3A_244 : i32 to index
        %swap3A_293 = arith.constant 64 : index
        %swap3A_294 = tpu.vector_load %arg11[%swap3A_292, %swap3A_293] {strides = array<i32>} : memref<128x128xf32, #tpu.memory_space<vmem>>, vector<1x16xf32>,
        %swap3A_295 = vector.shape_cast %swap3A_294 : vector<1x16xf32> to vector<16xf32>
        %swap3A_296 = vector.shape_cast %mul3A_291 : vector<16xf32> to vector<1x16xf32>
        tpu.vector_store %arg11[%swap3A_292, %swap3A_293], %swap3A_296 {strides = array<i32>} : memref<128x128xf32, #tpu.memory_space<vmem>>, vector<1x16xf32>,
        %get3A_297 = arith.index_cast %add3A_244 : i32 to index
        %get3A_298 = arith.constant 80 : index
        %get3A_299 = tpu.vector_load %arg11[%get3A_297, %get3A_298] {strides = array<i32>} : memref<128x128xf32, #tpu.memory_space<vmem>>, vector<1x16xf32>,
        %get3A_300 = vector.shape_cast %get3A_299 : vector<1x16xf32> to vector<16xf32>
        %mul3A_301 = arith.mulf %get3A_300, %gather3A_247 : vector<16xf32>
        %swap3A_302 = arith.index_cast %add3A_244 : i32 to index
        %swap3A_303 = arith.constant 80 : index
        %swap3A_304 = tpu.vector_load %arg11[%swap3A_302, %swap3A_303] {strides = array<i32>} : memref<128x128xf32, #tpu.memory_space<vmem>>, vector<1x16xf32>,
        %swap3A_305 = vector.shape_cast %swap3A_304 : vector<1x16xf32> to vector<16xf32>
        %swap3A_306 = vector.shape_cast %mul3A_301 : vector<16xf32> to vector<1x16xf32>
        tpu.vector_store %arg11[%swap3A_302, %swap3A_303], %swap3A_306 {strides = array<i32>} : memref<128x128xf32, #tpu.memory_space<vmem>>, vector<1x16xf32>,
        %get3A_307 = arith.index_cast %add3A_244 : i32 to index
        %get3A_308 = arith.constant 96 : index
        %get3A_309 = tpu.vector_load %arg11[%get3A_307, %get3A_308] {strides = array<i32>} : memref<128x128xf32, #tpu.memory_space<vmem>>, vector<1x16xf32>,
        %get3A_310 = vector.shape_cast %get3A_309 : vector<1x16xf32> to vector<16xf32>
        %mul3A_311 = arith.mulf %get3A_310, %gather3A_247 : vector<16xf32>
        %swap3A_312 = arith.index_cast %add3A_244 : i32 to index
        %swap3A_313 = arith.constant 96 : index
        %swap3A_314 = tpu.vector_load %arg11[%swap3A_312, %swap3A_313] {strides = array<i32>} : memref<128x128xf32, #tpu.memory_space<vmem>>, vector<1x16xf32>,
        %swap3A_315 = vector.shape_cast %swap3A_314 : vector<1x16xf32> to vector<16xf32>
        %swap3A_316 = vector.shape_cast %mul3A_311 : vector<16xf32> to vector<1x16xf32>
        tpu.vector_store %arg11[%swap3A_312, %swap3A_313], %swap3A_316 {strides = array<i32>} : memref<128x128xf32, #tpu.memory_space<vmem>>, vector<1x16xf32>,
        %get3A_317 = arith.index_cast %add3A_244 : i32 to index
        %get3A_318 = arith.constant 112 : index
        %get3A_319 = tpu.vector_load %arg11[%get3A_317, %get3A_318] {strides = array<i32>} : memref<128x128xf32, #tpu.memory_space<vmem>>, vector<1x16xf32>,
        %get3A_320 = vector.shape_cast %get3A_319 : vector<1x16xf32> to vector<16xf32>
        %mul3A_321 = arith.mulf %get3A_320, %gather3A_247 : vector<16xf32>
        %swap3A_322 = arith.index_cast %add3A_244 : i32 to index
        %swap3A_323 = arith.constant 112 : index
        %swap3A_324 = tpu.vector_load %arg11[%swap3A_322, %swap3A_323] {strides = array<i32>} : memref<128x128xf32, #tpu.memory_space<vmem>>, vector<1x16xf32>,
        %swap3A_325 = vector.shape_cast %swap3A_324 : vector<1x16xf32> to vector<16xf32>
        %swap3A_326 = vector.shape_cast %mul3A_321 : vector<16xf32> to vector<1x16xf32>
        tpu.vector_store %arg11[%swap3A_322, %swap3A_323], %swap3A_326 {strides = array<i32>} : memref<128x128xf32, #tpu.memory_space<vmem>>, vector<1x16xf32>,
        %mul3A_327 = arith.constant 16 : i32
        %mul3A_328 = arith.muli %scan3A_234, %mul3A_327 : i32
        %add3A_329 = arith.constant 1 : i32
        %add3A_330 = arith.addi %mul3A_328, %add3A_329 : i32
        %broadcast_in_dim3A_331 = arith.constant 1 : i32
        %broadcast_in_dim3A_332 = vector.broadcast %broadcast_in_dim3A_331 : i32 to vector<16x1xi32>
        %gather3A_333 = vector.shape_cast %broadcast_in_dim3A_332 : vector<16x1xi32> to vector<16xi32>
        %gather3A_334 = tpu.dynamic_gather %bitcast_convert_type3A[%gather3A_333] in [0] : vector<16xf32>, vector<16xi32> -> vector<16xf32>
        %get3A_335 = arith.index_cast %add3A_330 : i32 to index
        %get3A_336 = arith.constant 0 : index
        %get3A_337 = tpu.vector_load %arg11[%get3A_335, %get3A_336] {strides = array<i32>} : memref<128x128xf32, #tpu.memory_space<vmem>>, vector<1x16xf32>,
        %get3A_338 = vector.shape_cast %get3A_337 : vector<1x16xf32> to vector<16xf32>
        %mul3A_339 = arith.mulf %get3A_338, %gather3A_334 : vector<16xf32>
        %swap3A_340 = arith.index_cast %add3A_330 : i32 to index
        %swap3A_341 = arith.constant 0 : index
        %swap3A_342 = tpu.vector_load %arg11[%swap3A_340, %swap3A_341] {strides = array<i32>} : memref<128x128xf32, #tpu.memory_space<vmem>>, vector<1x16xf32>,
        %swap3A_343 = vector.shape_cast %swap3A_342 : vector<1x16xf32> to vector<16xf32>
        %swap3A_344 = vector.shape_cast %mul3A_339 : vector<16xf32> to vector<1x16xf32>
        tpu.vector_store %arg11[%swap3A_340, %swap3A_341], %swap3A_344 {strides = array<i32>} : memref<128x128xf32, #tpu.memory_space<vmem>>, vector<1x16xf32>,
        %get3A_345 = arith.index_cast %add3A_330 : i32 to index
        %get3A_346 = arith.constant 16 : index
        %get3A_347 = tpu.vector_load %arg11[%get3A_345, %get3A_346] {strides = array<i32>} : memref<128x128xf32, #tpu.memory_space<vmem>>, vector<1x16xf32>,
        %get3A_348 = vector.shape_cast %get3A_347 : vector<1x16xf32> to vector<16xf32>
        %mul3A_349 = arith.mulf %get3A_348, %gather3A_334 : vector<16xf32>
        %swap3A_350 = arith.index_cast %add3A_330 : i32 to index
        %swap3A_351 = arith.constant 16 : index
        %swap3A_352 = tpu.vector_load %arg11[%swap3A_350, %swap3A_351] {strides = array<i32>} : memref<128x128xf32, #tpu.memory_space<vmem>>, vector<1x16xf32>,
        %swap3A_353 = vector.shape_cast %swap3A_352 : vector<1x16xf32> to vector<16xf32>
        %swap3A_354 = vector.shape_cast %mul3A_349 : vector<16xf32> to vector<1x16xf32>
        tpu.vector_store %arg11[%swap3A_350, %swap3A_351], %swap3A_354 {strides = array<i32>} : memref<128x128xf32, #tpu.memory_space<vmem>>, vector<1x16xf32>,
        %get3A_355 = arith.index_cast %add3A_330 : i32 to index
        %get3A_356 = arith.constant 32 : index
        %get3A_357 = tpu.vector_load %arg11[%get3A_355, %get3A_356] {strides = array<i32>} : memref<128x128xf32, #tpu.memory_space<vmem>>, vector<1x16xf32>,
        %get3A_358 = vector.shape_cast %get3A_357 : vector<1x16xf32> to vector<16xf32>
        %mul3A_359 = arith.mulf %get3A_358, %gather3A_334 : vector<16xf32>
        %swap3A_360 = arith.index_cast %add3A_330 : i32 to index
        %swap3A_361 = arith.constant 32 : index
        %swap3A_362 = tpu.vector_load %arg11[%swap3A_360, %swap3A_361] {strides = array<i32>} : memref<128x128xf32, #tpu.memory_space<vmem>>, vector<1x16xf32>,
        %swap3A_363 = vector.shape_cast %swap3A_362 : vector<1x16xf32> to vector<16xf32>
        %swap3A_364 = vector.shape_cast %mul3A_359 : vector<16xf32> to vector<1x16xf32>
        tpu.vector_store %arg11[%swap3A_360, %swap3A_361], %swap3A_364 {strides = array<i32>} : memref<128x128xf32, #tpu.memory_space<vmem>>, vector<1x16xf32>,
        %get3A_365 = arith.index_cast %add3A_330 : i32 to index
        %get3A_366 = arith.constant 48 : index
        %get3A_367 = tpu.vector_load %arg11[%get3A_365, %get3A_366] {strides = array<i32>} : memref<128x128xf32, #tpu.memory_space<vmem>>, vector<1x16xf32>,
        %get3A_368 = vector.shape_cast %get3A_367 : vector<1x16xf32> to vector<16xf32>
        %mul3A_369 = arith.mulf %get3A_368, %gather3A_334 : vector<16xf32>
        %swap3A_370 = arith.index_cast %add3A_330 : i32 to index
        %swap3A_371 = arith.constant 48 : index
        %swap3A_372 = tpu.vector_load %arg11[%swap3A_370, %swap3A_371] {strides = array<i32>} : memref<128x128xf32, #tpu.memory_space<vmem>>, vector<1x16xf32>,
        %swap3A_373 = vector.shape_cast %swap3A_372 : vector<1x16xf32> to vector<16xf32>
        %swap3A_374 = vector.shape_cast %mul3A_369 : vector<16xf32> to vector<1x16xf32>
        tpu.vector_store %arg11[%swap3A_370, %swap3A_371], %swap3A_374 {strides = array<i32>} : memref<128x128xf32, #tpu.memory_space<vmem>>, vector<1x16xf32>,
        %get3A_375 = arith.index_cast %add3A_330 : i32 to index
        %get3A_376 = arith.constant 64 : index
        %get3A_377 = tpu.vector_load %arg11[%get3A_375, %get3A_376] {strides = array<i32>} : memref<128x128xf32, #tpu.memory_space<vmem>>, vector<1x16xf32>,
        %get3A_378 = vector.shape_cast %get3A_377 : vector<1x16xf32> to vector<16xf32>
        %mul3A_379 = arith.mulf %get3A_378, %gather3A_334 : vector<16xf32>
        %swap3A_380 = arith.index_cast %add3A_330 : i32 to index
        %swap3A_381 = arith.constant 64 : index
        %swap3A_382 = tpu.vector_load %arg11[%swap3A_380, %swap3A_381] {strides = array<i32>} : memref<128x128xf32, #tpu.memory_space<vmem>>, vector<1x16xf32>,
        %swap3A_383 = vector.shape_cast %swap3A_382 : vector<1x16xf32> to vector<16xf32>
        %swap3A_384 = vector.shape_cast %mul3A_379 : vector<16xf32> to vector<1x16xf32>
        tpu.vector_store %arg11[%swap3A_380, %swap3A_381], %swap3A_384 {strides = array<i32>} : memref<128x128xf32, #tpu.memory_space<vmem>>, vector<1x16xf32>,
        %get3A_385 = arith.index_cast %add3A_330 : i32 to index
        %get3A_386 = arith.constant 80 : index
        %get3A_387 = tpu.vector_load %arg11[%get3A_385, %get3A_386] {strides = array<i32>} : memref<128x128xf32, #tpu.memory_space<vmem>>, vector<1x16xf32>,
        %get3A_388 = vector.shape_cast %get3A_387 : vector<1x16xf32> to vector<16xf32>
        %mul3A_389 = arith.mulf %get3A_388, %gather3A_334 : vector<16xf32>
        %swap3A_390 = arith.index_cast %add3A_330 : i32 to index
        %swap3A_391 = arith.constant 80 : index
        %swap3A_392 = tpu.vector_load %arg11[%swap3A_390, %swap3A_391] {strides = array<i32>} : memref<128x128xf32, #tpu.memory_space<vmem>>, vector<1x16xf32>,
        %swap3A_393 = vector.shape_cast %swap3A_392 : vector<1x16xf32> to vector<16xf32>
        %swap3A_394 = vector.shape_cast %mul3A_389 : vector<16xf32> to vector<1x16xf32>
        tpu.vector_store %arg11[%swap3A_390, %swap3A_391], %swap3A_394 {strides = array<i32>} : memref<128x128xf32, #tpu.memory_space<vmem>>, vector<1x16xf32>,
        %get3A_395 = arith.index_cast %add3A_330 : i32 to index
        %get3A_396 = arith.constant 96 : index
        %get3A_397 = tpu.vector_load %arg11[%get3A_395, %get3A_396] {strides = array<i32>} : memref<128x128xf32, #tpu.memory_space<vmem>>, vector<1x16xf32>,
        %get3A_398 = vector.shape_cast %get3A_397 : vector<1x16xf32> to vector<16xf32>
        %mul3A_399 = arith.mulf %get3A_398, %gather3A_334 : vector<16xf32>
        %swap3A_400 = arith.index_cast %add3A_330 : i32 to index
        %swap3A_401 = arith.constant 96 : index
        %swap3A_402 = tpu.vector_load %arg11[%swap3A_400, %swap3A_401] {strides = array<i32>} : memref<128x128xf32, #tpu.memory_space<vmem>>, vector<1x16xf32>,
        %swap3A_403 = vector.shape_cast %swap3A_402 : vector<1x16xf32> to vector<16xf32>
        %swap3A_404 = vector.shape_cast %mul3A_399 : vector<16xf32> to vector<1x16xf32>
        tpu.vector_store %arg11[%swap3A_400, %swap3A_401], %swap3A_404 {strides = array<i32>} : memref<128x128xf32, #tpu.memory_space<vmem>>, vector<1x16xf32>,
        %get3A_405 = arith.index_cast %add3A_330 : i32 to index
        %get3A_406 = arith.constant 112 : index
        %get3A_407 = tpu.vector_load %arg11[%get3A_405, %get3A_406] {strides = array<i32>} : memref<128x128xf32, #tpu.memory_space<vmem>>, vector<1x16xf32>,
        %get3A_408 = vector.shape_cast %get3A_407 : vector<1x16xf32> to vector<16xf32>
        %mul3A_409 = arith.mulf %get3A_408, %gather3A_334 : vector<16xf32>
        %swap3A_410 = arith.index_cast %add3A_330 : i32 to index
        %swap3A_411 = arith.constant 112 : index
        %swap3A_412 = tpu.vector_load %arg11[%swap3A_410, %swap3A_411] {strides = array<i32>} : memref<128x128xf32, #tpu.memory_space<vmem>>, vector<1x16xf32>,
        %swap3A_413 = vector.shape_cast %swap3A_412 : vector<1x16xf32> to vector<16xf32>
        %swap3A_414 = vector.shape_cast %mul3A_409 : vector<16xf32> to vector<1x16xf32>
        tpu.vector_store %arg11[%swap3A_410, %swap3A_411], %swap3A_414 {strides = array<i32>} : memref<128x128xf32, #tpu.memory_space<vmem>>, vector<1x16xf32>,
        %mul3A_415 = arith.constant 16 : i32
        %mul3A_416 = arith.muli %scan3A_234, %mul3A_415 : i32
        %add3A_417 = arith.constant 2 : i32
        %add3A_418 = arith.addi %mul3A_416, %add3A_417 : i32
        %broadcast_in_dim3A_419 = arith.constant 2 : i32
        %broadcast_in_dim3A_420 = vector.broadcast %broadcast_in_dim3A_419 : i32 to vector<16x1xi32>
        %gather3A_421 = vector.shape_cast %broadcast_in_dim3A_420 : vector<16x1xi32> to vector<16xi32>
        %gather3A_422 = tpu.dynamic_gather %bitcast_convert_type3A[%gather3A_421] in [0] : vector<16xf32>, vector<16xi32> -> vector<16xf32>
        %get3A_423 = arith.index_cast %add3A_418 : i32 to index
        %get3A_424 = arith.constant 0 : index
        %get3A_425 = tpu.vector_load %arg11[%get3A_423, %get3A_424] {strides = array<i32>} : memref<128x128xf32, #tpu.memory_space<vmem>>, vector<1x16xf32>,
        %get3A_426 = vector.shape_cast %get3A_425 : vector<1x16xf32> to vector<16xf32>
        %mul3A_427 = arith.mulf %get3A_426, %gather3A_422 : vector<16xf32>
        %swap3A_428 = arith.index_cast %add3A_418 : i32 to index
        %swap3A_429 = arith.constant 0 : index
        %swap3A_430 = tpu.vector_load %arg11[%swap3A_428, %swap3A_429] {strides = array<i32>} : memref<128x128xf32, #tpu.memory_space<vmem>>, vector<1x16xf32>,
        %swap3A_431 = vector.shape_cast %swap3A_430 : vector<1x16xf32> to vector<16xf32>
        %swap3A_432 = vector.shape_cast %mul3A_427 : vector<16xf32> to vector<1x16xf32>
        tpu.vector_store %arg11[%swap3A_428, %swap3A_429], %swap3A_432 {strides = array<i32>} : memref<128x128xf32, #tpu.memory_space<vmem>>, vector<1x16xf32>,
        %get3A_433 = arith.index_cast %add3A_418 : i32 to index
        %get3A_434 = arith.constant 16 : index
        %get3A_435 = tpu.vector_load %arg11[%get3A_433, %get3A_434] {strides = array<i32>} : memref<128x128xf32, #tpu.memory_space<vmem>>, vector<1x16xf32>,
        %get3A_436 = vector.shape_cast %get3A_435 : vector<1x16xf32> to vector<16xf32>
        %mul3A_437 = arith.mulf %get3A_436, %gather3A_422 : vector<16xf32>
        %swap3A_438 = arith.index_cast %add3A_418 : i32 to index
        %swap3A_439 = arith.constant 16 : index
        %swap3A_440 = tpu.vector_load %arg11[%swap3A_438, %swap3A_439] {strides = array<i32>} : memref<128x128xf32, #tpu.memory_space<vmem>>, vector<1x16xf32>,
        %swap3A_441 = vector.shape_cast %swap3A_440 : vector<1x16xf32> to vector<16xf32>
        %swap3A_442 = vector.shape_cast %mul3A_437 : vector<16xf32> to vector<1x16xf32>
        tpu.vector_store %arg11[%swap3A_438, %swap3A_439], %swap3A_442 {strides = array<i32>} : memref<128x128xf32, #tpu.memory_space<vmem>>, vector<1x16xf32>,
        %get3A_443 = arith.index_cast %add3A_418 : i32 to index
        %get3A_444 = arith.constant 32 : index
        %get3A_445 = tpu.vector_load %arg11[%get3A_443, %get3A_444] {strides = array<i32>} : memref<128x128xf32, #tpu.memory_space<vmem>>, vector<1x16xf32>,
        %get3A_446 = vector.shape_cast %get3A_445 : vector<1x16xf32> to vector<16xf32>
        %mul3A_447 = arith.mulf %get3A_446, %gather3A_422 : vector<16xf32>
        %swap3A_448 = arith.index_cast %add3A_418 : i32 to index
        %swap3A_449 = arith.constant 32 : index
        %swap3A_450 = tpu.vector_load %arg11[%swap3A_448, %swap3A_449] {strides = array<i32>} : memref<128x128xf32, #tpu.memory_space<vmem>>, vector<1x16xf32>,
        %swap3A_451 = vector.shape_cast %swap3A_450 : vector<1x16xf32> to vector<16xf32>
        %swap3A_452 = vector.shape_cast %mul3A_447 : vector<16xf32> to vector<1x16xf32>
        tpu.vector_store %arg11[%swap3A_448, %swap3A_449], %swap3A_452 {strides = array<i32>} : memref<128x128xf32, #tpu.memory_space<vmem>>, vector<1x16xf32>,
        %get3A_453 = arith.index_cast %add3A_418 : i32 to index
        %get3A_454 = arith.constant 48 : index
        %get3A_455 = tpu.vector_load %arg11[%get3A_453, %get3A_454] {strides = array<i32>} : memref<128x128xf32, #tpu.memory_space<vmem>>, vector<1x16xf32>,
        %get3A_456 = vector.shape_cast %get3A_455 : vector<1x16xf32> to vector<16xf32>
        %mul3A_457 = arith.mulf %get3A_456, %gather3A_422 : vector<16xf32>
        %swap3A_458 = arith.index_cast %add3A_418 : i32 to index
        %swap3A_459 = arith.constant 48 : index
        %swap3A_460 = tpu.vector_load %arg11[%swap3A_458, %swap3A_459] {strides = array<i32>} : memref<128x128xf32, #tpu.memory_space<vmem>>, vector<1x16xf32>,
        %swap3A_461 = vector.shape_cast %swap3A_460 : vector<1x16xf32> to vector<16xf32>
        %swap3A_462 = vector.shape_cast %mul3A_457 : vector<16xf32> to vector<1x16xf32>
        tpu.vector_store %arg11[%swap3A_458, %swap3A_459], %swap3A_462 {strides = array<i32>} : memref<128x128xf32, #tpu.memory_space<vmem>>, vector<1x16xf32>,
        %get3A_463 = arith.index_cast %add3A_418 : i32 to index
        %get3A_464 = arith.constant 64 : index
        %get3A_465 = tpu.vector_load %arg11[%get3A_463, %get3A_464] {strides = array<i32>} : memref<128x128xf32, #tpu.memory_space<vmem>>, vector<1x16xf32>,
        %get3A_466 = vector.shape_cast %get3A_465 : vector<1x16xf32> to vector<16xf32>
        %mul3A_467 = arith.mulf %get3A_466, %gather3A_422 : vector<16xf32>
        %swap3A_468 = arith.index_cast %add3A_418 : i32 to index
        %swap3A_469 = arith.constant 64 : index
        %swap3A_470 = tpu.vector_load %arg11[%swap3A_468, %swap3A_469] {strides = array<i32>} : memref<128x128xf32, #tpu.memory_space<vmem>>, vector<1x16xf32>,
        %swap3A_471 = vector.shape_cast %swap3A_470 : vector<1x16xf32> to vector<16xf32>
        %swap3A_472 = vector.shape_cast %mul3A_467 : vector<16xf32> to vector<1x16xf32>
        tpu.vector_store %arg11[%swap3A_468, %swap3A_469], %swap3A_472 {strides = array<i32>} : memref<128x128xf32, #tpu.memory_space<vmem>>, vector<1x16xf32>,
        %get3A_473 = arith.index_cast %add3A_418 : i32 to index
        %get3A_474 = arith.constant 80 : index
        %get3A_475 = tpu.vector_load %arg11[%get3A_473, %get3A_474] {strides = array<i32>} : memref<128x128xf32, #tpu.memory_space<vmem>>, vector<1x16xf32>,
        %get3A_476 = vector.shape_cast %get3A_475 : vector<1x16xf32> to vector<16xf32>
        %mul3A_477 = arith.mulf %get3A_476, %gather3A_422 : vector<16xf32>
        %swap3A_478 = arith.index_cast %add3A_418 : i32 to index
        %swap3A_479 = arith.constant 80 : index
        %swap3A_480 = tpu.vector_load %arg11[%swap3A_478, %swap3A_479] {strides = array<i32>} : memref<128x128xf32, #tpu.memory_space<vmem>>, vector<1x16xf32>,
        %swap3A_481 = vector.shape_cast %swap3A_480 : vector<1x16xf32> to vector<16xf32>
        %swap3A_482 = vector.shape_cast %mul3A_477 : vector<16xf32> to vector<1x16xf32>
        tpu.vector_store %arg11[%swap3A_478, %swap3A_479], %swap3A_482 {strides = array<i32>} : memref<128x128xf32, #tpu.memory_space<vmem>>, vector<1x16xf32>,
        %get3A_483 = arith.index_cast %add3A_418 : i32 to index
        %get3A_484 = arith.constant 96 : index
        %get3A_485 = tpu.vector_load %arg11[%get3A_483, %get3A_484] {strides = array<i32>} : memref<128x128xf32, #tpu.memory_space<vmem>>, vector<1x16xf32>,
        %get3A_486 = vector.shape_cast %get3A_485 : vector<1x16xf32> to vector<16xf32>
        %mul3A_487 = arith.mulf %get3A_486, %gather3A_422 : vector<16xf32>
        %swap3A_488 = arith.index_cast %add3A_418 : i32 to index
        %swap3A_489 = arith.constant 96 : index
        %swap3A_490 = tpu.vector_load %arg11[%swap3A_488, %swap3A_489] {strides = array<i32>} : memref<128x128xf32, #tpu.memory_space<vmem>>, vector<1x16xf32>,
        %swap3A_491 = vector.shape_cast %swap3A_490 : vector<1x16xf32> to vector<16xf32>
        %swap3A_492 = vector.shape_cast %mul3A_487 : vector<16xf32> to vector<1x16xf32>
        tpu.vector_store %arg11[%swap3A_488, %swap3A_489], %swap3A_492 {strides = array<i32>} : memref<128x128xf32, #tpu.memory_space<vmem>>, vector<1x16xf32>,
        %get3A_493 = arith.index_cast %add3A_418 : i32 to index
        %get3A_494 = arith.constant 112 : index
        %get3A_495 = tpu.vector_load %arg11[%get3A_493, %get3A_494] {strides = array<i32>} : memref<128x128xf32, #tpu.memory_space<vmem>>, vector<1x16xf32>,
        %get3A_496 = vector.shape_cast %get3A_495 : vector<1x16xf32> to vector<16xf32>
        %mul3A_497 = arith.mulf %get3A_496, %gather3A_422 : vector<16xf32>
        %swap3A_498 = arith.index_cast %add3A_418 : i32 to index
        %swap3A_499 = arith.constant 112 : index
        %swap3A_500 = tpu.vector_load %arg11[%swap3A_498, %swap3A_499] {strides = array<i32>} : memref<128x128xf32, #tpu.memory_space<vmem>>, vector<1x16xf32>,
        %swap3A_501 = vector.shape_cast %swap3A_500 : vector<1x16xf32> to vector<16xf32>
        %swap3A_502 = vector.shape_cast %mul3A_497 : vector<16xf32> to vector<1x16xf32>
        tpu.vector_store %arg11[%swap3A_498, %swap3A_499], %swap3A_502 {strides = array<i32>} : memref<128x128xf32, #tpu.memory_space<vmem>>, vector<1x16xf32>,
        %mul3A_503 = arith.constant 16 : i32
        %mul3A_504 = arith.muli %scan3A_234, %mul3A_503 : i32
        %add3A_505 = arith.constant 3 : i32
        %add3A_506 = arith.addi %mul3A_504, %add3A_505 : i32
        %broadcast_in_dim3A_507 = arith.constant 3 : i32
        %broadcast_in_dim3A_508 = vector.broadcast %broadcast_in_dim3A_507 : i32 to vector<16x1xi32>
        %gather3A_509 = vector.shape_cast %broadcast_in_dim3A_508 : vector<16x1xi32> to vector<16xi32>
        %gather3A_510 = tpu.dynamic_gather %bitcast_convert_type3A[%gather3A_509] in [0] : vector<16xf32>, vector<16xi32> -> vector<16xf32>
        %get3A_511 = arith.index_cast %add3A_506 : i32 to index
        %get3A_512 = arith.constant 0 : index
        %get3A_513 = tpu.vector_load %arg11[%get3A_511, %get3A_512] {strides = array<i32>} : memref<128x128xf32, #tpu.memory_space<vmem>>, vector<1x16xf32>,
        %get3A_514 = vector.shape_cast %get3A_513 : vector<1x16xf32> to vector<16xf32>
        %mul3A_515 = arith.mulf %get3A_514, %gather3A_510 : vector<16xf32>
        %swap3A_516 = arith.index_cast %add3A_506 : i32 to index
        %swap3A_517 = arith.constant 0 : index
        %swap3A_518 = tpu.vector_load %arg11[%swap3A_516, %swap3A_517] {strides = array<i32>} : memref<128x128xf32, #tpu.memory_space<vmem>>, vector<1x16xf32>,
        %swap3A_519 = vector.shape_cast %swap3A_518 : vector<1x16xf32> to vector<16xf32>
        %swap3A_520 = vector.shape_cast %mul3A_515 : vector<16xf32> to vector<1x16xf32>
        tpu.vector_store %arg11[%swap3A_516, %swap3A_517], %swap3A_520 {strides = array<i32>} : memref<128x128xf32, #tpu.memory_space<vmem>>, vector<1x16xf32>,
        %get3A_521 = arith.index_cast %add3A_506 : i32 to index
        %get3A_522 = arith.constant 16 : index
        %get3A_523 = tpu.vector_load %arg11[%get3A_521, %get3A_522] {strides = array<i32>} : memref<128x128xf32, #tpu.memory_space<vmem>>, vector<1x16xf32>,
        %get3A_524 = vector.shape_cast %get3A_523 : vector<1x16xf32> to vector<16xf32>
        %mul3A_525 = arith.mulf %get3A_524, %gather3A_510 : vector<16xf32>
        %swap3A_526 = arith.index_cast %add3A_506 : i32 to index
        %swap3A_527 = arith.constant 16 : index
        %swap3A_528 = tpu.vector_load %arg11[%swap3A_526, %swap3A_527] {strides = array<i32>} : memref<128x128xf32, #tpu.memory_space<vmem>>, vector<1x16xf32>,
        %swap3A_529 = vector.shape_cast %swap3A_528 : vector<1x16xf32> to vector<16xf32>
        %swap3A_530 = vector.shape_cast %mul3A_525 : vector<16xf32> to vector<1x16xf32>
        tpu.vector_store %arg11[%swap3A_526, %swap3A_527], %swap3A_530 {strides = array<i32>} : memref<128x128xf32, #tpu.memory_space<vmem>>, vector<1x16xf32>,
        %get3A_531 = arith.index_cast %add3A_506 : i32 to index
        %get3A_532 = arith.constant 32 : index
        %get3A_533 = tpu.vector_load %arg11[%get3A_531, %get3A_532] {strides = array<i32>} : memref<128x128xf32, #tpu.memory_space<vmem>>, vector<1x16xf32>,
        %get3A_534 = vector.shape_cast %get3A_533 : vector<1x16xf32> to vector<16xf32>
        %mul3A_535 = arith.mulf %get3A_534, %gather3A_510 : vector<16xf32>
        %swap3A_536 = arith.index_cast %add3A_506 : i32 to index
        %swap3A_537 = arith.constant 32 : index
        %swap3A_538 = tpu.vector_load %arg11[%swap3A_536, %swap3A_537] {strides = array<i32>} : memref<128x128xf32, #tpu.memory_space<vmem>>, vector<1x16xf32>,
        %swap3A_539 = vector.shape_cast %swap3A_538 : vector<1x16xf32> to vector<16xf32>
        %swap3A_540 = vector.shape_cast %mul3A_535 : vector<16xf32> to vector<1x16xf32>
        tpu.vector_store %arg11[%swap3A_536, %swap3A_537], %swap3A_540 {strides = array<i32>} : memref<128x128xf32, #tpu.memory_space<vmem>>, vector<1x16xf32>,
        %get3A_541 = arith.index_cast %add3A_506 : i32 to index
        %get3A_542 = arith.constant 48 : index
        %get3A_543 = tpu.vector_load %arg11[%get3A_541, %get3A_542] {strides = array<i32>} : memref<128x128xf32, #tpu.memory_space<vmem>>, vector<1x16xf32>,
        %get3A_544 = vector.shape_cast %get3A_543 : vector<1x16xf32> to vector<16xf32>
        %mul3A_545 = arith.mulf %get3A_544, %gather3A_510 : vector<16xf32>
        %swap3A_546 = arith.index_cast %add3A_506 : i32 to index
        %swap3A_547 = arith.constant 48 : index
        %swap3A_548 = tpu.vector_load %arg11[%swap3A_546, %swap3A_547] {strides = array<i32>} : memref<128x128xf32, #tpu.memory_space<vmem>>, vector<1x16xf32>,
        %swap3A_549 = vector.shape_cast %swap3A_548 : vector<1x16xf32> to vector<16xf32>
        %swap3A_550 = vector.shape_cast %mul3A_545 : vector<16xf32> to vector<1x16xf32>
        tpu.vector_store %arg11[%swap3A_546, %swap3A_547], %swap3A_550 {strides = array<i32>} : memref<128x128xf32, #tpu.memory_space<vmem>>, vector<1x16xf32>,
        %get3A_551 = arith.index_cast %add3A_506 : i32 to index
        %get3A_552 = arith.constant 64 : index
        %get3A_553 = tpu.vector_load %arg11[%get3A_551, %get3A_552] {strides = array<i32>} : memref<128x128xf32, #tpu.memory_space<vmem>>, vector<1x16xf32>,
        %get3A_554 = vector.shape_cast %get3A_553 : vector<1x16xf32> to vector<16xf32>
        %mul3A_555 = arith.mulf %get3A_554, %gather3A_510 : vector<16xf32>
        %swap3A_556 = arith.index_cast %add3A_506 : i32 to index
        %swap3A_557 = arith.constant 64 : index
        %swap3A_558 = tpu.vector_load %arg11[%swap3A_556, %swap3A_557] {strides = array<i32>} : memref<128x128xf32, #tpu.memory_space<vmem>>, vector<1x16xf32>,
        %swap3A_559 = vector.shape_cast %swap3A_558 : vector<1x16xf32> to vector<16xf32>
        %swap3A_560 = vector.shape_cast %mul3A_555 : vector<16xf32> to vector<1x16xf32>
        tpu.vector_store %arg11[%swap3A_556, %swap3A_557], %swap3A_560 {strides = array<i32>} : memref<128x128xf32, #tpu.memory_space<vmem>>, vector<1x16xf32>,
        %get3A_561 = arith.index_cast %add3A_506 : i32 to index
        %get3A_562 = arith.constant 80 : index
        %get3A_563 = tpu.vector_load %arg11[%get3A_561, %get3A_562] {strides = array<i32>} : memref<128x128xf32, #tpu.memory_space<vmem>>, vector<1x16xf32>,
        %get3A_564 = vector.shape_cast %get3A_563 : vector<1x16xf32> to vector<16xf32>
        %mul3A_565 = arith.mulf %get3A_564, %gather3A_510 : vector<16xf32>
        %swap3A_566 = arith.index_cast %add3A_506 : i32 to index
        %swap3A_567 = arith.constant 80 : index
        %swap3A_568 = tpu.vector_load %arg11[%swap3A_566, %swap3A_567] {strides = array<i32>} : memref<128x128xf32, #tpu.memory_space<vmem>>, vector<1x16xf32>,
        %swap3A_569 = vector.shape_cast %swap3A_568 : vector<1x16xf32> to vector<16xf32>
        %swap3A_570 = vector.shape_cast %mul3A_565 : vector<16xf32> to vector<1x16xf32>
        tpu.vector_store %arg11[%swap3A_566, %swap3A_567], %swap3A_570 {strides = array<i32>} : memref<128x128xf32, #tpu.memory_space<vmem>>, vector<1x16xf32>,
        %get3A_571 = arith.index_cast %add3A_506 : i32 to index
        %get3A_572 = arith.constant 96 : index
        %get3A_573 = tpu.vector_load %arg11[%get3A_571, %get3A_572] {strides = array<i32>} : memref<128x128xf32, #tpu.memory_space<vmem>>, vector<1x16xf32>,
        %get3A_574 = vector.shape_cast %get3A_573 : vector<1x16xf32> to vector<16xf32>
        %mul3A_575 = arith.mulf %get3A_574, %gather3A_510 : vector<16xf32>
        %swap3A_576 = arith.index_cast %add3A_506 : i32 to index
        %swap3A_577 = arith.constant 96 : index
        %swap3A_578 = tpu.vector_load %arg11[%swap3A_576, %swap3A_577] {strides = array<i32>} : memref<128x128xf32, #tpu.memory_space<vmem>>, vector<1x16xf32>,
        %swap3A_579 = vector.shape_cast %swap3A_578 : vector<1x16xf32> to vector<16xf32>
        %swap3A_580 = vector.shape_cast %mul3A_575 : vector<16xf32> to vector<1x16xf32>
        tpu.vector_store %arg11[%swap3A_576, %swap3A_577], %swap3A_580 {strides = array<i32>} : memref<128x128xf32, #tpu.memory_space<vmem>>, vector<1x16xf32>,
        %get3A_581 = arith.index_cast %add3A_506 : i32 to index
        %get3A_582 = arith.constant 112 : index
        %get3A_583 = tpu.vector_load %arg11[%get3A_581, %get3A_582] {strides = array<i32>} : memref<128x128xf32, #tpu.memory_space<vmem>>, vector<1x16xf32>,
        %get3A_584 = vector.shape_cast %get3A_583 : vector<1x16xf32> to vector<16xf32>
        %mul3A_585 = arith.mulf %get3A_584, %gather3A_510 : vector<16xf32>
        %swap3A_586 = arith.index_cast %add3A_506 : i32 to index
        %swap3A_587 = arith.constant 112 : index
        %swap3A_588 = tpu.vector_load %arg11[%swap3A_586, %swap3A_587] {strides = array<i32>} : memref<128x128xf32, #tpu.memory_space<vmem>>, vector<1x16xf32>,
        %swap3A_589 = vector.shape_cast %swap3A_588 : vector<1x16xf32> to vector<16xf32>
        %swap3A_590 = vector.shape_cast %mul3A_585 : vector<16xf32> to vector<1x16xf32>
        tpu.vector_store %arg11[%swap3A_586, %swap3A_587], %swap3A_590 {strides = array<i32>} : memref<128x128xf32, #tpu.memory_space<vmem>>, vector<1x16xf32>,
        %mul3A_591 = arith.constant 16 : i32
        %mul3A_592 = arith.muli %scan3A_234, %mul3A_591 : i32
        %add3A_593 = arith.constant 4 : i32
        %add3A_594 = arith.addi %mul3A_592, %add3A_593 : i32
        %broadcast_in_dim3A_595 = arith.constant 4 : i32
        %broadcast_in_dim3A_596 = vector.broadcast %broadcast_in_dim3A_595 : i32 to vector<16x1xi32>
        %gather3A_597 = vector.shape_cast %broadcast_in_dim3A_596 : vector<16x1xi32> to vector<16xi32>
        %gather3A_598 = tpu.dynamic_gather %bitcast_convert_type3A[%gather3A_597] in [0] : vector<16xf32>, vector<16xi32> -> vector<16xf32>
        %get3A_599 = arith.index_cast %add3A_594 : i32 to index
        %get3A_600 = arith.constant 0 : index
        %get3A_601 = tpu.vector_load %arg11[%get3A_599, %get3A_600] {strides = array<i32>} : memref<128x128xf32, #tpu.memory_space<vmem>>, vector<1x16xf32>,
        %get3A_602 = vector.shape_cast %get3A_601 : vector<1x16xf32> to vector<16xf32>
        %mul3A_603 = arith.mulf %get3A_602, %gather3A_598 : vector<16xf32>
        %swap3A_604 = arith.index_cast %add3A_594 : i32 to index
        %swap3A_605 = arith.constant 0 : index
        %swap3A_606 = tpu.vector_load %arg11[%swap3A_604, %swap3A_605] {strides = array<i32>} : memref<128x128xf32, #tpu.memory_space<vmem>>, vector<1x16xf32>,
        %swap3A_607 = vector.shape_cast %swap3A_606 : vector<1x16xf32> to vector<16xf32>
        %swap3A_608 = vector.shape_cast %mul3A_603 : vector<16xf32> to vector<1x16xf32>
        tpu.vector_store %arg11[%swap3A_604, %swap3A_605], %swap3A_608 {strides = array<i32>} : memref<128x128xf32, #tpu.memory_space<vmem>>, vector<1x16xf32>,
        %get3A_609 = arith.index_cast %add3A_594 : i32 to index
        %get3A_610 = arith.constant 16 : index
        %get3A_611 = tpu.vector_load %arg11[%get3A_609, %get3A_610] {strides = array<i32>} : memref<128x128xf32, #tpu.memory_space<vmem>>, vector<1x16xf32>,
        %get3A_612 = vector.shape_cast %get3A_611 : vector<1x16xf32> to vector<16xf32>
        %mul3A_613 = arith.mulf %get3A_612, %gather3A_598 : vector<16xf32>
        %swap3A_614 = arith.index_cast %add3A_594 : i32 to index
        %swap3A_615 = arith.constant 16 : index
        %swap3A_616 = tpu.vector_load %arg11[%swap3A_614, %swap3A_615] {strides = array<i32>} : memref<128x128xf32, #tpu.memory_space<vmem>>, vector<1x16xf32>,
        %swap3A_617 = vector.shape_cast %swap3A_616 : vector<1x16xf32> to vector<16xf32>
        %swap3A_618 = vector.shape_cast %mul3A_613 : vector<16xf32> to vector<1x16xf32>
        tpu.vector_store %arg11[%swap3A_614, %swap3A_615], %swap3A_618 {strides = array<i32>} : memref<128x128xf32, #tpu.memory_space<vmem>>, vector<1x16xf32>,
        %get3A_619 = arith.index_cast %add3A_594 : i32 to index
        %get3A_620 = arith.constant 32 : index
        %get3A_621 = tpu.vector_load %arg11[%get3A_619, %get3A_620] {strides = array<i32>} : memref<128x128xf32, #tpu.memory_space<vmem>>, vector<1x16xf32>,
        %get3A_622 = vector.shape_cast %get3A_621 : vector<1x16xf32> to vector<16xf32>
        %mul3A_623 = arith.mulf %get3A_622, %gather3A_598 : vector<16xf32>
        %swap3A_624 = arith.index_cast %add3A_594 : i32 to index
        %swap3A_625 = arith.constant 32 : index
        %swap3A_626 = tpu.vector_load %arg11[%swap3A_624, %swap3A_625] {strides = array<i32>} : memref<128x128xf32, #tpu.memory_space<vmem>>, vector<1x16xf32>,
        %swap3A_627 = vector.shape_cast %swap3A_626 : vector<1x16xf32> to vector<16xf32>
        %swap3A_628 = vector.shape_cast %mul3A_623 : vector<16xf32> to vector<1x16xf32>
        tpu.vector_store %arg11[%swap3A_624, %swap3A_625], %swap3A_628 {strides = array<i32>} : memref<128x128xf32, #tpu.memory_space<vmem>>, vector<1x16xf32>,
        %get3A_629 = arith.index_cast %add3A_594 : i32 to index
        %get3A_630 = arith.constant 48 : index
        %get3A_631 = tpu.vector_load %arg11[%get3A_629, %get3A_630] {strides = array<i32>} : memref<128x128xf32, #tpu.memory_space<vmem>>, vector<1x16xf32>,
        %get3A_632 = vector.shape_cast %get3A_631 : vector<1x16xf32> to vector<16xf32>
        %mul3A_633 = arith.mulf %get3A_632, %gather3A_598 : vector<16xf32>
        %swap3A_634 = arith.index_cast %add3A_594 : i32 to index
        %swap3A_635 = arith.constant 48 : index
        %swap3A_636 = tpu.vector_load %arg11[%swap3A_634, %swap3A_635] {strides = array<i32>} : memref<128x128xf32, #tpu.memory_space<vmem>>, vector<1x16xf32>,
        %swap3A_637 = vector.shape_cast %swap3A_636 : vector<1x16xf32> to vector<16xf32>
        %swap3A_638 = vector.shape_cast %mul3A_633 : vector<16xf32> to vector<1x16xf32>
        tpu.vector_store %arg11[%swap3A_634, %swap3A_635], %swap3A_638 {strides = array<i32>} : memref<128x128xf32, #tpu.memory_space<vmem>>, vector<1x16xf32>,
        %get3A_639 = arith.index_cast %add3A_594 : i32 to index
        %get3A_640 = arith.constant 64 : index
        %get3A_641 = tpu.vector_load %arg11[%get3A_639, %get3A_640] {strides = array<i32>} : memref<128x128xf32, #tpu.memory_space<vmem>>, vector<1x16xf32>,
        %get3A_642 = vector.shape_cast %get3A_641 : vector<1x16xf32> to vector<16xf32>
        %mul3A_643 = arith.mulf %get3A_642, %gather3A_598 : vector<16xf32>
        %swap3A_644 = arith.index_cast %add3A_594 : i32 to index
        %swap3A_645 = arith.constant 64 : index
        %swap3A_646 = tpu.vector_load %arg11[%swap3A_644, %swap3A_645] {strides = array<i32>} : memref<128x128xf32, #tpu.memory_space<vmem>>, vector<1x16xf32>,
        %swap3A_647 = vector.shape_cast %swap3A_646 : vector<1x16xf32> to vector<16xf32>
        %swap3A_648 = vector.shape_cast %mul3A_643 : vector<16xf32> to vector<1x16xf32>
        tpu.vector_store %arg11[%swap3A_644, %swap3A_645], %swap3A_648 {strides = array<i32>} : memref<128x128xf32, #tpu.memory_space<vmem>>, vector<1x16xf32>,
        %get3A_649 = arith.index_cast %add3A_594 : i32 to index
        %get3A_650 = arith.constant 80 : index
        %get3A_651 = tpu.vector_load %arg11[%get3A_649, %get3A_650] {strides = array<i32>} : memref<128x128xf32, #tpu.memory_space<vmem>>, vector<1x16xf32>,
        %get3A_652 = vector.shape_cast %get3A_651 : vector<1x16xf32> to vector<16xf32>
        %mul3A_653 = arith.mulf %get3A_652, %gather3A_598 : vector<16xf32>
        %swap3A_654 = arith.index_cast %add3A_594 : i32 to index
        %swap3A_655 = arith.constant 80 : index
        %swap3A_656 = tpu.vector_load %arg11[%swap3A_654, %swap3A_655] {strides = array<i32>} : memref<128x128xf32, #tpu.memory_space<vmem>>, vector<1x16xf32>,
        %swap3A_657 = vector.shape_cast %swap3A_656 : vector<1x16xf32> to vector<16xf32>
        %swap3A_658 = vector.shape_cast %mul3A_653 : vector<16xf32> to vector<1x16xf32>
        tpu.vector_store %arg11[%swap3A_654, %swap3A_655], %swap3A_658 {strides = array<i32>} : memref<128x128xf32, #tpu.memory_space<vmem>>, vector<1x16xf32>,
        %get3A_659 = arith.index_cast %add3A_594 : i32 to index
        %get3A_660 = arith.constant 96 : index
        %get3A_661 = tpu.vector_load %arg11[%get3A_659, %get3A_660] {strides = array<i32>} : memref<128x128xf32, #tpu.memory_space<vmem>>, vector<1x16xf32>,
        %get3A_662 = vector.shape_cast %get3A_661 : vector<1x16xf32> to vector<16xf32>
        %mul3A_663 = arith.mulf %get3A_662, %gather3A_598 : vector<16xf32>
        %swap3A_664 = arith.index_cast %add3A_594 : i32 to index
        %swap3A_665 = arith.constant 96 : index
        %swap3A_666 = tpu.vector_load %arg11[%swap3A_664, %swap3A_665] {strides = array<i32>} : memref<128x128xf32, #tpu.memory_space<vmem>>, vector<1x16xf32>,
        %swap3A_667 = vector.shape_cast %swap3A_666 : vector<1x16xf32> to vector<16xf32>
        %swap3A_668 = vector.shape_cast %mul3A_663 : vector<16xf32> to vector<1x16xf32>
        tpu.vector_store %arg11[%swap3A_664, %swap3A_665], %swap3A_668 {strides = array<i32>} : memref<128x128xf32, #tpu.memory_space<vmem>>, vector<1x16xf32>,
        %get3A_669 = arith.index_cast %add3A_594 : i32 to index
        %get3A_670 = arith.constant 112 : index
        %get3A_671 = tpu.vector_load %arg11[%get3A_669, %get3A_670] {strides = array<i32>} : memref<128x128xf32, #tpu.memory_space<vmem>>, vector<1x16xf32>,
        %get3A_672 = vector.shape_cast %get3A_671 : vector<1x16xf32> to vector<16xf32>
        %mul3A_673 = arith.mulf %get3A_672, %gather3A_598 : vector<16xf32>
        %swap3A_674 = arith.index_cast %add3A_594 : i32 to index
        %swap3A_675 = arith.constant 112 : index
        %swap3A_676 = tpu.vector_load %arg11[%swap3A_674, %swap3A_675] {strides = array<i32>} : memref<128x128xf32, #tpu.memory_space<vmem>>, vector<1x16xf32>,
        %swap3A_677 = vector.shape_cast %swap3A_676 : vector<1x16xf32> to vector<16xf32>
        %swap3A_678 = vector.shape_cast %mul3A_673 : vector<16xf32> to vector<1x16xf32>
        tpu.vector_store %arg11[%swap3A_674, %swap3A_675], %swap3A_678 {strides = array<i32>} : memref<128x128xf32, #tpu.memory_space<vmem>>, vector<1x16xf32>,
        %mul3A_679 = arith.constant 16 : i32
        %mul3A_680 = arith.muli %scan3A_234, %mul3A_679 : i32
        %add3A_681 = arith.constant 5 : i32
        %add3A_682 = arith.addi %mul3A_680, %add3A_681 : i32
        %broadcast_in_dim3A_683 = arith.constant 5 : i32
        %broadcast_in_dim3A_684 = vector.broadcast %broadcast_in_dim3A_683 : i32 to vector<16x1xi32>
        %gather3A_685 = vector.shape_cast %broadcast_in_dim3A_684 : vector<16x1xi32> to vector<16xi32>
        %gather3A_686 = tpu.dynamic_gather %bitcast_convert_type3A[%gather3A_685] in [0] : vector<16xf32>, vector<16xi32> -> vector<16xf32>
        %get3A_687 = arith.index_cast %add3A_682 : i32 to index
        %get3A_688 = arith.constant 0 : index
        %get3A_689 = tpu.vector_load %arg11[%get3A_687, %get3A_688] {strides = array<i32>} : memref<128x128xf32, #tpu.memory_space<vmem>>, vector<1x16xf32>,
        %get3A_690 = vector.shape_cast %get3A_689 : vector<1x16xf32> to vector<16xf32>
        %mul3A_691 = arith.mulf %get3A_690, %gather3A_686 : vector<16xf32>
        %swap3A_692 = arith.index_cast %add3A_682 : i32 to index
        %swap3A_693 = arith.constant 0 : index
        %swap3A_694 = tpu.vector_load %arg11[%swap3A_692, %swap3A_693] {strides = array<i32>} : memref<128x128xf32, #tpu.memory_space<vmem>>, vector<1x16xf32>,
        %swap3A_695 = vector.shape_cast %swap3A_694 : vector<1x16xf32> to vector<16xf32>
        %swap3A_696 = vector.shape_cast %mul3A_691 : vector<16xf32> to vector<1x16xf32>
        tpu.vector_store %arg11[%swap3A_692, %swap3A_693], %swap3A_696 {strides = array<i32>} : memref<128x128xf32, #tpu.memory_space<vmem>>, vector<1x16xf32>,
        %get3A_697 = arith.index_cast %add3A_682 : i32 to index
        %get3A_698 = arith.constant 16 : index
        %get3A_699 = tpu.vector_load %arg11[%get3A_697, %get3A_698] {strides = array<i32>} : memref<128x128xf32, #tpu.memory_space<vmem>>, vector<1x16xf32>,
        %get3A_700 = vector.shape_cast %get3A_699 : vector<1x16xf32> to vector<16xf32>
        %mul3A_701 = arith.mulf %get3A_700, %gather3A_686 : vector<16xf32>
        %swap3A_702 = arith.index_cast %add3A_682 : i32 to index
        %swap3A_703 = arith.constant 16 : index
        %swap3A_704 = tpu.vector_load %arg11[%swap3A_702, %swap3A_703] {strides = array<i32>} : memref<128x128xf32, #tpu.memory_space<vmem>>, vector<1x16xf32>,
        %swap3A_705 = vector.shape_cast %swap3A_704 : vector<1x16xf32> to vector<16xf32>
        %swap3A_706 = vector.shape_cast %mul3A_701 : vector<16xf32> to vector<1x16xf32>
        tpu.vector_store %arg11[%swap3A_702, %swap3A_703], %swap3A_706 {strides = array<i32>} : memref<128x128xf32, #tpu.memory_space<vmem>>, vector<1x16xf32>,
        %get3A_707 = arith.index_cast %add3A_682 : i32 to index
        %get3A_708 = arith.constant 32 : index
        %get3A_709 = tpu.vector_load %arg11[%get3A_707, %get3A_708] {strides = array<i32>} : memref<128x128xf32, #tpu.memory_space<vmem>>, vector<1x16xf32>,
        %get3A_710 = vector.shape_cast %get3A_709 : vector<1x16xf32> to vector<16xf32>
        %mul3A_711 = arith.mulf %get3A_710, %gather3A_686 : vector<16xf32>
        %swap3A_712 = arith.index_cast %add3A_682 : i32 to index
        %swap3A_713 = arith.constant 32 : index
        %swap3A_714 = tpu.vector_load %arg11[%swap3A_712, %swap3A_713] {strides = array<i32>} : memref<128x128xf32, #tpu.memory_space<vmem>>, vector<1x16xf32>,
        %swap3A_715 = vector.shape_cast %swap3A_714 : vector<1x16xf32> to vector<16xf32>
        %swap3A_716 = vector.shape_cast %mul3A_711 : vector<16xf32> to vector<1x16xf32>
        tpu.vector_store %arg11[%swap3A_712, %swap3A_713], %swap3A_716 {strides = array<i32>} : memref<128x128xf32, #tpu.memory_space<vmem>>, vector<1x16xf32>,
        %get3A_717 = arith.index_cast %add3A_682 : i32 to index
        %get3A_718 = arith.constant 48 : index
        %get3A_719 = tpu.vector_load %arg11[%get3A_717, %get3A_718] {strides = array<i32>} : memref<128x128xf32, #tpu.memory_space<vmem>>, vector<1x16xf32>,
        %get3A_720 = vector.shape_cast %get3A_719 : vector<1x16xf32> to vector<16xf32>
        %mul3A_721 = arith.mulf %get3A_720, %gather3A_686 : vector<16xf32>
        %swap3A_722 = arith.index_cast %add3A_682 : i32 to index
        %swap3A_723 = arith.constant 48 : index
        %swap3A_724 = tpu.vector_load %arg11[%swap3A_722, %swap3A_723] {strides = array<i32>} : memref<128x128xf32, #tpu.memory_space<vmem>>, vector<1x16xf32>,
        %swap3A_725 = vector.shape_cast %swap3A_724 : vector<1x16xf32> to vector<16xf32>
        %swap3A_726 = vector.shape_cast %mul3A_721 : vector<16xf32> to vector<1x16xf32>
        tpu.vector_store %arg11[%swap3A_722, %swap3A_723], %swap3A_726 {strides = array<i32>} : memref<128x128xf32, #tpu.memory_space<vmem>>, vector<1x16xf32>,
        %get3A_727 = arith.index_cast %add3A_682 : i32 to index
        %get3A_728 = arith.constant 64 : index
        %get3A_729 = tpu.vector_load %arg11[%get3A_727, %get3A_728] {strides = array<i32>} : memref<128x128xf32, #tpu.memory_space<vmem>>, vector<1x16xf32>,
        %get3A_730 = vector.shape_cast %get3A_729 : vector<1x16xf32> to vector<16xf32>
        %mul3A_731 = arith.mulf %get3A_730, %gather3A_686 : vector<16xf32>
        %swap3A_732 = arith.index_cast %add3A_682 : i32 to index
        %swap3A_733 = arith.constant 64 : index
        %swap3A_734 = tpu.vector_load %arg11[%swap3A_732, %swap3A_733] {strides = array<i32>} : memref<128x128xf32, #tpu.memory_space<vmem>>, vector<1x16xf32>,
        %swap3A_735 = vector.shape_cast %swap3A_734 : vector<1x16xf32> to vector<16xf32>
        %swap3A_736 = vector.shape_cast %mul3A_731 : vector<16xf32> to vector<1x16xf32>
        tpu.vector_store %arg11[%swap3A_732, %swap3A_733], %swap3A_736 {strides = array<i32>} : memref<128x128xf32, #tpu.memory_space<vmem>>, vector<1x16xf32>,
        %get3A_737 = arith.index_cast %add3A_682 : i32 to index
        %get3A_738 = arith.constant 80 : index
        %get3A_739 = tpu.vector_load %arg11[%get3A_737, %get3A_738] {strides = array<i32>} : memref<128x128xf32, #tpu.memory_space<vmem>>, vector<1x16xf32>,
        %get3A_740 = vector.shape_cast %get3A_739 : vector<1x16xf32> to vector<16xf32>
        %mul3A_741 = arith.mulf %get3A_740, %gather3A_686 : vector<16xf32>
        %swap3A_742 = arith.index_cast %add3A_682 : i32 to index
        %swap3A_743 = arith.constant 80 : index
        %swap3A_744 = tpu.vector_load %arg11[%swap3A_742, %swap3A_743] {strides = array<i32>} : memref<128x128xf32, #tpu.memory_space<vmem>>, vector<1x16xf32>,
        %swap3A_745 = vector.shape_cast %swap3A_744 : vector<1x16xf32> to vector<16xf32>
        %swap3A_746 = vector.shape_cast %mul3A_741 : vector<16xf32> to vector<1x16xf32>
        tpu.vector_store %arg11[%swap3A_742, %swap3A_743], %swap3A_746 {strides = array<i32>} : memref<128x128xf32, #tpu.memory_space<vmem>>, vector<1x16xf32>,
        %get3A_747 = arith.index_cast %add3A_682 : i32 to index
        %get3A_748 = arith.constant 96 : index
        %get3A_749 = tpu.vector_load %arg11[%get3A_747, %get3A_748] {strides = array<i32>} : memref<128x128xf32, #tpu.memory_space<vmem>>, vector<1x16xf32>,
        %get3A_750 = vector.shape_cast %get3A_749 : vector<1x16xf32> to vector<16xf32>
        %mul3A_751 = arith.mulf %get3A_750, %gather3A_686 : vector<16xf32>
        %swap3A_752 = arith.index_cast %add3A_682 : i32 to index
        %swap3A_753 = arith.constant 96 : index
        %swap3A_754 = tpu.vector_load %arg11[%swap3A_752, %swap3A_753] {strides = array<i32>} : memref<128x128xf32, #tpu.memory_space<vmem>>, vector<1x16xf32>,
        %swap3A_755 = vector.shape_cast %swap3A_754 : vector<1x16xf32> to vector<16xf32>
        %swap3A_756 = vector.shape_cast %mul3A_751 : vector<16xf32> to vector<1x16xf32>
        tpu.vector_store %arg11[%swap3A_752, %swap3A_753], %swap3A_756 {strides = array<i32>} : memref<128x128xf32, #tpu.memory_space<vmem>>, vector<1x16xf32>,
        %get3A_757 = arith.index_cast %add3A_682 : i32 to index
        %get3A_758 = arith.constant 112 : index
        %get3A_759 = tpu.vector_load %arg11[%get3A_757, %get3A_758] {strides = array<i32>} : memref<128x128xf32, #tpu.memory_space<vmem>>, vector<1x16xf32>,
        %get3A_760 = vector.shape_cast %get3A_759 : vector<1x16xf32> to vector<16xf32>
        %mul3A_761 = arith.mulf %get3A_760, %gather3A_686 : vector<16xf32>
        %swap3A_762 = arith.index_cast %add3A_682 : i32 to index
        %swap3A_763 = arith.constant 112 : index
        %swap3A_764 = tpu.vector_load %arg11[%swap3A_762, %swap3A_763] {strides = array<i32>} : memref<128x128xf32, #tpu.memory_space<vmem>>, vector<1x16xf32>,
        %swap3A_765 = vector.shape_cast %swap3A_764 : vector<1x16xf32> to vector<16xf32>
        %swap3A_766 = vector.shape_cast %mul3A_761 : vector<16xf32> to vector<1x16xf32>
        tpu.vector_store %arg11[%swap3A_762, %swap3A_763], %swap3A_766 {strides = array<i32>} : memref<128x128xf32, #tpu.memory_space<vmem>>, vector<1x16xf32>,
        %mul3A_767 = arith.constant 16 : i32
        %mul3A_768 = arith.muli %scan3A_234, %mul3A_767 : i32
        %add3A_769 = arith.constant 6 : i32
        %add3A_770 = arith.addi %mul3A_768, %add3A_769 : i32
        %broadcast_in_dim3A_771 = arith.constant 6 : i32
        %broadcast_in_dim3A_772 = vector.broadcast %broadcast_in_dim3A_771 : i32 to vector<16x1xi32>
        %gather3A_773 = vector.shape_cast %broadcast_in_dim3A_772 : vector<16x1xi32> to vector<16xi32>
        %gather3A_774 = tpu.dynamic_gather %bitcast_convert_type3A[%gather3A_773] in [0] : vector<16xf32>, vector<16xi32> -> vector<16xf32>
        %get3A_775 = arith.index_cast %add3A_770 : i32 to index
        %get3A_776 = arith.constant 0 : index
        %get3A_777 = tpu.vector_load %arg11[%get3A_775, %get3A_776] {strides = array<i32>} : memref<128x128xf32, #tpu.memory_space<vmem>>, vector<1x16xf32>,
        %get3A_778 = vector.shape_cast %get3A_777 : vector<1x16xf32> to vector<16xf32>
        %mul3A_779 = arith.mulf %get3A_778, %gather3A_774 : vector<16xf32>
        %swap3A_780 = arith.index_cast %add3A_770 : i32 to index
        %swap3A_781 = arith.constant 0 : index
        %swap3A_782 = tpu.vector_load %arg11[%swap3A_780, %swap3A_781] {strides = array<i32>} : memref<128x128xf32, #tpu.memory_space<vmem>>, vector<1x16xf32>,
        %swap3A_783 = vector.shape_cast %swap3A_782 : vector<1x16xf32> to vector<16xf32>
        %swap3A_784 = vector.shape_cast %mul3A_779 : vector<16xf32> to vector<1x16xf32>
        tpu.vector_store %arg11[%swap3A_780, %swap3A_781], %swap3A_784 {strides = array<i32>} : memref<128x128xf32, #tpu.memory_space<vmem>>, vector<1x16xf32>,
        %get3A_785 = arith.index_cast %add3A_770 : i32 to index
        %get3A_786 = arith.constant 16 : index
        %get3A_787 = tpu.vector_load %arg11[%get3A_785, %get3A_786] {strides = array<i32>} : memref<128x128xf32, #tpu.memory_space<vmem>>, vector<1x16xf32>,
        %get3A_788 = vector.shape_cast %get3A_787 : vector<1x16xf32> to vector<16xf32>
        %mul3A_789 = arith.mulf %get3A_788, %gather3A_774 : vector<16xf32>
        %swap3A_790 = arith.index_cast %add3A_770 : i32 to index
        %swap3A_791 = arith.constant 16 : index
        %swap3A_792 = tpu.vector_load %arg11[%swap3A_790, %swap3A_791] {strides = array<i32>} : memref<128x128xf32, #tpu.memory_space<vmem>>, vector<1x16xf32>,
        %swap3A_793 = vector.shape_cast %swap3A_792 : vector<1x16xf32> to vector<16xf32>
        %swap3A_794 = vector.shape_cast %mul3A_789 : vector<16xf32> to vector<1x16xf32>
        tpu.vector_store %arg11[%swap3A_790, %swap3A_791], %swap3A_794 {strides = array<i32>} : memref<128x128xf32, #tpu.memory_space<vmem>>, vector<1x16xf32>,
        %get3A_795 = arith.index_cast %add3A_770 : i32 to index
        %get3A_796 = arith.constant 32 : index
        %get3A_797 = tpu.vector_load %arg11[%get3A_795, %get3A_796] {strides = array<i32>} : memref<128x128xf32, #tpu.memory_space<vmem>>, vector<1x16xf32>,
        %get3A_798 = vector.shape_cast %get3A_797 : vector<1x16xf32> to vector<16xf32>
        %mul3A_799 = arith.mulf %get3A_798, %gather3A_774 : vector<16xf32>
        %swap3A_800 = arith.index_cast %add3A_770 : i32 to index
        %swap3A_801 = arith.constant 32 : index
        %swap3A_802 = tpu.vector_load %arg11[%swap3A_800, %swap3A_801] {strides = array<i32>} : memref<128x128xf32, #tpu.memory_space<vmem>>, vector<1x16xf32>,
        %swap3A_803 = vector.shape_cast %swap3A_802 : vector<1x16xf32> to vector<16xf32>
        %swap3A_804 = vector.shape_cast %mul3A_799 : vector<16xf32> to vector<1x16xf32>
        tpu.vector_store %arg11[%swap3A_800, %swap3A_801], %swap3A_804 {strides = array<i32>} : memref<128x128xf32, #tpu.memory_space<vmem>>, vector<1x16xf32>,
        %get3A_805 = arith.index_cast %add3A_770 : i32 to index
        %get3A_806 = arith.constant 48 : index
        %get3A_807 = tpu.vector_load %arg11[%get3A_805, %get3A_806] {strides = array<i32>} : memref<128x128xf32, #tpu.memory_space<vmem>>, vector<1x16xf32>,
        %get3A_808 = vector.shape_cast %get3A_807 : vector<1x16xf32> to vector<16xf32>
        %mul3A_809 = arith.mulf %get3A_808, %gather3A_774 : vector<16xf32>
        %swap3A_810 = arith.index_cast %add3A_770 : i32 to index
        %swap3A_811 = arith.constant 48 : index
        %swap3A_812 = tpu.vector_load %arg11[%swap3A_810, %swap3A_811] {strides = array<i32>} : memref<128x128xf32, #tpu.memory_space<vmem>>, vector<1x16xf32>,
        %swap3A_813 = vector.shape_cast %swap3A_812 : vector<1x16xf32> to vector<16xf32>
        %swap3A_814 = vector.shape_cast %mul3A_809 : vector<16xf32> to vector<1x16xf32>
        tpu.vector_store %arg11[%swap3A_810, %swap3A_811], %swap3A_814 {strides = array<i32>} : memref<128x128xf32, #tpu.memory_space<vmem>>, vector<1x16xf32>,
        %get3A_815 = arith.index_cast %add3A_770 : i32 to index
        %get3A_816 = arith.constant 64 : index
        %get3A_817 = tpu.vector_load %arg11[%get3A_815, %get3A_816] {strides = array<i32>} : memref<128x128xf32, #tpu.memory_space<vmem>>, vector<1x16xf32>,
        %get3A_818 = vector.shape_cast %get3A_817 : vector<1x16xf32> to vector<16xf32>
        %mul3A_819 = arith.mulf %get3A_818, %gather3A_774 : vector<16xf32>
        %swap3A_820 = arith.index_cast %add3A_770 : i32 to index
        %swap3A_821 = arith.constant 64 : index
        %swap3A_822 = tpu.vector_load %arg11[%swap3A_820, %swap3A_821] {strides = array<i32>} : memref<128x128xf32, #tpu.memory_space<vmem>>, vector<1x16xf32>,
        %swap3A_823 = vector.shape_cast %swap3A_822 : vector<1x16xf32> to vector<16xf32>
        %swap3A_824 = vector.shape_cast %mul3A_819 : vector<16xf32> to vector<1x16xf32>
        tpu.vector_store %arg11[%swap3A_820, %swap3A_821], %swap3A_824 {strides = array<i32>} : memref<128x128xf32, #tpu.memory_space<vmem>>, vector<1x16xf32>,
        %get3A_825 = arith.index_cast %add3A_770 : i32 to index
        %get3A_826 = arith.constant 80 : index
        %get3A_827 = tpu.vector_load %arg11[%get3A_825, %get3A_826] {strides = array<i32>} : memref<128x128xf32, #tpu.memory_space<vmem>>, vector<1x16xf32>,
        %get3A_828 = vector.shape_cast %get3A_827 : vector<1x16xf32> to vector<16xf32>
        %mul3A_829 = arith.mulf %get3A_828, %gather3A_774 : vector<16xf32>
        %swap3A_830 = arith.index_cast %add3A_770 : i32 to index
        %swap3A_831 = arith.constant 80 : index
        %swap3A_832 = tpu.vector_load %arg11[%swap3A_830, %swap3A_831] {strides = array<i32>} : memref<128x128xf32, #tpu.memory_space<vmem>>, vector<1x16xf32>,
        %swap3A_833 = vector.shape_cast %swap3A_832 : vector<1x16xf32> to vector<16xf32>
        %swap3A_834 = vector.shape_cast %mul3A_829 : vector<16xf32> to vector<1x16xf32>
        tpu.vector_store %arg11[%swap3A_830, %swap3A_831], %swap3A_834 {strides = array<i32>} : memref<128x128xf32, #tpu.memory_space<vmem>>, vector<1x16xf32>,
        %get3A_835 = arith.index_cast %add3A_770 : i32 to index
        %get3A_836 = arith.constant 96 : index
        %get3A_837 = tpu.vector_load %arg11[%get3A_835, %get3A_836] {strides = array<i32>} : memref<128x128xf32, #tpu.memory_space<vmem>>, vector<1x16xf32>,
        %get3A_838 = vector.shape_cast %get3A_837 : vector<1x16xf32> to vector<16xf32>
        %mul3A_839 = arith.mulf %get3A_838, %gather3A_774 : vector<16xf32>
        %swap3A_840 = arith.index_cast %add3A_770 : i32 to index
        %swap3A_841 = arith.constant 96 : index
        %swap3A_842 = tpu.vector_load %arg11[%swap3A_840, %swap3A_841] {strides = array<i32>} : memref<128x128xf32, #tpu.memory_space<vmem>>, vector<1x16xf32>,
        %swap3A_843 = vector.shape_cast %swap3A_842 : vector<1x16xf32> to vector<16xf32>
        %swap3A_844 = vector.shape_cast %mul3A_839 : vector<16xf32> to vector<1x16xf32>
        tpu.vector_store %arg11[%swap3A_840, %swap3A_841], %swap3A_844 {strides = array<i32>} : memref<128x128xf32, #tpu.memory_space<vmem>>, vector<1x16xf32>,
        %get3A_845 = arith.index_cast %add3A_770 : i32 to index
        %get3A_846 = arith.constant 112 : index
        %get3A_847 = tpu.vector_load %arg11[%get3A_845, %get3A_846] {strides = array<i32>} : memref<128x128xf32, #tpu.memory_space<vmem>>, vector<1x16xf32>,
        %get3A_848 = vector.shape_cast %get3A_847 : vector<1x16xf32> to vector<16xf32>
        %mul3A_849 = arith.mulf %get3A_848, %gather3A_774 : vector<16xf32>
        %swap3A_850 = arith.index_cast %add3A_770 : i32 to index
        %swap3A_851 = arith.constant 112 : index
        %swap3A_852 = tpu.vector_load %arg11[%swap3A_850, %swap3A_851] {strides = array<i32>} : memref<128x128xf32, #tpu.memory_space<vmem>>, vector<1x16xf32>,
        %swap3A_853 = vector.shape_cast %swap3A_852 : vector<1x16xf32> to vector<16xf32>
        %swap3A_854 = vector.shape_cast %mul3A_849 : vector<16xf32> to vector<1x16xf32>
        tpu.vector_store %arg11[%swap3A_850, %swap3A_851], %swap3A_854 {strides = array<i32>} : memref<128x128xf32, #tpu.memory_space<vmem>>, vector<1x16xf32>,
        %mul3A_855 = arith.constant 16 : i32
        %mul3A_856 = arith.muli %scan3A_234, %mul3A_855 : i32
        %add3A_857 = arith.constant 7 : i32
        %add3A_858 = arith.addi %mul3A_856, %add3A_857 : i32
        %broadcast_in_dim3A_859 = arith.constant 7 : i32
        %broadcast_in_dim3A_860 = vector.broadcast %broadcast_in_dim3A_859 : i32 to vector<16x1xi32>
        %gather3A_861 = vector.shape_cast %broadcast_in_dim3A_860 : vector<16x1xi32> to vector<16xi32>
        %gather3A_862 = tpu.dynamic_gather %bitcast_convert_type3A[%gather3A_861] in [0] : vector<16xf32>, vector<16xi32> -> vector<16xf32>
        %get3A_863 = arith.index_cast %add3A_858 : i32 to index
        %get3A_864 = arith.constant 0 : index
        %get3A_865 = tpu.vector_load %arg11[%get3A_863, %get3A_864] {strides = array<i32>} : memref<128x128xf32, #tpu.memory_space<vmem>>, vector<1x16xf32>,
        %get3A_866 = vector.shape_cast %get3A_865 : vector<1x16xf32> to vector<16xf32>
        %mul3A_867 = arith.mulf %get3A_866, %gather3A_862 : vector<16xf32>
        %swap3A_868 = arith.index_cast %add3A_858 : i32 to index
        %swap3A_869 = arith.constant 0 : index
        %swap3A_870 = tpu.vector_load %arg11[%swap3A_868, %swap3A_869] {strides = array<i32>} : memref<128x128xf32, #tpu.memory_space<vmem>>, vector<1x16xf32>,
        %swap3A_871 = vector.shape_cast %swap3A_870 : vector<1x16xf32> to vector<16xf32>
        %swap3A_872 = vector.shape_cast %mul3A_867 : vector<16xf32> to vector<1x16xf32>
        tpu.vector_store %arg11[%swap3A_868, %swap3A_869], %swap3A_872 {strides = array<i32>} : memref<128x128xf32, #tpu.memory_space<vmem>>, vector<1x16xf32>,
        %get3A_873 = arith.index_cast %add3A_858 : i32 to index
        %get3A_874 = arith.constant 16 : index
        %get3A_875 = tpu.vector_load %arg11[%get3A_873, %get3A_874] {strides = array<i32>} : memref<128x128xf32, #tpu.memory_space<vmem>>, vector<1x16xf32>,
        %get3A_876 = vector.shape_cast %get3A_875 : vector<1x16xf32> to vector<16xf32>
        %mul3A_877 = arith.mulf %get3A_876, %gather3A_862 : vector<16xf32>
        %swap3A_878 = arith.index_cast %add3A_858 : i32 to index
        %swap3A_879 = arith.constant 16 : index
        %swap3A_880 = tpu.vector_load %arg11[%swap3A_878, %swap3A_879] {strides = array<i32>} : memref<128x128xf32, #tpu.memory_space<vmem>>, vector<1x16xf32>,
        %swap3A_881 = vector.shape_cast %swap3A_880 : vector<1x16xf32> to vector<16xf32>
        %swap3A_882 = vector.shape_cast %mul3A_877 : vector<16xf32> to vector<1x16xf32>
        tpu.vector_store %arg11[%swap3A_878, %swap3A_879], %swap3A_882 {strides = array<i32>} : memref<128x128xf32, #tpu.memory_space<vmem>>, vector<1x16xf32>,
        %get3A_883 = arith.index_cast %add3A_858 : i32 to index
        %get3A_884 = arith.constant 32 : index
        %get3A_885 = tpu.vector_load %arg11[%get3A_883, %get3A_884] {strides = array<i32>} : memref<128x128xf32, #tpu.memory_space<vmem>>, vector<1x16xf32>,
        %get3A_886 = vector.shape_cast %get3A_885 : vector<1x16xf32> to vector<16xf32>
        %mul3A_887 = arith.mulf %get3A_886, %gather3A_862 : vector<16xf32>
        %swap3A_888 = arith.index_cast %add3A_858 : i32 to index
        %swap3A_889 = arith.constant 32 : index
        %swap3A_890 = tpu.vector_load %arg11[%swap3A_888, %swap3A_889] {strides = array<i32>} : memref<128x128xf32, #tpu.memory_space<vmem>>, vector<1x16xf32>,
        %swap3A_891 = vector.shape_cast %swap3A_890 : vector<1x16xf32> to vector<16xf32>
        %swap3A_892 = vector.shape_cast %mul3A_887 : vector<16xf32> to vector<1x16xf32>
        tpu.vector_store %arg11[%swap3A_888, %swap3A_889], %swap3A_892 {strides = array<i32>} : memref<128x128xf32, #tpu.memory_space<vmem>>, vector<1x16xf32>,
        %get3A_893 = arith.index_cast %add3A_858 : i32 to index
        %get3A_894 = arith.constant 48 : index
        %get3A_895 = tpu.vector_load %arg11[%get3A_893, %get3A_894] {strides = array<i32>} : memref<128x128xf32, #tpu.memory_space<vmem>>, vector<1x16xf32>,
        %get3A_896 = vector.shape_cast %get3A_895 : vector<1x16xf32> to vector<16xf32>
        %mul3A_897 = arith.mulf %get3A_896, %gather3A_862 : vector<16xf32>
        %swap3A_898 = arith.index_cast %add3A_858 : i32 to index
        %swap3A_899 = arith.constant 48 : index
        %swap3A_900 = tpu.vector_load %arg11[%swap3A_898, %swap3A_899] {strides = array<i32>} : memref<128x128xf32, #tpu.memory_space<vmem>>, vector<1x16xf32>,
        %swap3A_901 = vector.shape_cast %swap3A_900 : vector<1x16xf32> to vector<16xf32>
        %swap3A_902 = vector.shape_cast %mul3A_897 : vector<16xf32> to vector<1x16xf32>
        tpu.vector_store %arg11[%swap3A_898, %swap3A_899], %swap3A_902 {strides = array<i32>} : memref<128x128xf32, #tpu.memory_space<vmem>>, vector<1x16xf32>,
        %get3A_903 = arith.index_cast %add3A_858 : i32 to index
        %get3A_904 = arith.constant 64 : index
        %get3A_905 = tpu.vector_load %arg11[%get3A_903, %get3A_904] {strides = array<i32>} : memref<128x128xf32, #tpu.memory_space<vmem>>, vector<1x16xf32>,
        %get3A_906 = vector.shape_cast %get3A_905 : vector<1x16xf32> to vector<16xf32>
        %mul3A_907 = arith.mulf %get3A_906, %gather3A_862 : vector<16xf32>
        %swap3A_908 = arith.index_cast %add3A_858 : i32 to index
        %swap3A_909 = arith.constant 64 : index
        %swap3A_910 = tpu.vector_load %arg11[%swap3A_908, %swap3A_909] {strides = array<i32>} : memref<128x128xf32, #tpu.memory_space<vmem>>, vector<1x16xf32>,
        %swap3A_911 = vector.shape_cast %swap3A_910 : vector<1x16xf32> to vector<16xf32>
        %swap3A_912 = vector.shape_cast %mul3A_907 : vector<16xf32> to vector<1x16xf32>
        tpu.vector_store %arg11[%swap3A_908, %swap3A_909], %swap3A_912 {strides = array<i32>} : memref<128x128xf32, #tpu.memory_space<vmem>>, vector<1x16xf32>,
        %get3A_913 = arith.index_cast %add3A_858 : i32 to index
        %get3A_914 = arith.constant 80 : index
        %get3A_915 = tpu.vector_load %arg11[%get3A_913, %get3A_914] {strides = array<i32>} : memref<128x128xf32, #tpu.memory_space<vmem>>, vector<1x16xf32>,
        %get3A_916 = vector.shape_cast %get3A_915 : vector<1x16xf32> to vector<16xf32>
        %mul3A_917 = arith.mulf %get3A_916, %gather3A_862 : vector<16xf32>
        %swap3A_918 = arith.index_cast %add3A_858 : i32 to index
        %swap3A_919 = arith.constant 80 : index
        %swap3A_920 = tpu.vector_load %arg11[%swap3A_918, %swap3A_919] {strides = array<i32>} : memref<128x128xf32, #tpu.memory_space<vmem>>, vector<1x16xf32>,
        %swap3A_921 = vector.shape_cast %swap3A_920 : vector<1x16xf32> to vector<16xf32>
        %swap3A_922 = vector.shape_cast %mul3A_917 : vector<16xf32> to vector<1x16xf32>
        tpu.vector_store %arg11[%swap3A_918, %swap3A_919], %swap3A_922 {strides = array<i32>} : memref<128x128xf32, #tpu.memory_space<vmem>>, vector<1x16xf32>,
        %get3A_923 = arith.index_cast %add3A_858 : i32 to index
        %get3A_924 = arith.constant 96 : index
        %get3A_925 = tpu.vector_load %arg11[%get3A_923, %get3A_924] {strides = array<i32>} : memref<128x128xf32, #tpu.memory_space<vmem>>, vector<1x16xf32>,
        %get3A_926 = vector.shape_cast %get3A_925 : vector<1x16xf32> to vector<16xf32>
        %mul3A_927 = arith.mulf %get3A_926, %gather3A_862 : vector<16xf32>
        %swap3A_928 = arith.index_cast %add3A_858 : i32 to index
        %swap3A_929 = arith.constant 96 : index
        %swap3A_930 = tpu.vector_load %arg11[%swap3A_928, %swap3A_929] {strides = array<i32>} : memref<128x128xf32, #tpu.memory_space<vmem>>, vector<1x16xf32>,
        %swap3A_931 = vector.shape_cast %swap3A_930 : vector<1x16xf32> to vector<16xf32>
        %swap3A_932 = vector.shape_cast %mul3A_927 : vector<16xf32> to vector<1x16xf32>
        tpu.vector_store %arg11[%swap3A_928, %swap3A_929], %swap3A_932 {strides = array<i32>} : memref<128x128xf32, #tpu.memory_space<vmem>>, vector<1x16xf32>,
        %get3A_933 = arith.index_cast %add3A_858 : i32 to index
        %get3A_934 = arith.constant 112 : index
        %get3A_935 = tpu.vector_load %arg11[%get3A_933, %get3A_934] {strides = array<i32>} : memref<128x128xf32, #tpu.memory_space<vmem>>, vector<1x16xf32>,
        %get3A_936 = vector.shape_cast %get3A_935 : vector<1x16xf32> to vector<16xf32>
        %mul3A_937 = arith.mulf %get3A_936, %gather3A_862 : vector<16xf32>
        %swap3A_938 = arith.index_cast %add3A_858 : i32 to index
        %swap3A_939 = arith.constant 112 : index
        %swap3A_940 = tpu.vector_load %arg11[%swap3A_938, %swap3A_939] {strides = array<i32>} : memref<128x128xf32, #tpu.memory_space<vmem>>, vector<1x16xf32>,
        %swap3A_941 = vector.shape_cast %swap3A_940 : vector<1x16xf32> to vector<16xf32>
        %swap3A_942 = vector.shape_cast %mul3A_937 : vector<16xf32> to vector<1x16xf32>
        tpu.vector_store %arg11[%swap3A_938, %swap3A_939], %swap3A_942 {strides = array<i32>} : memref<128x128xf32, #tpu.memory_space<vmem>>, vector<1x16xf32>,
        %mul3A_943 = arith.constant 16 : i32
        %mul3A_944 = arith.muli %scan3A_234, %mul3A_943 : i32
        %add3A_945 = arith.constant 8 : i32
        %add3A_946 = arith.addi %mul3A_944, %add3A_945 : i32
        %broadcast_in_dim3A_947 = arith.constant 8 : i32
        %broadcast_in_dim3A_948 = vector.broadcast %broadcast_in_dim3A_947 : i32 to vector<16x1xi32>
        %gather3A_949 = vector.shape_cast %broadcast_in_dim3A_948 : vector<16x1xi32> to vector<16xi32>
        %gather3A_950 = tpu.dynamic_gather %bitcast_convert_type3A[%gather3A_949] in [0] : vector<16xf32>, vector<16xi32> -> vector<16xf32>
        %get3A_951 = arith.index_cast %add3A_946 : i32 to index
        %get3A_952 = arith.constant 0 : index
        %get3A_953 = tpu.vector_load %arg11[%get3A_951, %get3A_952] {strides = array<i32>} : memref<128x128xf32, #tpu.memory_space<vmem>>, vector<1x16xf32>,
        %get3A_954 = vector.shape_cast %get3A_953 : vector<1x16xf32> to vector<16xf32>
        %mul3A_955 = arith.mulf %get3A_954, %gather3A_950 : vector<16xf32>
        %swap3A_956 = arith.index_cast %add3A_946 : i32 to index
        %swap3A_957 = arith.constant 0 : index
        %swap3A_958 = tpu.vector_load %arg11[%swap3A_956, %swap3A_957] {strides = array<i32>} : memref<128x128xf32, #tpu.memory_space<vmem>>, vector<1x16xf32>,
        %swap3A_959 = vector.shape_cast %swap3A_958 : vector<1x16xf32> to vector<16xf32>
        %swap3A_960 = vector.shape_cast %mul3A_955 : vector<16xf32> to vector<1x16xf32>
        tpu.vector_store %arg11[%swap3A_956, %swap3A_957], %swap3A_960 {strides = array<i32>} : memref<128x128xf32, #tpu.memory_space<vmem>>, vector<1x16xf32>,
        %get3A_961 = arith.index_cast %add3A_946 : i32 to index
        %get3A_962 = arith.constant 16 : index
        %get3A_963 = tpu.vector_load %arg11[%get3A_961, %get3A_962] {strides = array<i32>} : memref<128x128xf32, #tpu.memory_space<vmem>>, vector<1x16xf32>,
        %get3A_964 = vector.shape_cast %get3A_963 : vector<1x16xf32> to vector<16xf32>
        %mul3A_965 = arith.mulf %get3A_964, %gather3A_950 : vector<16xf32>
        %swap3A_966 = arith.index_cast %add3A_946 : i32 to index
        %swap3A_967 = arith.constant 16 : index
        %swap3A_968 = tpu.vector_load %arg11[%swap3A_966, %swap3A_967] {strides = array<i32>} : memref<128x128xf32, #tpu.memory_space<vmem>>, vector<1x16xf32>,
        %swap3A_969 = vector.shape_cast %swap3A_968 : vector<1x16xf32> to vector<16xf32>
        %swap3A_970 = vector.shape_cast %mul3A_965 : vector<16xf32> to vector<1x16xf32>
        tpu.vector_store %arg11[%swap3A_966, %swap3A_967], %swap3A_970 {strides = array<i32>} : memref<128x128xf32, #tpu.memory_space<vmem>>, vector<1x16xf32>,
        %get3A_971 = arith.index_cast %add3A_946 : i32 to index
        %get3A_972 = arith.constant 32 : index
        %get3A_973 = tpu.vector_load %arg11[%get3A_971, %get3A_972] {strides = array<i32>} : memref<128x128xf32, #tpu.memory_space<vmem>>, vector<1x16xf32>,
        %get3A_974 = vector.shape_cast %get3A_973 : vector<1x16xf32> to vector<16xf32>
        %mul3A_975 = arith.mulf %get3A_974, %gather3A_950 : vector<16xf32>
        %swap3A_976 = arith.index_cast %add3A_946 : i32 to index
        %swap3A_977 = arith.constant 32 : index
        %swap3A_978 = tpu.vector_load %arg11[%swap3A_976, %swap3A_977] {strides = array<i32>} : memref<128x128xf32, #tpu.memory_space<vmem>>, vector<1x16xf32>,
        %swap3A_979 = vector.shape_cast %swap3A_978 : vector<1x16xf32> to vector<16xf32>
        %swap3A_980 = vector.shape_cast %mul3A_975 : vector<16xf32> to vector<1x16xf32>
        tpu.vector_store %arg11[%swap3A_976, %swap3A_977], %swap3A_980 {strides = array<i32>} : memref<128x128xf32, #tpu.memory_space<vmem>>, vector<1x16xf32>,
        %get3A_981 = arith.index_cast %add3A_946 : i32 to index
        %get3A_982 = arith.constant 48 : index
        %get3A_983 = tpu.vector_load %arg11[%get3A_981, %get3A_982] {strides = array<i32>} : memref<128x128xf32, #tpu.memory_space<vmem>>, vector<1x16xf32>,
        %get3A_984 = vector.shape_cast %get3A_983 : vector<1x16xf32> to vector<16xf32>
        %mul3A_985 = arith.mulf %get3A_984, %gather3A_950 : vector<16xf32>
        %swap3A_986 = arith.index_cast %add3A_946 : i32 to index
        %swap3A_987 = arith.constant 48 : index
        %swap3A_988 = tpu.vector_load %arg11[%swap3A_986, %swap3A_987] {strides = array<i32>} : memref<128x128xf32, #tpu.memory_space<vmem>>, vector<1x16xf32>,
        %swap3A_989 = vector.shape_cast %swap3A_988 : vector<1x16xf32> to vector<16xf32>
        %swap3A_990 = vector.shape_cast %mul3A_985 : vector<16xf32> to vector<1x16xf32>
        tpu.vector_store %arg11[%swap3A_986, %swap3A_987], %swap3A_990 {strides = array<i32>} : memref<128x128xf32, #tpu.memory_space<vmem>>, vector<1x16xf32>,
        %get3A_991 = arith.index_cast %add3A_946 : i32 to index
        %get3A_992 = arith.constant 64 : index
        %get3A_993 = tpu.vector_load %arg11[%get3A_991, %get3A_992] {strides = array<i32>} : memref<128x128xf32, #tpu.memory_space<vmem>>, vector<1x16xf32>,
        %get3A_994 = vector.shape_cast %get3A_993 : vector<1x16xf32> to vector<16xf32>
        %mul3A_995 = arith.mulf %get3A_994, %gather3A_950 : vector<16xf32>
        %swap3A_996 = arith.index_cast %add3A_946 : i32 to index
        %swap3A_997 = arith.constant 64 : index
        %swap3A_998 = tpu.vector_load %arg11[%swap3A_996, %swap3A_997] {strides = array<i32>} : memref<128x128xf32, #tpu.memory_space<vmem>>, vector<1x16xf32>,
        %swap3A_999 = vector.shape_cast %swap3A_998 : vector<1x16xf32> to vector<16xf32>
        %swap3A_1000 = vector.shape_cast %mul3A_995 : vector<16xf32> to vector<1x16xf32>
        tpu.vector_store %arg11[%swap3A_996, %swap3A_997], %swap3A_1000 {strides = array<i32>} : memref<128x128xf32, #tpu.memory_space<vmem>>, vector<1x16xf32>,
        %get3A_1001 = arith.index_cast %add3A_946 : i32 to index
        %get3A_1002 = arith.constant 80 : index
        %get3A_1003 = tpu.vector_load %arg11[%get3A_1001, %get3A_1002] {strides = array<i32>} : memref<128x128xf32, #tpu.memory_space<vmem>>, vector<1x16xf32>,
        %get3A_1004 = vector.shape_cast %get3A_1003 : vector<1x16xf32> to vector<16xf32>
        %mul3A_1005 = arith.mulf %get3A_1004, %gather3A_950 : vector<16xf32>
        %swap3A_1006 = arith.index_cast %add3A_946 : i32 to index
        %swap3A_1007 = arith.constant 80 : index
        %swap3A_1008 = tpu.vector_load %arg11[%swap3A_1006, %swap3A_1007] {strides = array<i32>} : memref<128x128xf32, #tpu.memory_space<vmem>>, vector<1x16xf32>,
        %swap3A_1009 = vector.shape_cast %swap3A_1008 : vector<1x16xf32> to vector<16xf32>
        %swap3A_1010 = vector.shape_cast %mul3A_1005 : vector<16xf32> to vector<1x16xf32>
        tpu.vector_store %arg11[%swap3A_1006, %swap3A_1007], %swap3A_1010 {strides = array<i32>} : memref<128x128xf32, #tpu.memory_space<vmem>>, vector<1x16xf32>,
        %get3A_1011 = arith.index_cast %add3A_946 : i32 to index
        %get3A_1012 = arith.constant 96 : index
        %get3A_1013 = tpu.vector_load %arg11[%get3A_1011, %get3A_1012] {strides = array<i32>} : memref<128x128xf32, #tpu.memory_space<vmem>>, vector<1x16xf32>,
        %get3A_1014 = vector.shape_cast %get3A_1013 : vector<1x16xf32> to vector<16xf32>
        %mul3A_1015 = arith.mulf %get3A_1014, %gather3A_950 : vector<16xf32>
        %swap3A_1016 = arith.index_cast %add3A_946 : i32 to index
        %swap3A_1017 = arith.constant 96 : index
        %swap3A_1018 = tpu.vector_load %arg11[%swap3A_1016, %swap3A_1017] {strides = array<i32>} : memref<128x128xf32, #tpu.memory_space<vmem>>, vector<1x16xf32>,
        %swap3A_1019 = vector.shape_cast %swap3A_1018 : vector<1x16xf32> to vector<16xf32>
        %swap3A_1020 = vector.shape_cast %mul3A_1015 : vector<16xf32> to vector<1x16xf32>
        tpu.vector_store %arg11[%swap3A_1016, %swap3A_1017], %swap3A_1020 {strides = array<i32>} : memref<128x128xf32, #tpu.memory_space<vmem>>, vector<1x16xf32>,
        %get3A_1021 = arith.index_cast %add3A_946 : i32 to index
        %get3A_1022 = arith.constant 112 : index
        %get3A_1023 = tpu.vector_load %arg11[%get3A_1021, %get3A_1022] {strides = array<i32>} : memref<128x128xf32, #tpu.memory_space<vmem>>, vector<1x16xf32>,
        %get3A_1024 = vector.shape_cast %get3A_1023 : vector<1x16xf32> to vector<16xf32>
        %mul3A_1025 = arith.mulf %get3A_1024, %gather3A_950 : vector<16xf32>
        %swap3A_1026 = arith.index_cast %add3A_946 : i32 to index
        %swap3A_1027 = arith.constant 112 : index
        %swap3A_1028 = tpu.vector_load %arg11[%swap3A_1026, %swap3A_1027] {strides = array<i32>} : memref<128x128xf32, #tpu.memory_space<vmem>>, vector<1x16xf32>,
        %swap3A_1029 = vector.shape_cast %swap3A_1028 : vector<1x16xf32> to vector<16xf32>
        %swap3A_1030 = vector.shape_cast %mul3A_1025 : vector<16xf32> to vector<1x16xf32>
        tpu.vector_store %arg11[%swap3A_1026, %swap3A_1027], %swap3A_1030 {strides = array<i32>} : memref<128x128xf32, #tpu.memory_space<vmem>>, vector<1x16xf32>,
        %mul3A_1031 = arith.constant 16 : i32
        %mul3A_1032 = arith.muli %scan3A_234, %mul3A_1031 : i32
        %add3A_1033 = arith.constant 9 : i32
        %add3A_1034 = arith.addi %mul3A_1032, %add3A_1033 : i32
        %broadcast_in_dim3A_1035 = arith.constant 9 : i32
        %broadcast_in_dim3A_1036 = vector.broadcast %broadcast_in_dim3A_1035 : i32 to vector<16x1xi32>
        %gather3A_1037 = vector.shape_cast %broadcast_in_dim3A_1036 : vector<16x1xi32> to vector<16xi32>
        %gather3A_1038 = tpu.dynamic_gather %bitcast_convert_type3A[%gather3A_1037] in [0] : vector<16xf32>, vector<16xi32> -> vector<16xf32>
        %get3A_1039 = arith.index_cast %add3A_1034 : i32 to index
        %get3A_1040 = arith.constant 0 : index
        %get3A_1041 = tpu.vector_load %arg11[%get3A_1039, %get3A_1040] {strides = array<i32>} : memref<128x128xf32, #tpu.memory_space<vmem>>, vector<1x16xf32>,
        %get3A_1042 = vector.shape_cast %get3A_1041 : vector<1x16xf32> to vector<16xf32>
        %mul3A_1043 = arith.mulf %get3A_1042, %gather3A_1038 : vector<16xf32>
        %swap3A_1044 = arith.index_cast %add3A_1034 : i32 to index
        %swap3A_1045 = arith.constant 0 : index
        %swap3A_1046 = tpu.vector_load %arg11[%swap3A_1044, %swap3A_1045] {strides = array<i32>} : memref<128x128xf32, #tpu.memory_space<vmem>>, vector<1x16xf32>,
        %swap3A_1047 = vector.shape_cast %swap3A_1046 : vector<1x16xf32> to vector<16xf32>
        %swap3A_1048 = vector.shape_cast %mul3A_1043 : vector<16xf32> to vector<1x16xf32>
        tpu.vector_store %arg11[%swap3A_1044, %swap3A_1045], %swap3A_1048 {strides = array<i32>} : memref<128x128xf32, #tpu.memory_space<vmem>>, vector<1x16xf32>,
        %get3A_1049 = arith.index_cast %add3A_1034 : i32 to index
        %get3A_1050 = arith.constant 16 : index
        %get3A_1051 = tpu.vector_load %arg11[%get3A_1049, %get3A_1050] {strides = array<i32>} : memref<128x128xf32, #tpu.memory_space<vmem>>, vector<1x16xf32>,
        %get3A_1052 = vector.shape_cast %get3A_1051 : vector<1x16xf32> to vector<16xf32>
        %mul3A_1053 = arith.mulf %get3A_1052, %gather3A_1038 : vector<16xf32>
        %swap3A_1054 = arith.index_cast %add3A_1034 : i32 to index
        %swap3A_1055 = arith.constant 16 : index
        %swap3A_1056 = tpu.vector_load %arg11[%swap3A_1054, %swap3A_1055] {strides = array<i32>} : memref<128x128xf32, #tpu.memory_space<vmem>>, vector<1x16xf32>,
        %swap3A_1057 = vector.shape_cast %swap3A_1056 : vector<1x16xf32> to vector<16xf32>
        %swap3A_1058 = vector.shape_cast %mul3A_1053 : vector<16xf32> to vector<1x16xf32>
        tpu.vector_store %arg11[%swap3A_1054, %swap3A_1055], %swap3A_1058 {strides = array<i32>} : memref<128x128xf32, #tpu.memory_space<vmem>>, vector<1x16xf32>,
        %get3A_1059 = arith.index_cast %add3A_1034 : i32 to index
        %get3A_1060 = arith.constant 32 : index
        %get3A_1061 = tpu.vector_load %arg11[%get3A_1059, %get3A_1060] {strides = array<i32>} : memref<128x128xf32, #tpu.memory_space<vmem>>, vector<1x16xf32>,
        %get3A_1062 = vector.shape_cast %get3A_1061 : vector<1x16xf32> to vector<16xf32>
        %mul3A_1063 = arith.mulf %get3A_1062, %gather3A_1038 : vector<16xf32>
        %swap3A_1064 = arith.index_cast %add3A_1034 : i32 to index
        %swap3A_1065 = arith.constant 32 : index
        %swap3A_1066 = tpu.vector_load %arg11[%swap3A_1064, %swap3A_1065] {strides = array<i32>} : memref<128x128xf32, #tpu.memory_space<vmem>>, vector<1x16xf32>,
        %swap3A_1067 = vector.shape_cast %swap3A_1066 : vector<1x16xf32> to vector<16xf32>
        %swap3A_1068 = vector.shape_cast %mul3A_1063 : vector<16xf32> to vector<1x16xf32>
        tpu.vector_store %arg11[%swap3A_1064, %swap3A_1065], %swap3A_1068 {strides = array<i32>} : memref<128x128xf32, #tpu.memory_space<vmem>>, vector<1x16xf32>,
        %get3A_1069 = arith.index_cast %add3A_1034 : i32 to index
        %get3A_1070 = arith.constant 48 : index
        %get3A_1071 = tpu.vector_load %arg11[%get3A_1069, %get3A_1070] {strides = array<i32>} : memref<128x128xf32, #tpu.memory_space<vmem>>, vector<1x16xf32>,
        %get3A_1072 = vector.shape_cast %get3A_1071 : vector<1x16xf32> to vector<16xf32>
        %mul3A_1073 = arith.mulf %get3A_1072, %gather3A_1038 : vector<16xf32>
        %swap3A_1074 = arith.index_cast %add3A_1034 : i32 to index
        %swap3A_1075 = arith.constant 48 : index
        %swap3A_1076 = tpu.vector_load %arg11[%swap3A_1074, %swap3A_1075] {strides = array<i32>} : memref<128x128xf32, #tpu.memory_space<vmem>>, vector<1x16xf32>,
        %swap3A_1077 = vector.shape_cast %swap3A_1076 : vector<1x16xf32> to vector<16xf32>
        %swap3A_1078 = vector.shape_cast %mul3A_1073 : vector<16xf32> to vector<1x16xf32>
        tpu.vector_store %arg11[%swap3A_1074, %swap3A_1075], %swap3A_1078 {strides = array<i32>} : memref<128x128xf32, #tpu.memory_space<vmem>>, vector<1x16xf32>,
        %get3A_1079 = arith.index_cast %add3A_1034 : i32 to index
        %get3A_1080 = arith.constant 64 : index
        %get3A_1081 = tpu.vector_load %arg11[%get3A_1079, %get3A_1080] {strides = array<i32>} : memref<128x128xf32, #tpu.memory_space<vmem>>, vector<1x16xf32>,
        %get3A_1082 = vector.shape_cast %get3A_1081 : vector<1x16xf32> to vector<16xf32>
        %mul3A_1083 = arith.mulf %get3A_1082, %gather3A_1038 : vector<16xf32>
        %swap3A_1084 = arith.index_cast %add3A_1034 : i32 to index
        %swap3A_1085 = arith.constant 64 : index
        %swap3A_1086 = tpu.vector_load %arg11[%swap3A_1084, %swap3A_1085] {strides = array<i32>} : memref<128x128xf32, #tpu.memory_space<vmem>>, vector<1x16xf32>,
        %swap3A_1087 = vector.shape_cast %swap3A_1086 : vector<1x16xf32> to vector<16xf32>
        %swap3A_1088 = vector.shape_cast %mul3A_1083 : vector<16xf32> to vector<1x16xf32>
        tpu.vector_store %arg11[%swap3A_1084, %swap3A_1085], %swap3A_1088 {strides = array<i32>} : memref<128x128xf32, #tpu.memory_space<vmem>>, vector<1x16xf32>,
        %get3A_1089 = arith.index_cast %add3A_1034 : i32 to index
        %get3A_1090 = arith.constant 80 : index
        %get3A_1091 = tpu.vector_load %arg11[%get3A_1089, %get3A_1090] {strides = array<i32>} : memref<128x128xf32, #tpu.memory_space<vmem>>, vector<1x16xf32>,
        %get3A_1092 = vector.shape_cast %get3A_1091 : vector<1x16xf32> to vector<16xf32>
        %mul3A_1093 = arith.mulf %get3A_1092, %gather3A_1038 : vector<16xf32>
        %swap3A_1094 = arith.index_cast %add3A_1034 : i32 to index
        %swap3A_1095 = arith.constant 80 : index
        %swap3A_1096 = tpu.vector_load %arg11[%swap3A_1094, %swap3A_1095] {strides = array<i32>} : memref<128x128xf32, #tpu.memory_space<vmem>>, vector<1x16xf32>,
        %swap3A_1097 = vector.shape_cast %swap3A_1096 : vector<1x16xf32> to vector<16xf32>
        %swap3A_1098 = vector.shape_cast %mul3A_1093 : vector<16xf32> to vector<1x16xf32>
        tpu.vector_store %arg11[%swap3A_1094, %swap3A_1095], %swap3A_1098 {strides = array<i32>} : memref<128x128xf32, #tpu.memory_space<vmem>>, vector<1x16xf32>,
        %get3A_1099 = arith.index_cast %add3A_1034 : i32 to index
        %get3A_1100 = arith.constant 96 : index
        %get3A_1101 = tpu.vector_load %arg11[%get3A_1099, %get3A_1100] {strides = array<i32>} : memref<128x128xf32, #tpu.memory_space<vmem>>, vector<1x16xf32>,
        %get3A_1102 = vector.shape_cast %get3A_1101 : vector<1x16xf32> to vector<16xf32>
        %mul3A_1103 = arith.mulf %get3A_1102, %gather3A_1038 : vector<16xf32>
        %swap3A_1104 = arith.index_cast %add3A_1034 : i32 to index
        %swap3A_1105 = arith.constant 96 : index
        %swap3A_1106 = tpu.vector_load %arg11[%swap3A_1104, %swap3A_1105] {strides = array<i32>} : memref<128x128xf32, #tpu.memory_space<vmem>>, vector<1x16xf32>,
        %swap3A_1107 = vector.shape_cast %swap3A_1106 : vector<1x16xf32> to vector<16xf32>
        %swap3A_1108 = vector.shape_cast %mul3A_1103 : vector<16xf32> to vector<1x16xf32>
        tpu.vector_store %arg11[%swap3A_1104, %swap3A_1105], %swap3A_1108 {strides = array<i32>} : memref<128x128xf32, #tpu.memory_space<vmem>>, vector<1x16xf32>,
        %get3A_1109 = arith.index_cast %add3A_1034 : i32 to index
        %get3A_1110 = arith.constant 112 : index
        %get3A_1111 = tpu.vector_load %arg11[%get3A_1109, %get3A_1110] {strides = array<i32>} : memref<128x128xf32, #tpu.memory_space<vmem>>, vector<1x16xf32>,
        %get3A_1112 = vector.shape_cast %get3A_1111 : vector<1x16xf32> to vector<16xf32>
        %mul3A_1113 = arith.mulf %get3A_1112, %gather3A_1038 : vector<16xf32>
        %swap3A_1114 = arith.index_cast %add3A_1034 : i32 to index
        %swap3A_1115 = arith.constant 112 : index
        %swap3A_1116 = tpu.vector_load %arg11[%swap3A_1114, %swap3A_1115] {strides = array<i32>} : memref<128x128xf32, #tpu.memory_space<vmem>>, vector<1x16xf32>,
        %swap3A_1117 = vector.shape_cast %swap3A_1116 : vector<1x16xf32> to vector<16xf32>
        %swap3A_1118 = vector.shape_cast %mul3A_1113 : vector<16xf32> to vector<1x16xf32>
        tpu.vector_store %arg11[%swap3A_1114, %swap3A_1115], %swap3A_1118 {strides = array<i32>} : memref<128x128xf32, #tpu.memory_space<vmem>>, vector<1x16xf32>,
        %mul3A_1119 = arith.constant 16 : i32
        %mul3A_1120 = arith.muli %scan3A_234, %mul3A_1119 : i32
        %add3A_1121 = arith.constant 10 : i32
        %add3A_1122 = arith.addi %mul3A_1120, %add3A_1121 : i32
        %broadcast_in_dim3A_1123 = arith.constant 10 : i32
        %broadcast_in_dim3A_1124 = vector.broadcast %broadcast_in_dim3A_1123 : i32 to vector<16x1xi32>
        %gather3A_1125 = vector.shape_cast %broadcast_in_dim3A_1124 : vector<16x1xi32> to vector<16xi32>
        %gather3A_1126 = tpu.dynamic_gather %bitcast_convert_type3A[%gather3A_1125] in [0] : vector<16xf32>, vector<16xi32> -> vector<16xf32>
        %get3A_1127 = arith.index_cast %add3A_1122 : i32 to index
        %get3A_1128 = arith.constant 0 : index
        %get3A_1129 = tpu.vector_load %arg11[%get3A_1127, %get3A_1128] {strides = array<i32>} : memref<128x128xf32, #tpu.memory_space<vmem>>, vector<1x16xf32>,
        %get3A_1130 = vector.shape_cast %get3A_1129 : vector<1x16xf32> to vector<16xf32>
        %mul3A_1131 = arith.mulf %get3A_1130, %gather3A_1126 : vector<16xf32>
        %swap3A_1132 = arith.index_cast %add3A_1122 : i32 to index
        %swap3A_1133 = arith.constant 0 : index
        %swap3A_1134 = tpu.vector_load %arg11[%swap3A_1132, %swap3A_1133] {strides = array<i32>} : memref<128x128xf32, #tpu.memory_space<vmem>>, vector<1x16xf32>,
        %swap3A_1135 = vector.shape_cast %swap3A_1134 : vector<1x16xf32> to vector<16xf32>
        %swap3A_1136 = vector.shape_cast %mul3A_1131 : vector<16xf32> to vector<1x16xf32>
        tpu.vector_store %arg11[%swap3A_1132, %swap3A_1133], %swap3A_1136 {strides = array<i32>} : memref<128x128xf32, #tpu.memory_space<vmem>>, vector<1x16xf32>,
        %get3A_1137 = arith.index_cast %add3A_1122 : i32 to index
        %get3A_1138 = arith.constant 16 : index
        %get3A_1139 = tpu.vector_load %arg11[%get3A_1137, %get3A_1138] {strides = array<i32>} : memref<128x128xf32, #tpu.memory_space<vmem>>, vector<1x16xf32>,
        %get3A_1140 = vector.shape_cast %get3A_1139 : vector<1x16xf32> to vector<16xf32>
        %mul3A_1141 = arith.mulf %get3A_1140, %gather3A_1126 : vector<16xf32>
        %swap3A_1142 = arith.index_cast %add3A_1122 : i32 to index
        %swap3A_1143 = arith.constant 16 : index
        %swap3A_1144 = tpu.vector_load %arg11[%swap3A_1142, %swap3A_1143] {strides = array<i32>} : memref<128x128xf32, #tpu.memory_space<vmem>>, vector<1x16xf32>,
        %swap3A_1145 = vector.shape_cast %swap3A_1144 : vector<1x16xf32> to vector<16xf32>
        %swap3A_1146 = vector.shape_cast %mul3A_1141 : vector<16xf32> to vector<1x16xf32>
        tpu.vector_store %arg11[%swap3A_1142, %swap3A_1143], %swap3A_1146 {strides = array<i32>} : memref<128x128xf32, #tpu.memory_space<vmem>>, vector<1x16xf32>,
        %get3A_1147 = arith.index_cast %add3A_1122 : i32 to index
        %get3A_1148 = arith.constant 32 : index
        %get3A_1149 = tpu.vector_load %arg11[%get3A_1147, %get3A_1148] {strides = array<i32>} : memref<128x128xf32, #tpu.memory_space<vmem>>, vector<1x16xf32>,
        %get3A_1150 = vector.shape_cast %get3A_1149 : vector<1x16xf32> to vector<16xf32>
        %mul3A_1151 = arith.mulf %get3A_1150, %gather3A_1126 : vector<16xf32>
        %swap3A_1152 = arith.index_cast %add3A_1122 : i32 to index
        %swap3A_1153 = arith.constant 32 : index
        %swap3A_1154 = tpu.vector_load %arg11[%swap3A_1152, %swap3A_1153] {strides = array<i32>} : memref<128x128xf32, #tpu.memory_space<vmem>>, vector<1x16xf32>,
        %swap3A_1155 = vector.shape_cast %swap3A_1154 : vector<1x16xf32> to vector<16xf32>
        %swap3A_1156 = vector.shape_cast %mul3A_1151 : vector<16xf32> to vector<1x16xf32>
        tpu.vector_store %arg11[%swap3A_1152, %swap3A_1153], %swap3A_1156 {strides = array<i32>} : memref<128x128xf32, #tpu.memory_space<vmem>>, vector<1x16xf32>,
        %get3A_1157 = arith.index_cast %add3A_1122 : i32 to index
        %get3A_1158 = arith.constant 48 : index
        %get3A_1159 = tpu.vector_load %arg11[%get3A_1157, %get3A_1158] {strides = array<i32>} : memref<128x128xf32, #tpu.memory_space<vmem>>, vector<1x16xf32>,
        %get3A_1160 = vector.shape_cast %get3A_1159 : vector<1x16xf32> to vector<16xf32>
        %mul3A_1161 = arith.mulf %get3A_1160, %gather3A_1126 : vector<16xf32>
        %swap3A_1162 = arith.index_cast %add3A_1122 : i32 to index
        %swap3A_1163 = arith.constant 48 : index
        %swap3A_1164 = tpu.vector_load %arg11[%swap3A_1162, %swap3A_1163] {strides = array<i32>} : memref<128x128xf32, #tpu.memory_space<vmem>>, vector<1x16xf32>,
        %swap3A_1165 = vector.shape_cast %swap3A_1164 : vector<1x16xf32> to vector<16xf32>
        %swap3A_1166 = vector.shape_cast %mul3A_1161 : vector<16xf32> to vector<1x16xf32>
        tpu.vector_store %arg11[%swap3A_1162, %swap3A_1163], %swap3A_1166 {strides = array<i32>} : memref<128x128xf32, #tpu.memory_space<vmem>>, vector<1x16xf32>,
        %get3A_1167 = arith.index_cast %add3A_1122 : i32 to index
        %get3A_1168 = arith.constant 64 : index
        %get3A_1169 = tpu.vector_load %arg11[%get3A_1167, %get3A_1168] {strides = array<i32>} : memref<128x128xf32, #tpu.memory_space<vmem>>, vector<1x16xf32>,
        %get3A_1170 = vector.shape_cast %get3A_1169 : vector<1x16xf32> to vector<16xf32>
        %mul3A_1171 = arith.mulf %get3A_1170, %gather3A_1126 : vector<16xf32>
        %swap3A_1172 = arith.index_cast %add3A_1122 : i32 to index
        %swap3A_1173 = arith.constant 64 : index
        %swap3A_1174 = tpu.vector_load %arg11[%swap3A_1172, %swap3A_1173] {strides = array<i32>} : memref<128x128xf32, #tpu.memory_space<vmem>>, vector<1x16xf32>,
        %swap3A_1175 = vector.shape_cast %swap3A_1174 : vector<1x16xf32> to vector<16xf32>
        %swap3A_1176 = vector.shape_cast %mul3A_1171 : vector<16xf32> to vector<1x16xf32>
        tpu.vector_store %arg11[%swap3A_1172, %swap3A_1173], %swap3A_1176 {strides = array<i32>} : memref<128x128xf32, #tpu.memory_space<vmem>>, vector<1x16xf32>,
        %get3A_1177 = arith.index_cast %add3A_1122 : i32 to index
        %get3A_1178 = arith.constant 80 : index
        %get3A_1179 = tpu.vector_load %arg11[%get3A_1177, %get3A_1178] {strides = array<i32>} : memref<128x128xf32, #tpu.memory_space<vmem>>, vector<1x16xf32>,
        %get3A_1180 = vector.shape_cast %get3A_1179 : vector<1x16xf32> to vector<16xf32>
        %mul3A_1181 = arith.mulf %get3A_1180, %gather3A_1126 : vector<16xf32>
        %swap3A_1182 = arith.index_cast %add3A_1122 : i32 to index
        %swap3A_1183 = arith.constant 80 : index
        %swap3A_1184 = tpu.vector_load %arg11[%swap3A_1182, %swap3A_1183] {strides = array<i32>} : memref<128x128xf32, #tpu.memory_space<vmem>>, vector<1x16xf32>,
        %swap3A_1185 = vector.shape_cast %swap3A_1184 : vector<1x16xf32> to vector<16xf32>
        %swap3A_1186 = vector.shape_cast %mul3A_1181 : vector<16xf32> to vector<1x16xf32>
        tpu.vector_store %arg11[%swap3A_1182, %swap3A_1183], %swap3A_1186 {strides = array<i32>} : memref<128x128xf32, #tpu.memory_space<vmem>>, vector<1x16xf32>,
        %get3A_1187 = arith.index_cast %add3A_1122 : i32 to index
        %get3A_1188 = arith.constant 96 : index
        %get3A_1189 = tpu.vector_load %arg11[%get3A_1187, %get3A_1188] {strides = array<i32>} : memref<128x128xf32, #tpu.memory_space<vmem>>, vector<1x16xf32>,
        %get3A_1190 = vector.shape_cast %get3A_1189 : vector<1x16xf32> to vector<16xf32>
        %mul3A_1191 = arith.mulf %get3A_1190, %gather3A_1126 : vector<16xf32>
        %swap3A_1192 = arith.index_cast %add3A_1122 : i32 to index
        %swap3A_1193 = arith.constant 96 : index
        %swap3A_1194 = tpu.vector_load %arg11[%swap3A_1192, %swap3A_1193] {strides = array<i32>} : memref<128x128xf32, #tpu.memory_space<vmem>>, vector<1x16xf32>,
        %swap3A_1195 = vector.shape_cast %swap3A_1194 : vector<1x16xf32> to vector<16xf32>
        %swap3A_1196 = vector.shape_cast %mul3A_1191 : vector<16xf32> to vector<1x16xf32>
        tpu.vector_store %arg11[%swap3A_1192, %swap3A_1193], %swap3A_1196 {strides = array<i32>} : memref<128x128xf32, #tpu.memory_space<vmem>>, vector<1x16xf32>,
        %get3A_1197 = arith.index_cast %add3A_1122 : i32 to index
        %get3A_1198 = arith.constant 112 : index
        %get3A_1199 = tpu.vector_load %arg11[%get3A_1197, %get3A_1198] {strides = array<i32>} : memref<128x128xf32, #tpu.memory_space<vmem>>, vector<1x16xf32>,
        %get3A_1200 = vector.shape_cast %get3A_1199 : vector<1x16xf32> to vector<16xf32>
        %mul3A_1201 = arith.mulf %get3A_1200, %gather3A_1126 : vector<16xf32>
        %swap3A_1202 = arith.index_cast %add3A_1122 : i32 to index
        %swap3A_1203 = arith.constant 112 : index
        %swap3A_1204 = tpu.vector_load %arg11[%swap3A_1202, %swap3A_1203] {strides = array<i32>} : memref<128x128xf32, #tpu.memory_space<vmem>>, vector<1x16xf32>,
        %swap3A_1205 = vector.shape_cast %swap3A_1204 : vector<1x16xf32> to vector<16xf32>
        %swap3A_1206 = vector.shape_cast %mul3A_1201 : vector<16xf32> to vector<1x16xf32>
        tpu.vector_store %arg11[%swap3A_1202, %swap3A_1203], %swap3A_1206 {strides = array<i32>} : memref<128x128xf32, #tpu.memory_space<vmem>>, vector<1x16xf32>,
        %mul3A_1207 = arith.constant 16 : i32
        %mul3A_1208 = arith.muli %scan3A_234, %mul3A_1207 : i32
        %add3A_1209 = arith.constant 11 : i32
        %add3A_1210 = arith.addi %mul3A_1208, %add3A_1209 : i32
        %broadcast_in_dim3A_1211 = arith.constant 11 : i32
        %broadcast_in_dim3A_1212 = vector.broadcast %broadcast_in_dim3A_1211 : i32 to vector<16x1xi32>
        %gather3A_1213 = vector.shape_cast %broadcast_in_dim3A_1212 : vector<16x1xi32> to vector<16xi32>
        %gather3A_1214 = tpu.dynamic_gather %bitcast_convert_type3A[%gather3A_1213] in [0] : vector<16xf32>, vector<16xi32> -> vector<16xf32>
        %get3A_1215 = arith.index_cast %add3A_1210 : i32 to index
        %get3A_1216 = arith.constant 0 : index
        %get3A_1217 = tpu.vector_load %arg11[%get3A_1215, %get3A_1216] {strides = array<i32>} : memref<128x128xf32, #tpu.memory_space<vmem>>, vector<1x16xf32>,
        %get3A_1218 = vector.shape_cast %get3A_1217 : vector<1x16xf32> to vector<16xf32>
        %mul3A_1219 = arith.mulf %get3A_1218, %gather3A_1214 : vector<16xf32>
        %swap3A_1220 = arith.index_cast %add3A_1210 : i32 to index
        %swap3A_1221 = arith.constant 0 : index
        %swap3A_1222 = tpu.vector_load %arg11[%swap3A_1220, %swap3A_1221] {strides = array<i32>} : memref<128x128xf32, #tpu.memory_space<vmem>>, vector<1x16xf32>,
        %swap3A_1223 = vector.shape_cast %swap3A_1222 : vector<1x16xf32> to vector<16xf32>
        %swap3A_1224 = vector.shape_cast %mul3A_1219 : vector<16xf32> to vector<1x16xf32>
        tpu.vector_store %arg11[%swap3A_1220, %swap3A_1221], %swap3A_1224 {strides = array<i32>} : memref<128x128xf32, #tpu.memory_space<vmem>>, vector<1x16xf32>,
        %get3A_1225 = arith.index_cast %add3A_1210 : i32 to index
        %get3A_1226 = arith.constant 16 : index
        %get3A_1227 = tpu.vector_load %arg11[%get3A_1225, %get3A_1226] {strides = array<i32>} : memref<128x128xf32, #tpu.memory_space<vmem>>, vector<1x16xf32>,
        %get3A_1228 = vector.shape_cast %get3A_1227 : vector<1x16xf32> to vector<16xf32>
        %mul3A_1229 = arith.mulf %get3A_1228, %gather3A_1214 : vector<16xf32>
        %swap3A_1230 = arith.index_cast %add3A_1210 : i32 to index
        %swap3A_1231 = arith.constant 16 : index
        %swap3A_1232 = tpu.vector_load %arg11[%swap3A_1230, %swap3A_1231] {strides = array<i32>} : memref<128x128xf32, #tpu.memory_space<vmem>>, vector<1x16xf32>,
        %swap3A_1233 = vector.shape_cast %swap3A_1232 : vector<1x16xf32> to vector<16xf32>
        %swap3A_1234 = vector.shape_cast %mul3A_1229 : vector<16xf32> to vector<1x16xf32>
        tpu.vector_store %arg11[%swap3A_1230, %swap3A_1231], %swap3A_1234 {strides = array<i32>} : memref<128x128xf32, #tpu.memory_space<vmem>>, vector<1x16xf32>,
        %get3A_1235 = arith.index_cast %add3A_1210 : i32 to index
        %get3A_1236 = arith.constant 32 : index
        %get3A_1237 = tpu.vector_load %arg11[%get3A_1235, %get3A_1236] {strides = array<i32>} : memref<128x128xf32, #tpu.memory_space<vmem>>, vector<1x16xf32>,
        %get3A_1238 = vector.shape_cast %get3A_1237 : vector<1x16xf32> to vector<16xf32>
        %mul3A_1239 = arith.mulf %get3A_1238, %gather3A_1214 : vector<16xf32>
        %swap3A_1240 = arith.index_cast %add3A_1210 : i32 to index
        %swap3A_1241 = arith.constant 32 : index
        %swap3A_1242 = tpu.vector_load %arg11[%swap3A_1240, %swap3A_1241] {strides = array<i32>} : memref<128x128xf32, #tpu.memory_space<vmem>>, vector<1x16xf32>,
        %swap3A_1243 = vector.shape_cast %swap3A_1242 : vector<1x16xf32> to vector<16xf32>
        %swap3A_1244 = vector.shape_cast %mul3A_1239 : vector<16xf32> to vector<1x16xf32>
        tpu.vector_store %arg11[%swap3A_1240, %swap3A_1241], %swap3A_1244 {strides = array<i32>} : memref<128x128xf32, #tpu.memory_space<vmem>>, vector<1x16xf32>,
        %get3A_1245 = arith.index_cast %add3A_1210 : i32 to index
        %get3A_1246 = arith.constant 48 : index
        %get3A_1247 = tpu.vector_load %arg11[%get3A_1245, %get3A_1246] {strides = array<i32>} : memref<128x128xf32, #tpu.memory_space<vmem>>, vector<1x16xf32>,
        %get3A_1248 = vector.shape_cast %get3A_1247 : vector<1x16xf32> to vector<16xf32>
        %mul3A_1249 = arith.mulf %get3A_1248, %gather3A_1214 : vector<16xf32>
        %swap3A_1250 = arith.index_cast %add3A_1210 : i32 to index
        %swap3A_1251 = arith.constant 48 : index
        %swap3A_1252 = tpu.vector_load %arg11[%swap3A_1250, %swap3A_1251] {strides = array<i32>} : memref<128x128xf32, #tpu.memory_space<vmem>>, vector<1x16xf32>,
        %swap3A_1253 = vector.shape_cast %swap3A_1252 : vector<1x16xf32> to vector<16xf32>
        %swap3A_1254 = vector.shape_cast %mul3A_1249 : vector<16xf32> to vector<1x16xf32>
        tpu.vector_store %arg11[%swap3A_1250, %swap3A_1251], %swap3A_1254 {strides = array<i32>} : memref<128x128xf32, #tpu.memory_space<vmem>>, vector<1x16xf32>,
        %get3A_1255 = arith.index_cast %add3A_1210 : i32 to index
        %get3A_1256 = arith.constant 64 : index
        %get3A_1257 = tpu.vector_load %arg11[%get3A_1255, %get3A_1256] {strides = array<i32>} : memref<128x128xf32, #tpu.memory_space<vmem>>, vector<1x16xf32>,
        %get3A_1258 = vector.shape_cast %get3A_1257 : vector<1x16xf32> to vector<16xf32>
        %mul3A_1259 = arith.mulf %get3A_1258, %gather3A_1214 : vector<16xf32>
        %swap3A_1260 = arith.index_cast %add3A_1210 : i32 to index
        %swap3A_1261 = arith.constant 64 : index
        %swap3A_1262 = tpu.vector_load %arg11[%swap3A_1260, %swap3A_1261] {strides = array<i32>} : memref<128x128xf32, #tpu.memory_space<vmem>>, vector<1x16xf32>,
        %swap3A_1263 = vector.shape_cast %swap3A_1262 : vector<1x16xf32> to vector<16xf32>
        %swap3A_1264 = vector.shape_cast %mul3A_1259 : vector<16xf32> to vector<1x16xf32>
        tpu.vector_store %arg11[%swap3A_1260, %swap3A_1261], %swap3A_1264 {strides = array<i32>} : memref<128x128xf32, #tpu.memory_space<vmem>>, vector<1x16xf32>,
        %get3A_1265 = arith.index_cast %add3A_1210 : i32 to index
        %get3A_1266 = arith.constant 80 : index
        %get3A_1267 = tpu.vector_load %arg11[%get3A_1265, %get3A_1266] {strides = array<i32>} : memref<128x128xf32, #tpu.memory_space<vmem>>, vector<1x16xf32>,
        %get3A_1268 = vector.shape_cast %get3A_1267 : vector<1x16xf32> to vector<16xf32>
        %mul3A_1269 = arith.mulf %get3A_1268, %gather3A_1214 : vector<16xf32>
        %swap3A_1270 = arith.index_cast %add3A_1210 : i32 to index
        %swap3A_1271 = arith.constant 80 : index
        %swap3A_1272 = tpu.vector_load %arg11[%swap3A_1270, %swap3A_1271] {strides = array<i32>} : memref<128x128xf32, #tpu.memory_space<vmem>>, vector<1x16xf32>,
        %swap3A_1273 = vector.shape_cast %swap3A_1272 : vector<1x16xf32> to vector<16xf32>
        %swap3A_1274 = vector.shape_cast %mul3A_1269 : vector<16xf32> to vector<1x16xf32>
        tpu.vector_store %arg11[%swap3A_1270, %swap3A_1271], %swap3A_1274 {strides = array<i32>} : memref<128x128xf32, #tpu.memory_space<vmem>>, vector<1x16xf32>,
        %get3A_1275 = arith.index_cast %add3A_1210 : i32 to index
        %get3A_1276 = arith.constant 96 : index
        %get3A_1277 = tpu.vector_load %arg11[%get3A_1275, %get3A_1276] {strides = array<i32>} : memref<128x128xf32, #tpu.memory_space<vmem>>, vector<1x16xf32>,
        %get3A_1278 = vector.shape_cast %get3A_1277 : vector<1x16xf32> to vector<16xf32>
        %mul3A_1279 = arith.mulf %get3A_1278, %gather3A_1214 : vector<16xf32>
        %swap3A_1280 = arith.index_cast %add3A_1210 : i32 to index
        %swap3A_1281 = arith.constant 96 : index
        %swap3A_1282 = tpu.vector_load %arg11[%swap3A_1280, %swap3A_1281] {strides = array<i32>} : memref<128x128xf32, #tpu.memory_space<vmem>>, vector<1x16xf32>,
        %swap3A_1283 = vector.shape_cast %swap3A_1282 : vector<1x16xf32> to vector<16xf32>
        %swap3A_1284 = vector.shape_cast %mul3A_1279 : vector<16xf32> to vector<1x16xf32>
        tpu.vector_store %arg11[%swap3A_1280, %swap3A_1281], %swap3A_1284 {strides = array<i32>} : memref<128x128xf32, #tpu.memory_space<vmem>>, vector<1x16xf32>,
        %get3A_1285 = arith.index_cast %add3A_1210 : i32 to index
        %get3A_1286 = arith.constant 112 : index
        %get3A_1287 = tpu.vector_load %arg11[%get3A_1285, %get3A_1286] {strides = array<i32>} : memref<128x128xf32, #tpu.memory_space<vmem>>, vector<1x16xf32>,
        %get3A_1288 = vector.shape_cast %get3A_1287 : vector<1x16xf32> to vector<16xf32>
        %mul3A_1289 = arith.mulf %get3A_1288, %gather3A_1214 : vector<16xf32>
        %swap3A_1290 = arith.index_cast %add3A_1210 : i32 to index
        %swap3A_1291 = arith.constant 112 : index
        %swap3A_1292 = tpu.vector_load %arg11[%swap3A_1290, %swap3A_1291] {strides = array<i32>} : memref<128x128xf32, #tpu.memory_space<vmem>>, vector<1x16xf32>,
        %swap3A_1293 = vector.shape_cast %swap3A_1292 : vector<1x16xf32> to vector<16xf32>
        %swap3A_1294 = vector.shape_cast %mul3A_1289 : vector<16xf32> to vector<1x16xf32>
        tpu.vector_store %arg11[%swap3A_1290, %swap3A_1291], %swap3A_1294 {strides = array<i32>} : memref<128x128xf32, #tpu.memory_space<vmem>>, vector<1x16xf32>,
        %mul3A_1295 = arith.constant 16 : i32
        %mul3A_1296 = arith.muli %scan3A_234, %mul3A_1295 : i32
        %add3A_1297 = arith.constant 12 : i32
        %add3A_1298 = arith.addi %mul3A_1296, %add3A_1297 : i32
        %broadcast_in_dim3A_1299 = arith.constant 12 : i32
        %broadcast_in_dim3A_1300 = vector.broadcast %broadcast_in_dim3A_1299 : i32 to vector<16x1xi32>
        %gather3A_1301 = vector.shape_cast %broadcast_in_dim3A_1300 : vector<16x1xi32> to vector<16xi32>
        %gather3A_1302 = tpu.dynamic_gather %bitcast_convert_type3A[%gather3A_1301] in [0] : vector<16xf32>, vector<16xi32> -> vector<16xf32>
        %get3A_1303 = arith.index_cast %add3A_1298 : i32 to index
        %get3A_1304 = arith.constant 0 : index
        %get3A_1305 = tpu.vector_load %arg11[%get3A_1303, %get3A_1304] {strides = array<i32>} : memref<128x128xf32, #tpu.memory_space<vmem>>, vector<1x16xf32>,
        %get3A_1306 = vector.shape_cast %get3A_1305 : vector<1x16xf32> to vector<16xf32>
        %mul3A_1307 = arith.mulf %get3A_1306, %gather3A_1302 : vector<16xf32>
        %swap3A_1308 = arith.index_cast %add3A_1298 : i32 to index
        %swap3A_1309 = arith.constant 0 : index
        %swap3A_1310 = tpu.vector_load %arg11[%swap3A_1308, %swap3A_1309] {strides = array<i32>} : memref<128x128xf32, #tpu.memory_space<vmem>>, vector<1x16xf32>,
        %swap3A_1311 = vector.shape_cast %swap3A_1310 : vector<1x16xf32> to vector<16xf32>
        %swap3A_1312 = vector.shape_cast %mul3A_1307 : vector<16xf32> to vector<1x16xf32>
        tpu.vector_store %arg11[%swap3A_1308, %swap3A_1309], %swap3A_1312 {strides = array<i32>} : memref<128x128xf32, #tpu.memory_space<vmem>>, vector<1x16xf32>,
        %get3A_1313 = arith.index_cast %add3A_1298 : i32 to index
        %get3A_1314 = arith.constant 16 : index
        %get3A_1315 = tpu.vector_load %arg11[%get3A_1313, %get3A_1314] {strides = array<i32>} : memref<128x128xf32, #tpu.memory_space<vmem>>, vector<1x16xf32>,
        %get3A_1316 = vector.shape_cast %get3A_1315 : vector<1x16xf32> to vector<16xf32>
        %mul3A_1317 = arith.mulf %get3A_1316, %gather3A_1302 : vector<16xf32>
        %swap3A_1318 = arith.index_cast %add3A_1298 : i32 to index
        %swap3A_1319 = arith.constant 16 : index
        %swap3A_1320 = tpu.vector_load %arg11[%swap3A_1318, %swap3A_1319] {strides = array<i32>} : memref<128x128xf32, #tpu.memory_space<vmem>>, vector<1x16xf32>,
        %swap3A_1321 = vector.shape_cast %swap3A_1320 : vector<1x16xf32> to vector<16xf32>
        %swap3A_1322 = vector.shape_cast %mul3A_1317 : vector<16xf32> to vector<1x16xf32>
        tpu.vector_store %arg11[%swap3A_1318, %swap3A_1319], %swap3A_1322 {strides = array<i32>} : memref<128x128xf32, #tpu.memory_space<vmem>>, vector<1x16xf32>,
        %get3A_1323 = arith.index_cast %add3A_1298 : i32 to index
        %get3A_1324 = arith.constant 32 : index
        %get3A_1325 = tpu.vector_load %arg11[%get3A_1323, %get3A_1324] {strides = array<i32>} : memref<128x128xf32, #tpu.memory_space<vmem>>, vector<1x16xf32>,
        %get3A_1326 = vector.shape_cast %get3A_1325 : vector<1x16xf32> to vector<16xf32>
        %mul3A_1327 = arith.mulf %get3A_1326, %gather3A_1302 : vector<16xf32>
        %swap3A_1328 = arith.index_cast %add3A_1298 : i32 to index
        %swap3A_1329 = arith.constant 32 : index
        %swap3A_1330 = tpu.vector_load %arg11[%swap3A_1328, %swap3A_1329] {strides = array<i32>} : memref<128x128xf32, #tpu.memory_space<vmem>>, vector<1x16xf32>,
        %swap3A_1331 = vector.shape_cast %swap3A_1330 : vector<1x16xf32> to vector<16xf32>
        %swap3A_1332 = vector.shape_cast %mul3A_1327 : vector<16xf32> to vector<1x16xf32>
        tpu.vector_store %arg11[%swap3A_1328, %swap3A_1329], %swap3A_1332 {strides = array<i32>} : memref<128x128xf32, #tpu.memory_space<vmem>>, vector<1x16xf32>,
        %get3A_1333 = arith.index_cast %add3A_1298 : i32 to index
        %get3A_1334 = arith.constant 48 : index
        %get3A_1335 = tpu.vector_load %arg11[%get3A_1333, %get3A_1334] {strides = array<i32>} : memref<128x128xf32, #tpu.memory_space<vmem>>, vector<1x16xf32>,
        %get3A_1336 = vector.shape_cast %get3A_1335 : vector<1x16xf32> to vector<16xf32>
        %mul3A_1337 = arith.mulf %get3A_1336, %gather3A_1302 : vector<16xf32>
        %swap3A_1338 = arith.index_cast %add3A_1298 : i32 to index
        %swap3A_1339 = arith.constant 48 : index
        %swap3A_1340 = tpu.vector_load %arg11[%swap3A_1338, %swap3A_1339] {strides = array<i32>} : memref<128x128xf32, #tpu.memory_space<vmem>>, vector<1x16xf32>,
        %swap3A_1341 = vector.shape_cast %swap3A_1340 : vector<1x16xf32> to vector<16xf32>
        %swap3A_1342 = vector.shape_cast %mul3A_1337 : vector<16xf32> to vector<1x16xf32>
        tpu.vector_store %arg11[%swap3A_1338, %swap3A_1339], %swap3A_1342 {strides = array<i32>} : memref<128x128xf32, #tpu.memory_space<vmem>>, vector<1x16xf32>,
        %get3A_1343 = arith.index_cast %add3A_1298 : i32 to index
        %get3A_1344 = arith.constant 64 : index
        %get3A_1345 = tpu.vector_load %arg11[%get3A_1343, %get3A_1344] {strides = array<i32>} : memref<128x128xf32, #tpu.memory_space<vmem>>, vector<1x16xf32>,
        %get3A_1346 = vector.shape_cast %get3A_1345 : vector<1x16xf32> to vector<16xf32>
        %mul3A_1347 = arith.mulf %get3A_1346, %gather3A_1302 : vector<16xf32>
        %swap3A_1348 = arith.index_cast %add3A_1298 : i32 to index
        %swap3A_1349 = arith.constant 64 : index
        %swap3A_1350 = tpu.vector_load %arg11[%swap3A_1348, %swap3A_1349] {strides = array<i32>} : memref<128x128xf32, #tpu.memory_space<vmem>>, vector<1x16xf32>,
        %swap3A_1351 = vector.shape_cast %swap3A_1350 : vector<1x16xf32> to vector<16xf32>
        %swap3A_1352 = vector.shape_cast %mul3A_1347 : vector<16xf32> to vector<1x16xf32>
        tpu.vector_store %arg11[%swap3A_1348, %swap3A_1349], %swap3A_1352 {strides = array<i32>} : memref<128x128xf32, #tpu.memory_space<vmem>>, vector<1x16xf32>,
        %get3A_1353 = arith.index_cast %add3A_1298 : i32 to index
        %get3A_1354 = arith.constant 80 : index
        %get3A_1355 = tpu.vector_load %arg11[%get3A_1353, %get3A_1354] {strides = array<i32>} : memref<128x128xf32, #tpu.memory_space<vmem>>, vector<1x16xf32>,
        %get3A_1356 = vector.shape_cast %get3A_1355 : vector<1x16xf32> to vector<16xf32>
        %mul3A_1357 = arith.mulf %get3A_1356, %gather3A_1302 : vector<16xf32>
        %swap3A_1358 = arith.index_cast %add3A_1298 : i32 to index
        %swap3A_1359 = arith.constant 80 : index
        %swap3A_1360 = tpu.vector_load %arg11[%swap3A_1358, %swap3A_1359] {strides = array<i32>} : memref<128x128xf32, #tpu.memory_space<vmem>>, vector<1x16xf32>,
        %swap3A_1361 = vector.shape_cast %swap3A_1360 : vector<1x16xf32> to vector<16xf32>
        %swap3A_1362 = vector.shape_cast %mul3A_1357 : vector<16xf32> to vector<1x16xf32>
        tpu.vector_store %arg11[%swap3A_1358, %swap3A_1359], %swap3A_1362 {strides = array<i32>} : memref<128x128xf32, #tpu.memory_space<vmem>>, vector<1x16xf32>,
        %get3A_1363 = arith.index_cast %add3A_1298 : i32 to index
        %get3A_1364 = arith.constant 96 : index
        %get3A_1365 = tpu.vector_load %arg11[%get3A_1363, %get3A_1364] {strides = array<i32>} : memref<128x128xf32, #tpu.memory_space<vmem>>, vector<1x16xf32>,
        %get3A_1366 = vector.shape_cast %get3A_1365 : vector<1x16xf32> to vector<16xf32>
        %mul3A_1367 = arith.mulf %get3A_1366, %gather3A_1302 : vector<16xf32>
        %swap3A_1368 = arith.index_cast %add3A_1298 : i32 to index
        %swap3A_1369 = arith.constant 96 : index
        %swap3A_1370 = tpu.vector_load %arg11[%swap3A_1368, %swap3A_1369] {strides = array<i32>} : memref<128x128xf32, #tpu.memory_space<vmem>>, vector<1x16xf32>,
        %swap3A_1371 = vector.shape_cast %swap3A_1370 : vector<1x16xf32> to vector<16xf32>
        %swap3A_1372 = vector.shape_cast %mul3A_1367 : vector<16xf32> to vector<1x16xf32>
        tpu.vector_store %arg11[%swap3A_1368, %swap3A_1369], %swap3A_1372 {strides = array<i32>} : memref<128x128xf32, #tpu.memory_space<vmem>>, vector<1x16xf32>,
        %get3A_1373 = arith.index_cast %add3A_1298 : i32 to index
        %get3A_1374 = arith.constant 112 : index
        %get3A_1375 = tpu.vector_load %arg11[%get3A_1373, %get3A_1374] {strides = array<i32>} : memref<128x128xf32, #tpu.memory_space<vmem>>, vector<1x16xf32>,
        %get3A_1376 = vector.shape_cast %get3A_1375 : vector<1x16xf32> to vector<16xf32>
        %mul3A_1377 = arith.mulf %get3A_1376, %gather3A_1302 : vector<16xf32>
        %swap3A_1378 = arith.index_cast %add3A_1298 : i32 to index
        %swap3A_1379 = arith.constant 112 : index
        %swap3A_1380 = tpu.vector_load %arg11[%swap3A_1378, %swap3A_1379] {strides = array<i32>} : memref<128x128xf32, #tpu.memory_space<vmem>>, vector<1x16xf32>,
        %swap3A_1381 = vector.shape_cast %swap3A_1380 : vector<1x16xf32> to vector<16xf32>
        %swap3A_1382 = vector.shape_cast %mul3A_1377 : vector<16xf32> to vector<1x16xf32>
        tpu.vector_store %arg11[%swap3A_1378, %swap3A_1379], %swap3A_1382 {strides = array<i32>} : memref<128x128xf32, #tpu.memory_space<vmem>>, vector<1x16xf32>,
        %mul3A_1383 = arith.constant 16 : i32
        %mul3A_1384 = arith.muli %scan3A_234, %mul3A_1383 : i32
        %add3A_1385 = arith.constant 13 : i32
        %add3A_1386 = arith.addi %mul3A_1384, %add3A_1385 : i32
        %broadcast_in_dim3A_1387 = arith.constant 13 : i32
        %broadcast_in_dim3A_1388 = vector.broadcast %broadcast_in_dim3A_1387 : i32 to vector<16x1xi32>
        %gather3A_1389 = vector.shape_cast %broadcast_in_dim3A_1388 : vector<16x1xi32> to vector<16xi32>
        %gather3A_1390 = tpu.dynamic_gather %bitcast_convert_type3A[%gather3A_1389] in [0] : vector<16xf32>, vector<16xi32> -> vector<16xf32>
        %get3A_1391 = arith.index_cast %add3A_1386 : i32 to index
        %get3A_1392 = arith.constant 0 : index
        %get3A_1393 = tpu.vector_load %arg11[%get3A_1391, %get3A_1392] {strides = array<i32>} : memref<128x128xf32, #tpu.memory_space<vmem>>, vector<1x16xf32>,
        %get3A_1394 = vector.shape_cast %get3A_1393 : vector<1x16xf32> to vector<16xf32>
        %mul3A_1395 = arith.mulf %get3A_1394, %gather3A_1390 : vector<16xf32>
        %swap3A_1396 = arith.index_cast %add3A_1386 : i32 to index
        %swap3A_1397 = arith.constant 0 : index
        %swap3A_1398 = tpu.vector_load %arg11[%swap3A_1396, %swap3A_1397] {strides = array<i32>} : memref<128x128xf32, #tpu.memory_space<vmem>>, vector<1x16xf32>,
        %swap3A_1399 = vector.shape_cast %swap3A_1398 : vector<1x16xf32> to vector<16xf32>
        %swap3A_1400 = vector.shape_cast %mul3A_1395 : vector<16xf32> to vector<1x16xf32>
        tpu.vector_store %arg11[%swap3A_1396, %swap3A_1397], %swap3A_1400 {strides = array<i32>} : memref<128x128xf32, #tpu.memory_space<vmem>>, vector<1x16xf32>,
        %get3A_1401 = arith.index_cast %add3A_1386 : i32 to index
        %get3A_1402 = arith.constant 16 : index
        %get3A_1403 = tpu.vector_load %arg11[%get3A_1401, %get3A_1402] {strides = array<i32>} : memref<128x128xf32, #tpu.memory_space<vmem>>, vector<1x16xf32>,
        %get3A_1404 = vector.shape_cast %get3A_1403 : vector<1x16xf32> to vector<16xf32>
        %mul3A_1405 = arith.mulf %get3A_1404, %gather3A_1390 : vector<16xf32>
        %swap3A_1406 = arith.index_cast %add3A_1386 : i32 to index
        %swap3A_1407 = arith.constant 16 : index
        %swap3A_1408 = tpu.vector_load %arg11[%swap3A_1406, %swap3A_1407] {strides = array<i32>} : memref<128x128xf32, #tpu.memory_space<vmem>>, vector<1x16xf32>,
        %swap3A_1409 = vector.shape_cast %swap3A_1408 : vector<1x16xf32> to vector<16xf32>
        %swap3A_1410 = vector.shape_cast %mul3A_1405 : vector<16xf32> to vector<1x16xf32>
        tpu.vector_store %arg11[%swap3A_1406, %swap3A_1407], %swap3A_1410 {strides = array<i32>} : memref<128x128xf32, #tpu.memory_space<vmem>>, vector<1x16xf32>,
        %get3A_1411 = arith.index_cast %add3A_1386 : i32 to index
        %get3A_1412 = arith.constant 32 : index
        %get3A_1413 = tpu.vector_load %arg11[%get3A_1411, %get3A_1412] {strides = array<i32>} : memref<128x128xf32, #tpu.memory_space<vmem>>, vector<1x16xf32>,
        %get3A_1414 = vector.shape_cast %get3A_1413 : vector<1x16xf32> to vector<16xf32>
        %mul3A_1415 = arith.mulf %get3A_1414, %gather3A_1390 : vector<16xf32>
        %swap3A_1416 = arith.index_cast %add3A_1386 : i32 to index
        %swap3A_1417 = arith.constant 32 : index
        %swap3A_1418 = tpu.vector_load %arg11[%swap3A_1416, %swap3A_1417] {strides = array<i32>} : memref<128x128xf32, #tpu.memory_space<vmem>>, vector<1x16xf32>,
        %swap3A_1419 = vector.shape_cast %swap3A_1418 : vector<1x16xf32> to vector<16xf32>
        %swap3A_1420 = vector.shape_cast %mul3A_1415 : vector<16xf32> to vector<1x16xf32>
        tpu.vector_store %arg11[%swap3A_1416, %swap3A_1417], %swap3A_1420 {strides = array<i32>} : memref<128x128xf32, #tpu.memory_space<vmem>>, vector<1x16xf32>,
        %get3A_1421 = arith.index_cast %add3A_1386 : i32 to index
        %get3A_1422 = arith.constant 48 : index
        %get3A_1423 = tpu.vector_load %arg11[%get3A_1421, %get3A_1422] {strides = array<i32>} : memref<128x128xf32, #tpu.memory_space<vmem>>, vector<1x16xf32>,
        %get3A_1424 = vector.shape_cast %get3A_1423 : vector<1x16xf32> to vector<16xf32>
        %mul3A_1425 = arith.mulf %get3A_1424, %gather3A_1390 : vector<16xf32>
        %swap3A_1426 = arith.index_cast %add3A_1386 : i32 to index
        %swap3A_1427 = arith.constant 48 : index
        %swap3A_1428 = tpu.vector_load %arg11[%swap3A_1426, %swap3A_1427] {strides = array<i32>} : memref<128x128xf32, #tpu.memory_space<vmem>>, vector<1x16xf32>,
        %swap3A_1429 = vector.shape_cast %swap3A_1428 : vector<1x16xf32> to vector<16xf32>
        %swap3A_1430 = vector.shape_cast %mul3A_1425 : vector<16xf32> to vector<1x16xf32>
        tpu.vector_store %arg11[%swap3A_1426, %swap3A_1427], %swap3A_1430 {strides = array<i32>} : memref<128x128xf32, #tpu.memory_space<vmem>>, vector<1x16xf32>,
        %get3A_1431 = arith.index_cast %add3A_1386 : i32 to index
        %get3A_1432 = arith.constant 64 : index
        %get3A_1433 = tpu.vector_load %arg11[%get3A_1431, %get3A_1432] {strides = array<i32>} : memref<128x128xf32, #tpu.memory_space<vmem>>, vector<1x16xf32>,
        %get3A_1434 = vector.shape_cast %get3A_1433 : vector<1x16xf32> to vector<16xf32>
        %mul3A_1435 = arith.mulf %get3A_1434, %gather3A_1390 : vector<16xf32>
        %swap3A_1436 = arith.index_cast %add3A_1386 : i32 to index
        %swap3A_1437 = arith.constant 64 : index
        %swap3A_1438 = tpu.vector_load %arg11[%swap3A_1436, %swap3A_1437] {strides = array<i32>} : memref<128x128xf32, #tpu.memory_space<vmem>>, vector<1x16xf32>,
        %swap3A_1439 = vector.shape_cast %swap3A_1438 : vector<1x16xf32> to vector<16xf32>
        %swap3A_1440 = vector.shape_cast %mul3A_1435 : vector<16xf32> to vector<1x16xf32>
        tpu.vector_store %arg11[%swap3A_1436, %swap3A_1437], %swap3A_1440 {strides = array<i32>} : memref<128x128xf32, #tpu.memory_space<vmem>>, vector<1x16xf32>,
        %get3A_1441 = arith.index_cast %add3A_1386 : i32 to index
        %get3A_1442 = arith.constant 80 : index
        %get3A_1443 = tpu.vector_load %arg11[%get3A_1441, %get3A_1442] {strides = array<i32>} : memref<128x128xf32, #tpu.memory_space<vmem>>, vector<1x16xf32>,
        %get3A_1444 = vector.shape_cast %get3A_1443 : vector<1x16xf32> to vector<16xf32>
        %mul3A_1445 = arith.mulf %get3A_1444, %gather3A_1390 : vector<16xf32>
        %swap3A_1446 = arith.index_cast %add3A_1386 : i32 to index
        %swap3A_1447 = arith.constant 80 : index
        %swap3A_1448 = tpu.vector_load %arg11[%swap3A_1446, %swap3A_1447] {strides = array<i32>} : memref<128x128xf32, #tpu.memory_space<vmem>>, vector<1x16xf32>,
        %swap3A_1449 = vector.shape_cast %swap3A_1448 : vector<1x16xf32> to vector<16xf32>
        %swap3A_1450 = vector.shape_cast %mul3A_1445 : vector<16xf32> to vector<1x16xf32>
        tpu.vector_store %arg11[%swap3A_1446, %swap3A_1447], %swap3A_1450 {strides = array<i32>} : memref<128x128xf32, #tpu.memory_space<vmem>>, vector<1x16xf32>,
        %get3A_1451 = arith.index_cast %add3A_1386 : i32 to index
        %get3A_1452 = arith.constant 96 : index
        %get3A_1453 = tpu.vector_load %arg11[%get3A_1451, %get3A_1452] {strides = array<i32>} : memref<128x128xf32, #tpu.memory_space<vmem>>, vector<1x16xf32>,
        %get3A_1454 = vector.shape_cast %get3A_1453 : vector<1x16xf32> to vector<16xf32>
        %mul3A_1455 = arith.mulf %get3A_1454, %gather3A_1390 : vector<16xf32>
        %swap3A_1456 = arith.index_cast %add3A_1386 : i32 to index
        %swap3A_1457 = arith.constant 96 : index
        %swap3A_1458 = tpu.vector_load %arg11[%swap3A_1456, %swap3A_1457] {strides = array<i32>} : memref<128x128xf32, #tpu.memory_space<vmem>>, vector<1x16xf32>,
        %swap3A_1459 = vector.shape_cast %swap3A_1458 : vector<1x16xf32> to vector<16xf32>
        %swap3A_1460 = vector.shape_cast %mul3A_1455 : vector<16xf32> to vector<1x16xf32>
        tpu.vector_store %arg11[%swap3A_1456, %swap3A_1457], %swap3A_1460 {strides = array<i32>} : memref<128x128xf32, #tpu.memory_space<vmem>>, vector<1x16xf32>,
        %get3A_1461 = arith.index_cast %add3A_1386 : i32 to index
        %get3A_1462 = arith.constant 112 : index
        %get3A_1463 = tpu.vector_load %arg11[%get3A_1461, %get3A_1462] {strides = array<i32>} : memref<128x128xf32, #tpu.memory_space<vmem>>, vector<1x16xf32>,
        %get3A_1464 = vector.shape_cast %get3A_1463 : vector<1x16xf32> to vector<16xf32>
        %mul3A_1465 = arith.mulf %get3A_1464, %gather3A_1390 : vector<16xf32>
        %swap3A_1466 = arith.index_cast %add3A_1386 : i32 to index
        %swap3A_1467 = arith.constant 112 : index
        %swap3A_1468 = tpu.vector_load %arg11[%swap3A_1466, %swap3A_1467] {strides = array<i32>} : memref<128x128xf32, #tpu.memory_space<vmem>>, vector<1x16xf32>,
        %swap3A_1469 = vector.shape_cast %swap3A_1468 : vector<1x16xf32> to vector<16xf32>
        %swap3A_1470 = vector.shape_cast %mul3A_1465 : vector<16xf32> to vector<1x16xf32>
        tpu.vector_store %arg11[%swap3A_1466, %swap3A_1467], %swap3A_1470 {strides = array<i32>} : memref<128x128xf32, #tpu.memory_space<vmem>>, vector<1x16xf32>,
        %mul3A_1471 = arith.constant 16 : i32
        %mul3A_1472 = arith.muli %scan3A_234, %mul3A_1471 : i32
        %add3A_1473 = arith.constant 14 : i32
        %add3A_1474 = arith.addi %mul3A_1472, %add3A_1473 : i32
        %broadcast_in_dim3A_1475 = arith.constant 14 : i32
        %broadcast_in_dim3A_1476 = vector.broadcast %broadcast_in_dim3A_1475 : i32 to vector<16x1xi32>
        %gather3A_1477 = vector.shape_cast %broadcast_in_dim3A_1476 : vector<16x1xi32> to vector<16xi32>
        %gather3A_1478 = tpu.dynamic_gather %bitcast_convert_type3A[%gather3A_1477] in [0] : vector<16xf32>, vector<16xi32> -> vector<16xf32>
        %get3A_1479 = arith.index_cast %add3A_1474 : i32 to index
        %get3A_1480 = arith.constant 0 : index
        %get3A_1481 = tpu.vector_load %arg11[%get3A_1479, %get3A_1480] {strides = array<i32>} : memref<128x128xf32, #tpu.memory_space<vmem>>, vector<1x16xf32>,
        %get3A_1482 = vector.shape_cast %get3A_1481 : vector<1x16xf32> to vector<16xf32>
        %mul3A_1483 = arith.mulf %get3A_1482, %gather3A_1478 : vector<16xf32>
        %swap3A_1484 = arith.index_cast %add3A_1474 : i32 to index
        %swap3A_1485 = arith.constant 0 : index
        %swap3A_1486 = tpu.vector_load %arg11[%swap3A_1484, %swap3A_1485] {strides = array<i32>} : memref<128x128xf32, #tpu.memory_space<vmem>>, vector<1x16xf32>,
        %swap3A_1487 = vector.shape_cast %swap3A_1486 : vector<1x16xf32> to vector<16xf32>
        %swap3A_1488 = vector.shape_cast %mul3A_1483 : vector<16xf32> to vector<1x16xf32>
        tpu.vector_store %arg11[%swap3A_1484, %swap3A_1485], %swap3A_1488 {strides = array<i32>} : memref<128x128xf32, #tpu.memory_space<vmem>>, vector<1x16xf32>,
        %get3A_1489 = arith.index_cast %add3A_1474 : i32 to index
        %get3A_1490 = arith.constant 16 : index
        %get3A_1491 = tpu.vector_load %arg11[%get3A_1489, %get3A_1490] {strides = array<i32>} : memref<128x128xf32, #tpu.memory_space<vmem>>, vector<1x16xf32>,
        %get3A_1492 = vector.shape_cast %get3A_1491 : vector<1x16xf32> to vector<16xf32>
        %mul3A_1493 = arith.mulf %get3A_1492, %gather3A_1478 : vector<16xf32>
        %swap3A_1494 = arith.index_cast %add3A_1474 : i32 to index
        %swap3A_1495 = arith.constant 16 : index
        %swap3A_1496 = tpu.vector_load %arg11[%swap3A_1494, %swap3A_1495] {strides = array<i32>} : memref<128x128xf32, #tpu.memory_space<vmem>>, vector<1x16xf32>,
        %swap3A_1497 = vector.shape_cast %swap3A_1496 : vector<1x16xf32> to vector<16xf32>
        %swap3A_1498 = vector.shape_cast %mul3A_1493 : vector<16xf32> to vector<1x16xf32>
        tpu.vector_store %arg11[%swap3A_1494, %swap3A_1495], %swap3A_1498 {strides = array<i32>} : memref<128x128xf32, #tpu.memory_space<vmem>>, vector<1x16xf32>,
        %get3A_1499 = arith.index_cast %add3A_1474 : i32 to index
        %get3A_1500 = arith.constant 32 : index
        %get3A_1501 = tpu.vector_load %arg11[%get3A_1499, %get3A_1500] {strides = array<i32>} : memref<128x128xf32, #tpu.memory_space<vmem>>, vector<1x16xf32>,
        %get3A_1502 = vector.shape_cast %get3A_1501 : vector<1x16xf32> to vector<16xf32>
        %mul3A_1503 = arith.mulf %get3A_1502, %gather3A_1478 : vector<16xf32>
        %swap3A_1504 = arith.index_cast %add3A_1474 : i32 to index
        %swap3A_1505 = arith.constant 32 : index
        %swap3A_1506 = tpu.vector_load %arg11[%swap3A_1504, %swap3A_1505] {strides = array<i32>} : memref<128x128xf32, #tpu.memory_space<vmem>>, vector<1x16xf32>,
        %swap3A_1507 = vector.shape_cast %swap3A_1506 : vector<1x16xf32> to vector<16xf32>
        %swap3A_1508 = vector.shape_cast %mul3A_1503 : vector<16xf32> to vector<1x16xf32>
        tpu.vector_store %arg11[%swap3A_1504, %swap3A_1505], %swap3A_1508 {strides = array<i32>} : memref<128x128xf32, #tpu.memory_space<vmem>>, vector<1x16xf32>,
        %get3A_1509 = arith.index_cast %add3A_1474 : i32 to index
        %get3A_1510 = arith.constant 48 : index
        %get3A_1511 = tpu.vector_load %arg11[%get3A_1509, %get3A_1510] {strides = array<i32>} : memref<128x128xf32, #tpu.memory_space<vmem>>, vector<1x16xf32>,
        %get3A_1512 = vector.shape_cast %get3A_1511 : vector<1x16xf32> to vector<16xf32>
        %mul3A_1513 = arith.mulf %get3A_1512, %gather3A_1478 : vector<16xf32>
        %swap3A_1514 = arith.index_cast %add3A_1474 : i32 to index
        %swap3A_1515 = arith.constant 48 : index
        %swap3A_1516 = tpu.vector_load %arg11[%swap3A_1514, %swap3A_1515] {strides = array<i32>} : memref<128x128xf32, #tpu.memory_space<vmem>>, vector<1x16xf32>,
        %swap3A_1517 = vector.shape_cast %swap3A_1516 : vector<1x16xf32> to vector<16xf32>
        %swap3A_1518 = vector.shape_cast %mul3A_1513 : vector<16xf32> to vector<1x16xf32>
        tpu.vector_store %arg11[%swap3A_1514, %swap3A_1515], %swap3A_1518 {strides = array<i32>} : memref<128x128xf32, #tpu.memory_space<vmem>>, vector<1x16xf32>,
        %get3A_1519 = arith.index_cast %add3A_1474 : i32 to index
        %get3A_1520 = arith.constant 64 : index
        %get3A_1521 = tpu.vector_load %arg11[%get3A_1519, %get3A_1520] {strides = array<i32>} : memref<128x128xf32, #tpu.memory_space<vmem>>, vector<1x16xf32>,
        %get3A_1522 = vector.shape_cast %get3A_1521 : vector<1x16xf32> to vector<16xf32>
        %mul3A_1523 = arith.mulf %get3A_1522, %gather3A_1478 : vector<16xf32>
        %swap3A_1524 = arith.index_cast %add3A_1474 : i32 to index
        %swap3A_1525 = arith.constant 64 : index
        %swap3A_1526 = tpu.vector_load %arg11[%swap3A_1524, %swap3A_1525] {strides = array<i32>} : memref<128x128xf32, #tpu.memory_space<vmem>>, vector<1x16xf32>,
        %swap3A_1527 = vector.shape_cast %swap3A_1526 : vector<1x16xf32> to vector<16xf32>
        %swap3A_1528 = vector.shape_cast %mul3A_1523 : vector<16xf32> to vector<1x16xf32>
        tpu.vector_store %arg11[%swap3A_1524, %swap3A_1525], %swap3A_1528 {strides = array<i32>} : memref<128x128xf32, #tpu.memory_space<vmem>>, vector<1x16xf32>,
        %get3A_1529 = arith.index_cast %add3A_1474 : i32 to index
        %get3A_1530 = arith.constant 80 : index
        %get3A_1531 = tpu.vector_load %arg11[%get3A_1529, %get3A_1530] {strides = array<i32>} : memref<128x128xf32, #tpu.memory_space<vmem>>, vector<1x16xf32>,
        %get3A_1532 = vector.shape_cast %get3A_1531 : vector<1x16xf32> to vector<16xf32>
        %mul3A_1533 = arith.mulf %get3A_1532, %gather3A_1478 : vector<16xf32>
        %swap3A_1534 = arith.index_cast %add3A_1474 : i32 to index
        %swap3A_1535 = arith.constant 80 : index
        %swap3A_1536 = tpu.vector_load %arg11[%swap3A_1534, %swap3A_1535] {strides = array<i32>} : memref<128x128xf32, #tpu.memory_space<vmem>>, vector<1x16xf32>,
        %swap3A_1537 = vector.shape_cast %swap3A_1536 : vector<1x16xf32> to vector<16xf32>
        %swap3A_1538 = vector.shape_cast %mul3A_1533 : vector<16xf32> to vector<1x16xf32>
        tpu.vector_store %arg11[%swap3A_1534, %swap3A_1535], %swap3A_1538 {strides = array<i32>} : memref<128x128xf32, #tpu.memory_space<vmem>>, vector<1x16xf32>,
        %get3A_1539 = arith.index_cast %add3A_1474 : i32 to index
        %get3A_1540 = arith.constant 96 : index
        %get3A_1541 = tpu.vector_load %arg11[%get3A_1539, %get3A_1540] {strides = array<i32>} : memref<128x128xf32, #tpu.memory_space<vmem>>, vector<1x16xf32>,
        %get3A_1542 = vector.shape_cast %get3A_1541 : vector<1x16xf32> to vector<16xf32>
        %mul3A_1543 = arith.mulf %get3A_1542, %gather3A_1478 : vector<16xf32>
        %swap3A_1544 = arith.index_cast %add3A_1474 : i32 to index
        %swap3A_1545 = arith.constant 96 : index
        %swap3A_1546 = tpu.vector_load %arg11[%swap3A_1544, %swap3A_1545] {strides = array<i32>} : memref<128x128xf32, #tpu.memory_space<vmem>>, vector<1x16xf32>,
        %swap3A_1547 = vector.shape_cast %swap3A_1546 : vector<1x16xf32> to vector<16xf32>
        %swap3A_1548 = vector.shape_cast %mul3A_1543 : vector<16xf32> to vector<1x16xf32>
        tpu.vector_store %arg11[%swap3A_1544, %swap3A_1545], %swap3A_1548 {strides = array<i32>} : memref<128x128xf32, #tpu.memory_space<vmem>>, vector<1x16xf32>,
        %get3A_1549 = arith.index_cast %add3A_1474 : i32 to index
        %get3A_1550 = arith.constant 112 : index
        %get3A_1551 = tpu.vector_load %arg11[%get3A_1549, %get3A_1550] {strides = array<i32>} : memref<128x128xf32, #tpu.memory_space<vmem>>, vector<1x16xf32>,
        %get3A_1552 = vector.shape_cast %get3A_1551 : vector<1x16xf32> to vector<16xf32>
        %mul3A_1553 = arith.mulf %get3A_1552, %gather3A_1478 : vector<16xf32>
        %swap3A_1554 = arith.index_cast %add3A_1474 : i32 to index
        %swap3A_1555 = arith.constant 112 : index
        %swap3A_1556 = tpu.vector_load %arg11[%swap3A_1554, %swap3A_1555] {strides = array<i32>} : memref<128x128xf32, #tpu.memory_space<vmem>>, vector<1x16xf32>,
        %swap3A_1557 = vector.shape_cast %swap3A_1556 : vector<1x16xf32> to vector<16xf32>
        %swap3A_1558 = vector.shape_cast %mul3A_1553 : vector<16xf32> to vector<1x16xf32>
        tpu.vector_store %arg11[%swap3A_1554, %swap3A_1555], %swap3A_1558 {strides = array<i32>} : memref<128x128xf32, #tpu.memory_space<vmem>>, vector<1x16xf32>,
        %mul3A_1559 = arith.constant 16 : i32
        %mul3A_1560 = arith.muli %scan3A_234, %mul3A_1559 : i32
        %add3A_1561 = arith.constant 15 : i32
        %add3A_1562 = arith.addi %mul3A_1560, %add3A_1561 : i32
        %broadcast_in_dim3A_1563 = arith.constant 15 : i32
        %broadcast_in_dim3A_1564 = vector.broadcast %broadcast_in_dim3A_1563 : i32 to vector<16x1xi32>
        %gather3A_1565 = vector.shape_cast %broadcast_in_dim3A_1564 : vector<16x1xi32> to vector<16xi32>
        %gather3A_1566 = tpu.dynamic_gather %bitcast_convert_type3A[%gather3A_1565] in [0] : vector<16xf32>, vector<16xi32> -> vector<16xf32>
        %get3A_1567 = arith.index_cast %add3A_1562 : i32 to index
        %get3A_1568 = arith.constant 0 : index
        %get3A_1569 = tpu.vector_load %arg11[%get3A_1567, %get3A_1568] {strides = array<i32>} : memref<128x128xf32, #tpu.memory_space<vmem>>, vector<1x16xf32>,
        %get3A_1570 = vector.shape_cast %get3A_1569 : vector<1x16xf32> to vector<16xf32>
        %mul3A_1571 = arith.mulf %get3A_1570, %gather3A_1566 : vector<16xf32>
        %swap3A_1572 = arith.index_cast %add3A_1562 : i32 to index
        %swap3A_1573 = arith.constant 0 : index
        %swap3A_1574 = tpu.vector_load %arg11[%swap3A_1572, %swap3A_1573] {strides = array<i32>} : memref<128x128xf32, #tpu.memory_space<vmem>>, vector<1x16xf32>,
        %swap3A_1575 = vector.shape_cast %swap3A_1574 : vector<1x16xf32> to vector<16xf32>
        %swap3A_1576 = vector.shape_cast %mul3A_1571 : vector<16xf32> to vector<1x16xf32>
        tpu.vector_store %arg11[%swap3A_1572, %swap3A_1573], %swap3A_1576 {strides = array<i32>} : memref<128x128xf32, #tpu.memory_space<vmem>>, vector<1x16xf32>,
        %get3A_1577 = arith.index_cast %add3A_1562 : i32 to index
        %get3A_1578 = arith.constant 16 : index
        %get3A_1579 = tpu.vector_load %arg11[%get3A_1577, %get3A_1578] {strides = array<i32>} : memref<128x128xf32, #tpu.memory_space<vmem>>, vector<1x16xf32>,
        %get3A_1580 = vector.shape_cast %get3A_1579 : vector<1x16xf32> to vector<16xf32>
        %mul3A_1581 = arith.mulf %get3A_1580, %gather3A_1566 : vector<16xf32>
        %swap3A_1582 = arith.index_cast %add3A_1562 : i32 to index
        %swap3A_1583 = arith.constant 16 : index
        %swap3A_1584 = tpu.vector_load %arg11[%swap3A_1582, %swap3A_1583] {strides = array<i32>} : memref<128x128xf32, #tpu.memory_space<vmem>>, vector<1x16xf32>,
        %swap3A_1585 = vector.shape_cast %swap3A_1584 : vector<1x16xf32> to vector<16xf32>
        %swap3A_1586 = vector.shape_cast %mul3A_1581 : vector<16xf32> to vector<1x16xf32>
        tpu.vector_store %arg11[%swap3A_1582, %swap3A_1583], %swap3A_1586 {strides = array<i32>} : memref<128x128xf32, #tpu.memory_space<vmem>>, vector<1x16xf32>,
        %get3A_1587 = arith.index_cast %add3A_1562 : i32 to index
        %get3A_1588 = arith.constant 32 : index
        %get3A_1589 = tpu.vector_load %arg11[%get3A_1587, %get3A_1588] {strides = array<i32>} : memref<128x128xf32, #tpu.memory_space<vmem>>, vector<1x16xf32>,
        %get3A_1590 = vector.shape_cast %get3A_1589 : vector<1x16xf32> to vector<16xf32>
        %mul3A_1591 = arith.mulf %get3A_1590, %gather3A_1566 : vector<16xf32>
        %swap3A_1592 = arith.index_cast %add3A_1562 : i32 to index
        %swap3A_1593 = arith.constant 32 : index
        %swap3A_1594 = tpu.vector_load %arg11[%swap3A_1592, %swap3A_1593] {strides = array<i32>} : memref<128x128xf32, #tpu.memory_space<vmem>>, vector<1x16xf32>,
        %swap3A_1595 = vector.shape_cast %swap3A_1594 : vector<1x16xf32> to vector<16xf32>
        %swap3A_1596 = vector.shape_cast %mul3A_1591 : vector<16xf32> to vector<1x16xf32>
        tpu.vector_store %arg11[%swap3A_1592, %swap3A_1593], %swap3A_1596 {strides = array<i32>} : memref<128x128xf32, #tpu.memory_space<vmem>>, vector<1x16xf32>,
        %get3A_1597 = arith.index_cast %add3A_1562 : i32 to index
        %get3A_1598 = arith.constant 48 : index
        %get3A_1599 = tpu.vector_load %arg11[%get3A_1597, %get3A_1598] {strides = array<i32>} : memref<128x128xf32, #tpu.memory_space<vmem>>, vector<1x16xf32>,
        %get3A_1600 = vector.shape_cast %get3A_1599 : vector<1x16xf32> to vector<16xf32>
        %mul3A_1601 = arith.mulf %get3A_1600, %gather3A_1566 : vector<16xf32>
        %swap3A_1602 = arith.index_cast %add3A_1562 : i32 to index
        %swap3A_1603 = arith.constant 48 : index
        %swap3A_1604 = tpu.vector_load %arg11[%swap3A_1602, %swap3A_1603] {strides = array<i32>} : memref<128x128xf32, #tpu.memory_space<vmem>>, vector<1x16xf32>,
        %swap3A_1605 = vector.shape_cast %swap3A_1604 : vector<1x16xf32> to vector<16xf32>
        %swap3A_1606 = vector.shape_cast %mul3A_1601 : vector<16xf32> to vector<1x16xf32>
        tpu.vector_store %arg11[%swap3A_1602, %swap3A_1603], %swap3A_1606 {strides = array<i32>} : memref<128x128xf32, #tpu.memory_space<vmem>>, vector<1x16xf32>,
        %get3A_1607 = arith.index_cast %add3A_1562 : i32 to index
        %get3A_1608 = arith.constant 64 : index
        %get3A_1609 = tpu.vector_load %arg11[%get3A_1607, %get3A_1608] {strides = array<i32>} : memref<128x128xf32, #tpu.memory_space<vmem>>, vector<1x16xf32>,
        %get3A_1610 = vector.shape_cast %get3A_1609 : vector<1x16xf32> to vector<16xf32>
        %mul3A_1611 = arith.mulf %get3A_1610, %gather3A_1566 : vector<16xf32>
        %swap3A_1612 = arith.index_cast %add3A_1562 : i32 to index
        %swap3A_1613 = arith.constant 64 : index
        %swap3A_1614 = tpu.vector_load %arg11[%swap3A_1612, %swap3A_1613] {strides = array<i32>} : memref<128x128xf32, #tpu.memory_space<vmem>>, vector<1x16xf32>,
        %swap3A_1615 = vector.shape_cast %swap3A_1614 : vector<1x16xf32> to vector<16xf32>
        %swap3A_1616 = vector.shape_cast %mul3A_1611 : vector<16xf32> to vector<1x16xf32>
        tpu.vector_store %arg11[%swap3A_1612, %swap3A_1613], %swap3A_1616 {strides = array<i32>} : memref<128x128xf32, #tpu.memory_space<vmem>>, vector<1x16xf32>,
        %get3A_1617 = arith.index_cast %add3A_1562 : i32 to index
        %get3A_1618 = arith.constant 80 : index
        %get3A_1619 = tpu.vector_load %arg11[%get3A_1617, %get3A_1618] {strides = array<i32>} : memref<128x128xf32, #tpu.memory_space<vmem>>, vector<1x16xf32>,
        %get3A_1620 = vector.shape_cast %get3A_1619 : vector<1x16xf32> to vector<16xf32>
        %mul3A_1621 = arith.mulf %get3A_1620, %gather3A_1566 : vector<16xf32>
        %swap3A_1622 = arith.index_cast %add3A_1562 : i32 to index
        %swap3A_1623 = arith.constant 80 : index
        %swap3A_1624 = tpu.vector_load %arg11[%swap3A_1622, %swap3A_1623] {strides = array<i32>} : memref<128x128xf32, #tpu.memory_space<vmem>>, vector<1x16xf32>,
        %swap3A_1625 = vector.shape_cast %swap3A_1624 : vector<1x16xf32> to vector<16xf32>
        %swap3A_1626 = vector.shape_cast %mul3A_1621 : vector<16xf32> to vector<1x16xf32>
        tpu.vector_store %arg11[%swap3A_1622, %swap3A_1623], %swap3A_1626 {strides = array<i32>} : memref<128x128xf32, #tpu.memory_space<vmem>>, vector<1x16xf32>,
        %get3A_1627 = arith.index_cast %add3A_1562 : i32 to index
        %get3A_1628 = arith.constant 96 : index
        %get3A_1629 = tpu.vector_load %arg11[%get3A_1627, %get3A_1628] {strides = array<i32>} : memref<128x128xf32, #tpu.memory_space<vmem>>, vector<1x16xf32>,
        %get3A_1630 = vector.shape_cast %get3A_1629 : vector<1x16xf32> to vector<16xf32>
        %mul3A_1631 = arith.mulf %get3A_1630, %gather3A_1566 : vector<16xf32>
        %swap3A_1632 = arith.index_cast %add3A_1562 : i32 to index
        %swap3A_1633 = arith.constant 96 : index
        %swap3A_1634 = tpu.vector_load %arg11[%swap3A_1632, %swap3A_1633] {strides = array<i32>} : memref<128x128xf32, #tpu.memory_space<vmem>>, vector<1x16xf32>,
        %swap3A_1635 = vector.shape_cast %swap3A_1634 : vector<1x16xf32> to vector<16xf32>
        %swap3A_1636 = vector.shape_cast %mul3A_1631 : vector<16xf32> to vector<1x16xf32>
        tpu.vector_store %arg11[%swap3A_1632, %swap3A_1633], %swap3A_1636 {strides = array<i32>} : memref<128x128xf32, #tpu.memory_space<vmem>>, vector<1x16xf32>,
        %get3A_1637 = arith.index_cast %add3A_1562 : i32 to index
        %get3A_1638 = arith.constant 112 : index
        %get3A_1639 = tpu.vector_load %arg11[%get3A_1637, %get3A_1638] {strides = array<i32>} : memref<128x128xf32, #tpu.memory_space<vmem>>, vector<1x16xf32>,
        %get3A_1640 = vector.shape_cast %get3A_1639 : vector<1x16xf32> to vector<16xf32>
        %mul3A_1641 = arith.mulf %get3A_1640, %gather3A_1566 : vector<16xf32>
        %swap3A_1642 = arith.index_cast %add3A_1562 : i32 to index
        %swap3A_1643 = arith.constant 112 : index
        %swap3A_1644 = tpu.vector_load %arg11[%swap3A_1642, %swap3A_1643] {strides = array<i32>} : memref<128x128xf32, #tpu.memory_space<vmem>>, vector<1x16xf32>,
        %swap3A_1645 = vector.shape_cast %swap3A_1644 : vector<1x16xf32> to vector<16xf32>
        %swap3A_1646 = vector.shape_cast %mul3A_1641 : vector<16xf32> to vector<1x16xf32>
        tpu.vector_store %arg11[%swap3A_1642, %swap3A_1643], %swap3A_1646 {strides = array<i32>} : memref<128x128xf32, #tpu.memory_space<vmem>>, vector<1x16xf32>,
      }
      %scan3A_202 = arith.constant 8 : i32
      %dma_start3A_203 = arith.constant 0 : i32
      %dma_start3A_204 = tpu.memref_slice %arg8[%mul3A_190, %dma_start3A_203] : memref<80x128xi32, #tpu.memory_space<vmem>> -> memref<1x128xi32, #tpu.memory_space<vmem>>
      %dma_start3A_205 = tpu.memref_squeeze %dma_start3A_204 : memref<1x128xi32, #tpu.memory_space<vmem>> -> memref<128xi32, #tpu.memory_space<vmem>>
      %dma_start3A_206 = arith.constant 0 : i32
      %dma_start3A_207 = arith.constant 0 : i32
      %dma_start3A_208 = tpu.memref_slice %arg6[%dma_start3A_206, %dma_start3A_207] : memref<10000x128xf32, #tpu.memory_space<vmem_shared>> -> memref<10000x128xf32, #tpu.memory_space<vmem_shared>>
      tpu.enqueue_indirect_dma source(%arg11 : memref<128x128xf32, #tpu.memory_space<vmem>>) target(%dma_start3A_208 : memref<10000x128xf32, #tpu.memory_space<vmem_shared>>) offsets(%dma_start3A_205 : memref<128xi32, #tpu.memory_space<vmem>>) semaphore(%arg18 : memref<!tpu.dma_semaphore, #tpu.memory_space<semaphore_mem>>) {add = true}
      %dma_wait3A_209 = arith.constant 0 : i32
      %dma_wait3A_210 = tpu.memref_slice %arg10[%dma_wait3A_209] : memref<256xi32, #tpu.memory_space<vmem>> -> memref<128xi32, #tpu.memory_space<vmem>>
      %dma_wait3A_211 = arith.constant 0 : i32
      %dma_wait3A_212 = arith.constant 0 : i32
      %dma_wait3A_213 = tpu.memref_slice %arg2[%dma_wait3A_211, %dma_wait3A_212] : memref<20000x128xf32, #tpu.memory_space<hbm>> -> memref<20000x128xf32, #tpu.memory_space<hbm>>
      tpu.wait_indirect_dma semaphore(%arg17 : memref<!tpu.dma_semaphore, #tpu.memory_space<semaphore_mem>>) src(%dma_wait3A_213 : memref<20000x128xf32, #tpu.memory_space<hbm>>) dst(%arg12 : memref<128x128xf32, #tpu.memory_space<vmem>>)
      %convert_element_type3A_214 = arith.extui %lt3A_191 : i1 to i32
      %cond3A_215 = arith.constant 0 : i32
      %cond3A_216 = arith.cmpi ne, %convert_element_type3A_214, %cond3A_215 : i32
      scf.if %cond3A_216 {
        %add3A_234 = arith.constant 2 : i32
        %add3A_235 = arith.addi %mul3A_190, %add3A_234 : i32
        %add3A_236 = arith.addi %mul3A_2, %add3A_235 : i32
        %mul3A_237 = arith.constant 2 : i32
        %mul3A_238 = arith.muli %add3A_236, %mul3A_237 : i32
        %mul3A_239 = arith.constant 128 : i32
        %mul3A_240 = arith.muli %mul3A_238, %mul3A_239 : i32
        %dma_start3A_241 = tpu.memref_slice %arg3[%mul3A_240] : memref<655360xi32, #tpu.memory_space<hbm>> -> memref<256xi32, #tpu.memory_space<hbm>>
        %dma_start3A_242 = tpu.memref_slice %arg3[%mul3A_240] : memref<655360xi32, #tpu.memory_space<hbm>> -> memref<256xi32, #tpu.memory_space<hbm>>
        tpu.enqueue_dma source(%dma_start3A_242 : memref<256xi32, #tpu.memory_space<hbm>>) target(%arg9 : memref<256xi32, #tpu.memory_space<vmem>>) target_semaphore(%arg14 : memref<!tpu.dma_semaphore, #tpu.memory_space<semaphore_mem>>)
      } else {
      }
      %scan3A_217 = arith.constant 0 : i32
      %scan3A_218 = arith.constant 0 : i32
      %scan3A_219 = arith.constant 8 : i32
      %scan3A_220 = arith.addi %scan3A_218, %scan3A_219 : i32
      %scan3A_221 = arith.constant 1 : i32
      scf.for %scan3A_234 = %scan3A_218 to %scan3A_220 step %scan3A_221  : i32 {
        %mul3A_235 = arith.constant 16 : i32
        %mul3A_236 = arith.muli %scan3A_234, %mul3A_235 : i32
        %add3A_237 = arith.constant 128 : i32
        %add3A_238 = arith.addi %add3A_237, %mul3A_236 : i32
        %get3A = arith.index_cast %add3A_238 : i32 to index
        %get3A_239 = tpu.vector_load %arg10[%get3A] {strides = array<i32>} : memref<256xi32, #tpu.memory_space<vmem>>, vector<16xi32>,
        %get3A_240 = vector.shape_cast %get3A_239 : vector<16xi32> to vector<16xi32>
        %bitcast_convert_type3A = tpu.bitcast %get3A_240 : vector<16xi32> -> vector<16xf32>
        %mul3A_241 = arith.constant 16 : i32
        %mul3A_242 = arith.muli %scan3A_234, %mul3A_241 : i32
        %add3A_243 = arith.constant 0 : i32
        %add3A_244 = arith.addi %mul3A_242, %add3A_243 : i32
        %broadcast_in_dim3A_245 = arith.constant 0 : i32
        %broadcast_in_dim3A_246 = vector.broadcast %broadcast_in_dim3A_245 : i32 to vector<16x1xi32>
        %gather3A = vector.shape_cast %broadcast_in_dim3A_246 : vector<16x1xi32> to vector<16xi32>
        %gather3A_247 = tpu.dynamic_gather %bitcast_convert_type3A[%gather3A] in [0] : vector<16xf32>, vector<16xi32> -> vector<16xf32>
        %get3A_248 = arith.index_cast %add3A_244 : i32 to index
        %get3A_249 = arith.constant 0 : index
        %get3A_250 = tpu.vector_load %arg12[%get3A_248, %get3A_249] {strides = array<i32>} : memref<128x128xf32, #tpu.memory_space<vmem>>, vector<1x16xf32>,
        %get3A_251 = vector.shape_cast %get3A_250 : vector<1x16xf32> to vector<16xf32>
        %mul3A_252 = arith.mulf %get3A_251, %gather3A_247 : vector<16xf32>
        %swap3A = arith.index_cast %add3A_244 : i32 to index
        %swap3A_253 = arith.constant 0 : index
        %swap3A_254 = tpu.vector_load %arg12[%swap3A, %swap3A_253] {strides = array<i32>} : memref<128x128xf32, #tpu.memory_space<vmem>>, vector<1x16xf32>,
        %swap3A_255 = vector.shape_cast %swap3A_254 : vector<1x16xf32> to vector<16xf32>
        %swap3A_256 = vector.shape_cast %mul3A_252 : vector<16xf32> to vector<1x16xf32>
        tpu.vector_store %arg12[%swap3A, %swap3A_253], %swap3A_256 {strides = array<i32>} : memref<128x128xf32, #tpu.memory_space<vmem>>, vector<1x16xf32>,
        %get3A_257 = arith.index_cast %add3A_244 : i32 to index
        %get3A_258 = arith.constant 16 : index
        %get3A_259 = tpu.vector_load %arg12[%get3A_257, %get3A_258] {strides = array<i32>} : memref<128x128xf32, #tpu.memory_space<vmem>>, vector<1x16xf32>,
        %get3A_260 = vector.shape_cast %get3A_259 : vector<1x16xf32> to vector<16xf32>
        %mul3A_261 = arith.mulf %get3A_260, %gather3A_247 : vector<16xf32>
        %swap3A_262 = arith.index_cast %add3A_244 : i32 to index
        %swap3A_263 = arith.constant 16 : index
        %swap3A_264 = tpu.vector_load %arg12[%swap3A_262, %swap3A_263] {strides = array<i32>} : memref<128x128xf32, #tpu.memory_space<vmem>>, vector<1x16xf32>,
        %swap3A_265 = vector.shape_cast %swap3A_264 : vector<1x16xf32> to vector<16xf32>
        %swap3A_266 = vector.shape_cast %mul3A_261 : vector<16xf32> to vector<1x16xf32>
        tpu.vector_store %arg12[%swap3A_262, %swap3A_263], %swap3A_266 {strides = array<i32>} : memref<128x128xf32, #tpu.memory_space<vmem>>, vector<1x16xf32>,
        %get3A_267 = arith.index_cast %add3A_244 : i32 to index
        %get3A_268 = arith.constant 32 : index
        %get3A_269 = tpu.vector_load %arg12[%get3A_267, %get3A_268] {strides = array<i32>} : memref<128x128xf32, #tpu.memory_space<vmem>>, vector<1x16xf32>,
        %get3A_270 = vector.shape_cast %get3A_269 : vector<1x16xf32> to vector<16xf32>
        %mul3A_271 = arith.mulf %get3A_270, %gather3A_247 : vector<16xf32>
        %swap3A_272 = arith.index_cast %add3A_244 : i32 to index
        %swap3A_273 = arith.constant 32 : index
        %swap3A_274 = tpu.vector_load %arg12[%swap3A_272, %swap3A_273] {strides = array<i32>} : memref<128x128xf32, #tpu.memory_space<vmem>>, vector<1x16xf32>,
        %swap3A_275 = vector.shape_cast %swap3A_274 : vector<1x16xf32> to vector<16xf32>
        %swap3A_276 = vector.shape_cast %mul3A_271 : vector<16xf32> to vector<1x16xf32>
        tpu.vector_store %arg12[%swap3A_272, %swap3A_273], %swap3A_276 {strides = array<i32>} : memref<128x128xf32, #tpu.memory_space<vmem>>, vector<1x16xf32>,
        %get3A_277 = arith.index_cast %add3A_244 : i32 to index
        %get3A_278 = arith.constant 48 : index
        %get3A_279 = tpu.vector_load %arg12[%get3A_277, %get3A_278] {strides = array<i32>} : memref<128x128xf32, #tpu.memory_space<vmem>>, vector<1x16xf32>,
        %get3A_280 = vector.shape_cast %get3A_279 : vector<1x16xf32> to vector<16xf32>
        %mul3A_281 = arith.mulf %get3A_280, %gather3A_247 : vector<16xf32>
        %swap3A_282 = arith.index_cast %add3A_244 : i32 to index
        %swap3A_283 = arith.constant 48 : index
        %swap3A_284 = tpu.vector_load %arg12[%swap3A_282, %swap3A_283] {strides = array<i32>} : memref<128x128xf32, #tpu.memory_space<vmem>>, vector<1x16xf32>,
        %swap3A_285 = vector.shape_cast %swap3A_284 : vector<1x16xf32> to vector<16xf32>
        %swap3A_286 = vector.shape_cast %mul3A_281 : vector<16xf32> to vector<1x16xf32>
        tpu.vector_store %arg12[%swap3A_282, %swap3A_283], %swap3A_286 {strides = array<i32>} : memref<128x128xf32, #tpu.memory_space<vmem>>, vector<1x16xf32>,
        %get3A_287 = arith.index_cast %add3A_244 : i32 to index
        %get3A_288 = arith.constant 64 : index
        %get3A_289 = tpu.vector_load %arg12[%get3A_287, %get3A_288] {strides = array<i32>} : memref<128x128xf32, #tpu.memory_space<vmem>>, vector<1x16xf32>,
        %get3A_290 = vector.shape_cast %get3A_289 : vector<1x16xf32> to vector<16xf32>
        %mul3A_291 = arith.mulf %get3A_290, %gather3A_247 : vector<16xf32>
        %swap3A_292 = arith.index_cast %add3A_244 : i32 to index
        %swap3A_293 = arith.constant 64 : index
        %swap3A_294 = tpu.vector_load %arg12[%swap3A_292, %swap3A_293] {strides = array<i32>} : memref<128x128xf32, #tpu.memory_space<vmem>>, vector<1x16xf32>,
        %swap3A_295 = vector.shape_cast %swap3A_294 : vector<1x16xf32> to vector<16xf32>
        %swap3A_296 = vector.shape_cast %mul3A_291 : vector<16xf32> to vector<1x16xf32>
        tpu.vector_store %arg12[%swap3A_292, %swap3A_293], %swap3A_296 {strides = array<i32>} : memref<128x128xf32, #tpu.memory_space<vmem>>, vector<1x16xf32>,
        %get3A_297 = arith.index_cast %add3A_244 : i32 to index
        %get3A_298 = arith.constant 80 : index
        %get3A_299 = tpu.vector_load %arg12[%get3A_297, %get3A_298] {strides = array<i32>} : memref<128x128xf32, #tpu.memory_space<vmem>>, vector<1x16xf32>,
        %get3A_300 = vector.shape_cast %get3A_299 : vector<1x16xf32> to vector<16xf32>
        %mul3A_301 = arith.mulf %get3A_300, %gather3A_247 : vector<16xf32>
        %swap3A_302 = arith.index_cast %add3A_244 : i32 to index
        %swap3A_303 = arith.constant 80 : index
        %swap3A_304 = tpu.vector_load %arg12[%swap3A_302, %swap3A_303] {strides = array<i32>} : memref<128x128xf32, #tpu.memory_space<vmem>>, vector<1x16xf32>,
        %swap3A_305 = vector.shape_cast %swap3A_304 : vector<1x16xf32> to vector<16xf32>
        %swap3A_306 = vector.shape_cast %mul3A_301 : vector<16xf32> to vector<1x16xf32>
        tpu.vector_store %arg12[%swap3A_302, %swap3A_303], %swap3A_306 {strides = array<i32>} : memref<128x128xf32, #tpu.memory_space<vmem>>, vector<1x16xf32>,
        %get3A_307 = arith.index_cast %add3A_244 : i32 to index
        %get3A_308 = arith.constant 96 : index
        %get3A_309 = tpu.vector_load %arg12[%get3A_307, %get3A_308] {strides = array<i32>} : memref<128x128xf32, #tpu.memory_space<vmem>>, vector<1x16xf32>,
        %get3A_310 = vector.shape_cast %get3A_309 : vector<1x16xf32> to vector<16xf32>
        %mul3A_311 = arith.mulf %get3A_310, %gather3A_247 : vector<16xf32>
        %swap3A_312 = arith.index_cast %add3A_244 : i32 to index
        %swap3A_313 = arith.constant 96 : index
        %swap3A_314 = tpu.vector_load %arg12[%swap3A_312, %swap3A_313] {strides = array<i32>} : memref<128x128xf32, #tpu.memory_space<vmem>>, vector<1x16xf32>,
        %swap3A_315 = vector.shape_cast %swap3A_314 : vector<1x16xf32> to vector<16xf32>
        %swap3A_316 = vector.shape_cast %mul3A_311 : vector<16xf32> to vector<1x16xf32>
        tpu.vector_store %arg12[%swap3A_312, %swap3A_313], %swap3A_316 {strides = array<i32>} : memref<128x128xf32, #tpu.memory_space<vmem>>, vector<1x16xf32>,
        %get3A_317 = arith.index_cast %add3A_244 : i32 to index
        %get3A_318 = arith.constant 112 : index
        %get3A_319 = tpu.vector_load %arg12[%get3A_317, %get3A_318] {strides = array<i32>} : memref<128x128xf32, #tpu.memory_space<vmem>>, vector<1x16xf32>,
        %get3A_320 = vector.shape_cast %get3A_319 : vector<1x16xf32> to vector<16xf32>
        %mul3A_321 = arith.mulf %get3A_320, %gather3A_247 : vector<16xf32>
        %swap3A_322 = arith.index_cast %add3A_244 : i32 to index
        %swap3A_323 = arith.constant 112 : index
        %swap3A_324 = tpu.vector_load %arg12[%swap3A_322, %swap3A_323] {strides = array<i32>} : memref<128x128xf32, #tpu.memory_space<vmem>>, vector<1x16xf32>,
        %swap3A_325 = vector.shape_cast %swap3A_324 : vector<1x16xf32> to vector<16xf32>
        %swap3A_326 = vector.shape_cast %mul3A_321 : vector<16xf32> to vector<1x16xf32>
        tpu.vector_store %arg12[%swap3A_322, %swap3A_323], %swap3A_326 {strides = array<i32>} : memref<128x128xf32, #tpu.memory_space<vmem>>, vector<1x16xf32>,
        %mul3A_327 = arith.constant 16 : i32
        %mul3A_328 = arith.muli %scan3A_234, %mul3A_327 : i32
        %add3A_329 = arith.constant 1 : i32
        %add3A_330 = arith.addi %mul3A_328, %add3A_329 : i32
        %broadcast_in_dim3A_331 = arith.constant 1 : i32
        %broadcast_in_dim3A_332 = vector.broadcast %broadcast_in_dim3A_331 : i32 to vector<16x1xi32>
        %gather3A_333 = vector.shape_cast %broadcast_in_dim3A_332 : vector<16x1xi32> to vector<16xi32>
        %gather3A_334 = tpu.dynamic_gather %bitcast_convert_type3A[%gather3A_333] in [0] : vector<16xf32>, vector<16xi32> -> vector<16xf32>
        %get3A_335 = arith.index_cast %add3A_330 : i32 to index
        %get3A_336 = arith.constant 0 : index
        %get3A_337 = tpu.vector_load %arg12[%get3A_335, %get3A_336] {strides = array<i32>} : memref<128x128xf32, #tpu.memory_space<vmem>>, vector<1x16xf32>,
        %get3A_338 = vector.shape_cast %get3A_337 : vector<1x16xf32> to vector<16xf32>
        %mul3A_339 = arith.mulf %get3A_338, %gather3A_334 : vector<16xf32>
        %swap3A_340 = arith.index_cast %add3A_330 : i32 to index
        %swap3A_341 = arith.constant 0 : index
        %swap3A_342 = tpu.vector_load %arg12[%swap3A_340, %swap3A_341] {strides = array<i32>} : memref<128x128xf32, #tpu.memory_space<vmem>>, vector<1x16xf32>,
        %swap3A_343 = vector.shape_cast %swap3A_342 : vector<1x16xf32> to vector<16xf32>
        %swap3A_344 = vector.shape_cast %mul3A_339 : vector<16xf32> to vector<1x16xf32>
        tpu.vector_store %arg12[%swap3A_340, %swap3A_341], %swap3A_344 {strides = array<i32>} : memref<128x128xf32, #tpu.memory_space<vmem>>, vector<1x16xf32>,
        %get3A_345 = arith.index_cast %add3A_330 : i32 to index
        %get3A_346 = arith.constant 16 : index
        %get3A_347 = tpu.vector_load %arg12[%get3A_345, %get3A_346] {strides = array<i32>} : memref<128x128xf32, #tpu.memory_space<vmem>>, vector<1x16xf32>,
        %get3A_348 = vector.shape_cast %get3A_347 : vector<1x16xf32> to vector<16xf32>
        %mul3A_349 = arith.mulf %get3A_348, %gather3A_334 : vector<16xf32>
        %swap3A_350 = arith.index_cast %add3A_330 : i32 to index
        %swap3A_351 = arith.constant 16 : index
        %swap3A_352 = tpu.vector_load %arg12[%swap3A_350, %swap3A_351] {strides = array<i32>} : memref<128x128xf32, #tpu.memory_space<vmem>>, vector<1x16xf32>,
        %swap3A_353 = vector.shape_cast %swap3A_352 : vector<1x16xf32> to vector<16xf32>
        %swap3A_354 = vector.shape_cast %mul3A_349 : vector<16xf32> to vector<1x16xf32>
        tpu.vector_store %arg12[%swap3A_350, %swap3A_351], %swap3A_354 {strides = array<i32>} : memref<128x128xf32, #tpu.memory_space<vmem>>, vector<1x16xf32>,
        %get3A_355 = arith.index_cast %add3A_330 : i32 to index
        %get3A_356 = arith.constant 32 : index
        %get3A_357 = tpu.vector_load %arg12[%get3A_355, %get3A_356] {strides = array<i32>} : memref<128x128xf32, #tpu.memory_space<vmem>>, vector<1x16xf32>,
        %get3A_358 = vector.shape_cast %get3A_357 : vector<1x16xf32> to vector<16xf32>
        %mul3A_359 = arith.mulf %get3A_358, %gather3A_334 : vector<16xf32>
        %swap3A_360 = arith.index_cast %add3A_330 : i32 to index
        %swap3A_361 = arith.constant 32 : index
        %swap3A_362 = tpu.vector_load %arg12[%swap3A_360, %swap3A_361] {strides = array<i32>} : memref<128x128xf32, #tpu.memory_space<vmem>>, vector<1x16xf32>,
        %swap3A_363 = vector.shape_cast %swap3A_362 : vector<1x16xf32> to vector<16xf32>
        %swap3A_364 = vector.shape_cast %mul3A_359 : vector<16xf32> to vector<1x16xf32>
        tpu.vector_store %arg12[%swap3A_360, %swap3A_361], %swap3A_364 {strides = array<i32>} : memref<128x128xf32, #tpu.memory_space<vmem>>, vector<1x16xf32>,
        %get3A_365 = arith.index_cast %add3A_330 : i32 to index
        %get3A_366 = arith.constant 48 : index
        %get3A_367 = tpu.vector_load %arg12[%get3A_365, %get3A_366] {strides = array<i32>} : memref<128x128xf32, #tpu.memory_space<vmem>>, vector<1x16xf32>,
        %get3A_368 = vector.shape_cast %get3A_367 : vector<1x16xf32> to vector<16xf32>
        %mul3A_369 = arith.mulf %get3A_368, %gather3A_334 : vector<16xf32>
        %swap3A_370 = arith.index_cast %add3A_330 : i32 to index
        %swap3A_371 = arith.constant 48 : index
        %swap3A_372 = tpu.vector_load %arg12[%swap3A_370, %swap3A_371] {strides = array<i32>} : memref<128x128xf32, #tpu.memory_space<vmem>>, vector<1x16xf32>,
        %swap3A_373 = vector.shape_cast %swap3A_372 : vector<1x16xf32> to vector<16xf32>
        %swap3A_374 = vector.shape_cast %mul3A_369 : vector<16xf32> to vector<1x16xf32>
        tpu.vector_store %arg12[%swap3A_370, %swap3A_371], %swap3A_374 {strides = array<i32>} : memref<128x128xf32, #tpu.memory_space<vmem>>, vector<1x16xf32>,
        %get3A_375 = arith.index_cast %add3A_330 : i32 to index
        %get3A_376 = arith.constant 64 : index
        %get3A_377 = tpu.vector_load %arg12[%get3A_375, %get3A_376] {strides = array<i32>} : memref<128x128xf32, #tpu.memory_space<vmem>>, vector<1x16xf32>,
        %get3A_378 = vector.shape_cast %get3A_377 : vector<1x16xf32> to vector<16xf32>
        %mul3A_379 = arith.mulf %get3A_378, %gather3A_334 : vector<16xf32>
        %swap3A_380 = arith.index_cast %add3A_330 : i32 to index
        %swap3A_381 = arith.constant 64 : index
        %swap3A_382 = tpu.vector_load %arg12[%swap3A_380, %swap3A_381] {strides = array<i32>} : memref<128x128xf32, #tpu.memory_space<vmem>>, vector<1x16xf32>,
        %swap3A_383 = vector.shape_cast %swap3A_382 : vector<1x16xf32> to vector<16xf32>
        %swap3A_384 = vector.shape_cast %mul3A_379 : vector<16xf32> to vector<1x16xf32>
        tpu.vector_store %arg12[%swap3A_380, %swap3A_381], %swap3A_384 {strides = array<i32>} : memref<128x128xf32, #tpu.memory_space<vmem>>, vector<1x16xf32>,
        %get3A_385 = arith.index_cast %add3A_330 : i32 to index
        %get3A_386 = arith.constant 80 : index
        %get3A_387 = tpu.vector_load %arg12[%get3A_385, %get3A_386] {strides = array<i32>} : memref<128x128xf32, #tpu.memory_space<vmem>>, vector<1x16xf32>,
        %get3A_388 = vector.shape_cast %get3A_387 : vector<1x16xf32> to vector<16xf32>
        %mul3A_389 = arith.mulf %get3A_388, %gather3A_334 : vector<16xf32>
        %swap3A_390 = arith.index_cast %add3A_330 : i32 to index
        %swap3A_391 = arith.constant 80 : index
        %swap3A_392 = tpu.vector_load %arg12[%swap3A_390, %swap3A_391] {strides = array<i32>} : memref<128x128xf32, #tpu.memory_space<vmem>>, vector<1x16xf32>,
        %swap3A_393 = vector.shape_cast %swap3A_392 : vector<1x16xf32> to vector<16xf32>
        %swap3A_394 = vector.shape_cast %mul3A_389 : vector<16xf32> to vector<1x16xf32>
        tpu.vector_store %arg12[%swap3A_390, %swap3A_391], %swap3A_394 {strides = array<i32>} : memref<128x128xf32, #tpu.memory_space<vmem>>, vector<1x16xf32>,
        %get3A_395 = arith.index_cast %add3A_330 : i32 to index
        %get3A_396 = arith.constant 96 : index
        %get3A_397 = tpu.vector_load %arg12[%get3A_395, %get3A_396] {strides = array<i32>} : memref<128x128xf32, #tpu.memory_space<vmem>>, vector<1x16xf32>,
        %get3A_398 = vector.shape_cast %get3A_397 : vector<1x16xf32> to vector<16xf32>
        %mul3A_399 = arith.mulf %get3A_398, %gather3A_334 : vector<16xf32>
        %swap3A_400 = arith.index_cast %add3A_330 : i32 to index
        %swap3A_401 = arith.constant 96 : index
        %swap3A_402 = tpu.vector_load %arg12[%swap3A_400, %swap3A_401] {strides = array<i32>} : memref<128x128xf32, #tpu.memory_space<vmem>>, vector<1x16xf32>,
        %swap3A_403 = vector.shape_cast %swap3A_402 : vector<1x16xf32> to vector<16xf32>
        %swap3A_404 = vector.shape_cast %mul3A_399 : vector<16xf32> to vector<1x16xf32>
        tpu.vector_store %arg12[%swap3A_400, %swap3A_401], %swap3A_404 {strides = array<i32>} : memref<128x128xf32, #tpu.memory_space<vmem>>, vector<1x16xf32>,
        %get3A_405 = arith.index_cast %add3A_330 : i32 to index
        %get3A_406 = arith.constant 112 : index
        %get3A_407 = tpu.vector_load %arg12[%get3A_405, %get3A_406] {strides = array<i32>} : memref<128x128xf32, #tpu.memory_space<vmem>>, vector<1x16xf32>,
        %get3A_408 = vector.shape_cast %get3A_407 : vector<1x16xf32> to vector<16xf32>
        %mul3A_409 = arith.mulf %get3A_408, %gather3A_334 : vector<16xf32>
        %swap3A_410 = arith.index_cast %add3A_330 : i32 to index
        %swap3A_411 = arith.constant 112 : index
        %swap3A_412 = tpu.vector_load %arg12[%swap3A_410, %swap3A_411] {strides = array<i32>} : memref<128x128xf32, #tpu.memory_space<vmem>>, vector<1x16xf32>,
        %swap3A_413 = vector.shape_cast %swap3A_412 : vector<1x16xf32> to vector<16xf32>
        %swap3A_414 = vector.shape_cast %mul3A_409 : vector<16xf32> to vector<1x16xf32>
        tpu.vector_store %arg12[%swap3A_410, %swap3A_411], %swap3A_414 {strides = array<i32>} : memref<128x128xf32, #tpu.memory_space<vmem>>, vector<1x16xf32>,
        %mul3A_415 = arith.constant 16 : i32
        %mul3A_416 = arith.muli %scan3A_234, %mul3A_415 : i32
        %add3A_417 = arith.constant 2 : i32
        %add3A_418 = arith.addi %mul3A_416, %add3A_417 : i32
        %broadcast_in_dim3A_419 = arith.constant 2 : i32
        %broadcast_in_dim3A_420 = vector.broadcast %broadcast_in_dim3A_419 : i32 to vector<16x1xi32>
        %gather3A_421 = vector.shape_cast %broadcast_in_dim3A_420 : vector<16x1xi32> to vector<16xi32>
        %gather3A_422 = tpu.dynamic_gather %bitcast_convert_type3A[%gather3A_421] in [0] : vector<16xf32>, vector<16xi32> -> vector<16xf32>
        %get3A_423 = arith.index_cast %add3A_418 : i32 to index
        %get3A_424 = arith.constant 0 : index
        %get3A_425 = tpu.vector_load %arg12[%get3A_423, %get3A_424] {strides = array<i32>} : memref<128x128xf32, #tpu.memory_space<vmem>>, vector<1x16xf32>,
        %get3A_426 = vector.shape_cast %get3A_425 : vector<1x16xf32> to vector<16xf32>
        %mul3A_427 = arith.mulf %get3A_426, %gather3A_422 : vector<16xf32>
        %swap3A_428 = arith.index_cast %add3A_418 : i32 to index
        %swap3A_429 = arith.constant 0 : index
        %swap3A_430 = tpu.vector_load %arg12[%swap3A_428, %swap3A_429] {strides = array<i32>} : memref<128x128xf32, #tpu.memory_space<vmem>>, vector<1x16xf32>,
        %swap3A_431 = vector.shape_cast %swap3A_430 : vector<1x16xf32> to vector<16xf32>
        %swap3A_432 = vector.shape_cast %mul3A_427 : vector<16xf32> to vector<1x16xf32>
        tpu.vector_store %arg12[%swap3A_428, %swap3A_429], %swap3A_432 {strides = array<i32>} : memref<128x128xf32, #tpu.memory_space<vmem>>, vector<1x16xf32>,
        %get3A_433 = arith.index_cast %add3A_418 : i32 to index
        %get3A_434 = arith.constant 16 : index
        %get3A_435 = tpu.vector_load %arg12[%get3A_433, %get3A_434] {strides = array<i32>} : memref<128x128xf32, #tpu.memory_space<vmem>>, vector<1x16xf32>,
        %get3A_436 = vector.shape_cast %get3A_435 : vector<1x16xf32> to vector<16xf32>
        %mul3A_437 = arith.mulf %get3A_436, %gather3A_422 : vector<16xf32>
        %swap3A_438 = arith.index_cast %add3A_418 : i32 to index
        %swap3A_439 = arith.constant 16 : index
        %swap3A_440 = tpu.vector_load %arg12[%swap3A_438, %swap3A_439] {strides = array<i32>} : memref<128x128xf32, #tpu.memory_space<vmem>>, vector<1x16xf32>,
        %swap3A_441 = vector.shape_cast %swap3A_440 : vector<1x16xf32> to vector<16xf32>
        %swap3A_442 = vector.shape_cast %mul3A_437 : vector<16xf32> to vector<1x16xf32>
        tpu.vector_store %arg12[%swap3A_438, %swap3A_439], %swap3A_442 {strides = array<i32>} : memref<128x128xf32, #tpu.memory_space<vmem>>, vector<1x16xf32>,
        %get3A_443 = arith.index_cast %add3A_418 : i32 to index
        %get3A_444 = arith.constant 32 : index
        %get3A_445 = tpu.vector_load %arg12[%get3A_443, %get3A_444] {strides = array<i32>} : memref<128x128xf32, #tpu.memory_space<vmem>>, vector<1x16xf32>,
        %get3A_446 = vector.shape_cast %get3A_445 : vector<1x16xf32> to vector<16xf32>
        %mul3A_447 = arith.mulf %get3A_446, %gather3A_422 : vector<16xf32>
        %swap3A_448 = arith.index_cast %add3A_418 : i32 to index
        %swap3A_449 = arith.constant 32 : index
        %swap3A_450 = tpu.vector_load %arg12[%swap3A_448, %swap3A_449] {strides = array<i32>} : memref<128x128xf32, #tpu.memory_space<vmem>>, vector<1x16xf32>,
        %swap3A_451 = vector.shape_cast %swap3A_450 : vector<1x16xf32> to vector<16xf32>
        %swap3A_452 = vector.shape_cast %mul3A_447 : vector<16xf32> to vector<1x16xf32>
        tpu.vector_store %arg12[%swap3A_448, %swap3A_449], %swap3A_452 {strides = array<i32>} : memref<128x128xf32, #tpu.memory_space<vmem>>, vector<1x16xf32>,
        %get3A_453 = arith.index_cast %add3A_418 : i32 to index
        %get3A_454 = arith.constant 48 : index
        %get3A_455 = tpu.vector_load %arg12[%get3A_453, %get3A_454] {strides = array<i32>} : memref<128x128xf32, #tpu.memory_space<vmem>>, vector<1x16xf32>,
        %get3A_456 = vector.shape_cast %get3A_455 : vector<1x16xf32> to vector<16xf32>
        %mul3A_457 = arith.mulf %get3A_456, %gather3A_422 : vector<16xf32>
        %swap3A_458 = arith.index_cast %add3A_418 : i32 to index
        %swap3A_459 = arith.constant 48 : index
        %swap3A_460 = tpu.vector_load %arg12[%swap3A_458, %swap3A_459] {strides = array<i32>} : memref<128x128xf32, #tpu.memory_space<vmem>>, vector<1x16xf32>,
        %swap3A_461 = vector.shape_cast %swap3A_460 : vector<1x16xf32> to vector<16xf32>
        %swap3A_462 = vector.shape_cast %mul3A_457 : vector<16xf32> to vector<1x16xf32>
        tpu.vector_store %arg12[%swap3A_458, %swap3A_459], %swap3A_462 {strides = array<i32>} : memref<128x128xf32, #tpu.memory_space<vmem>>, vector<1x16xf32>,
        %get3A_463 = arith.index_cast %add3A_418 : i32 to index
        %get3A_464 = arith.constant 64 : index
        %get3A_465 = tpu.vector_load %arg12[%get3A_463, %get3A_464] {strides = array<i32>} : memref<128x128xf32, #tpu.memory_space<vmem>>, vector<1x16xf32>,
        %get3A_466 = vector.shape_cast %get3A_465 : vector<1x16xf32> to vector<16xf32>
        %mul3A_467 = arith.mulf %get3A_466, %gather3A_422 : vector<16xf32>
        %swap3A_468 = arith.index_cast %add3A_418 : i32 to index
        %swap3A_469 = arith.constant 64 : index
        %swap3A_470 = tpu.vector_load %arg12[%swap3A_468, %swap3A_469] {strides = array<i32>} : memref<128x128xf32, #tpu.memory_space<vmem>>, vector<1x16xf32>,
        %swap3A_471 = vector.shape_cast %swap3A_470 : vector<1x16xf32> to vector<16xf32>
        %swap3A_472 = vector.shape_cast %mul3A_467 : vector<16xf32> to vector<1x16xf32>
        tpu.vector_store %arg12[%swap3A_468, %swap3A_469], %swap3A_472 {strides = array<i32>} : memref<128x128xf32, #tpu.memory_space<vmem>>, vector<1x16xf32>,
        %get3A_473 = arith.index_cast %add3A_418 : i32 to index
        %get3A_474 = arith.constant 80 : index
        %get3A_475 = tpu.vector_load %arg12[%get3A_473, %get3A_474] {strides = array<i32>} : memref<128x128xf32, #tpu.memory_space<vmem>>, vector<1x16xf32>,
        %get3A_476 = vector.shape_cast %get3A_475 : vector<1x16xf32> to vector<16xf32>
        %mul3A_477 = arith.mulf %get3A_476, %gather3A_422 : vector<16xf32>
        %swap3A_478 = arith.index_cast %add3A_418 : i32 to index
        %swap3A_479 = arith.constant 80 : index
        %swap3A_480 = tpu.vector_load %arg12[%swap3A_478, %swap3A_479] {strides = array<i32>} : memref<128x128xf32, #tpu.memory_space<vmem>>, vector<1x16xf32>,
        %swap3A_481 = vector.shape_cast %swap3A_480 : vector<1x16xf32> to vector<16xf32>
        %swap3A_482 = vector.shape_cast %mul3A_477 : vector<16xf32> to vector<1x16xf32>
        tpu.vector_store %arg12[%swap3A_478, %swap3A_479], %swap3A_482 {strides = array<i32>} : memref<128x128xf32, #tpu.memory_space<vmem>>, vector<1x16xf32>,
        %get3A_483 = arith.index_cast %add3A_418 : i32 to index
        %get3A_484 = arith.constant 96 : index
        %get3A_485 = tpu.vector_load %arg12[%get3A_483, %get3A_484] {strides = array<i32>} : memref<128x128xf32, #tpu.memory_space<vmem>>, vector<1x16xf32>,
        %get3A_486 = vector.shape_cast %get3A_485 : vector<1x16xf32> to vector<16xf32>
        %mul3A_487 = arith.mulf %get3A_486, %gather3A_422 : vector<16xf32>
        %swap3A_488 = arith.index_cast %add3A_418 : i32 to index
        %swap3A_489 = arith.constant 96 : index
        %swap3A_490 = tpu.vector_load %arg12[%swap3A_488, %swap3A_489] {strides = array<i32>} : memref<128x128xf32, #tpu.memory_space<vmem>>, vector<1x16xf32>,
        %swap3A_491 = vector.shape_cast %swap3A_490 : vector<1x16xf32> to vector<16xf32>
        %swap3A_492 = vector.shape_cast %mul3A_487 : vector<16xf32> to vector<1x16xf32>
        tpu.vector_store %arg12[%swap3A_488, %swap3A_489], %swap3A_492 {strides = array<i32>} : memref<128x128xf32, #tpu.memory_space<vmem>>, vector<1x16xf32>,
        %get3A_493 = arith.index_cast %add3A_418 : i32 to index
        %get3A_494 = arith.constant 112 : index
        %get3A_495 = tpu.vector_load %arg12[%get3A_493, %get3A_494] {strides = array<i32>} : memref<128x128xf32, #tpu.memory_space<vmem>>, vector<1x16xf32>,
        %get3A_496 = vector.shape_cast %get3A_495 : vector<1x16xf32> to vector<16xf32>
        %mul3A_497 = arith.mulf %get3A_496, %gather3A_422 : vector<16xf32>
        %swap3A_498 = arith.index_cast %add3A_418 : i32 to index
        %swap3A_499 = arith.constant 112 : index
        %swap3A_500 = tpu.vector_load %arg12[%swap3A_498, %swap3A_499] {strides = array<i32>} : memref<128x128xf32, #tpu.memory_space<vmem>>, vector<1x16xf32>,
        %swap3A_501 = vector.shape_cast %swap3A_500 : vector<1x16xf32> to vector<16xf32>
        %swap3A_502 = vector.shape_cast %mul3A_497 : vector<16xf32> to vector<1x16xf32>
        tpu.vector_store %arg12[%swap3A_498, %swap3A_499], %swap3A_502 {strides = array<i32>} : memref<128x128xf32, #tpu.memory_space<vmem>>, vector<1x16xf32>,
        %mul3A_503 = arith.constant 16 : i32
        %mul3A_504 = arith.muli %scan3A_234, %mul3A_503 : i32
        %add3A_505 = arith.constant 3 : i32
        %add3A_506 = arith.addi %mul3A_504, %add3A_505 : i32
        %broadcast_in_dim3A_507 = arith.constant 3 : i32
        %broadcast_in_dim3A_508 = vector.broadcast %broadcast_in_dim3A_507 : i32 to vector<16x1xi32>
        %gather3A_509 = vector.shape_cast %broadcast_in_dim3A_508 : vector<16x1xi32> to vector<16xi32>
        %gather3A_510 = tpu.dynamic_gather %bitcast_convert_type3A[%gather3A_509] in [0] : vector<16xf32>, vector<16xi32> -> vector<16xf32>
        %get3A_511 = arith.index_cast %add3A_506 : i32 to index
        %get3A_512 = arith.constant 0 : index
        %get3A_513 = tpu.vector_load %arg12[%get3A_511, %get3A_512] {strides = array<i32>} : memref<128x128xf32, #tpu.memory_space<vmem>>, vector<1x16xf32>,
        %get3A_514 = vector.shape_cast %get3A_513 : vector<1x16xf32> to vector<16xf32>
        %mul3A_515 = arith.mulf %get3A_514, %gather3A_510 : vector<16xf32>
        %swap3A_516 = arith.index_cast %add3A_506 : i32 to index
        %swap3A_517 = arith.constant 0 : index
        %swap3A_518 = tpu.vector_load %arg12[%swap3A_516, %swap3A_517] {strides = array<i32>} : memref<128x128xf32, #tpu.memory_space<vmem>>, vector<1x16xf32>,
        %swap3A_519 = vector.shape_cast %swap3A_518 : vector<1x16xf32> to vector<16xf32>
        %swap3A_520 = vector.shape_cast %mul3A_515 : vector<16xf32> to vector<1x16xf32>
        tpu.vector_store %arg12[%swap3A_516, %swap3A_517], %swap3A_520 {strides = array<i32>} : memref<128x128xf32, #tpu.memory_space<vmem>>, vector<1x16xf32>,
        %get3A_521 = arith.index_cast %add3A_506 : i32 to index
        %get3A_522 = arith.constant 16 : index
        %get3A_523 = tpu.vector_load %arg12[%get3A_521, %get3A_522] {strides = array<i32>} : memref<128x128xf32, #tpu.memory_space<vmem>>, vector<1x16xf32>,
        %get3A_524 = vector.shape_cast %get3A_523 : vector<1x16xf32> to vector<16xf32>
        %mul3A_525 = arith.mulf %get3A_524, %gather3A_510 : vector<16xf32>
        %swap3A_526 = arith.index_cast %add3A_506 : i32 to index
        %swap3A_527 = arith.constant 16 : index
        %swap3A_528 = tpu.vector_load %arg12[%swap3A_526, %swap3A_527] {strides = array<i32>} : memref<128x128xf32, #tpu.memory_space<vmem>>, vector<1x16xf32>,
        %swap3A_529 = vector.shape_cast %swap3A_528 : vector<1x16xf32> to vector<16xf32>
        %swap3A_530 = vector.shape_cast %mul3A_525 : vector<16xf32> to vector<1x16xf32>
        tpu.vector_store %arg12[%swap3A_526, %swap3A_527], %swap3A_530 {strides = array<i32>} : memref<128x128xf32, #tpu.memory_space<vmem>>, vector<1x16xf32>,
        %get3A_531 = arith.index_cast %add3A_506 : i32 to index
        %get3A_532 = arith.constant 32 : index
        %get3A_533 = tpu.vector_load %arg12[%get3A_531, %get3A_532] {strides = array<i32>} : memref<128x128xf32, #tpu.memory_space<vmem>>, vector<1x16xf32>,
        %get3A_534 = vector.shape_cast %get3A_533 : vector<1x16xf32> to vector<16xf32>
        %mul3A_535 = arith.mulf %get3A_534, %gather3A_510 : vector<16xf32>
        %swap3A_536 = arith.index_cast %add3A_506 : i32 to index
        %swap3A_537 = arith.constant 32 : index
        %swap3A_538 = tpu.vector_load %arg12[%swap3A_536, %swap3A_537] {strides = array<i32>} : memref<128x128xf32, #tpu.memory_space<vmem>>, vector<1x16xf32>,
        %swap3A_539 = vector.shape_cast %swap3A_538 : vector<1x16xf32> to vector<16xf32>
        %swap3A_540 = vector.shape_cast %mul3A_535 : vector<16xf32> to vector<1x16xf32>
        tpu.vector_store %arg12[%swap3A_536, %swap3A_537], %swap3A_540 {strides = array<i32>} : memref<128x128xf32, #tpu.memory_space<vmem>>, vector<1x16xf32>,
        %get3A_541 = arith.index_cast %add3A_506 : i32 to index
        %get3A_542 = arith.constant 48 : index
        %get3A_543 = tpu.vector_load %arg12[%get3A_541, %get3A_542] {strides = array<i32>} : memref<128x128xf32, #tpu.memory_space<vmem>>, vector<1x16xf32>,
        %get3A_544 = vector.shape_cast %get3A_543 : vector<1x16xf32> to vector<16xf32>
        %mul3A_545 = arith.mulf %get3A_544, %gather3A_510 : vector<16xf32>
        %swap3A_546 = arith.index_cast %add3A_506 : i32 to index
        %swap3A_547 = arith.constant 48 : index
        %swap3A_548 = tpu.vector_load %arg12[%swap3A_546, %swap3A_547] {strides = array<i32>} : memref<128x128xf32, #tpu.memory_space<vmem>>, vector<1x16xf32>,
        %swap3A_549 = vector.shape_cast %swap3A_548 : vector<1x16xf32> to vector<16xf32>
        %swap3A_550 = vector.shape_cast %mul3A_545 : vector<16xf32> to vector<1x16xf32>
        tpu.vector_store %arg12[%swap3A_546, %swap3A_547], %swap3A_550 {strides = array<i32>} : memref<128x128xf32, #tpu.memory_space<vmem>>, vector<1x16xf32>,
        %get3A_551 = arith.index_cast %add3A_506 : i32 to index
        %get3A_552 = arith.constant 64 : index
        %get3A_553 = tpu.vector_load %arg12[%get3A_551, %get3A_552] {strides = array<i32>} : memref<128x128xf32, #tpu.memory_space<vmem>>, vector<1x16xf32>,
        %get3A_554 = vector.shape_cast %get3A_553 : vector<1x16xf32> to vector<16xf32>
        %mul3A_555 = arith.mulf %get3A_554, %gather3A_510 : vector<16xf32>
        %swap3A_556 = arith.index_cast %add3A_506 : i32 to index
        %swap3A_557 = arith.constant 64 : index
        %swap3A_558 = tpu.vector_load %arg12[%swap3A_556, %swap3A_557] {strides = array<i32>} : memref<128x128xf32, #tpu.memory_space<vmem>>, vector<1x16xf32>,
        %swap3A_559 = vector.shape_cast %swap3A_558 : vector<1x16xf32> to vector<16xf32>
        %swap3A_560 = vector.shape_cast %mul3A_555 : vector<16xf32> to vector<1x16xf32>
        tpu.vector_store %arg12[%swap3A_556, %swap3A_557], %swap3A_560 {strides = array<i32>} : memref<128x128xf32, #tpu.memory_space<vmem>>, vector<1x16xf32>,
        %get3A_561 = arith.index_cast %add3A_506 : i32 to index
        %get3A_562 = arith.constant 80 : index
        %get3A_563 = tpu.vector_load %arg12[%get3A_561, %get3A_562] {strides = array<i32>} : memref<128x128xf32, #tpu.memory_space<vmem>>, vector<1x16xf32>,
        %get3A_564 = vector.shape_cast %get3A_563 : vector<1x16xf32> to vector<16xf32>
        %mul3A_565 = arith.mulf %get3A_564, %gather3A_510 : vector<16xf32>
        %swap3A_566 = arith.index_cast %add3A_506 : i32 to index
        %swap3A_567 = arith.constant 80 : index
        %swap3A_568 = tpu.vector_load %arg12[%swap3A_566, %swap3A_567] {strides = array<i32>} : memref<128x128xf32, #tpu.memory_space<vmem>>, vector<1x16xf32>,
        %swap3A_569 = vector.shape_cast %swap3A_568 : vector<1x16xf32> to vector<16xf32>
        %swap3A_570 = vector.shape_cast %mul3A_565 : vector<16xf32> to vector<1x16xf32>
        tpu.vector_store %arg12[%swap3A_566, %swap3A_567], %swap3A_570 {strides = array<i32>} : memref<128x128xf32, #tpu.memory_space<vmem>>, vector<1x16xf32>,
        %get3A_571 = arith.index_cast %add3A_506 : i32 to index
        %get3A_572 = arith.constant 96 : index
        %get3A_573 = tpu.vector_load %arg12[%get3A_571, %get3A_572] {strides = array<i32>} : memref<128x128xf32, #tpu.memory_space<vmem>>, vector<1x16xf32>,
        %get3A_574 = vector.shape_cast %get3A_573 : vector<1x16xf32> to vector<16xf32>
        %mul3A_575 = arith.mulf %get3A_574, %gather3A_510 : vector<16xf32>
        %swap3A_576 = arith.index_cast %add3A_506 : i32 to index
        %swap3A_577 = arith.constant 96 : index
        %swap3A_578 = tpu.vector_load %arg12[%swap3A_576, %swap3A_577] {strides = array<i32>} : memref<128x128xf32, #tpu.memory_space<vmem>>, vector<1x16xf32>,
        %swap3A_579 = vector.shape_cast %swap3A_578 : vector<1x16xf32> to vector<16xf32>
        %swap3A_580 = vector.shape_cast %mul3A_575 : vector<16xf32> to vector<1x16xf32>
        tpu.vector_store %arg12[%swap3A_576, %swap3A_577], %swap3A_580 {strides = array<i32>} : memref<128x128xf32, #tpu.memory_space<vmem>>, vector<1x16xf32>,
        %get3A_581 = arith.index_cast %add3A_506 : i32 to index
        %get3A_582 = arith.constant 112 : index
        %get3A_583 = tpu.vector_load %arg12[%get3A_581, %get3A_582] {strides = array<i32>} : memref<128x128xf32, #tpu.memory_space<vmem>>, vector<1x16xf32>,
        %get3A_584 = vector.shape_cast %get3A_583 : vector<1x16xf32> to vector<16xf32>
        %mul3A_585 = arith.mulf %get3A_584, %gather3A_510 : vector<16xf32>
        %swap3A_586 = arith.index_cast %add3A_506 : i32 to index
        %swap3A_587 = arith.constant 112 : index
        %swap3A_588 = tpu.vector_load %arg12[%swap3A_586, %swap3A_587] {strides = array<i32>} : memref<128x128xf32, #tpu.memory_space<vmem>>, vector<1x16xf32>,
        %swap3A_589 = vector.shape_cast %swap3A_588 : vector<1x16xf32> to vector<16xf32>
        %swap3A_590 = vector.shape_cast %mul3A_585 : vector<16xf32> to vector<1x16xf32>
        tpu.vector_store %arg12[%swap3A_586, %swap3A_587], %swap3A_590 {strides = array<i32>} : memref<128x128xf32, #tpu.memory_space<vmem>>, vector<1x16xf32>,
        %mul3A_591 = arith.constant 16 : i32
        %mul3A_592 = arith.muli %scan3A_234, %mul3A_591 : i32
        %add3A_593 = arith.constant 4 : i32
        %add3A_594 = arith.addi %mul3A_592, %add3A_593 : i32
        %broadcast_in_dim3A_595 = arith.constant 4 : i32
        %broadcast_in_dim3A_596 = vector.broadcast %broadcast_in_dim3A_595 : i32 to vector<16x1xi32>
        %gather3A_597 = vector.shape_cast %broadcast_in_dim3A_596 : vector<16x1xi32> to vector<16xi32>
        %gather3A_598 = tpu.dynamic_gather %bitcast_convert_type3A[%gather3A_597] in [0] : vector<16xf32>, vector<16xi32> -> vector<16xf32>
        %get3A_599 = arith.index_cast %add3A_594 : i32 to index
        %get3A_600 = arith.constant 0 : index
        %get3A_601 = tpu.vector_load %arg12[%get3A_599, %get3A_600] {strides = array<i32>} : memref<128x128xf32, #tpu.memory_space<vmem>>, vector<1x16xf32>,
        %get3A_602 = vector.shape_cast %get3A_601 : vector<1x16xf32> to vector<16xf32>
        %mul3A_603 = arith.mulf %get3A_602, %gather3A_598 : vector<16xf32>
        %swap3A_604 = arith.index_cast %add3A_594 : i32 to index
        %swap3A_605 = arith.constant 0 : index
        %swap3A_606 = tpu.vector_load %arg12[%swap3A_604, %swap3A_605] {strides = array<i32>} : memref<128x128xf32, #tpu.memory_space<vmem>>, vector<1x16xf32>,
        %swap3A_607 = vector.shape_cast %swap3A_606 : vector<1x16xf32> to vector<16xf32>
        %swap3A_608 = vector.shape_cast %mul3A_603 : vector<16xf32> to vector<1x16xf32>
        tpu.vector_store %arg12[%swap3A_604, %swap3A_605], %swap3A_608 {strides = array<i32>} : memref<128x128xf32, #tpu.memory_space<vmem>>, vector<1x16xf32>,
        %get3A_609 = arith.index_cast %add3A_594 : i32 to index
        %get3A_610 = arith.constant 16 : index
        %get3A_611 = tpu.vector_load %arg12[%get3A_609, %get3A_610] {strides = array<i32>} : memref<128x128xf32, #tpu.memory_space<vmem>>, vector<1x16xf32>,
        %get3A_612 = vector.shape_cast %get3A_611 : vector<1x16xf32> to vector<16xf32>
        %mul3A_613 = arith.mulf %get3A_612, %gather3A_598 : vector<16xf32>
        %swap3A_614 = arith.index_cast %add3A_594 : i32 to index
        %swap3A_615 = arith.constant 16 : index
        %swap3A_616 = tpu.vector_load %arg12[%swap3A_614, %swap3A_615] {strides = array<i32>} : memref<128x128xf32, #tpu.memory_space<vmem>>, vector<1x16xf32>,
        %swap3A_617 = vector.shape_cast %swap3A_616 : vector<1x16xf32> to vector<16xf32>
        %swap3A_618 = vector.shape_cast %mul3A_613 : vector<16xf32> to vector<1x16xf32>
        tpu.vector_store %arg12[%swap3A_614, %swap3A_615], %swap3A_618 {strides = array<i32>} : memref<128x128xf32, #tpu.memory_space<vmem>>, vector<1x16xf32>,
        %get3A_619 = arith.index_cast %add3A_594 : i32 to index
        %get3A_620 = arith.constant 32 : index
        %get3A_621 = tpu.vector_load %arg12[%get3A_619, %get3A_620] {strides = array<i32>} : memref<128x128xf32, #tpu.memory_space<vmem>>, vector<1x16xf32>,
        %get3A_622 = vector.shape_cast %get3A_621 : vector<1x16xf32> to vector<16xf32>
        %mul3A_623 = arith.mulf %get3A_622, %gather3A_598 : vector<16xf32>
        %swap3A_624 = arith.index_cast %add3A_594 : i32 to index
        %swap3A_625 = arith.constant 32 : index
        %swap3A_626 = tpu.vector_load %arg12[%swap3A_624, %swap3A_625] {strides = array<i32>} : memref<128x128xf32, #tpu.memory_space<vmem>>, vector<1x16xf32>,
        %swap3A_627 = vector.shape_cast %swap3A_626 : vector<1x16xf32> to vector<16xf32>
        %swap3A_628 = vector.shape_cast %mul3A_623 : vector<16xf32> to vector<1x16xf32>
        tpu.vector_store %arg12[%swap3A_624, %swap3A_625], %swap3A_628 {strides = array<i32>} : memref<128x128xf32, #tpu.memory_space<vmem>>, vector<1x16xf32>,
        %get3A_629 = arith.index_cast %add3A_594 : i32 to index
        %get3A_630 = arith.constant 48 : index
        %get3A_631 = tpu.vector_load %arg12[%get3A_629, %get3A_630] {strides = array<i32>} : memref<128x128xf32, #tpu.memory_space<vmem>>, vector<1x16xf32>,
        %get3A_632 = vector.shape_cast %get3A_631 : vector<1x16xf32> to vector<16xf32>
        %mul3A_633 = arith.mulf %get3A_632, %gather3A_598 : vector<16xf32>
        %swap3A_634 = arith.index_cast %add3A_594 : i32 to index
        %swap3A_635 = arith.constant 48 : index
        %swap3A_636 = tpu.vector_load %arg12[%swap3A_634, %swap3A_635] {strides = array<i32>} : memref<128x128xf32, #tpu.memory_space<vmem>>, vector<1x16xf32>,
        %swap3A_637 = vector.shape_cast %swap3A_636 : vector<1x16xf32> to vector<16xf32>
        %swap3A_638 = vector.shape_cast %mul3A_633 : vector<16xf32> to vector<1x16xf32>
        tpu.vector_store %arg12[%swap3A_634, %swap3A_635], %swap3A_638 {strides = array<i32>} : memref<128x128xf32, #tpu.memory_space<vmem>>, vector<1x16xf32>,
        %get3A_639 = arith.index_cast %add3A_594 : i32 to index
        %get3A_640 = arith.constant 64 : index
        %get3A_641 = tpu.vector_load %arg12[%get3A_639, %get3A_640] {strides = array<i32>} : memref<128x128xf32, #tpu.memory_space<vmem>>, vector<1x16xf32>,
        %get3A_642 = vector.shape_cast %get3A_641 : vector<1x16xf32> to vector<16xf32>
        %mul3A_643 = arith.mulf %get3A_642, %gather3A_598 : vector<16xf32>
        %swap3A_644 = arith.index_cast %add3A_594 : i32 to index
        %swap3A_645 = arith.constant 64 : index
        %swap3A_646 = tpu.vector_load %arg12[%swap3A_644, %swap3A_645] {strides = array<i32>} : memref<128x128xf32, #tpu.memory_space<vmem>>, vector<1x16xf32>,
        %swap3A_647 = vector.shape_cast %swap3A_646 : vector<1x16xf32> to vector<16xf32>
        %swap3A_648 = vector.shape_cast %mul3A_643 : vector<16xf32> to vector<1x16xf32>
        tpu.vector_store %arg12[%swap3A_644, %swap3A_645], %swap3A_648 {strides = array<i32>} : memref<128x128xf32, #tpu.memory_space<vmem>>, vector<1x16xf32>,
        %get3A_649 = arith.index_cast %add3A_594 : i32 to index
        %get3A_650 = arith.constant 80 : index
        %get3A_651 = tpu.vector_load %arg12[%get3A_649, %get3A_650] {strides = array<i32>} : memref<128x128xf32, #tpu.memory_space<vmem>>, vector<1x16xf32>,
        %get3A_652 = vector.shape_cast %get3A_651 : vector<1x16xf32> to vector<16xf32>
        %mul3A_653 = arith.mulf %get3A_652, %gather3A_598 : vector<16xf32>
        %swap3A_654 = arith.index_cast %add3A_594 : i32 to index
        %swap3A_655 = arith.constant 80 : index
        %swap3A_656 = tpu.vector_load %arg12[%swap3A_654, %swap3A_655] {strides = array<i32>} : memref<128x128xf32, #tpu.memory_space<vmem>>, vector<1x16xf32>,
        %swap3A_657 = vector.shape_cast %swap3A_656 : vector<1x16xf32> to vector<16xf32>
        %swap3A_658 = vector.shape_cast %mul3A_653 : vector<16xf32> to vector<1x16xf32>
        tpu.vector_store %arg12[%swap3A_654, %swap3A_655], %swap3A_658 {strides = array<i32>} : memref<128x128xf32, #tpu.memory_space<vmem>>, vector<1x16xf32>,
        %get3A_659 = arith.index_cast %add3A_594 : i32 to index
        %get3A_660 = arith.constant 96 : index
        %get3A_661 = tpu.vector_load %arg12[%get3A_659, %get3A_660] {strides = array<i32>} : memref<128x128xf32, #tpu.memory_space<vmem>>, vector<1x16xf32>,
        %get3A_662 = vector.shape_cast %get3A_661 : vector<1x16xf32> to vector<16xf32>
        %mul3A_663 = arith.mulf %get3A_662, %gather3A_598 : vector<16xf32>
        %swap3A_664 = arith.index_cast %add3A_594 : i32 to index
        %swap3A_665 = arith.constant 96 : index
        %swap3A_666 = tpu.vector_load %arg12[%swap3A_664, %swap3A_665] {strides = array<i32>} : memref<128x128xf32, #tpu.memory_space<vmem>>, vector<1x16xf32>,
        %swap3A_667 = vector.shape_cast %swap3A_666 : vector<1x16xf32> to vector<16xf32>
        %swap3A_668 = vector.shape_cast %mul3A_663 : vector<16xf32> to vector<1x16xf32>
        tpu.vector_store %arg12[%swap3A_664, %swap3A_665], %swap3A_668 {strides = array<i32>} : memref<128x128xf32, #tpu.memory_space<vmem>>, vector<1x16xf32>,
        %get3A_669 = arith.index_cast %add3A_594 : i32 to index
        %get3A_670 = arith.constant 112 : index
        %get3A_671 = tpu.vector_load %arg12[%get3A_669, %get3A_670] {strides = array<i32>} : memref<128x128xf32, #tpu.memory_space<vmem>>, vector<1x16xf32>,
        %get3A_672 = vector.shape_cast %get3A_671 : vector<1x16xf32> to vector<16xf32>
        %mul3A_673 = arith.mulf %get3A_672, %gather3A_598 : vector<16xf32>
        %swap3A_674 = arith.index_cast %add3A_594 : i32 to index
        %swap3A_675 = arith.constant 112 : index
        %swap3A_676 = tpu.vector_load %arg12[%swap3A_674, %swap3A_675] {strides = array<i32>} : memref<128x128xf32, #tpu.memory_space<vmem>>, vector<1x16xf32>,
        %swap3A_677 = vector.shape_cast %swap3A_676 : vector<1x16xf32> to vector<16xf32>
        %swap3A_678 = vector.shape_cast %mul3A_673 : vector<16xf32> to vector<1x16xf32>
        tpu.vector_store %arg12[%swap3A_674, %swap3A_675], %swap3A_678 {strides = array<i32>} : memref<128x128xf32, #tpu.memory_space<vmem>>, vector<1x16xf32>,
        %mul3A_679 = arith.constant 16 : i32
        %mul3A_680 = arith.muli %scan3A_234, %mul3A_679 : i32
        %add3A_681 = arith.constant 5 : i32
        %add3A_682 = arith.addi %mul3A_680, %add3A_681 : i32
        %broadcast_in_dim3A_683 = arith.constant 5 : i32
        %broadcast_in_dim3A_684 = vector.broadcast %broadcast_in_dim3A_683 : i32 to vector<16x1xi32>
        %gather3A_685 = vector.shape_cast %broadcast_in_dim3A_684 : vector<16x1xi32> to vector<16xi32>
        %gather3A_686 = tpu.dynamic_gather %bitcast_convert_type3A[%gather3A_685] in [0] : vector<16xf32>, vector<16xi32> -> vector<16xf32>
        %get3A_687 = arith.index_cast %add3A_682 : i32 to index
        %get3A_688 = arith.constant 0 : index
        %get3A_689 = tpu.vector_load %arg12[%get3A_687, %get3A_688] {strides = array<i32>} : memref<128x128xf32, #tpu.memory_space<vmem>>, vector<1x16xf32>,
        %get3A_690 = vector.shape_cast %get3A_689 : vector<1x16xf32> to vector<16xf32>
        %mul3A_691 = arith.mulf %get3A_690, %gather3A_686 : vector<16xf32>
        %swap3A_692 = arith.index_cast %add3A_682 : i32 to index
        %swap3A_693 = arith.constant 0 : index
        %swap3A_694 = tpu.vector_load %arg12[%swap3A_692, %swap3A_693] {strides = array<i32>} : memref<128x128xf32, #tpu.memory_space<vmem>>, vector<1x16xf32>,
        %swap3A_695 = vector.shape_cast %swap3A_694 : vector<1x16xf32> to vector<16xf32>
        %swap3A_696 = vector.shape_cast %mul3A_691 : vector<16xf32> to vector<1x16xf32>
        tpu.vector_store %arg12[%swap3A_692, %swap3A_693], %swap3A_696 {strides = array<i32>} : memref<128x128xf32, #tpu.memory_space<vmem>>, vector<1x16xf32>,
        %get3A_697 = arith.index_cast %add3A_682 : i32 to index
        %get3A_698 = arith.constant 16 : index
        %get3A_699 = tpu.vector_load %arg12[%get3A_697, %get3A_698] {strides = array<i32>} : memref<128x128xf32, #tpu.memory_space<vmem>>, vector<1x16xf32>,
        %get3A_700 = vector.shape_cast %get3A_699 : vector<1x16xf32> to vector<16xf32>
        %mul3A_701 = arith.mulf %get3A_700, %gather3A_686 : vector<16xf32>
        %swap3A_702 = arith.index_cast %add3A_682 : i32 to index
        %swap3A_703 = arith.constant 16 : index
        %swap3A_704 = tpu.vector_load %arg12[%swap3A_702, %swap3A_703] {strides = array<i32>} : memref<128x128xf32, #tpu.memory_space<vmem>>, vector<1x16xf32>,
        %swap3A_705 = vector.shape_cast %swap3A_704 : vector<1x16xf32> to vector<16xf32>
        %swap3A_706 = vector.shape_cast %mul3A_701 : vector<16xf32> to vector<1x16xf32>
        tpu.vector_store %arg12[%swap3A_702, %swap3A_703], %swap3A_706 {strides = array<i32>} : memref<128x128xf32, #tpu.memory_space<vmem>>, vector<1x16xf32>,
        %get3A_707 = arith.index_cast %add3A_682 : i32 to index
        %get3A_708 = arith.constant 32 : index
        %get3A_709 = tpu.vector_load %arg12[%get3A_707, %get3A_708] {strides = array<i32>} : memref<128x128xf32, #tpu.memory_space<vmem>>, vector<1x16xf32>,
        %get3A_710 = vector.shape_cast %get3A_709 : vector<1x16xf32> to vector<16xf32>
        %mul3A_711 = arith.mulf %get3A_710, %gather3A_686 : vector<16xf32>
        %swap3A_712 = arith.index_cast %add3A_682 : i32 to index
        %swap3A_713 = arith.constant 32 : index
        %swap3A_714 = tpu.vector_load %arg12[%swap3A_712, %swap3A_713] {strides = array<i32>} : memref<128x128xf32, #tpu.memory_space<vmem>>, vector<1x16xf32>,
        %swap3A_715 = vector.shape_cast %swap3A_714 : vector<1x16xf32> to vector<16xf32>
        %swap3A_716 = vector.shape_cast %mul3A_711 : vector<16xf32> to vector<1x16xf32>
        tpu.vector_store %arg12[%swap3A_712, %swap3A_713], %swap3A_716 {strides = array<i32>} : memref<128x128xf32, #tpu.memory_space<vmem>>, vector<1x16xf32>,
        %get3A_717 = arith.index_cast %add3A_682 : i32 to index
        %get3A_718 = arith.constant 48 : index
        %get3A_719 = tpu.vector_load %arg12[%get3A_717, %get3A_718] {strides = array<i32>} : memref<128x128xf32, #tpu.memory_space<vmem>>, vector<1x16xf32>,
        %get3A_720 = vector.shape_cast %get3A_719 : vector<1x16xf32> to vector<16xf32>
        %mul3A_721 = arith.mulf %get3A_720, %gather3A_686 : vector<16xf32>
        %swap3A_722 = arith.index_cast %add3A_682 : i32 to index
        %swap3A_723 = arith.constant 48 : index
        %swap3A_724 = tpu.vector_load %arg12[%swap3A_722, %swap3A_723] {strides = array<i32>} : memref<128x128xf32, #tpu.memory_space<vmem>>, vector<1x16xf32>,
        %swap3A_725 = vector.shape_cast %swap3A_724 : vector<1x16xf32> to vector<16xf32>
        %swap3A_726 = vector.shape_cast %mul3A_721 : vector<16xf32> to vector<1x16xf32>
        tpu.vector_store %arg12[%swap3A_722, %swap3A_723], %swap3A_726 {strides = array<i32>} : memref<128x128xf32, #tpu.memory_space<vmem>>, vector<1x16xf32>,
        %get3A_727 = arith.index_cast %add3A_682 : i32 to index
        %get3A_728 = arith.constant 64 : index
        %get3A_729 = tpu.vector_load %arg12[%get3A_727, %get3A_728] {strides = array<i32>} : memref<128x128xf32, #tpu.memory_space<vmem>>, vector<1x16xf32>,
        %get3A_730 = vector.shape_cast %get3A_729 : vector<1x16xf32> to vector<16xf32>
        %mul3A_731 = arith.mulf %get3A_730, %gather3A_686 : vector<16xf32>
        %swap3A_732 = arith.index_cast %add3A_682 : i32 to index
        %swap3A_733 = arith.constant 64 : index
        %swap3A_734 = tpu.vector_load %arg12[%swap3A_732, %swap3A_733] {strides = array<i32>} : memref<128x128xf32, #tpu.memory_space<vmem>>, vector<1x16xf32>,
        %swap3A_735 = vector.shape_cast %swap3A_734 : vector<1x16xf32> to vector<16xf32>
        %swap3A_736 = vector.shape_cast %mul3A_731 : vector<16xf32> to vector<1x16xf32>
        tpu.vector_store %arg12[%swap3A_732, %swap3A_733], %swap3A_736 {strides = array<i32>} : memref<128x128xf32, #tpu.memory_space<vmem>>, vector<1x16xf32>,
        %get3A_737 = arith.index_cast %add3A_682 : i32 to index
        %get3A_738 = arith.constant 80 : index
        %get3A_739 = tpu.vector_load %arg12[%get3A_737, %get3A_738] {strides = array<i32>} : memref<128x128xf32, #tpu.memory_space<vmem>>, vector<1x16xf32>,
        %get3A_740 = vector.shape_cast %get3A_739 : vector<1x16xf32> to vector<16xf32>
        %mul3A_741 = arith.mulf %get3A_740, %gather3A_686 : vector<16xf32>
        %swap3A_742 = arith.index_cast %add3A_682 : i32 to index
        %swap3A_743 = arith.constant 80 : index
        %swap3A_744 = tpu.vector_load %arg12[%swap3A_742, %swap3A_743] {strides = array<i32>} : memref<128x128xf32, #tpu.memory_space<vmem>>, vector<1x16xf32>,
        %swap3A_745 = vector.shape_cast %swap3A_744 : vector<1x16xf32> to vector<16xf32>
        %swap3A_746 = vector.shape_cast %mul3A_741 : vector<16xf32> to vector<1x16xf32>
        tpu.vector_store %arg12[%swap3A_742, %swap3A_743], %swap3A_746 {strides = array<i32>} : memref<128x128xf32, #tpu.memory_space<vmem>>, vector<1x16xf32>,
        %get3A_747 = arith.index_cast %add3A_682 : i32 to index
        %get3A_748 = arith.constant 96 : index
        %get3A_749 = tpu.vector_load %arg12[%get3A_747, %get3A_748] {strides = array<i32>} : memref<128x128xf32, #tpu.memory_space<vmem>>, vector<1x16xf32>,
        %get3A_750 = vector.shape_cast %get3A_749 : vector<1x16xf32> to vector<16xf32>
        %mul3A_751 = arith.mulf %get3A_750, %gather3A_686 : vector<16xf32>
        %swap3A_752 = arith.index_cast %add3A_682 : i32 to index
        %swap3A_753 = arith.constant 96 : index
        %swap3A_754 = tpu.vector_load %arg12[%swap3A_752, %swap3A_753] {strides = array<i32>} : memref<128x128xf32, #tpu.memory_space<vmem>>, vector<1x16xf32>,
        %swap3A_755 = vector.shape_cast %swap3A_754 : vector<1x16xf32> to vector<16xf32>
        %swap3A_756 = vector.shape_cast %mul3A_751 : vector<16xf32> to vector<1x16xf32>
        tpu.vector_store %arg12[%swap3A_752, %swap3A_753], %swap3A_756 {strides = array<i32>} : memref<128x128xf32, #tpu.memory_space<vmem>>, vector<1x16xf32>,
        %get3A_757 = arith.index_cast %add3A_682 : i32 to index
        %get3A_758 = arith.constant 112 : index
        %get3A_759 = tpu.vector_load %arg12[%get3A_757, %get3A_758] {strides = array<i32>} : memref<128x128xf32, #tpu.memory_space<vmem>>, vector<1x16xf32>,
        %get3A_760 = vector.shape_cast %get3A_759 : vector<1x16xf32> to vector<16xf32>
        %mul3A_761 = arith.mulf %get3A_760, %gather3A_686 : vector<16xf32>
        %swap3A_762 = arith.index_cast %add3A_682 : i32 to index
        %swap3A_763 = arith.constant 112 : index
        %swap3A_764 = tpu.vector_load %arg12[%swap3A_762, %swap3A_763] {strides = array<i32>} : memref<128x128xf32, #tpu.memory_space<vmem>>, vector<1x16xf32>,
        %swap3A_765 = vector.shape_cast %swap3A_764 : vector<1x16xf32> to vector<16xf32>
        %swap3A_766 = vector.shape_cast %mul3A_761 : vector<16xf32> to vector<1x16xf32>
        tpu.vector_store %arg12[%swap3A_762, %swap3A_763], %swap3A_766 {strides = array<i32>} : memref<128x128xf32, #tpu.memory_space<vmem>>, vector<1x16xf32>,
        %mul3A_767 = arith.constant 16 : i32
        %mul3A_768 = arith.muli %scan3A_234, %mul3A_767 : i32
        %add3A_769 = arith.constant 6 : i32
        %add3A_770 = arith.addi %mul3A_768, %add3A_769 : i32
        %broadcast_in_dim3A_771 = arith.constant 6 : i32
        %broadcast_in_dim3A_772 = vector.broadcast %broadcast_in_dim3A_771 : i32 to vector<16x1xi32>
        %gather3A_773 = vector.shape_cast %broadcast_in_dim3A_772 : vector<16x1xi32> to vector<16xi32>
        %gather3A_774 = tpu.dynamic_gather %bitcast_convert_type3A[%gather3A_773] in [0] : vector<16xf32>, vector<16xi32> -> vector<16xf32>
        %get3A_775 = arith.index_cast %add3A_770 : i32 to index
        %get3A_776 = arith.constant 0 : index
        %get3A_777 = tpu.vector_load %arg12[%get3A_775, %get3A_776] {strides = array<i32>} : memref<128x128xf32, #tpu.memory_space<vmem>>, vector<1x16xf32>,
        %get3A_778 = vector.shape_cast %get3A_777 : vector<1x16xf32> to vector<16xf32>
        %mul3A_779 = arith.mulf %get3A_778, %gather3A_774 : vector<16xf32>
        %swap3A_780 = arith.index_cast %add3A_770 : i32 to index
        %swap3A_781 = arith.constant 0 : index
        %swap3A_782 = tpu.vector_load %arg12[%swap3A_780, %swap3A_781] {strides = array<i32>} : memref<128x128xf32, #tpu.memory_space<vmem>>, vector<1x16xf32>,
        %swap3A_783 = vector.shape_cast %swap3A_782 : vector<1x16xf32> to vector<16xf32>
        %swap3A_784 = vector.shape_cast %mul3A_779 : vector<16xf32> to vector<1x16xf32>
        tpu.vector_store %arg12[%swap3A_780, %swap3A_781], %swap3A_784 {strides = array<i32>} : memref<128x128xf32, #tpu.memory_space<vmem>>, vector<1x16xf32>,
        %get3A_785 = arith.index_cast %add3A_770 : i32 to index
        %get3A_786 = arith.constant 16 : index
        %get3A_787 = tpu.vector_load %arg12[%get3A_785, %get3A_786] {strides = array<i32>} : memref<128x128xf32, #tpu.memory_space<vmem>>, vector<1x16xf32>,
        %get3A_788 = vector.shape_cast %get3A_787 : vector<1x16xf32> to vector<16xf32>
        %mul3A_789 = arith.mulf %get3A_788, %gather3A_774 : vector<16xf32>
        %swap3A_790 = arith.index_cast %add3A_770 : i32 to index
        %swap3A_791 = arith.constant 16 : index
        %swap3A_792 = tpu.vector_load %arg12[%swap3A_790, %swap3A_791] {strides = array<i32>} : memref<128x128xf32, #tpu.memory_space<vmem>>, vector<1x16xf32>,
        %swap3A_793 = vector.shape_cast %swap3A_792 : vector<1x16xf32> to vector<16xf32>
        %swap3A_794 = vector.shape_cast %mul3A_789 : vector<16xf32> to vector<1x16xf32>
        tpu.vector_store %arg12[%swap3A_790, %swap3A_791], %swap3A_794 {strides = array<i32>} : memref<128x128xf32, #tpu.memory_space<vmem>>, vector<1x16xf32>,
        %get3A_795 = arith.index_cast %add3A_770 : i32 to index
        %get3A_796 = arith.constant 32 : index
        %get3A_797 = tpu.vector_load %arg12[%get3A_795, %get3A_796] {strides = array<i32>} : memref<128x128xf32, #tpu.memory_space<vmem>>, vector<1x16xf32>,
        %get3A_798 = vector.shape_cast %get3A_797 : vector<1x16xf32> to vector<16xf32>
        %mul3A_799 = arith.mulf %get3A_798, %gather3A_774 : vector<16xf32>
        %swap3A_800 = arith.index_cast %add3A_770 : i32 to index
        %swap3A_801 = arith.constant 32 : index
        %swap3A_802 = tpu.vector_load %arg12[%swap3A_800, %swap3A_801] {strides = array<i32>} : memref<128x128xf32, #tpu.memory_space<vmem>>, vector<1x16xf32>,
        %swap3A_803 = vector.shape_cast %swap3A_802 : vector<1x16xf32> to vector<16xf32>
        %swap3A_804 = vector.shape_cast %mul3A_799 : vector<16xf32> to vector<1x16xf32>
        tpu.vector_store %arg12[%swap3A_800, %swap3A_801], %swap3A_804 {strides = array<i32>} : memref<128x128xf32, #tpu.memory_space<vmem>>, vector<1x16xf32>,
        %get3A_805 = arith.index_cast %add3A_770 : i32 to index
        %get3A_806 = arith.constant 48 : index
        %get3A_807 = tpu.vector_load %arg12[%get3A_805, %get3A_806] {strides = array<i32>} : memref<128x128xf32, #tpu.memory_space<vmem>>, vector<1x16xf32>,
        %get3A_808 = vector.shape_cast %get3A_807 : vector<1x16xf32> to vector<16xf32>
        %mul3A_809 = arith.mulf %get3A_808, %gather3A_774 : vector<16xf32>
        %swap3A_810 = arith.index_cast %add3A_770 : i32 to index
        %swap3A_811 = arith.constant 48 : index
        %swap3A_812 = tpu.vector_load %arg12[%swap3A_810, %swap3A_811] {strides = array<i32>} : memref<128x128xf32, #tpu.memory_space<vmem>>, vector<1x16xf32>,
        %swap3A_813 = vector.shape_cast %swap3A_812 : vector<1x16xf32> to vector<16xf32>
        %swap3A_814 = vector.shape_cast %mul3A_809 : vector<16xf32> to vector<1x16xf32>
        tpu.vector_store %arg12[%swap3A_810, %swap3A_811], %swap3A_814 {strides = array<i32>} : memref<128x128xf32, #tpu.memory_space<vmem>>, vector<1x16xf32>,
        %get3A_815 = arith.index_cast %add3A_770 : i32 to index
        %get3A_816 = arith.constant 64 : index
        %get3A_817 = tpu.vector_load %arg12[%get3A_815, %get3A_816] {strides = array<i32>} : memref<128x128xf32, #tpu.memory_space<vmem>>, vector<1x16xf32>,
        %get3A_818 = vector.shape_cast %get3A_817 : vector<1x16xf32> to vector<16xf32>
        %mul3A_819 = arith.mulf %get3A_818, %gather3A_774 : vector<16xf32>
        %swap3A_820 = arith.index_cast %add3A_770 : i32 to index
        %swap3A_821 = arith.constant 64 : index
        %swap3A_822 = tpu.vector_load %arg12[%swap3A_820, %swap3A_821] {strides = array<i32>} : memref<128x128xf32, #tpu.memory_space<vmem>>, vector<1x16xf32>,
        %swap3A_823 = vector.shape_cast %swap3A_822 : vector<1x16xf32> to vector<16xf32>
        %swap3A_824 = vector.shape_cast %mul3A_819 : vector<16xf32> to vector<1x16xf32>
        tpu.vector_store %arg12[%swap3A_820, %swap3A_821], %swap3A_824 {strides = array<i32>} : memref<128x128xf32, #tpu.memory_space<vmem>>, vector<1x16xf32>,
        %get3A_825 = arith.index_cast %add3A_770 : i32 to index
        %get3A_826 = arith.constant 80 : index
        %get3A_827 = tpu.vector_load %arg12[%get3A_825, %get3A_826] {strides = array<i32>} : memref<128x128xf32, #tpu.memory_space<vmem>>, vector<1x16xf32>,
        %get3A_828 = vector.shape_cast %get3A_827 : vector<1x16xf32> to vector<16xf32>
        %mul3A_829 = arith.mulf %get3A_828, %gather3A_774 : vector<16xf32>
        %swap3A_830 = arith.index_cast %add3A_770 : i32 to index
        %swap3A_831 = arith.constant 80 : index
        %swap3A_832 = tpu.vector_load %arg12[%swap3A_830, %swap3A_831] {strides = array<i32>} : memref<128x128xf32, #tpu.memory_space<vmem>>, vector<1x16xf32>,
        %swap3A_833 = vector.shape_cast %swap3A_832 : vector<1x16xf32> to vector<16xf32>
        %swap3A_834 = vector.shape_cast %mul3A_829 : vector<16xf32> to vector<1x16xf32>
        tpu.vector_store %arg12[%swap3A_830, %swap3A_831], %swap3A_834 {strides = array<i32>} : memref<128x128xf32, #tpu.memory_space<vmem>>, vector<1x16xf32>,
        %get3A_835 = arith.index_cast %add3A_770 : i32 to index
        %get3A_836 = arith.constant 96 : index
        %get3A_837 = tpu.vector_load %arg12[%get3A_835, %get3A_836] {strides = array<i32>} : memref<128x128xf32, #tpu.memory_space<vmem>>, vector<1x16xf32>,
        %get3A_838 = vector.shape_cast %get3A_837 : vector<1x16xf32> to vector<16xf32>
        %mul3A_839 = arith.mulf %get3A_838, %gather3A_774 : vector<16xf32>
        %swap3A_840 = arith.index_cast %add3A_770 : i32 to index
        %swap3A_841 = arith.constant 96 : index
        %swap3A_842 = tpu.vector_load %arg12[%swap3A_840, %swap3A_841] {strides = array<i32>} : memref<128x128xf32, #tpu.memory_space<vmem>>, vector<1x16xf32>,
        %swap3A_843 = vector.shape_cast %swap3A_842 : vector<1x16xf32> to vector<16xf32>
        %swap3A_844 = vector.shape_cast %mul3A_839 : vector<16xf32> to vector<1x16xf32>
        tpu.vector_store %arg12[%swap3A_840, %swap3A_841], %swap3A_844 {strides = array<i32>} : memref<128x128xf32, #tpu.memory_space<vmem>>, vector<1x16xf32>,
        %get3A_845 = arith.index_cast %add3A_770 : i32 to index
        %get3A_846 = arith.constant 112 : index
        %get3A_847 = tpu.vector_load %arg12[%get3A_845, %get3A_846] {strides = array<i32>} : memref<128x128xf32, #tpu.memory_space<vmem>>, vector<1x16xf32>,
        %get3A_848 = vector.shape_cast %get3A_847 : vector<1x16xf32> to vector<16xf32>
        %mul3A_849 = arith.mulf %get3A_848, %gather3A_774 : vector<16xf32>
        %swap3A_850 = arith.index_cast %add3A_770 : i32 to index
        %swap3A_851 = arith.constant 112 : index
        %swap3A_852 = tpu.vector_load %arg12[%swap3A_850, %swap3A_851] {strides = array<i32>} : memref<128x128xf32, #tpu.memory_space<vmem>>, vector<1x16xf32>,
        %swap3A_853 = vector.shape_cast %swap3A_852 : vector<1x16xf32> to vector<16xf32>
        %swap3A_854 = vector.shape_cast %mul3A_849 : vector<16xf32> to vector<1x16xf32>
        tpu.vector_store %arg12[%swap3A_850, %swap3A_851], %swap3A_854 {strides = array<i32>} : memref<128x128xf32, #tpu.memory_space<vmem>>, vector<1x16xf32>,
        %mul3A_855 = arith.constant 16 : i32
        %mul3A_856 = arith.muli %scan3A_234, %mul3A_855 : i32
        %add3A_857 = arith.constant 7 : i32
        %add3A_858 = arith.addi %mul3A_856, %add3A_857 : i32
        %broadcast_in_dim3A_859 = arith.constant 7 : i32
        %broadcast_in_dim3A_860 = vector.broadcast %broadcast_in_dim3A_859 : i32 to vector<16x1xi32>
        %gather3A_861 = vector.shape_cast %broadcast_in_dim3A_860 : vector<16x1xi32> to vector<16xi32>
        %gather3A_862 = tpu.dynamic_gather %bitcast_convert_type3A[%gather3A_861] in [0] : vector<16xf32>, vector<16xi32> -> vector<16xf32>
        %get3A_863 = arith.index_cast %add3A_858 : i32 to index
        %get3A_864 = arith.constant 0 : index
        %get3A_865 = tpu.vector_load %arg12[%get3A_863, %get3A_864] {strides = array<i32>} : memref<128x128xf32, #tpu.memory_space<vmem>>, vector<1x16xf32>,
        %get3A_866 = vector.shape_cast %get3A_865 : vector<1x16xf32> to vector<16xf32>
        %mul3A_867 = arith.mulf %get3A_866, %gather3A_862 : vector<16xf32>
        %swap3A_868 = arith.index_cast %add3A_858 : i32 to index
        %swap3A_869 = arith.constant 0 : index
        %swap3A_870 = tpu.vector_load %arg12[%swap3A_868, %swap3A_869] {strides = array<i32>} : memref<128x128xf32, #tpu.memory_space<vmem>>, vector<1x16xf32>,
        %swap3A_871 = vector.shape_cast %swap3A_870 : vector<1x16xf32> to vector<16xf32>
        %swap3A_872 = vector.shape_cast %mul3A_867 : vector<16xf32> to vector<1x16xf32>
        tpu.vector_store %arg12[%swap3A_868, %swap3A_869], %swap3A_872 {strides = array<i32>} : memref<128x128xf32, #tpu.memory_space<vmem>>, vector<1x16xf32>,
        %get3A_873 = arith.index_cast %add3A_858 : i32 to index
        %get3A_874 = arith.constant 16 : index
        %get3A_875 = tpu.vector_load %arg12[%get3A_873, %get3A_874] {strides = array<i32>} : memref<128x128xf32, #tpu.memory_space<vmem>>, vector<1x16xf32>,
        %get3A_876 = vector.shape_cast %get3A_875 : vector<1x16xf32> to vector<16xf32>
        %mul3A_877 = arith.mulf %get3A_876, %gather3A_862 : vector<16xf32>
        %swap3A_878 = arith.index_cast %add3A_858 : i32 to index
        %swap3A_879 = arith.constant 16 : index
        %swap3A_880 = tpu.vector_load %arg12[%swap3A_878, %swap3A_879] {strides = array<i32>} : memref<128x128xf32, #tpu.memory_space<vmem>>, vector<1x16xf32>,
        %swap3A_881 = vector.shape_cast %swap3A_880 : vector<1x16xf32> to vector<16xf32>
        %swap3A_882 = vector.shape_cast %mul3A_877 : vector<16xf32> to vector<1x16xf32>
        tpu.vector_store %arg12[%swap3A_878, %swap3A_879], %swap3A_882 {strides = array<i32>} : memref<128x128xf32, #tpu.memory_space<vmem>>, vector<1x16xf32>,
        %get3A_883 = arith.index_cast %add3A_858 : i32 to index
        %get3A_884 = arith.constant 32 : index
        %get3A_885 = tpu.vector_load %arg12[%get3A_883, %get3A_884] {strides = array<i32>} : memref<128x128xf32, #tpu.memory_space<vmem>>, vector<1x16xf32>,
        %get3A_886 = vector.shape_cast %get3A_885 : vector<1x16xf32> to vector<16xf32>
        %mul3A_887 = arith.mulf %get3A_886, %gather3A_862 : vector<16xf32>
        %swap3A_888 = arith.index_cast %add3A_858 : i32 to index
        %swap3A_889 = arith.constant 32 : index
        %swap3A_890 = tpu.vector_load %arg12[%swap3A_888, %swap3A_889] {strides = array<i32>} : memref<128x128xf32, #tpu.memory_space<vmem>>, vector<1x16xf32>,
        %swap3A_891 = vector.shape_cast %swap3A_890 : vector<1x16xf32> to vector<16xf32>
        %swap3A_892 = vector.shape_cast %mul3A_887 : vector<16xf32> to vector<1x16xf32>
        tpu.vector_store %arg12[%swap3A_888, %swap3A_889], %swap3A_892 {strides = array<i32>} : memref<128x128xf32, #tpu.memory_space<vmem>>, vector<1x16xf32>,
        %get3A_893 = arith.index_cast %add3A_858 : i32 to index
        %get3A_894 = arith.constant 48 : index
        %get3A_895 = tpu.vector_load %arg12[%get3A_893, %get3A_894] {strides = array<i32>} : memref<128x128xf32, #tpu.memory_space<vmem>>, vector<1x16xf32>,
        %get3A_896 = vector.shape_cast %get3A_895 : vector<1x16xf32> to vector<16xf32>
        %mul3A_897 = arith.mulf %get3A_896, %gather3A_862 : vector<16xf32>
        %swap3A_898 = arith.index_cast %add3A_858 : i32 to index
        %swap3A_899 = arith.constant 48 : index
        %swap3A_900 = tpu.vector_load %arg12[%swap3A_898, %swap3A_899] {strides = array<i32>} : memref<128x128xf32, #tpu.memory_space<vmem>>, vector<1x16xf32>,
        %swap3A_901 = vector.shape_cast %swap3A_900 : vector<1x16xf32> to vector<16xf32>
        %swap3A_902 = vector.shape_cast %mul3A_897 : vector<16xf32> to vector<1x16xf32>
        tpu.vector_store %arg12[%swap3A_898, %swap3A_899], %swap3A_902 {strides = array<i32>} : memref<128x128xf32, #tpu.memory_space<vmem>>, vector<1x16xf32>,
        %get3A_903 = arith.index_cast %add3A_858 : i32 to index
        %get3A_904 = arith.constant 64 : index
        %get3A_905 = tpu.vector_load %arg12[%get3A_903, %get3A_904] {strides = array<i32>} : memref<128x128xf32, #tpu.memory_space<vmem>>, vector<1x16xf32>,
        %get3A_906 = vector.shape_cast %get3A_905 : vector<1x16xf32> to vector<16xf32>
        %mul3A_907 = arith.mulf %get3A_906, %gather3A_862 : vector<16xf32>
        %swap3A_908 = arith.index_cast %add3A_858 : i32 to index
        %swap3A_909 = arith.constant 64 : index
        %swap3A_910 = tpu.vector_load %arg12[%swap3A_908, %swap3A_909] {strides = array<i32>} : memref<128x128xf32, #tpu.memory_space<vmem>>, vector<1x16xf32>,
        %swap3A_911 = vector.shape_cast %swap3A_910 : vector<1x16xf32> to vector<16xf32>
        %swap3A_912 = vector.shape_cast %mul3A_907 : vector<16xf32> to vector<1x16xf32>
        tpu.vector_store %arg12[%swap3A_908, %swap3A_909], %swap3A_912 {strides = array<i32>} : memref<128x128xf32, #tpu.memory_space<vmem>>, vector<1x16xf32>,
        %get3A_913 = arith.index_cast %add3A_858 : i32 to index
        %get3A_914 = arith.constant 80 : index
        %get3A_915 = tpu.vector_load %arg12[%get3A_913, %get3A_914] {strides = array<i32>} : memref<128x128xf32, #tpu.memory_space<vmem>>, vector<1x16xf32>,
        %get3A_916 = vector.shape_cast %get3A_915 : vector<1x16xf32> to vector<16xf32>
        %mul3A_917 = arith.mulf %get3A_916, %gather3A_862 : vector<16xf32>
        %swap3A_918 = arith.index_cast %add3A_858 : i32 to index
        %swap3A_919 = arith.constant 80 : index
        %swap3A_920 = tpu.vector_load %arg12[%swap3A_918, %swap3A_919] {strides = array<i32>} : memref<128x128xf32, #tpu.memory_space<vmem>>, vector<1x16xf32>,
        %swap3A_921 = vector.shape_cast %swap3A_920 : vector<1x16xf32> to vector<16xf32>
        %swap3A_922 = vector.shape_cast %mul3A_917 : vector<16xf32> to vector<1x16xf32>
        tpu.vector_store %arg12[%swap3A_918, %swap3A_919], %swap3A_922 {strides = array<i32>} : memref<128x128xf32, #tpu.memory_space<vmem>>, vector<1x16xf32>,
        %get3A_923 = arith.index_cast %add3A_858 : i32 to index
        %get3A_924 = arith.constant 96 : index
        %get3A_925 = tpu.vector_load %arg12[%get3A_923, %get3A_924] {strides = array<i32>} : memref<128x128xf32, #tpu.memory_space<vmem>>, vector<1x16xf32>,
        %get3A_926 = vector.shape_cast %get3A_925 : vector<1x16xf32> to vector<16xf32>
        %mul3A_927 = arith.mulf %get3A_926, %gather3A_862 : vector<16xf32>
        %swap3A_928 = arith.index_cast %add3A_858 : i32 to index
        %swap3A_929 = arith.constant 96 : index
        %swap3A_930 = tpu.vector_load %arg12[%swap3A_928, %swap3A_929] {strides = array<i32>} : memref<128x128xf32, #tpu.memory_space<vmem>>, vector<1x16xf32>,
        %swap3A_931 = vector.shape_cast %swap3A_930 : vector<1x16xf32> to vector<16xf32>
        %swap3A_932 = vector.shape_cast %mul3A_927 : vector<16xf32> to vector<1x16xf32>
        tpu.vector_store %arg12[%swap3A_928, %swap3A_929], %swap3A_932 {strides = array<i32>} : memref<128x128xf32, #tpu.memory_space<vmem>>, vector<1x16xf32>,
        %get3A_933 = arith.index_cast %add3A_858 : i32 to index
        %get3A_934 = arith.constant 112 : index
        %get3A_935 = tpu.vector_load %arg12[%get3A_933, %get3A_934] {strides = array<i32>} : memref<128x128xf32, #tpu.memory_space<vmem>>, vector<1x16xf32>,
        %get3A_936 = vector.shape_cast %get3A_935 : vector<1x16xf32> to vector<16xf32>
        %mul3A_937 = arith.mulf %get3A_936, %gather3A_862 : vector<16xf32>
        %swap3A_938 = arith.index_cast %add3A_858 : i32 to index
        %swap3A_939 = arith.constant 112 : index
        %swap3A_940 = tpu.vector_load %arg12[%swap3A_938, %swap3A_939] {strides = array<i32>} : memref<128x128xf32, #tpu.memory_space<vmem>>, vector<1x16xf32>,
        %swap3A_941 = vector.shape_cast %swap3A_940 : vector<1x16xf32> to vector<16xf32>
        %swap3A_942 = vector.shape_cast %mul3A_937 : vector<16xf32> to vector<1x16xf32>
        tpu.vector_store %arg12[%swap3A_938, %swap3A_939], %swap3A_942 {strides = array<i32>} : memref<128x128xf32, #tpu.memory_space<vmem>>, vector<1x16xf32>,
        %mul3A_943 = arith.constant 16 : i32
        %mul3A_944 = arith.muli %scan3A_234, %mul3A_943 : i32
        %add3A_945 = arith.constant 8 : i32
        %add3A_946 = arith.addi %mul3A_944, %add3A_945 : i32
        %broadcast_in_dim3A_947 = arith.constant 8 : i32
        %broadcast_in_dim3A_948 = vector.broadcast %broadcast_in_dim3A_947 : i32 to vector<16x1xi32>
        %gather3A_949 = vector.shape_cast %broadcast_in_dim3A_948 : vector<16x1xi32> to vector<16xi32>
        %gather3A_950 = tpu.dynamic_gather %bitcast_convert_type3A[%gather3A_949] in [0] : vector<16xf32>, vector<16xi32> -> vector<16xf32>
        %get3A_951 = arith.index_cast %add3A_946 : i32 to index
        %get3A_952 = arith.constant 0 : index
        %get3A_953 = tpu.vector_load %arg12[%get3A_951, %get3A_952] {strides = array<i32>} : memref<128x128xf32, #tpu.memory_space<vmem>>, vector<1x16xf32>,
        %get3A_954 = vector.shape_cast %get3A_953 : vector<1x16xf32> to vector<16xf32>
        %mul3A_955 = arith.mulf %get3A_954, %gather3A_950 : vector<16xf32>
        %swap3A_956 = arith.index_cast %add3A_946 : i32 to index
        %swap3A_957 = arith.constant 0 : index
        %swap3A_958 = tpu.vector_load %arg12[%swap3A_956, %swap3A_957] {strides = array<i32>} : memref<128x128xf32, #tpu.memory_space<vmem>>, vector<1x16xf32>,
        %swap3A_959 = vector.shape_cast %swap3A_958 : vector<1x16xf32> to vector<16xf32>
        %swap3A_960 = vector.shape_cast %mul3A_955 : vector<16xf32> to vector<1x16xf32>
        tpu.vector_store %arg12[%swap3A_956, %swap3A_957], %swap3A_960 {strides = array<i32>} : memref<128x128xf32, #tpu.memory_space<vmem>>, vector<1x16xf32>,
        %get3A_961 = arith.index_cast %add3A_946 : i32 to index
        %get3A_962 = arith.constant 16 : index
        %get3A_963 = tpu.vector_load %arg12[%get3A_961, %get3A_962] {strides = array<i32>} : memref<128x128xf32, #tpu.memory_space<vmem>>, vector<1x16xf32>,
        %get3A_964 = vector.shape_cast %get3A_963 : vector<1x16xf32> to vector<16xf32>
        %mul3A_965 = arith.mulf %get3A_964, %gather3A_950 : vector<16xf32>
        %swap3A_966 = arith.index_cast %add3A_946 : i32 to index
        %swap3A_967 = arith.constant 16 : index
        %swap3A_968 = tpu.vector_load %arg12[%swap3A_966, %swap3A_967] {strides = array<i32>} : memref<128x128xf32, #tpu.memory_space<vmem>>, vector<1x16xf32>,
        %swap3A_969 = vector.shape_cast %swap3A_968 : vector<1x16xf32> to vector<16xf32>
        %swap3A_970 = vector.shape_cast %mul3A_965 : vector<16xf32> to vector<1x16xf32>
        tpu.vector_store %arg12[%swap3A_966, %swap3A_967], %swap3A_970 {strides = array<i32>} : memref<128x128xf32, #tpu.memory_space<vmem>>, vector<1x16xf32>,
        %get3A_971 = arith.index_cast %add3A_946 : i32 to index
        %get3A_972 = arith.constant 32 : index
        %get3A_973 = tpu.vector_load %arg12[%get3A_971, %get3A_972] {strides = array<i32>} : memref<128x128xf32, #tpu.memory_space<vmem>>, vector<1x16xf32>,
        %get3A_974 = vector.shape_cast %get3A_973 : vector<1x16xf32> to vector<16xf32>
        %mul3A_975 = arith.mulf %get3A_974, %gather3A_950 : vector<16xf32>
        %swap3A_976 = arith.index_cast %add3A_946 : i32 to index
        %swap3A_977 = arith.constant 32 : index
        %swap3A_978 = tpu.vector_load %arg12[%swap3A_976, %swap3A_977] {strides = array<i32>} : memref<128x128xf32, #tpu.memory_space<vmem>>, vector<1x16xf32>,
        %swap3A_979 = vector.shape_cast %swap3A_978 : vector<1x16xf32> to vector<16xf32>
        %swap3A_980 = vector.shape_cast %mul3A_975 : vector<16xf32> to vector<1x16xf32>
        tpu.vector_store %arg12[%swap3A_976, %swap3A_977], %swap3A_980 {strides = array<i32>} : memref<128x128xf32, #tpu.memory_space<vmem>>, vector<1x16xf32>,
        %get3A_981 = arith.index_cast %add3A_946 : i32 to index
        %get3A_982 = arith.constant 48 : index
        %get3A_983 = tpu.vector_load %arg12[%get3A_981, %get3A_982] {strides = array<i32>} : memref<128x128xf32, #tpu.memory_space<vmem>>, vector<1x16xf32>,
        %get3A_984 = vector.shape_cast %get3A_983 : vector<1x16xf32> to vector<16xf32>
        %mul3A_985 = arith.mulf %get3A_984, %gather3A_950 : vector<16xf32>
        %swap3A_986 = arith.index_cast %add3A_946 : i32 to index
        %swap3A_987 = arith.constant 48 : index
        %swap3A_988 = tpu.vector_load %arg12[%swap3A_986, %swap3A_987] {strides = array<i32>} : memref<128x128xf32, #tpu.memory_space<vmem>>, vector<1x16xf32>,
        %swap3A_989 = vector.shape_cast %swap3A_988 : vector<1x16xf32> to vector<16xf32>
        %swap3A_990 = vector.shape_cast %mul3A_985 : vector<16xf32> to vector<1x16xf32>
        tpu.vector_store %arg12[%swap3A_986, %swap3A_987], %swap3A_990 {strides = array<i32>} : memref<128x128xf32, #tpu.memory_space<vmem>>, vector<1x16xf32>,
        %get3A_991 = arith.index_cast %add3A_946 : i32 to index
        %get3A_992 = arith.constant 64 : index
        %get3A_993 = tpu.vector_load %arg12[%get3A_991, %get3A_992] {strides = array<i32>} : memref<128x128xf32, #tpu.memory_space<vmem>>, vector<1x16xf32>,
        %get3A_994 = vector.shape_cast %get3A_993 : vector<1x16xf32> to vector<16xf32>
        %mul3A_995 = arith.mulf %get3A_994, %gather3A_950 : vector<16xf32>
        %swap3A_996 = arith.index_cast %add3A_946 : i32 to index
        %swap3A_997 = arith.constant 64 : index
        %swap3A_998 = tpu.vector_load %arg12[%swap3A_996, %swap3A_997] {strides = array<i32>} : memref<128x128xf32, #tpu.memory_space<vmem>>, vector<1x16xf32>,
        %swap3A_999 = vector.shape_cast %swap3A_998 : vector<1x16xf32> to vector<16xf32>
        %swap3A_1000 = vector.shape_cast %mul3A_995 : vector<16xf32> to vector<1x16xf32>
        tpu.vector_store %arg12[%swap3A_996, %swap3A_997], %swap3A_1000 {strides = array<i32>} : memref<128x128xf32, #tpu.memory_space<vmem>>, vector<1x16xf32>,
        %get3A_1001 = arith.index_cast %add3A_946 : i32 to index
        %get3A_1002 = arith.constant 80 : index
        %get3A_1003 = tpu.vector_load %arg12[%get3A_1001, %get3A_1002] {strides = array<i32>} : memref<128x128xf32, #tpu.memory_space<vmem>>, vector<1x16xf32>,
        %get3A_1004 = vector.shape_cast %get3A_1003 : vector<1x16xf32> to vector<16xf32>
        %mul3A_1005 = arith.mulf %get3A_1004, %gather3A_950 : vector<16xf32>
        %swap3A_1006 = arith.index_cast %add3A_946 : i32 to index
        %swap3A_1007 = arith.constant 80 : index
        %swap3A_1008 = tpu.vector_load %arg12[%swap3A_1006, %swap3A_1007] {strides = array<i32>} : memref<128x128xf32, #tpu.memory_space<vmem>>, vector<1x16xf32>,
        %swap3A_1009 = vector.shape_cast %swap3A_1008 : vector<1x16xf32> to vector<16xf32>
        %swap3A_1010 = vector.shape_cast %mul3A_1005 : vector<16xf32> to vector<1x16xf32>
        tpu.vector_store %arg12[%swap3A_1006, %swap3A_1007], %swap3A_1010 {strides = array<i32>} : memref<128x128xf32, #tpu.memory_space<vmem>>, vector<1x16xf32>,
        %get3A_1011 = arith.index_cast %add3A_946 : i32 to index
        %get3A_1012 = arith.constant 96 : index
        %get3A_1013 = tpu.vector_load %arg12[%get3A_1011, %get3A_1012] {strides = array<i32>} : memref<128x128xf32, #tpu.memory_space<vmem>>, vector<1x16xf32>,
        %get3A_1014 = vector.shape_cast %get3A_1013 : vector<1x16xf32> to vector<16xf32>
        %mul3A_1015 = arith.mulf %get3A_1014, %gather3A_950 : vector<16xf32>
        %swap3A_1016 = arith.index_cast %add3A_946 : i32 to index
        %swap3A_1017 = arith.constant 96 : index
        %swap3A_1018 = tpu.vector_load %arg12[%swap3A_1016, %swap3A_1017] {strides = array<i32>} : memref<128x128xf32, #tpu.memory_space<vmem>>, vector<1x16xf32>,
        %swap3A_1019 = vector.shape_cast %swap3A_1018 : vector<1x16xf32> to vector<16xf32>
        %swap3A_1020 = vector.shape_cast %mul3A_1015 : vector<16xf32> to vector<1x16xf32>
        tpu.vector_store %arg12[%swap3A_1016, %swap3A_1017], %swap3A_1020 {strides = array<i32>} : memref<128x128xf32, #tpu.memory_space<vmem>>, vector<1x16xf32>,
        %get3A_1021 = arith.index_cast %add3A_946 : i32 to index
        %get3A_1022 = arith.constant 112 : index
        %get3A_1023 = tpu.vector_load %arg12[%get3A_1021, %get3A_1022] {strides = array<i32>} : memref<128x128xf32, #tpu.memory_space<vmem>>, vector<1x16xf32>,
        %get3A_1024 = vector.shape_cast %get3A_1023 : vector<1x16xf32> to vector<16xf32>
        %mul3A_1025 = arith.mulf %get3A_1024, %gather3A_950 : vector<16xf32>
        %swap3A_1026 = arith.index_cast %add3A_946 : i32 to index
        %swap3A_1027 = arith.constant 112 : index
        %swap3A_1028 = tpu.vector_load %arg12[%swap3A_1026, %swap3A_1027] {strides = array<i32>} : memref<128x128xf32, #tpu.memory_space<vmem>>, vector<1x16xf32>,
        %swap3A_1029 = vector.shape_cast %swap3A_1028 : vector<1x16xf32> to vector<16xf32>
        %swap3A_1030 = vector.shape_cast %mul3A_1025 : vector<16xf32> to vector<1x16xf32>
        tpu.vector_store %arg12[%swap3A_1026, %swap3A_1027], %swap3A_1030 {strides = array<i32>} : memref<128x128xf32, #tpu.memory_space<vmem>>, vector<1x16xf32>,
        %mul3A_1031 = arith.constant 16 : i32
        %mul3A_1032 = arith.muli %scan3A_234, %mul3A_1031 : i32
        %add3A_1033 = arith.constant 9 : i32
        %add3A_1034 = arith.addi %mul3A_1032, %add3A_1033 : i32
        %broadcast_in_dim3A_1035 = arith.constant 9 : i32
        %broadcast_in_dim3A_1036 = vector.broadcast %broadcast_in_dim3A_1035 : i32 to vector<16x1xi32>
        %gather3A_1037 = vector.shape_cast %broadcast_in_dim3A_1036 : vector<16x1xi32> to vector<16xi32>
        %gather3A_1038 = tpu.dynamic_gather %bitcast_convert_type3A[%gather3A_1037] in [0] : vector<16xf32>, vector<16xi32> -> vector<16xf32>
        %get3A_1039 = arith.index_cast %add3A_1034 : i32 to index
        %get3A_1040 = arith.constant 0 : index
        %get3A_1041 = tpu.vector_load %arg12[%get3A_1039, %get3A_1040] {strides = array<i32>} : memref<128x128xf32, #tpu.memory_space<vmem>>, vector<1x16xf32>,
        %get3A_1042 = vector.shape_cast %get3A_1041 : vector<1x16xf32> to vector<16xf32>
        %mul3A_1043 = arith.mulf %get3A_1042, %gather3A_1038 : vector<16xf32>
        %swap3A_1044 = arith.index_cast %add3A_1034 : i32 to index
        %swap3A_1045 = arith.constant 0 : index
        %swap3A_1046 = tpu.vector_load %arg12[%swap3A_1044, %swap3A_1045] {strides = array<i32>} : memref<128x128xf32, #tpu.memory_space<vmem>>, vector<1x16xf32>,
        %swap3A_1047 = vector.shape_cast %swap3A_1046 : vector<1x16xf32> to vector<16xf32>
        %swap3A_1048 = vector.shape_cast %mul3A_1043 : vector<16xf32> to vector<1x16xf32>
        tpu.vector_store %arg12[%swap3A_1044, %swap3A_1045], %swap3A_1048 {strides = array<i32>} : memref<128x128xf32, #tpu.memory_space<vmem>>, vector<1x16xf32>,
        %get3A_1049 = arith.index_cast %add3A_1034 : i32 to index
        %get3A_1050 = arith.constant 16 : index
        %get3A_1051 = tpu.vector_load %arg12[%get3A_1049, %get3A_1050] {strides = array<i32>} : memref<128x128xf32, #tpu.memory_space<vmem>>, vector<1x16xf32>,
        %get3A_1052 = vector.shape_cast %get3A_1051 : vector<1x16xf32> to vector<16xf32>
        %mul3A_1053 = arith.mulf %get3A_1052, %gather3A_1038 : vector<16xf32>
        %swap3A_1054 = arith.index_cast %add3A_1034 : i32 to index
        %swap3A_1055 = arith.constant 16 : index
        %swap3A_1056 = tpu.vector_load %arg12[%swap3A_1054, %swap3A_1055] {strides = array<i32>} : memref<128x128xf32, #tpu.memory_space<vmem>>, vector<1x16xf32>,
        %swap3A_1057 = vector.shape_cast %swap3A_1056 : vector<1x16xf32> to vector<16xf32>
        %swap3A_1058 = vector.shape_cast %mul3A_1053 : vector<16xf32> to vector<1x16xf32>
        tpu.vector_store %arg12[%swap3A_1054, %swap3A_1055], %swap3A_1058 {strides = array<i32>} : memref<128x128xf32, #tpu.memory_space<vmem>>, vector<1x16xf32>,
        %get3A_1059 = arith.index_cast %add3A_1034 : i32 to index
        %get3A_1060 = arith.constant 32 : index
        %get3A_1061 = tpu.vector_load %arg12[%get3A_1059, %get3A_1060] {strides = array<i32>} : memref<128x128xf32, #tpu.memory_space<vmem>>, vector<1x16xf32>,
        %get3A_1062 = vector.shape_cast %get3A_1061 : vector<1x16xf32> to vector<16xf32>
        %mul3A_1063 = arith.mulf %get3A_1062, %gather3A_1038 : vector<16xf32>
        %swap3A_1064 = arith.index_cast %add3A_1034 : i32 to index
        %swap3A_1065 = arith.constant 32 : index
        %swap3A_1066 = tpu.vector_load %arg12[%swap3A_1064, %swap3A_1065] {strides = array<i32>} : memref<128x128xf32, #tpu.memory_space<vmem>>, vector<1x16xf32>,
        %swap3A_1067 = vector.shape_cast %swap3A_1066 : vector<1x16xf32> to vector<16xf32>
        %swap3A_1068 = vector.shape_cast %mul3A_1063 : vector<16xf32> to vector<1x16xf32>
        tpu.vector_store %arg12[%swap3A_1064, %swap3A_1065], %swap3A_1068 {strides = array<i32>} : memref<128x128xf32, #tpu.memory_space<vmem>>, vector<1x16xf32>,
        %get3A_1069 = arith.index_cast %add3A_1034 : i32 to index
        %get3A_1070 = arith.constant 48 : index
        %get3A_1071 = tpu.vector_load %arg12[%get3A_1069, %get3A_1070] {strides = array<i32>} : memref<128x128xf32, #tpu.memory_space<vmem>>, vector<1x16xf32>,
        %get3A_1072 = vector.shape_cast %get3A_1071 : vector<1x16xf32> to vector<16xf32>
        %mul3A_1073 = arith.mulf %get3A_1072, %gather3A_1038 : vector<16xf32>
        %swap3A_1074 = arith.index_cast %add3A_1034 : i32 to index
        %swap3A_1075 = arith.constant 48 : index
        %swap3A_1076 = tpu.vector_load %arg12[%swap3A_1074, %swap3A_1075] {strides = array<i32>} : memref<128x128xf32, #tpu.memory_space<vmem>>, vector<1x16xf32>,
        %swap3A_1077 = vector.shape_cast %swap3A_1076 : vector<1x16xf32> to vector<16xf32>
        %swap3A_1078 = vector.shape_cast %mul3A_1073 : vector<16xf32> to vector<1x16xf32>
        tpu.vector_store %arg12[%swap3A_1074, %swap3A_1075], %swap3A_1078 {strides = array<i32>} : memref<128x128xf32, #tpu.memory_space<vmem>>, vector<1x16xf32>,
        %get3A_1079 = arith.index_cast %add3A_1034 : i32 to index
        %get3A_1080 = arith.constant 64 : index
        %get3A_1081 = tpu.vector_load %arg12[%get3A_1079, %get3A_1080] {strides = array<i32>} : memref<128x128xf32, #tpu.memory_space<vmem>>, vector<1x16xf32>,
        %get3A_1082 = vector.shape_cast %get3A_1081 : vector<1x16xf32> to vector<16xf32>
        %mul3A_1083 = arith.mulf %get3A_1082, %gather3A_1038 : vector<16xf32>
        %swap3A_1084 = arith.index_cast %add3A_1034 : i32 to index
        %swap3A_1085 = arith.constant 64 : index
        %swap3A_1086 = tpu.vector_load %arg12[%swap3A_1084, %swap3A_1085] {strides = array<i32>} : memref<128x128xf32, #tpu.memory_space<vmem>>, vector<1x16xf32>,
        %swap3A_1087 = vector.shape_cast %swap3A_1086 : vector<1x16xf32> to vector<16xf32>
        %swap3A_1088 = vector.shape_cast %mul3A_1083 : vector<16xf32> to vector<1x16xf32>
        tpu.vector_store %arg12[%swap3A_1084, %swap3A_1085], %swap3A_1088 {strides = array<i32>} : memref<128x128xf32, #tpu.memory_space<vmem>>, vector<1x16xf32>,
        %get3A_1089 = arith.index_cast %add3A_1034 : i32 to index
        %get3A_1090 = arith.constant 80 : index
        %get3A_1091 = tpu.vector_load %arg12[%get3A_1089, %get3A_1090] {strides = array<i32>} : memref<128x128xf32, #tpu.memory_space<vmem>>, vector<1x16xf32>,
        %get3A_1092 = vector.shape_cast %get3A_1091 : vector<1x16xf32> to vector<16xf32>
        %mul3A_1093 = arith.mulf %get3A_1092, %gather3A_1038 : vector<16xf32>
        %swap3A_1094 = arith.index_cast %add3A_1034 : i32 to index
        %swap3A_1095 = arith.constant 80 : index
        %swap3A_1096 = tpu.vector_load %arg12[%swap3A_1094, %swap3A_1095] {strides = array<i32>} : memref<128x128xf32, #tpu.memory_space<vmem>>, vector<1x16xf32>,
        %swap3A_1097 = vector.shape_cast %swap3A_1096 : vector<1x16xf32> to vector<16xf32>
        %swap3A_1098 = vector.shape_cast %mul3A_1093 : vector<16xf32> to vector<1x16xf32>
        tpu.vector_store %arg12[%swap3A_1094, %swap3A_1095], %swap3A_1098 {strides = array<i32>} : memref<128x128xf32, #tpu.memory_space<vmem>>, vector<1x16xf32>,
        %get3A_1099 = arith.index_cast %add3A_1034 : i32 to index
        %get3A_1100 = arith.constant 96 : index
        %get3A_1101 = tpu.vector_load %arg12[%get3A_1099, %get3A_1100] {strides = array<i32>} : memref<128x128xf32, #tpu.memory_space<vmem>>, vector<1x16xf32>,
        %get3A_1102 = vector.shape_cast %get3A_1101 : vector<1x16xf32> to vector<16xf32>
        %mul3A_1103 = arith.mulf %get3A_1102, %gather3A_1038 : vector<16xf32>
        %swap3A_1104 = arith.index_cast %add3A_1034 : i32 to index
        %swap3A_1105 = arith.constant 96 : index
        %swap3A_1106 = tpu.vector_load %arg12[%swap3A_1104, %swap3A_1105] {strides = array<i32>} : memref<128x128xf32, #tpu.memory_space<vmem>>, vector<1x16xf32>,
        %swap3A_1107 = vector.shape_cast %swap3A_1106 : vector<1x16xf32> to vector<16xf32>
        %swap3A_1108 = vector.shape_cast %mul3A_1103 : vector<16xf32> to vector<1x16xf32>
        tpu.vector_store %arg12[%swap3A_1104, %swap3A_1105], %swap3A_1108 {strides = array<i32>} : memref<128x128xf32, #tpu.memory_space<vmem>>, vector<1x16xf32>,
        %get3A_1109 = arith.index_cast %add3A_1034 : i32 to index
        %get3A_1110 = arith.constant 112 : index
        %get3A_1111 = tpu.vector_load %arg12[%get3A_1109, %get3A_1110] {strides = array<i32>} : memref<128x128xf32, #tpu.memory_space<vmem>>, vector<1x16xf32>,
        %get3A_1112 = vector.shape_cast %get3A_1111 : vector<1x16xf32> to vector<16xf32>
        %mul3A_1113 = arith.mulf %get3A_1112, %gather3A_1038 : vector<16xf32>
        %swap3A_1114 = arith.index_cast %add3A_1034 : i32 to index
        %swap3A_1115 = arith.constant 112 : index
        %swap3A_1116 = tpu.vector_load %arg12[%swap3A_1114, %swap3A_1115] {strides = array<i32>} : memref<128x128xf32, #tpu.memory_space<vmem>>, vector<1x16xf32>,
        %swap3A_1117 = vector.shape_cast %swap3A_1116 : vector<1x16xf32> to vector<16xf32>
        %swap3A_1118 = vector.shape_cast %mul3A_1113 : vector<16xf32> to vector<1x16xf32>
        tpu.vector_store %arg12[%swap3A_1114, %swap3A_1115], %swap3A_1118 {strides = array<i32>} : memref<128x128xf32, #tpu.memory_space<vmem>>, vector<1x16xf32>,
        %mul3A_1119 = arith.constant 16 : i32
        %mul3A_1120 = arith.muli %scan3A_234, %mul3A_1119 : i32
        %add3A_1121 = arith.constant 10 : i32
        %add3A_1122 = arith.addi %mul3A_1120, %add3A_1121 : i32
        %broadcast_in_dim3A_1123 = arith.constant 10 : i32
        %broadcast_in_dim3A_1124 = vector.broadcast %broadcast_in_dim3A_1123 : i32 to vector<16x1xi32>
        %gather3A_1125 = vector.shape_cast %broadcast_in_dim3A_1124 : vector<16x1xi32> to vector<16xi32>
        %gather3A_1126 = tpu.dynamic_gather %bitcast_convert_type3A[%gather3A_1125] in [0] : vector<16xf32>, vector<16xi32> -> vector<16xf32>
        %get3A_1127 = arith.index_cast %add3A_1122 : i32 to index
        %get3A_1128 = arith.constant 0 : index
        %get3A_1129 = tpu.vector_load %arg12[%get3A_1127, %get3A_1128] {strides = array<i32>} : memref<128x128xf32, #tpu.memory_space<vmem>>, vector<1x16xf32>,
        %get3A_1130 = vector.shape_cast %get3A_1129 : vector<1x16xf32> to vector<16xf32>
        %mul3A_1131 = arith.mulf %get3A_1130, %gather3A_1126 : vector<16xf32>
        %swap3A_1132 = arith.index_cast %add3A_1122 : i32 to index
        %swap3A_1133 = arith.constant 0 : index
        %swap3A_1134 = tpu.vector_load %arg12[%swap3A_1132, %swap3A_1133] {strides = array<i32>} : memref<128x128xf32, #tpu.memory_space<vmem>>, vector<1x16xf32>,
        %swap3A_1135 = vector.shape_cast %swap3A_1134 : vector<1x16xf32> to vector<16xf32>
        %swap3A_1136 = vector.shape_cast %mul3A_1131 : vector<16xf32> to vector<1x16xf32>
        tpu.vector_store %arg12[%swap3A_1132, %swap3A_1133], %swap3A_1136 {strides = array<i32>} : memref<128x128xf32, #tpu.memory_space<vmem>>, vector<1x16xf32>,
        %get3A_1137 = arith.index_cast %add3A_1122 : i32 to index
        %get3A_1138 = arith.constant 16 : index
        %get3A_1139 = tpu.vector_load %arg12[%get3A_1137, %get3A_1138] {strides = array<i32>} : memref<128x128xf32, #tpu.memory_space<vmem>>, vector<1x16xf32>,
        %get3A_1140 = vector.shape_cast %get3A_1139 : vector<1x16xf32> to vector<16xf32>
        %mul3A_1141 = arith.mulf %get3A_1140, %gather3A_1126 : vector<16xf32>
        %swap3A_1142 = arith.index_cast %add3A_1122 : i32 to index
        %swap3A_1143 = arith.constant 16 : index
        %swap3A_1144 = tpu.vector_load %arg12[%swap3A_1142, %swap3A_1143] {strides = array<i32>} : memref<128x128xf32, #tpu.memory_space<vmem>>, vector<1x16xf32>,
        %swap3A_1145 = vector.shape_cast %swap3A_1144 : vector<1x16xf32> to vector<16xf32>
        %swap3A_1146 = vector.shape_cast %mul3A_1141 : vector<16xf32> to vector<1x16xf32>
        tpu.vector_store %arg12[%swap3A_1142, %swap3A_1143], %swap3A_1146 {strides = array<i32>} : memref<128x128xf32, #tpu.memory_space<vmem>>, vector<1x16xf32>,
        %get3A_1147 = arith.index_cast %add3A_1122 : i32 to index
        %get3A_1148 = arith.constant 32 : index
        %get3A_1149 = tpu.vector_load %arg12[%get3A_1147, %get3A_1148] {strides = array<i32>} : memref<128x128xf32, #tpu.memory_space<vmem>>, vector<1x16xf32>,
        %get3A_1150 = vector.shape_cast %get3A_1149 : vector<1x16xf32> to vector<16xf32>
        %mul3A_1151 = arith.mulf %get3A_1150, %gather3A_1126 : vector<16xf32>
        %swap3A_1152 = arith.index_cast %add3A_1122 : i32 to index
        %swap3A_1153 = arith.constant 32 : index
        %swap3A_1154 = tpu.vector_load %arg12[%swap3A_1152, %swap3A_1153] {strides = array<i32>} : memref<128x128xf32, #tpu.memory_space<vmem>>, vector<1x16xf32>,
        %swap3A_1155 = vector.shape_cast %swap3A_1154 : vector<1x16xf32> to vector<16xf32>
        %swap3A_1156 = vector.shape_cast %mul3A_1151 : vector<16xf32> to vector<1x16xf32>
        tpu.vector_store %arg12[%swap3A_1152, %swap3A_1153], %swap3A_1156 {strides = array<i32>} : memref<128x128xf32, #tpu.memory_space<vmem>>, vector<1x16xf32>,
        %get3A_1157 = arith.index_cast %add3A_1122 : i32 to index
        %get3A_1158 = arith.constant 48 : index
        %get3A_1159 = tpu.vector_load %arg12[%get3A_1157, %get3A_1158] {strides = array<i32>} : memref<128x128xf32, #tpu.memory_space<vmem>>, vector<1x16xf32>,
        %get3A_1160 = vector.shape_cast %get3A_1159 : vector<1x16xf32> to vector<16xf32>
        %mul3A_1161 = arith.mulf %get3A_1160, %gather3A_1126 : vector<16xf32>
        %swap3A_1162 = arith.index_cast %add3A_1122 : i32 to index
        %swap3A_1163 = arith.constant 48 : index
        %swap3A_1164 = tpu.vector_load %arg12[%swap3A_1162, %swap3A_1163] {strides = array<i32>} : memref<128x128xf32, #tpu.memory_space<vmem>>, vector<1x16xf32>,
        %swap3A_1165 = vector.shape_cast %swap3A_1164 : vector<1x16xf32> to vector<16xf32>
        %swap3A_1166 = vector.shape_cast %mul3A_1161 : vector<16xf32> to vector<1x16xf32>
        tpu.vector_store %arg12[%swap3A_1162, %swap3A_1163], %swap3A_1166 {strides = array<i32>} : memref<128x128xf32, #tpu.memory_space<vmem>>, vector<1x16xf32>,
        %get3A_1167 = arith.index_cast %add3A_1122 : i32 to index
        %get3A_1168 = arith.constant 64 : index
        %get3A_1169 = tpu.vector_load %arg12[%get3A_1167, %get3A_1168] {strides = array<i32>} : memref<128x128xf32, #tpu.memory_space<vmem>>, vector<1x16xf32>,
        %get3A_1170 = vector.shape_cast %get3A_1169 : vector<1x16xf32> to vector<16xf32>
        %mul3A_1171 = arith.mulf %get3A_1170, %gather3A_1126 : vector<16xf32>
        %swap3A_1172 = arith.index_cast %add3A_1122 : i32 to index
        %swap3A_1173 = arith.constant 64 : index
        %swap3A_1174 = tpu.vector_load %arg12[%swap3A_1172, %swap3A_1173] {strides = array<i32>} : memref<128x128xf32, #tpu.memory_space<vmem>>, vector<1x16xf32>,
        %swap3A_1175 = vector.shape_cast %swap3A_1174 : vector<1x16xf32> to vector<16xf32>
        %swap3A_1176 = vector.shape_cast %mul3A_1171 : vector<16xf32> to vector<1x16xf32>
        tpu.vector_store %arg12[%swap3A_1172, %swap3A_1173], %swap3A_1176 {strides = array<i32>} : memref<128x128xf32, #tpu.memory_space<vmem>>, vector<1x16xf32>,
        %get3A_1177 = arith.index_cast %add3A_1122 : i32 to index
        %get3A_1178 = arith.constant 80 : index
        %get3A_1179 = tpu.vector_load %arg12[%get3A_1177, %get3A_1178] {strides = array<i32>} : memref<128x128xf32, #tpu.memory_space<vmem>>, vector<1x16xf32>,
        %get3A_1180 = vector.shape_cast %get3A_1179 : vector<1x16xf32> to vector<16xf32>
        %mul3A_1181 = arith.mulf %get3A_1180, %gather3A_1126 : vector<16xf32>
        %swap3A_1182 = arith.index_cast %add3A_1122 : i32 to index
        %swap3A_1183 = arith.constant 80 : index
        %swap3A_1184 = tpu.vector_load %arg12[%swap3A_1182, %swap3A_1183] {strides = array<i32>} : memref<128x128xf32, #tpu.memory_space<vmem>>, vector<1x16xf32>,
        %swap3A_1185 = vector.shape_cast %swap3A_1184 : vector<1x16xf32> to vector<16xf32>
        %swap3A_1186 = vector.shape_cast %mul3A_1181 : vector<16xf32> to vector<1x16xf32>
        tpu.vector_store %arg12[%swap3A_1182, %swap3A_1183], %swap3A_1186 {strides = array<i32>} : memref<128x128xf32, #tpu.memory_space<vmem>>, vector<1x16xf32>,
        %get3A_1187 = arith.index_cast %add3A_1122 : i32 to index
        %get3A_1188 = arith.constant 96 : index
        %get3A_1189 = tpu.vector_load %arg12[%get3A_1187, %get3A_1188] {strides = array<i32>} : memref<128x128xf32, #tpu.memory_space<vmem>>, vector<1x16xf32>,
        %get3A_1190 = vector.shape_cast %get3A_1189 : vector<1x16xf32> to vector<16xf32>
        %mul3A_1191 = arith.mulf %get3A_1190, %gather3A_1126 : vector<16xf32>
        %swap3A_1192 = arith.index_cast %add3A_1122 : i32 to index
        %swap3A_1193 = arith.constant 96 : index
        %swap3A_1194 = tpu.vector_load %arg12[%swap3A_1192, %swap3A_1193] {strides = array<i32>} : memref<128x128xf32, #tpu.memory_space<vmem>>, vector<1x16xf32>,
        %swap3A_1195 = vector.shape_cast %swap3A_1194 : vector<1x16xf32> to vector<16xf32>
        %swap3A_1196 = vector.shape_cast %mul3A_1191 : vector<16xf32> to vector<1x16xf32>
        tpu.vector_store %arg12[%swap3A_1192, %swap3A_1193], %swap3A_1196 {strides = array<i32>} : memref<128x128xf32, #tpu.memory_space<vmem>>, vector<1x16xf32>,
        %get3A_1197 = arith.index_cast %add3A_1122 : i32 to index
        %get3A_1198 = arith.constant 112 : index
        %get3A_1199 = tpu.vector_load %arg12[%get3A_1197, %get3A_1198] {strides = array<i32>} : memref<128x128xf32, #tpu.memory_space<vmem>>, vector<1x16xf32>,
        %get3A_1200 = vector.shape_cast %get3A_1199 : vector<1x16xf32> to vector<16xf32>
        %mul3A_1201 = arith.mulf %get3A_1200, %gather3A_1126 : vector<16xf32>
        %swap3A_1202 = arith.index_cast %add3A_1122 : i32 to index
        %swap3A_1203 = arith.constant 112 : index
        %swap3A_1204 = tpu.vector_load %arg12[%swap3A_1202, %swap3A_1203] {strides = array<i32>} : memref<128x128xf32, #tpu.memory_space<vmem>>, vector<1x16xf32>,
        %swap3A_1205 = vector.shape_cast %swap3A_1204 : vector<1x16xf32> to vector<16xf32>
        %swap3A_1206 = vector.shape_cast %mul3A_1201 : vector<16xf32> to vector<1x16xf32>
        tpu.vector_store %arg12[%swap3A_1202, %swap3A_1203], %swap3A_1206 {strides = array<i32>} : memref<128x128xf32, #tpu.memory_space<vmem>>, vector<1x16xf32>,
        %mul3A_1207 = arith.constant 16 : i32
        %mul3A_1208 = arith.muli %scan3A_234, %mul3A_1207 : i32
        %add3A_1209 = arith.constant 11 : i32
        %add3A_1210 = arith.addi %mul3A_1208, %add3A_1209 : i32
        %broadcast_in_dim3A_1211 = arith.constant 11 : i32
        %broadcast_in_dim3A_1212 = vector.broadcast %broadcast_in_dim3A_1211 : i32 to vector<16x1xi32>
        %gather3A_1213 = vector.shape_cast %broadcast_in_dim3A_1212 : vector<16x1xi32> to vector<16xi32>
        %gather3A_1214 = tpu.dynamic_gather %bitcast_convert_type3A[%gather3A_1213] in [0] : vector<16xf32>, vector<16xi32> -> vector<16xf32>
        %get3A_1215 = arith.index_cast %add3A_1210 : i32 to index
        %get3A_1216 = arith.constant 0 : index
        %get3A_1217 = tpu.vector_load %arg12[%get3A_1215, %get3A_1216] {strides = array<i32>} : memref<128x128xf32, #tpu.memory_space<vmem>>, vector<1x16xf32>,
        %get3A_1218 = vector.shape_cast %get3A_1217 : vector<1x16xf32> to vector<16xf32>
        %mul3A_1219 = arith.mulf %get3A_1218, %gather3A_1214 : vector<16xf32>
        %swap3A_1220 = arith.index_cast %add3A_1210 : i32 to index
        %swap3A_1221 = arith.constant 0 : index
        %swap3A_1222 = tpu.vector_load %arg12[%swap3A_1220, %swap3A_1221] {strides = array<i32>} : memref<128x128xf32, #tpu.memory_space<vmem>>, vector<1x16xf32>,
        %swap3A_1223 = vector.shape_cast %swap3A_1222 : vector<1x16xf32> to vector<16xf32>
        %swap3A_1224 = vector.shape_cast %mul3A_1219 : vector<16xf32> to vector<1x16xf32>
        tpu.vector_store %arg12[%swap3A_1220, %swap3A_1221], %swap3A_1224 {strides = array<i32>} : memref<128x128xf32, #tpu.memory_space<vmem>>, vector<1x16xf32>,
        %get3A_1225 = arith.index_cast %add3A_1210 : i32 to index
        %get3A_1226 = arith.constant 16 : index
        %get3A_1227 = tpu.vector_load %arg12[%get3A_1225, %get3A_1226] {strides = array<i32>} : memref<128x128xf32, #tpu.memory_space<vmem>>, vector<1x16xf32>,
        %get3A_1228 = vector.shape_cast %get3A_1227 : vector<1x16xf32> to vector<16xf32>
        %mul3A_1229 = arith.mulf %get3A_1228, %gather3A_1214 : vector<16xf32>
        %swap3A_1230 = arith.index_cast %add3A_1210 : i32 to index
        %swap3A_1231 = arith.constant 16 : index
        %swap3A_1232 = tpu.vector_load %arg12[%swap3A_1230, %swap3A_1231] {strides = array<i32>} : memref<128x128xf32, #tpu.memory_space<vmem>>, vector<1x16xf32>,
        %swap3A_1233 = vector.shape_cast %swap3A_1232 : vector<1x16xf32> to vector<16xf32>
        %swap3A_1234 = vector.shape_cast %mul3A_1229 : vector<16xf32> to vector<1x16xf32>
        tpu.vector_store %arg12[%swap3A_1230, %swap3A_1231], %swap3A_1234 {strides = array<i32>} : memref<128x128xf32, #tpu.memory_space<vmem>>, vector<1x16xf32>,
        %get3A_1235 = arith.index_cast %add3A_1210 : i32 to index
        %get3A_1236 = arith.constant 32 : index
        %get3A_1237 = tpu.vector_load %arg12[%get3A_1235, %get3A_1236] {strides = array<i32>} : memref<128x128xf32, #tpu.memory_space<vmem>>, vector<1x16xf32>,
        %get3A_1238 = vector.shape_cast %get3A_1237 : vector<1x16xf32> to vector<16xf32>
        %mul3A_1239 = arith.mulf %get3A_1238, %gather3A_1214 : vector<16xf32>
        %swap3A_1240 = arith.index_cast %add3A_1210 : i32 to index
        %swap3A_1241 = arith.constant 32 : index
        %swap3A_1242 = tpu.vector_load %arg12[%swap3A_1240, %swap3A_1241] {strides = array<i32>} : memref<128x128xf32, #tpu.memory_space<vmem>>, vector<1x16xf32>,
        %swap3A_1243 = vector.shape_cast %swap3A_1242 : vector<1x16xf32> to vector<16xf32>
        %swap3A_1244 = vector.shape_cast %mul3A_1239 : vector<16xf32> to vector<1x16xf32>
        tpu.vector_store %arg12[%swap3A_1240, %swap3A_1241], %swap3A_1244 {strides = array<i32>} : memref<128x128xf32, #tpu.memory_space<vmem>>, vector<1x16xf32>,
        %get3A_1245 = arith.index_cast %add3A_1210 : i32 to index
        %get3A_1246 = arith.constant 48 : index
        %get3A_1247 = tpu.vector_load %arg12[%get3A_1245, %get3A_1246] {strides = array<i32>} : memref<128x128xf32, #tpu.memory_space<vmem>>, vector<1x16xf32>,
        %get3A_1248 = vector.shape_cast %get3A_1247 : vector<1x16xf32> to vector<16xf32>
        %mul3A_1249 = arith.mulf %get3A_1248, %gather3A_1214 : vector<16xf32>
        %swap3A_1250 = arith.index_cast %add3A_1210 : i32 to index
        %swap3A_1251 = arith.constant 48 : index
        %swap3A_1252 = tpu.vector_load %arg12[%swap3A_1250, %swap3A_1251] {strides = array<i32>} : memref<128x128xf32, #tpu.memory_space<vmem>>, vector<1x16xf32>,
        %swap3A_1253 = vector.shape_cast %swap3A_1252 : vector<1x16xf32> to vector<16xf32>
        %swap3A_1254 = vector.shape_cast %mul3A_1249 : vector<16xf32> to vector<1x16xf32>
        tpu.vector_store %arg12[%swap3A_1250, %swap3A_1251], %swap3A_1254 {strides = array<i32>} : memref<128x128xf32, #tpu.memory_space<vmem>>, vector<1x16xf32>,
        %get3A_1255 = arith.index_cast %add3A_1210 : i32 to index
        %get3A_1256 = arith.constant 64 : index
        %get3A_1257 = tpu.vector_load %arg12[%get3A_1255, %get3A_1256] {strides = array<i32>} : memref<128x128xf32, #tpu.memory_space<vmem>>, vector<1x16xf32>,
        %get3A_1258 = vector.shape_cast %get3A_1257 : vector<1x16xf32> to vector<16xf32>
        %mul3A_1259 = arith.mulf %get3A_1258, %gather3A_1214 : vector<16xf32>
        %swap3A_1260 = arith.index_cast %add3A_1210 : i32 to index
        %swap3A_1261 = arith.constant 64 : index
        %swap3A_1262 = tpu.vector_load %arg12[%swap3A_1260, %swap3A_1261] {strides = array<i32>} : memref<128x128xf32, #tpu.memory_space<vmem>>, vector<1x16xf32>,
        %swap3A_1263 = vector.shape_cast %swap3A_1262 : vector<1x16xf32> to vector<16xf32>
        %swap3A_1264 = vector.shape_cast %mul3A_1259 : vector<16xf32> to vector<1x16xf32>
        tpu.vector_store %arg12[%swap3A_1260, %swap3A_1261], %swap3A_1264 {strides = array<i32>} : memref<128x128xf32, #tpu.memory_space<vmem>>, vector<1x16xf32>,
        %get3A_1265 = arith.index_cast %add3A_1210 : i32 to index
        %get3A_1266 = arith.constant 80 : index
        %get3A_1267 = tpu.vector_load %arg12[%get3A_1265, %get3A_1266] {strides = array<i32>} : memref<128x128xf32, #tpu.memory_space<vmem>>, vector<1x16xf32>,
        %get3A_1268 = vector.shape_cast %get3A_1267 : vector<1x16xf32> to vector<16xf32>
        %mul3A_1269 = arith.mulf %get3A_1268, %gather3A_1214 : vector<16xf32>
        %swap3A_1270 = arith.index_cast %add3A_1210 : i32 to index
        %swap3A_1271 = arith.constant 80 : index
        %swap3A_1272 = tpu.vector_load %arg12[%swap3A_1270, %swap3A_1271] {strides = array<i32>} : memref<128x128xf32, #tpu.memory_space<vmem>>, vector<1x16xf32>,
        %swap3A_1273 = vector.shape_cast %swap3A_1272 : vector<1x16xf32> to vector<16xf32>
        %swap3A_1274 = vector.shape_cast %mul3A_1269 : vector<16xf32> to vector<1x16xf32>
        tpu.vector_store %arg12[%swap3A_1270, %swap3A_1271], %swap3A_1274 {strides = array<i32>} : memref<128x128xf32, #tpu.memory_space<vmem>>, vector<1x16xf32>,
        %get3A_1275 = arith.index_cast %add3A_1210 : i32 to index
        %get3A_1276 = arith.constant 96 : index
        %get3A_1277 = tpu.vector_load %arg12[%get3A_1275, %get3A_1276] {strides = array<i32>} : memref<128x128xf32, #tpu.memory_space<vmem>>, vector<1x16xf32>,
        %get3A_1278 = vector.shape_cast %get3A_1277 : vector<1x16xf32> to vector<16xf32>
        %mul3A_1279 = arith.mulf %get3A_1278, %gather3A_1214 : vector<16xf32>
        %swap3A_1280 = arith.index_cast %add3A_1210 : i32 to index
        %swap3A_1281 = arith.constant 96 : index
        %swap3A_1282 = tpu.vector_load %arg12[%swap3A_1280, %swap3A_1281] {strides = array<i32>} : memref<128x128xf32, #tpu.memory_space<vmem>>, vector<1x16xf32>,
        %swap3A_1283 = vector.shape_cast %swap3A_1282 : vector<1x16xf32> to vector<16xf32>
        %swap3A_1284 = vector.shape_cast %mul3A_1279 : vector<16xf32> to vector<1x16xf32>
        tpu.vector_store %arg12[%swap3A_1280, %swap3A_1281], %swap3A_1284 {strides = array<i32>} : memref<128x128xf32, #tpu.memory_space<vmem>>, vector<1x16xf32>,
        %get3A_1285 = arith.index_cast %add3A_1210 : i32 to index
        %get3A_1286 = arith.constant 112 : index
        %get3A_1287 = tpu.vector_load %arg12[%get3A_1285, %get3A_1286] {strides = array<i32>} : memref<128x128xf32, #tpu.memory_space<vmem>>, vector<1x16xf32>,
        %get3A_1288 = vector.shape_cast %get3A_1287 : vector<1x16xf32> to vector<16xf32>
        %mul3A_1289 = arith.mulf %get3A_1288, %gather3A_1214 : vector<16xf32>
        %swap3A_1290 = arith.index_cast %add3A_1210 : i32 to index
        %swap3A_1291 = arith.constant 112 : index
        %swap3A_1292 = tpu.vector_load %arg12[%swap3A_1290, %swap3A_1291] {strides = array<i32>} : memref<128x128xf32, #tpu.memory_space<vmem>>, vector<1x16xf32>,
        %swap3A_1293 = vector.shape_cast %swap3A_1292 : vector<1x16xf32> to vector<16xf32>
        %swap3A_1294 = vector.shape_cast %mul3A_1289 : vector<16xf32> to vector<1x16xf32>
        tpu.vector_store %arg12[%swap3A_1290, %swap3A_1291], %swap3A_1294 {strides = array<i32>} : memref<128x128xf32, #tpu.memory_space<vmem>>, vector<1x16xf32>,
        %mul3A_1295 = arith.constant 16 : i32
        %mul3A_1296 = arith.muli %scan3A_234, %mul3A_1295 : i32
        %add3A_1297 = arith.constant 12 : i32
        %add3A_1298 = arith.addi %mul3A_1296, %add3A_1297 : i32
        %broadcast_in_dim3A_1299 = arith.constant 12 : i32
        %broadcast_in_dim3A_1300 = vector.broadcast %broadcast_in_dim3A_1299 : i32 to vector<16x1xi32>
        %gather3A_1301 = vector.shape_cast %broadcast_in_dim3A_1300 : vector<16x1xi32> to vector<16xi32>
        %gather3A_1302 = tpu.dynamic_gather %bitcast_convert_type3A[%gather3A_1301] in [0] : vector<16xf32>, vector<16xi32> -> vector<16xf32>
        %get3A_1303 = arith.index_cast %add3A_1298 : i32 to index
        %get3A_1304 = arith.constant 0 : index
        %get3A_1305 = tpu.vector_load %arg12[%get3A_1303, %get3A_1304] {strides = array<i32>} : memref<128x128xf32, #tpu.memory_space<vmem>>, vector<1x16xf32>,
        %get3A_1306 = vector.shape_cast %get3A_1305 : vector<1x16xf32> to vector<16xf32>
        %mul3A_1307 = arith.mulf %get3A_1306, %gather3A_1302 : vector<16xf32>
        %swap3A_1308 = arith.index_cast %add3A_1298 : i32 to index
        %swap3A_1309 = arith.constant 0 : index
        %swap3A_1310 = tpu.vector_load %arg12[%swap3A_1308, %swap3A_1309] {strides = array<i32>} : memref<128x128xf32, #tpu.memory_space<vmem>>, vector<1x16xf32>,
        %swap3A_1311 = vector.shape_cast %swap3A_1310 : vector<1x16xf32> to vector<16xf32>
        %swap3A_1312 = vector.shape_cast %mul3A_1307 : vector<16xf32> to vector<1x16xf32>
        tpu.vector_store %arg12[%swap3A_1308, %swap3A_1309], %swap3A_1312 {strides = array<i32>} : memref<128x128xf32, #tpu.memory_space<vmem>>, vector<1x16xf32>,
        %get3A_1313 = arith.index_cast %add3A_1298 : i32 to index
        %get3A_1314 = arith.constant 16 : index
        %get3A_1315 = tpu.vector_load %arg12[%get3A_1313, %get3A_1314] {strides = array<i32>} : memref<128x128xf32, #tpu.memory_space<vmem>>, vector<1x16xf32>,
        %get3A_1316 = vector.shape_cast %get3A_1315 : vector<1x16xf32> to vector<16xf32>
        %mul3A_1317 = arith.mulf %get3A_1316, %gather3A_1302 : vector<16xf32>
        %swap3A_1318 = arith.index_cast %add3A_1298 : i32 to index
        %swap3A_1319 = arith.constant 16 : index
        %swap3A_1320 = tpu.vector_load %arg12[%swap3A_1318, %swap3A_1319] {strides = array<i32>} : memref<128x128xf32, #tpu.memory_space<vmem>>, vector<1x16xf32>,
        %swap3A_1321 = vector.shape_cast %swap3A_1320 : vector<1x16xf32> to vector<16xf32>
        %swap3A_1322 = vector.shape_cast %mul3A_1317 : vector<16xf32> to vector<1x16xf32>
        tpu.vector_store %arg12[%swap3A_1318, %swap3A_1319], %swap3A_1322 {strides = array<i32>} : memref<128x128xf32, #tpu.memory_space<vmem>>, vector<1x16xf32>,
        %get3A_1323 = arith.index_cast %add3A_1298 : i32 to index
        %get3A_1324 = arith.constant 32 : index
        %get3A_1325 = tpu.vector_load %arg12[%get3A_1323, %get3A_1324] {strides = array<i32>} : memref<128x128xf32, #tpu.memory_space<vmem>>, vector<1x16xf32>,
        %get3A_1326 = vector.shape_cast %get3A_1325 : vector<1x16xf32> to vector<16xf32>
        %mul3A_1327 = arith.mulf %get3A_1326, %gather3A_1302 : vector<16xf32>
        %swap3A_1328 = arith.index_cast %add3A_1298 : i32 to index
        %swap3A_1329 = arith.constant 32 : index
        %swap3A_1330 = tpu.vector_load %arg12[%swap3A_1328, %swap3A_1329] {strides = array<i32>} : memref<128x128xf32, #tpu.memory_space<vmem>>, vector<1x16xf32>,
        %swap3A_1331 = vector.shape_cast %swap3A_1330 : vector<1x16xf32> to vector<16xf32>
        %swap3A_1332 = vector.shape_cast %mul3A_1327 : vector<16xf32> to vector<1x16xf32>
        tpu.vector_store %arg12[%swap3A_1328, %swap3A_1329], %swap3A_1332 {strides = array<i32>} : memref<128x128xf32, #tpu.memory_space<vmem>>, vector<1x16xf32>,
        %get3A_1333 = arith.index_cast %add3A_1298 : i32 to index
        %get3A_1334 = arith.constant 48 : index
        %get3A_1335 = tpu.vector_load %arg12[%get3A_1333, %get3A_1334] {strides = array<i32>} : memref<128x128xf32, #tpu.memory_space<vmem>>, vector<1x16xf32>,
        %get3A_1336 = vector.shape_cast %get3A_1335 : vector<1x16xf32> to vector<16xf32>
        %mul3A_1337 = arith.mulf %get3A_1336, %gather3A_1302 : vector<16xf32>
        %swap3A_1338 = arith.index_cast %add3A_1298 : i32 to index
        %swap3A_1339 = arith.constant 48 : index
        %swap3A_1340 = tpu.vector_load %arg12[%swap3A_1338, %swap3A_1339] {strides = array<i32>} : memref<128x128xf32, #tpu.memory_space<vmem>>, vector<1x16xf32>,
        %swap3A_1341 = vector.shape_cast %swap3A_1340 : vector<1x16xf32> to vector<16xf32>
        %swap3A_1342 = vector.shape_cast %mul3A_1337 : vector<16xf32> to vector<1x16xf32>
        tpu.vector_store %arg12[%swap3A_1338, %swap3A_1339], %swap3A_1342 {strides = array<i32>} : memref<128x128xf32, #tpu.memory_space<vmem>>, vector<1x16xf32>,
        %get3A_1343 = arith.index_cast %add3A_1298 : i32 to index
        %get3A_1344 = arith.constant 64 : index
        %get3A_1345 = tpu.vector_load %arg12[%get3A_1343, %get3A_1344] {strides = array<i32>} : memref<128x128xf32, #tpu.memory_space<vmem>>, vector<1x16xf32>,
        %get3A_1346 = vector.shape_cast %get3A_1345 : vector<1x16xf32> to vector<16xf32>
        %mul3A_1347 = arith.mulf %get3A_1346, %gather3A_1302 : vector<16xf32>
        %swap3A_1348 = arith.index_cast %add3A_1298 : i32 to index
        %swap3A_1349 = arith.constant 64 : index
        %swap3A_1350 = tpu.vector_load %arg12[%swap3A_1348, %swap3A_1349] {strides = array<i32>} : memref<128x128xf32, #tpu.memory_space<vmem>>, vector<1x16xf32>,
        %swap3A_1351 = vector.shape_cast %swap3A_1350 : vector<1x16xf32> to vector<16xf32>
        %swap3A_1352 = vector.shape_cast %mul3A_1347 : vector<16xf32> to vector<1x16xf32>
        tpu.vector_store %arg12[%swap3A_1348, %swap3A_1349], %swap3A_1352 {strides = array<i32>} : memref<128x128xf32, #tpu.memory_space<vmem>>, vector<1x16xf32>,
        %get3A_1353 = arith.index_cast %add3A_1298 : i32 to index
        %get3A_1354 = arith.constant 80 : index
        %get3A_1355 = tpu.vector_load %arg12[%get3A_1353, %get3A_1354] {strides = array<i32>} : memref<128x128xf32, #tpu.memory_space<vmem>>, vector<1x16xf32>,
        %get3A_1356 = vector.shape_cast %get3A_1355 : vector<1x16xf32> to vector<16xf32>
        %mul3A_1357 = arith.mulf %get3A_1356, %gather3A_1302 : vector<16xf32>
        %swap3A_1358 = arith.index_cast %add3A_1298 : i32 to index
        %swap3A_1359 = arith.constant 80 : index
        %swap3A_1360 = tpu.vector_load %arg12[%swap3A_1358, %swap3A_1359] {strides = array<i32>} : memref<128x128xf32, #tpu.memory_space<vmem>>, vector<1x16xf32>,
        %swap3A_1361 = vector.shape_cast %swap3A_1360 : vector<1x16xf32> to vector<16xf32>
        %swap3A_1362 = vector.shape_cast %mul3A_1357 : vector<16xf32> to vector<1x16xf32>
        tpu.vector_store %arg12[%swap3A_1358, %swap3A_1359], %swap3A_1362 {strides = array<i32>} : memref<128x128xf32, #tpu.memory_space<vmem>>, vector<1x16xf32>,
        %get3A_1363 = arith.index_cast %add3A_1298 : i32 to index
        %get3A_1364 = arith.constant 96 : index
        %get3A_1365 = tpu.vector_load %arg12[%get3A_1363, %get3A_1364] {strides = array<i32>} : memref<128x128xf32, #tpu.memory_space<vmem>>, vector<1x16xf32>,
        %get3A_1366 = vector.shape_cast %get3A_1365 : vector<1x16xf32> to vector<16xf32>
        %mul3A_1367 = arith.mulf %get3A_1366, %gather3A_1302 : vector<16xf32>
        %swap3A_1368 = arith.index_cast %add3A_1298 : i32 to index
        %swap3A_1369 = arith.constant 96 : index
        %swap3A_1370 = tpu.vector_load %arg12[%swap3A_1368, %swap3A_1369] {strides = array<i32>} : memref<128x128xf32, #tpu.memory_space<vmem>>, vector<1x16xf32>,
        %swap3A_1371 = vector.shape_cast %swap3A_1370 : vector<1x16xf32> to vector<16xf32>
        %swap3A_1372 = vector.shape_cast %mul3A_1367 : vector<16xf32> to vector<1x16xf32>
        tpu.vector_store %arg12[%swap3A_1368, %swap3A_1369], %swap3A_1372 {strides = array<i32>} : memref<128x128xf32, #tpu.memory_space<vmem>>, vector<1x16xf32>,
        %get3A_1373 = arith.index_cast %add3A_1298 : i32 to index
        %get3A_1374 = arith.constant 112 : index
        %get3A_1375 = tpu.vector_load %arg12[%get3A_1373, %get3A_1374] {strides = array<i32>} : memref<128x128xf32, #tpu.memory_space<vmem>>, vector<1x16xf32>,
        %get3A_1376 = vector.shape_cast %get3A_1375 : vector<1x16xf32> to vector<16xf32>
        %mul3A_1377 = arith.mulf %get3A_1376, %gather3A_1302 : vector<16xf32>
        %swap3A_1378 = arith.index_cast %add3A_1298 : i32 to index
        %swap3A_1379 = arith.constant 112 : index
        %swap3A_1380 = tpu.vector_load %arg12[%swap3A_1378, %swap3A_1379] {strides = array<i32>} : memref<128x128xf32, #tpu.memory_space<vmem>>, vector<1x16xf32>,
        %swap3A_1381 = vector.shape_cast %swap3A_1380 : vector<1x16xf32> to vector<16xf32>
        %swap3A_1382 = vector.shape_cast %mul3A_1377 : vector<16xf32> to vector<1x16xf32>
        tpu.vector_store %arg12[%swap3A_1378, %swap3A_1379], %swap3A_1382 {strides = array<i32>} : memref<128x128xf32, #tpu.memory_space<vmem>>, vector<1x16xf32>,
        %mul3A_1383 = arith.constant 16 : i32
        %mul3A_1384 = arith.muli %scan3A_234, %mul3A_1383 : i32
        %add3A_1385 = arith.constant 13 : i32
        %add3A_1386 = arith.addi %mul3A_1384, %add3A_1385 : i32
        %broadcast_in_dim3A_1387 = arith.constant 13 : i32
        %broadcast_in_dim3A_1388 = vector.broadcast %broadcast_in_dim3A_1387 : i32 to vector<16x1xi32>
        %gather3A_1389 = vector.shape_cast %broadcast_in_dim3A_1388 : vector<16x1xi32> to vector<16xi32>
        %gather3A_1390 = tpu.dynamic_gather %bitcast_convert_type3A[%gather3A_1389] in [0] : vector<16xf32>, vector<16xi32> -> vector<16xf32>
        %get3A_1391 = arith.index_cast %add3A_1386 : i32 to index
        %get3A_1392 = arith.constant 0 : index
        %get3A_1393 = tpu.vector_load %arg12[%get3A_1391, %get3A_1392] {strides = array<i32>} : memref<128x128xf32, #tpu.memory_space<vmem>>, vector<1x16xf32>,
        %get3A_1394 = vector.shape_cast %get3A_1393 : vector<1x16xf32> to vector<16xf32>
        %mul3A_1395 = arith.mulf %get3A_1394, %gather3A_1390 : vector<16xf32>
        %swap3A_1396 = arith.index_cast %add3A_1386 : i32 to index
        %swap3A_1397 = arith.constant 0 : index
        %swap3A_1398 = tpu.vector_load %arg12[%swap3A_1396, %swap3A_1397] {strides = array<i32>} : memref<128x128xf32, #tpu.memory_space<vmem>>, vector<1x16xf32>,
        %swap3A_1399 = vector.shape_cast %swap3A_1398 : vector<1x16xf32> to vector<16xf32>
        %swap3A_1400 = vector.shape_cast %mul3A_1395 : vector<16xf32> to vector<1x16xf32>
        tpu.vector_store %arg12[%swap3A_1396, %swap3A_1397], %swap3A_1400 {strides = array<i32>} : memref<128x128xf32, #tpu.memory_space<vmem>>, vector<1x16xf32>,
        %get3A_1401 = arith.index_cast %add3A_1386 : i32 to index
        %get3A_1402 = arith.constant 16 : index
        %get3A_1403 = tpu.vector_load %arg12[%get3A_1401, %get3A_1402] {strides = array<i32>} : memref<128x128xf32, #tpu.memory_space<vmem>>, vector<1x16xf32>,
        %get3A_1404 = vector.shape_cast %get3A_1403 : vector<1x16xf32> to vector<16xf32>
        %mul3A_1405 = arith.mulf %get3A_1404, %gather3A_1390 : vector<16xf32>
        %swap3A_1406 = arith.index_cast %add3A_1386 : i32 to index
        %swap3A_1407 = arith.constant 16 : index
        %swap3A_1408 = tpu.vector_load %arg12[%swap3A_1406, %swap3A_1407] {strides = array<i32>} : memref<128x128xf32, #tpu.memory_space<vmem>>, vector<1x16xf32>,
        %swap3A_1409 = vector.shape_cast %swap3A_1408 : vector<1x16xf32> to vector<16xf32>
        %swap3A_1410 = vector.shape_cast %mul3A_1405 : vector<16xf32> to vector<1x16xf32>
        tpu.vector_store %arg12[%swap3A_1406, %swap3A_1407], %swap3A_1410 {strides = array<i32>} : memref<128x128xf32, #tpu.memory_space<vmem>>, vector<1x16xf32>,
        %get3A_1411 = arith.index_cast %add3A_1386 : i32 to index
        %get3A_1412 = arith.constant 32 : index
        %get3A_1413 = tpu.vector_load %arg12[%get3A_1411, %get3A_1412] {strides = array<i32>} : memref<128x128xf32, #tpu.memory_space<vmem>>, vector<1x16xf32>,
        %get3A_1414 = vector.shape_cast %get3A_1413 : vector<1x16xf32> to vector<16xf32>
        %mul3A_1415 = arith.mulf %get3A_1414, %gather3A_1390 : vector<16xf32>
        %swap3A_1416 = arith.index_cast %add3A_1386 : i32 to index
        %swap3A_1417 = arith.constant 32 : index
        %swap3A_1418 = tpu.vector_load %arg12[%swap3A_1416, %swap3A_1417] {strides = array<i32>} : memref<128x128xf32, #tpu.memory_space<vmem>>, vector<1x16xf32>,
        %swap3A_1419 = vector.shape_cast %swap3A_1418 : vector<1x16xf32> to vector<16xf32>
        %swap3A_1420 = vector.shape_cast %mul3A_1415 : vector<16xf32> to vector<1x16xf32>
        tpu.vector_store %arg12[%swap3A_1416, %swap3A_1417], %swap3A_1420 {strides = array<i32>} : memref<128x128xf32, #tpu.memory_space<vmem>>, vector<1x16xf32>,
        %get3A_1421 = arith.index_cast %add3A_1386 : i32 to index
        %get3A_1422 = arith.constant 48 : index
        %get3A_1423 = tpu.vector_load %arg12[%get3A_1421, %get3A_1422] {strides = array<i32>} : memref<128x128xf32, #tpu.memory_space<vmem>>, vector<1x16xf32>,
        %get3A_1424 = vector.shape_cast %get3A_1423 : vector<1x16xf32> to vector<16xf32>
        %mul3A_1425 = arith.mulf %get3A_1424, %gather3A_1390 : vector<16xf32>
        %swap3A_1426 = arith.index_cast %add3A_1386 : i32 to index
        %swap3A_1427 = arith.constant 48 : index
        %swap3A_1428 = tpu.vector_load %arg12[%swap3A_1426, %swap3A_1427] {strides = array<i32>} : memref<128x128xf32, #tpu.memory_space<vmem>>, vector<1x16xf32>,
        %swap3A_1429 = vector.shape_cast %swap3A_1428 : vector<1x16xf32> to vector<16xf32>
        %swap3A_1430 = vector.shape_cast %mul3A_1425 : vector<16xf32> to vector<1x16xf32>
        tpu.vector_store %arg12[%swap3A_1426, %swap3A_1427], %swap3A_1430 {strides = array<i32>} : memref<128x128xf32, #tpu.memory_space<vmem>>, vector<1x16xf32>,
        %get3A_1431 = arith.index_cast %add3A_1386 : i32 to index
        %get3A_1432 = arith.constant 64 : index
        %get3A_1433 = tpu.vector_load %arg12[%get3A_1431, %get3A_1432] {strides = array<i32>} : memref<128x128xf32, #tpu.memory_space<vmem>>, vector<1x16xf32>,
        %get3A_1434 = vector.shape_cast %get3A_1433 : vector<1x16xf32> to vector<16xf32>
        %mul3A_1435 = arith.mulf %get3A_1434, %gather3A_1390 : vector<16xf32>
        %swap3A_1436 = arith.index_cast %add3A_1386 : i32 to index
        %swap3A_1437 = arith.constant 64 : index
        %swap3A_1438 = tpu.vector_load %arg12[%swap3A_1436, %swap3A_1437] {strides = array<i32>} : memref<128x128xf32, #tpu.memory_space<vmem>>, vector<1x16xf32>,
        %swap3A_1439 = vector.shape_cast %swap3A_1438 : vector<1x16xf32> to vector<16xf32>
        %swap3A_1440 = vector.shape_cast %mul3A_1435 : vector<16xf32> to vector<1x16xf32>
        tpu.vector_store %arg12[%swap3A_1436, %swap3A_1437], %swap3A_1440 {strides = array<i32>} : memref<128x128xf32, #tpu.memory_space<vmem>>, vector<1x16xf32>,
        %get3A_1441 = arith.index_cast %add3A_1386 : i32 to index
        %get3A_1442 = arith.constant 80 : index
        %get3A_1443 = tpu.vector_load %arg12[%get3A_1441, %get3A_1442] {strides = array<i32>} : memref<128x128xf32, #tpu.memory_space<vmem>>, vector<1x16xf32>,
        %get3A_1444 = vector.shape_cast %get3A_1443 : vector<1x16xf32> to vector<16xf32>
        %mul3A_1445 = arith.mulf %get3A_1444, %gather3A_1390 : vector<16xf32>
        %swap3A_1446 = arith.index_cast %add3A_1386 : i32 to index
        %swap3A_1447 = arith.constant 80 : index
        %swap3A_1448 = tpu.vector_load %arg12[%swap3A_1446, %swap3A_1447] {strides = array<i32>} : memref<128x128xf32, #tpu.memory_space<vmem>>, vector<1x16xf32>,
        %swap3A_1449 = vector.shape_cast %swap3A_1448 : vector<1x16xf32> to vector<16xf32>
        %swap3A_1450 = vector.shape_cast %mul3A_1445 : vector<16xf32> to vector<1x16xf32>
        tpu.vector_store %arg12[%swap3A_1446, %swap3A_1447], %swap3A_1450 {strides = array<i32>} : memref<128x128xf32, #tpu.memory_space<vmem>>, vector<1x16xf32>,
        %get3A_1451 = arith.index_cast %add3A_1386 : i32 to index
        %get3A_1452 = arith.constant 96 : index
        %get3A_1453 = tpu.vector_load %arg12[%get3A_1451, %get3A_1452] {strides = array<i32>} : memref<128x128xf32, #tpu.memory_space<vmem>>, vector<1x16xf32>,
        %get3A_1454 = vector.shape_cast %get3A_1453 : vector<1x16xf32> to vector<16xf32>
        %mul3A_1455 = arith.mulf %get3A_1454, %gather3A_1390 : vector<16xf32>
        %swap3A_1456 = arith.index_cast %add3A_1386 : i32 to index
        %swap3A_1457 = arith.constant 96 : index
        %swap3A_1458 = tpu.vector_load %arg12[%swap3A_1456, %swap3A_1457] {strides = array<i32>} : memref<128x128xf32, #tpu.memory_space<vmem>>, vector<1x16xf32>,
        %swap3A_1459 = vector.shape_cast %swap3A_1458 : vector<1x16xf32> to vector<16xf32>
        %swap3A_1460 = vector.shape_cast %mul3A_1455 : vector<16xf32> to vector<1x16xf32>
        tpu.vector_store %arg12[%swap3A_1456, %swap3A_1457], %swap3A_1460 {strides = array<i32>} : memref<128x128xf32, #tpu.memory_space<vmem>>, vector<1x16xf32>,
        %get3A_1461 = arith.index_cast %add3A_1386 : i32 to index
        %get3A_1462 = arith.constant 112 : index
        %get3A_1463 = tpu.vector_load %arg12[%get3A_1461, %get3A_1462] {strides = array<i32>} : memref<128x128xf32, #tpu.memory_space<vmem>>, vector<1x16xf32>,
        %get3A_1464 = vector.shape_cast %get3A_1463 : vector<1x16xf32> to vector<16xf32>
        %mul3A_1465 = arith.mulf %get3A_1464, %gather3A_1390 : vector<16xf32>
        %swap3A_1466 = arith.index_cast %add3A_1386 : i32 to index
        %swap3A_1467 = arith.constant 112 : index
        %swap3A_1468 = tpu.vector_load %arg12[%swap3A_1466, %swap3A_1467] {strides = array<i32>} : memref<128x128xf32, #tpu.memory_space<vmem>>, vector<1x16xf32>,
        %swap3A_1469 = vector.shape_cast %swap3A_1468 : vector<1x16xf32> to vector<16xf32>
        %swap3A_1470 = vector.shape_cast %mul3A_1465 : vector<16xf32> to vector<1x16xf32>
        tpu.vector_store %arg12[%swap3A_1466, %swap3A_1467], %swap3A_1470 {strides = array<i32>} : memref<128x128xf32, #tpu.memory_space<vmem>>, vector<1x16xf32>,
        %mul3A_1471 = arith.constant 16 : i32
        %mul3A_1472 = arith.muli %scan3A_234, %mul3A_1471 : i32
        %add3A_1473 = arith.constant 14 : i32
        %add3A_1474 = arith.addi %mul3A_1472, %add3A_1473 : i32
        %broadcast_in_dim3A_1475 = arith.constant 14 : i32
        %broadcast_in_dim3A_1476 = vector.broadcast %broadcast_in_dim3A_1475 : i32 to vector<16x1xi32>
        %gather3A_1477 = vector.shape_cast %broadcast_in_dim3A_1476 : vector<16x1xi32> to vector<16xi32>
        %gather3A_1478 = tpu.dynamic_gather %bitcast_convert_type3A[%gather3A_1477] in [0] : vector<16xf32>, vector<16xi32> -> vector<16xf32>
        %get3A_1479 = arith.index_cast %add3A_1474 : i32 to index
        %get3A_1480 = arith.constant 0 : index
        %get3A_1481 = tpu.vector_load %arg12[%get3A_1479, %get3A_1480] {strides = array<i32>} : memref<128x128xf32, #tpu.memory_space<vmem>>, vector<1x16xf32>,
        %get3A_1482 = vector.shape_cast %get3A_1481 : vector<1x16xf32> to vector<16xf32>
        %mul3A_1483 = arith.mulf %get3A_1482, %gather3A_1478 : vector<16xf32>
        %swap3A_1484 = arith.index_cast %add3A_1474 : i32 to index
        %swap3A_1485 = arith.constant 0 : index
        %swap3A_1486 = tpu.vector_load %arg12[%swap3A_1484, %swap3A_1485] {strides = array<i32>} : memref<128x128xf32, #tpu.memory_space<vmem>>, vector<1x16xf32>,
        %swap3A_1487 = vector.shape_cast %swap3A_1486 : vector<1x16xf32> to vector<16xf32>
        %swap3A_1488 = vector.shape_cast %mul3A_1483 : vector<16xf32> to vector<1x16xf32>
        tpu.vector_store %arg12[%swap3A_1484, %swap3A_1485], %swap3A_1488 {strides = array<i32>} : memref<128x128xf32, #tpu.memory_space<vmem>>, vector<1x16xf32>,
        %get3A_1489 = arith.index_cast %add3A_1474 : i32 to index
        %get3A_1490 = arith.constant 16 : index
        %get3A_1491 = tpu.vector_load %arg12[%get3A_1489, %get3A_1490] {strides = array<i32>} : memref<128x128xf32, #tpu.memory_space<vmem>>, vector<1x16xf32>,
        %get3A_1492 = vector.shape_cast %get3A_1491 : vector<1x16xf32> to vector<16xf32>
        %mul3A_1493 = arith.mulf %get3A_1492, %gather3A_1478 : vector<16xf32>
        %swap3A_1494 = arith.index_cast %add3A_1474 : i32 to index
        %swap3A_1495 = arith.constant 16 : index
        %swap3A_1496 = tpu.vector_load %arg12[%swap3A_1494, %swap3A_1495] {strides = array<i32>} : memref<128x128xf32, #tpu.memory_space<vmem>>, vector<1x16xf32>,
        %swap3A_1497 = vector.shape_cast %swap3A_1496 : vector<1x16xf32> to vector<16xf32>
        %swap3A_1498 = vector.shape_cast %mul3A_1493 : vector<16xf32> to vector<1x16xf32>
        tpu.vector_store %arg12[%swap3A_1494, %swap3A_1495], %swap3A_1498 {strides = array<i32>} : memref<128x128xf32, #tpu.memory_space<vmem>>, vector<1x16xf32>,
        %get3A_1499 = arith.index_cast %add3A_1474 : i32 to index
        %get3A_1500 = arith.constant 32 : index
        %get3A_1501 = tpu.vector_load %arg12[%get3A_1499, %get3A_1500] {strides = array<i32>} : memref<128x128xf32, #tpu.memory_space<vmem>>, vector<1x16xf32>,
        %get3A_1502 = vector.shape_cast %get3A_1501 : vector<1x16xf32> to vector<16xf32>
        %mul3A_1503 = arith.mulf %get3A_1502, %gather3A_1478 : vector<16xf32>
        %swap3A_1504 = arith.index_cast %add3A_1474 : i32 to index
        %swap3A_1505 = arith.constant 32 : index
        %swap3A_1506 = tpu.vector_load %arg12[%swap3A_1504, %swap3A_1505] {strides = array<i32>} : memref<128x128xf32, #tpu.memory_space<vmem>>, vector<1x16xf32>,
        %swap3A_1507 = vector.shape_cast %swap3A_1506 : vector<1x16xf32> to vector<16xf32>
        %swap3A_1508 = vector.shape_cast %mul3A_1503 : vector<16xf32> to vector<1x16xf32>
        tpu.vector_store %arg12[%swap3A_1504, %swap3A_1505], %swap3A_1508 {strides = array<i32>} : memref<128x128xf32, #tpu.memory_space<vmem>>, vector<1x16xf32>,
        %get3A_1509 = arith.index_cast %add3A_1474 : i32 to index
        %get3A_1510 = arith.constant 48 : index
        %get3A_1511 = tpu.vector_load %arg12[%get3A_1509, %get3A_1510] {strides = array<i32>} : memref<128x128xf32, #tpu.memory_space<vmem>>, vector<1x16xf32>,
        %get3A_1512 = vector.shape_cast %get3A_1511 : vector<1x16xf32> to vector<16xf32>
        %mul3A_1513 = arith.mulf %get3A_1512, %gather3A_1478 : vector<16xf32>
        %swap3A_1514 = arith.index_cast %add3A_1474 : i32 to index
        %swap3A_1515 = arith.constant 48 : index
        %swap3A_1516 = tpu.vector_load %arg12[%swap3A_1514, %swap3A_1515] {strides = array<i32>} : memref<128x128xf32, #tpu.memory_space<vmem>>, vector<1x16xf32>,
        %swap3A_1517 = vector.shape_cast %swap3A_1516 : vector<1x16xf32> to vector<16xf32>
        %swap3A_1518 = vector.shape_cast %mul3A_1513 : vector<16xf32> to vector<1x16xf32>
        tpu.vector_store %arg12[%swap3A_1514, %swap3A_1515], %swap3A_1518 {strides = array<i32>} : memref<128x128xf32, #tpu.memory_space<vmem>>, vector<1x16xf32>,
        %get3A_1519 = arith.index_cast %add3A_1474 : i32 to index
        %get3A_1520 = arith.constant 64 : index
        %get3A_1521 = tpu.vector_load %arg12[%get3A_1519, %get3A_1520] {strides = array<i32>} : memref<128x128xf32, #tpu.memory_space<vmem>>, vector<1x16xf32>,
        %get3A_1522 = vector.shape_cast %get3A_1521 : vector<1x16xf32> to vector<16xf32>
        %mul3A_1523 = arith.mulf %get3A_1522, %gather3A_1478 : vector<16xf32>
        %swap3A_1524 = arith.index_cast %add3A_1474 : i32 to index
        %swap3A_1525 = arith.constant 64 : index
        %swap3A_1526 = tpu.vector_load %arg12[%swap3A_1524, %swap3A_1525] {strides = array<i32>} : memref<128x128xf32, #tpu.memory_space<vmem>>, vector<1x16xf32>,
        %swap3A_1527 = vector.shape_cast %swap3A_1526 : vector<1x16xf32> to vector<16xf32>
        %swap3A_1528 = vector.shape_cast %mul3A_1523 : vector<16xf32> to vector<1x16xf32>
        tpu.vector_store %arg12[%swap3A_1524, %swap3A_1525], %swap3A_1528 {strides = array<i32>} : memref<128x128xf32, #tpu.memory_space<vmem>>, vector<1x16xf32>,
        %get3A_1529 = arith.index_cast %add3A_1474 : i32 to index
        %get3A_1530 = arith.constant 80 : index
        %get3A_1531 = tpu.vector_load %arg12[%get3A_1529, %get3A_1530] {strides = array<i32>} : memref<128x128xf32, #tpu.memory_space<vmem>>, vector<1x16xf32>,
        %get3A_1532 = vector.shape_cast %get3A_1531 : vector<1x16xf32> to vector<16xf32>
        %mul3A_1533 = arith.mulf %get3A_1532, %gather3A_1478 : vector<16xf32>
        %swap3A_1534 = arith.index_cast %add3A_1474 : i32 to index
        %swap3A_1535 = arith.constant 80 : index
        %swap3A_1536 = tpu.vector_load %arg12[%swap3A_1534, %swap3A_1535] {strides = array<i32>} : memref<128x128xf32, #tpu.memory_space<vmem>>, vector<1x16xf32>,
        %swap3A_1537 = vector.shape_cast %swap3A_1536 : vector<1x16xf32> to vector<16xf32>
        %swap3A_1538 = vector.shape_cast %mul3A_1533 : vector<16xf32> to vector<1x16xf32>
        tpu.vector_store %arg12[%swap3A_1534, %swap3A_1535], %swap3A_1538 {strides = array<i32>} : memref<128x128xf32, #tpu.memory_space<vmem>>, vector<1x16xf32>,
        %get3A_1539 = arith.index_cast %add3A_1474 : i32 to index
        %get3A_1540 = arith.constant 96 : index
        %get3A_1541 = tpu.vector_load %arg12[%get3A_1539, %get3A_1540] {strides = array<i32>} : memref<128x128xf32, #tpu.memory_space<vmem>>, vector<1x16xf32>,
        %get3A_1542 = vector.shape_cast %get3A_1541 : vector<1x16xf32> to vector<16xf32>
        %mul3A_1543 = arith.mulf %get3A_1542, %gather3A_1478 : vector<16xf32>
        %swap3A_1544 = arith.index_cast %add3A_1474 : i32 to index
        %swap3A_1545 = arith.constant 96 : index
        %swap3A_1546 = tpu.vector_load %arg12[%swap3A_1544, %swap3A_1545] {strides = array<i32>} : memref<128x128xf32, #tpu.memory_space<vmem>>, vector<1x16xf32>,
        %swap3A_1547 = vector.shape_cast %swap3A_1546 : vector<1x16xf32> to vector<16xf32>
        %swap3A_1548 = vector.shape_cast %mul3A_1543 : vector<16xf32> to vector<1x16xf32>
        tpu.vector_store %arg12[%swap3A_1544, %swap3A_1545], %swap3A_1548 {strides = array<i32>} : memref<128x128xf32, #tpu.memory_space<vmem>>, vector<1x16xf32>,
        %get3A_1549 = arith.index_cast %add3A_1474 : i32 to index
        %get3A_1550 = arith.constant 112 : index
        %get3A_1551 = tpu.vector_load %arg12[%get3A_1549, %get3A_1550] {strides = array<i32>} : memref<128x128xf32, #tpu.memory_space<vmem>>, vector<1x16xf32>,
        %get3A_1552 = vector.shape_cast %get3A_1551 : vector<1x16xf32> to vector<16xf32>
        %mul3A_1553 = arith.mulf %get3A_1552, %gather3A_1478 : vector<16xf32>
        %swap3A_1554 = arith.index_cast %add3A_1474 : i32 to index
        %swap3A_1555 = arith.constant 112 : index
        %swap3A_1556 = tpu.vector_load %arg12[%swap3A_1554, %swap3A_1555] {strides = array<i32>} : memref<128x128xf32, #tpu.memory_space<vmem>>, vector<1x16xf32>,
        %swap3A_1557 = vector.shape_cast %swap3A_1556 : vector<1x16xf32> to vector<16xf32>
        %swap3A_1558 = vector.shape_cast %mul3A_1553 : vector<16xf32> to vector<1x16xf32>
        tpu.vector_store %arg12[%swap3A_1554, %swap3A_1555], %swap3A_1558 {strides = array<i32>} : memref<128x128xf32, #tpu.memory_space<vmem>>, vector<1x16xf32>,
        %mul3A_1559 = arith.constant 16 : i32
        %mul3A_1560 = arith.muli %scan3A_234, %mul3A_1559 : i32
        %add3A_1561 = arith.constant 15 : i32
        %add3A_1562 = arith.addi %mul3A_1560, %add3A_1561 : i32
        %broadcast_in_dim3A_1563 = arith.constant 15 : i32
        %broadcast_in_dim3A_1564 = vector.broadcast %broadcast_in_dim3A_1563 : i32 to vector<16x1xi32>
        %gather3A_1565 = vector.shape_cast %broadcast_in_dim3A_1564 : vector<16x1xi32> to vector<16xi32>
        %gather3A_1566 = tpu.dynamic_gather %bitcast_convert_type3A[%gather3A_1565] in [0] : vector<16xf32>, vector<16xi32> -> vector<16xf32>
        %get3A_1567 = arith.index_cast %add3A_1562 : i32 to index
        %get3A_1568 = arith.constant 0 : index
        %get3A_1569 = tpu.vector_load %arg12[%get3A_1567, %get3A_1568] {strides = array<i32>} : memref<128x128xf32, #tpu.memory_space<vmem>>, vector<1x16xf32>,
        %get3A_1570 = vector.shape_cast %get3A_1569 : vector<1x16xf32> to vector<16xf32>
        %mul3A_1571 = arith.mulf %get3A_1570, %gather3A_1566 : vector<16xf32>
        %swap3A_1572 = arith.index_cast %add3A_1562 : i32 to index
        %swap3A_1573 = arith.constant 0 : index
        %swap3A_1574 = tpu.vector_load %arg12[%swap3A_1572, %swap3A_1573] {strides = array<i32>} : memref<128x128xf32, #tpu.memory_space<vmem>>, vector<1x16xf32>,
        %swap3A_1575 = vector.shape_cast %swap3A_1574 : vector<1x16xf32> to vector<16xf32>
        %swap3A_1576 = vector.shape_cast %mul3A_1571 : vector<16xf32> to vector<1x16xf32>
        tpu.vector_store %arg12[%swap3A_1572, %swap3A_1573], %swap3A_1576 {strides = array<i32>} : memref<128x128xf32, #tpu.memory_space<vmem>>, vector<1x16xf32>,
        %get3A_1577 = arith.index_cast %add3A_1562 : i32 to index
        %get3A_1578 = arith.constant 16 : index
        %get3A_1579 = tpu.vector_load %arg12[%get3A_1577, %get3A_1578] {strides = array<i32>} : memref<128x128xf32, #tpu.memory_space<vmem>>, vector<1x16xf32>,
        %get3A_1580 = vector.shape_cast %get3A_1579 : vector<1x16xf32> to vector<16xf32>
        %mul3A_1581 = arith.mulf %get3A_1580, %gather3A_1566 : vector<16xf32>
        %swap3A_1582 = arith.index_cast %add3A_1562 : i32 to index
        %swap3A_1583 = arith.constant 16 : index
        %swap3A_1584 = tpu.vector_load %arg12[%swap3A_1582, %swap3A_1583] {strides = array<i32>} : memref<128x128xf32, #tpu.memory_space<vmem>>, vector<1x16xf32>,
        %swap3A_1585 = vector.shape_cast %swap3A_1584 : vector<1x16xf32> to vector<16xf32>
        %swap3A_1586 = vector.shape_cast %mul3A_1581 : vector<16xf32> to vector<1x16xf32>
        tpu.vector_store %arg12[%swap3A_1582, %swap3A_1583], %swap3A_1586 {strides = array<i32>} : memref<128x128xf32, #tpu.memory_space<vmem>>, vector<1x16xf32>,
        %get3A_1587 = arith.index_cast %add3A_1562 : i32 to index
        %get3A_1588 = arith.constant 32 : index
        %get3A_1589 = tpu.vector_load %arg12[%get3A_1587, %get3A_1588] {strides = array<i32>} : memref<128x128xf32, #tpu.memory_space<vmem>>, vector<1x16xf32>,
        %get3A_1590 = vector.shape_cast %get3A_1589 : vector<1x16xf32> to vector<16xf32>
        %mul3A_1591 = arith.mulf %get3A_1590, %gather3A_1566 : vector<16xf32>
        %swap3A_1592 = arith.index_cast %add3A_1562 : i32 to index
        %swap3A_1593 = arith.constant 32 : index
        %swap3A_1594 = tpu.vector_load %arg12[%swap3A_1592, %swap3A_1593] {strides = array<i32>} : memref<128x128xf32, #tpu.memory_space<vmem>>, vector<1x16xf32>,
        %swap3A_1595 = vector.shape_cast %swap3A_1594 : vector<1x16xf32> to vector<16xf32>
        %swap3A_1596 = vector.shape_cast %mul3A_1591 : vector<16xf32> to vector<1x16xf32>
        tpu.vector_store %arg12[%swap3A_1592, %swap3A_1593], %swap3A_1596 {strides = array<i32>} : memref<128x128xf32, #tpu.memory_space<vmem>>, vector<1x16xf32>,
        %get3A_1597 = arith.index_cast %add3A_1562 : i32 to index
        %get3A_1598 = arith.constant 48 : index
        %get3A_1599 = tpu.vector_load %arg12[%get3A_1597, %get3A_1598] {strides = array<i32>} : memref<128x128xf32, #tpu.memory_space<vmem>>, vector<1x16xf32>,
        %get3A_1600 = vector.shape_cast %get3A_1599 : vector<1x16xf32> to vector<16xf32>
        %mul3A_1601 = arith.mulf %get3A_1600, %gather3A_1566 : vector<16xf32>
        %swap3A_1602 = arith.index_cast %add3A_1562 : i32 to index
        %swap3A_1603 = arith.constant 48 : index
        %swap3A_1604 = tpu.vector_load %arg12[%swap3A_1602, %swap3A_1603] {strides = array<i32>} : memref<128x128xf32, #tpu.memory_space<vmem>>, vector<1x16xf32>,
        %swap3A_1605 = vector.shape_cast %swap3A_1604 : vector<1x16xf32> to vector<16xf32>
        %swap3A_1606 = vector.shape_cast %mul3A_1601 : vector<16xf32> to vector<1x16xf32>
        tpu.vector_store %arg12[%swap3A_1602, %swap3A_1603], %swap3A_1606 {strides = array<i32>} : memref<128x128xf32, #tpu.memory_space<vmem>>, vector<1x16xf32>,
        %get3A_1607 = arith.index_cast %add3A_1562 : i32 to index
        %get3A_1608 = arith.constant 64 : index
        %get3A_1609 = tpu.vector_load %arg12[%get3A_1607, %get3A_1608] {strides = array<i32>} : memref<128x128xf32, #tpu.memory_space<vmem>>, vector<1x16xf32>,
        %get3A_1610 = vector.shape_cast %get3A_1609 : vector<1x16xf32> to vector<16xf32>
        %mul3A_1611 = arith.mulf %get3A_1610, %gather3A_1566 : vector<16xf32>
        %swap3A_1612 = arith.index_cast %add3A_1562 : i32 to index
        %swap3A_1613 = arith.constant 64 : index
        %swap3A_1614 = tpu.vector_load %arg12[%swap3A_1612, %swap3A_1613] {strides = array<i32>} : memref<128x128xf32, #tpu.memory_space<vmem>>, vector<1x16xf32>,
        %swap3A_1615 = vector.shape_cast %swap3A_1614 : vector<1x16xf32> to vector<16xf32>
        %swap3A_1616 = vector.shape_cast %mul3A_1611 : vector<16xf32> to vector<1x16xf32>
        tpu.vector_store %arg12[%swap3A_1612, %swap3A_1613], %swap3A_1616 {strides = array<i32>} : memref<128x128xf32, #tpu.memory_space<vmem>>, vector<1x16xf32>,
        %get3A_1617 = arith.index_cast %add3A_1562 : i32 to index
        %get3A_1618 = arith.constant 80 : index
        %get3A_1619 = tpu.vector_load %arg12[%get3A_1617, %get3A_1618] {strides = array<i32>} : memref<128x128xf32, #tpu.memory_space<vmem>>, vector<1x16xf32>,
        %get3A_1620 = vector.shape_cast %get3A_1619 : vector<1x16xf32> to vector<16xf32>
        %mul3A_1621 = arith.mulf %get3A_1620, %gather3A_1566 : vector<16xf32>
        %swap3A_1622 = arith.index_cast %add3A_1562 : i32 to index
        %swap3A_1623 = arith.constant 80 : index
        %swap3A_1624 = tpu.vector_load %arg12[%swap3A_1622, %swap3A_1623] {strides = array<i32>} : memref<128x128xf32, #tpu.memory_space<vmem>>, vector<1x16xf32>,
        %swap3A_1625 = vector.shape_cast %swap3A_1624 : vector<1x16xf32> to vector<16xf32>
        %swap3A_1626 = vector.shape_cast %mul3A_1621 : vector<16xf32> to vector<1x16xf32>
        tpu.vector_store %arg12[%swap3A_1622, %swap3A_1623], %swap3A_1626 {strides = array<i32>} : memref<128x128xf32, #tpu.memory_space<vmem>>, vector<1x16xf32>,
        %get3A_1627 = arith.index_cast %add3A_1562 : i32 to index
        %get3A_1628 = arith.constant 96 : index
        %get3A_1629 = tpu.vector_load %arg12[%get3A_1627, %get3A_1628] {strides = array<i32>} : memref<128x128xf32, #tpu.memory_space<vmem>>, vector<1x16xf32>,
        %get3A_1630 = vector.shape_cast %get3A_1629 : vector<1x16xf32> to vector<16xf32>
        %mul3A_1631 = arith.mulf %get3A_1630, %gather3A_1566 : vector<16xf32>
        %swap3A_1632 = arith.index_cast %add3A_1562 : i32 to index
        %swap3A_1633 = arith.constant 96 : index
        %swap3A_1634 = tpu.vector_load %arg12[%swap3A_1632, %swap3A_1633] {strides = array<i32>} : memref<128x128xf32, #tpu.memory_space<vmem>>, vector<1x16xf32>,
        %swap3A_1635 = vector.shape_cast %swap3A_1634 : vector<1x16xf32> to vector<16xf32>
        %swap3A_1636 = vector.shape_cast %mul3A_1631 : vector<16xf32> to vector<1x16xf32>
        tpu.vector_store %arg12[%swap3A_1632, %swap3A_1633], %swap3A_1636 {strides = array<i32>} : memref<128x128xf32, #tpu.memory_space<vmem>>, vector<1x16xf32>,
        %get3A_1637 = arith.index_cast %add3A_1562 : i32 to index
        %get3A_1638 = arith.constant 112 : index
        %get3A_1639 = tpu.vector_load %arg12[%get3A_1637, %get3A_1638] {strides = array<i32>} : memref<128x128xf32, #tpu.memory_space<vmem>>, vector<1x16xf32>,
        %get3A_1640 = vector.shape_cast %get3A_1639 : vector<1x16xf32> to vector<16xf32>
        %mul3A_1641 = arith.mulf %get3A_1640, %gather3A_1566 : vector<16xf32>
        %swap3A_1642 = arith.index_cast %add3A_1562 : i32 to index
        %swap3A_1643 = arith.constant 112 : index
        %swap3A_1644 = tpu.vector_load %arg12[%swap3A_1642, %swap3A_1643] {strides = array<i32>} : memref<128x128xf32, #tpu.memory_space<vmem>>, vector<1x16xf32>,
        %swap3A_1645 = vector.shape_cast %swap3A_1644 : vector<1x16xf32> to vector<16xf32>
        %swap3A_1646 = vector.shape_cast %mul3A_1641 : vector<16xf32> to vector<1x16xf32>
        tpu.vector_store %arg12[%swap3A_1642, %swap3A_1643], %swap3A_1646 {strides = array<i32>} : memref<128x128xf32, #tpu.memory_space<vmem>>, vector<1x16xf32>,
      }
      %scan3A_222 = arith.constant 8 : i32
      %add3A_223 = arith.constant 1 : i32
      %add3A_224 = arith.addi %mul3A_190, %add3A_223 : i32
      %dma_start3A_225 = arith.constant 0 : i32
      %dma_start3A_226 = tpu.memref_slice %arg8[%add3A_224, %dma_start3A_225] : memref<80x128xi32, #tpu.memory_space<vmem>> -> memref<1x128xi32, #tpu.memory_space<vmem>>
      %dma_start3A_227 = tpu.memref_squeeze %dma_start3A_226 : memref<1x128xi32, #tpu.memory_space<vmem>> -> memref<128xi32, #tpu.memory_space<vmem>>
      %dma_start3A_228 = arith.constant 0 : i32
      %dma_start3A_229 = arith.constant 0 : i32
      %dma_start3A_230 = tpu.memref_slice %arg6[%dma_start3A_228, %dma_start3A_229] : memref<10000x128xf32, #tpu.memory_space<vmem_shared>> -> memref<10000x128xf32, #tpu.memory_space<vmem_shared>>
      tpu.enqueue_indirect_dma source(%arg12 : memref<128x128xf32, #tpu.memory_space<vmem>>) target(%dma_start3A_230 : memref<10000x128xf32, #tpu.memory_space<vmem_shared>>) offsets(%dma_start3A_227 : memref<128xi32, #tpu.memory_space<vmem>>) semaphore(%arg19 : memref<!tpu.dma_semaphore, #tpu.memory_space<semaphore_mem>>) {add = true}
      %convert_element_type3A_231 = arith.extui %lt3A_191 : i1 to i32
      %cond3A_232 = arith.constant 0 : i32
      %cond3A_233 = arith.cmpi ne, %convert_element_type3A_231, %cond3A_232 : i32
      scf.if %cond3A_233 {
        %add3A_234 = arith.constant 3 : i32
        %add3A_235 = arith.addi %mul3A_190, %add3A_234 : i32
        %add3A_236 = arith.addi %mul3A_2, %add3A_235 : i32
        %mul3A_237 = arith.constant 2 : i32
        %mul3A_238 = arith.muli %add3A_236, %mul3A_237 : i32
        %mul3A_239 = arith.constant 128 : i32
        %mul3A_240 = arith.muli %mul3A_238, %mul3A_239 : i32
        %dma_start3A_241 = tpu.memref_slice %arg3[%mul3A_240] : memref<655360xi32, #tpu.memory_space<hbm>> -> memref<256xi32, #tpu.memory_space<hbm>>
        %dma_start3A_242 = tpu.memref_slice %arg3[%mul3A_240] : memref<655360xi32, #tpu.memory_space<hbm>> -> memref<256xi32, #tpu.memory_space<hbm>>
        tpu.enqueue_dma source(%dma_start3A_242 : memref<256xi32, #tpu.memory_space<hbm>>) target(%arg10 : memref<256xi32, #tpu.memory_space<vmem>>) target_semaphore(%arg15 : memref<!tpu.dma_semaphore, #tpu.memory_space<semaphore_mem>>)
        %dma_wait3A_243 = arith.constant 0 : i32
        %dma_wait3A_244 = tpu.memref_slice %arg8[%mul3A_190, %dma_wait3A_243] : memref<80x128xi32, #tpu.memory_space<vmem>> -> memref<1x128xi32, #tpu.memory_space<vmem>>
        %dma_wait3A_245 = tpu.memref_squeeze %dma_wait3A_244 : memref<1x128xi32, #tpu.memory_space<vmem>> -> memref<128xi32, #tpu.memory_space<vmem>>
        %dma_wait3A_246 = arith.constant 0 : i32
        %dma_wait3A_247 = arith.constant 0 : i32
        %dma_wait3A_248 = tpu.memref_slice %arg6[%dma_wait3A_246, %dma_wait3A_247] : memref<10000x128xf32, #tpu.memory_space<vmem_shared>> -> memref<10000x128xf32, #tpu.memory_space<vmem_shared>>
        tpu.wait_indirect_dma semaphore(%arg18 : memref<!tpu.dma_semaphore, #tpu.memory_space<semaphore_mem>>) src(%arg11 : memref<128x128xf32, #tpu.memory_space<vmem>>) dst(%dma_wait3A_248 : memref<10000x128xf32, #tpu.memory_space<vmem_shared>>)
        %add3A_249 = arith.constant 2 : i32
        %add3A_250 = arith.addi %mul3A_190, %add3A_249 : i32
        %add3A_251 = arith.addi %mul3A_2, %add3A_250 : i32
        %mul3A_252 = arith.constant 2 : i32
        %mul3A_253 = arith.muli %add3A_251, %mul3A_252 : i32
        %mul3A_254 = arith.constant 128 : i32
        %mul3A_255 = arith.muli %mul3A_253, %mul3A_254 : i32
        %dma_wait3A_256 = tpu.memref_slice %arg3[%mul3A_255] : memref<655360xi32, #tpu.memory_space<hbm>> -> memref<256xi32, #tpu.memory_space<hbm>>
        %dma_wait3A_257 = tpu.memref_slice %arg3[%mul3A_255] : memref<655360xi32, #tpu.memory_space<hbm>> -> memref<256xi32, #tpu.memory_space<hbm>>
        tpu.wait_dma2 semaphore(%arg14 : memref<!tpu.dma_semaphore, #tpu.memory_space<semaphore_mem>>) src(%dma_wait3A_257 : memref<256xi32, #tpu.memory_space<hbm>>) dst(%arg9 : memref<256xi32, #tpu.memory_space<vmem>>)
        %dma_start3A_258 = arith.constant 0 : i32
        %dma_start3A_259 = tpu.memref_slice %arg9[%dma_start3A_258] : memref<256xi32, #tpu.memory_space<vmem>> -> memref<128xi32, #tpu.memory_space<vmem>>
        %dma_start3A_260 = arith.constant 0 : i32
        %dma_start3A_261 = arith.constant 0 : i32
        %dma_start3A_262 = tpu.memref_slice %arg2[%dma_start3A_260, %dma_start3A_261] : memref<20000x128xf32, #tpu.memory_space<hbm>> -> memref<20000x128xf32, #tpu.memory_space<hbm>>
        tpu.enqueue_indirect_dma source(%dma_start3A_262 : memref<20000x128xf32, #tpu.memory_space<hbm>>) target(%arg11 : memref<128x128xf32, #tpu.memory_space<vmem>>) offsets(%dma_start3A_259 : memref<128xi32, #tpu.memory_space<vmem>>) semaphore(%arg16 : memref<!tpu.dma_semaphore, #tpu.memory_space<semaphore_mem>>)
        %add3A_263 = arith.constant 1 : i32
        %add3A_264 = arith.addi %mul3A_190, %add3A_263 : i32
        %dma_wait3A_265 = arith.constant 0 : i32
        %dma_wait3A_266 = tpu.memref_slice %arg8[%add3A_264, %dma_wait3A_265] : memref<80x128xi32, #tpu.memory_space<vmem>> -> memref<1x128xi32, #tpu.memory_space<vmem>>
        %dma_wait3A_267 = tpu.memref_squeeze %dma_wait3A_266 : memref<1x128xi32, #tpu.memory_space<vmem>> -> memref<128xi32, #tpu.memory_space<vmem>>
        %dma_wait3A_268 = arith.constant 0 : i32
        %dma_wait3A_269 = arith.constant 0 : i32
        %dma_wait3A_270 = tpu.memref_slice %arg6[%dma_wait3A_268, %dma_wait3A_269] : memref<10000x128xf32, #tpu.memory_space<vmem_shared>> -> memref<10000x128xf32, #tpu.memory_space<vmem_shared>>
        tpu.wait_indirect_dma semaphore(%arg19 : memref<!tpu.dma_semaphore, #tpu.memory_space<semaphore_mem>>) src(%arg12 : memref<128x128xf32, #tpu.memory_space<vmem>>) dst(%dma_wait3A_270 : memref<10000x128xf32, #tpu.memory_space<vmem_shared>>)
        %add3A_271 = arith.constant 3 : i32
        %add3A_272 = arith.addi %mul3A_190, %add3A_271 : i32
        %add3A_273 = arith.addi %mul3A_2, %add3A_272 : i32
        %mul3A_274 = arith.constant 2 : i32
        %mul3A_275 = arith.muli %add3A_273, %mul3A_274 : i32
        %mul3A_276 = arith.constant 128 : i32
        %mul3A_277 = arith.muli %mul3A_275, %mul3A_276 : i32
        %dma_wait3A_278 = tpu.memref_slice %arg3[%mul3A_277] : memref<655360xi32, #tpu.memory_space<hbm>> -> memref<256xi32, #tpu.memory_space<hbm>>
        %dma_wait3A_279 = tpu.memref_slice %arg3[%mul3A_277] : memref<655360xi32, #tpu.memory_space<hbm>> -> memref<256xi32, #tpu.memory_space<hbm>>
        tpu.wait_dma2 semaphore(%arg15 : memref<!tpu.dma_semaphore, #tpu.memory_space<semaphore_mem>>) src(%dma_wait3A_279 : memref<256xi32, #tpu.memory_space<hbm>>) dst(%arg10 : memref<256xi32, #tpu.memory_space<vmem>>)
        %dma_start3A_280 = arith.constant 0 : i32
        %dma_start3A_281 = tpu.memref_slice %arg10[%dma_start3A_280] : memref<256xi32, #tpu.memory_space<vmem>> -> memref<128xi32, #tpu.memory_space<vmem>>
        %dma_start3A_282 = arith.constant 0 : i32
        %dma_start3A_283 = arith.constant 0 : i32
        %dma_start3A_284 = tpu.memref_slice %arg2[%dma_start3A_282, %dma_start3A_283] : memref<20000x128xf32, #tpu.memory_space<hbm>> -> memref<20000x128xf32, #tpu.memory_space<hbm>>
        tpu.enqueue_indirect_dma source(%dma_start3A_284 : memref<20000x128xf32, #tpu.memory_space<hbm>>) target(%arg12 : memref<128x128xf32, #tpu.memory_space<vmem>>) offsets(%dma_start3A_281 : memref<128xi32, #tpu.memory_space<vmem>>) semaphore(%arg17 : memref<!tpu.dma_semaphore, #tpu.memory_space<semaphore_mem>>)
      } else {
      }
    }
    %scan3A_166 = arith.constant 40 : i32
    %dma_wait3A_167 = arith.constant 78 : i32
    %dma_wait3A_168 = arith.constant 0 : i32
    %dma_wait3A_169 = tpu.memref_slice %arg8[%dma_wait3A_167, %dma_wait3A_168] : memref<80x128xi32, #tpu.memory_space<vmem>> -> memref<1x128xi32, #tpu.memory_space<vmem>>
    %dma_wait3A_170 = tpu.memref_squeeze %dma_wait3A_169 : memref<1x128xi32, #tpu.memory_space<vmem>> -> memref<128xi32, #tpu.memory_space<vmem>>
    %dma_wait3A_171 = arith.constant 0 : i32
    %dma_wait3A_172 = arith.constant 0 : i32
    %dma_wait3A_173 = tpu.memref_slice %arg6[%dma_wait3A_171, %dma_wait3A_172] : memref<10000x128xf32, #tpu.memory_space<vmem_shared>> -> memref<10000x128xf32, #tpu.memory_space<vmem_shared>>
    tpu.wait_indirect_dma semaphore(%arg18 : memref<!tpu.dma_semaphore, #tpu.memory_space<semaphore_mem>>) src(%arg11 : memref<128x128xf32, #tpu.memory_space<vmem>>) dst(%dma_wait3A_173 : memref<10000x128xf32, #tpu.memory_space<vmem_shared>>)
    %dma_wait3A_174 = arith.constant 79 : i32
    %dma_wait3A_175 = arith.constant 0 : i32
    %dma_wait3A_176 = tpu.memref_slice %arg8[%dma_wait3A_174, %dma_wait3A_175] : memref<80x128xi32, #tpu.memory_space<vmem>> -> memref<1x128xi32, #tpu.memory_space<vmem>>
    %dma_wait3A_177 = tpu.memref_squeeze %dma_wait3A_176 : memref<1x128xi32, #tpu.memory_space<vmem>> -> memref<128xi32, #tpu.memory_space<vmem>>
    %dma_wait3A_178 = arith.constant 0 : i32
    %dma_wait3A_179 = arith.constant 0 : i32
    %dma_wait3A_180 = tpu.memref_slice %arg6[%dma_wait3A_178, %dma_wait3A_179] : memref<10000x128xf32, #tpu.memory_space<vmem_shared>> -> memref<10000x128xf32, #tpu.memory_space<vmem_shared>>
    tpu.wait_indirect_dma semaphore(%arg19 : memref<!tpu.dma_semaphore, #tpu.memory_space<semaphore_mem>>) src(%arg12 : memref<128x128xf32, #tpu.memory_space<vmem>>) dst(%dma_wait3A_180 : memref<10000x128xf32, #tpu.memory_space<vmem_shared>>)
    %barrier3A_181 = arith.constant 0 : index
    tpu.barrier barrier_id(%barrier3A_181)
    %mul3A_182 = arith.constant 624 : i32
    %mul3A_183 = arith.muli %arg1, %mul3A_182 : i32
    %mul3A_184 = arith.constant 624 : i32
    %mul3A_185 = arith.muli %arg1, %mul3A_184 : i32
    "tpu.region"() ({
      %run_scoped3A = tpu.sem_alloc : memref<!tpu.dma_semaphore, #tpu.memory_space<semaphore_mem>>
      %dma_start3A_188 = arith.constant 0 : i32
      %dma_start3A_189 = tpu.memref_slice %arg5[%arg0, %mul3A_185, %dma_start3A_188] : memref<2x10000x128xf32, #tpu.memory_space<hbm>> -> memref<1x624x128xf32, #tpu.memory_space<hbm>>
      %dma_start3A_190 = tpu.memref_squeeze %dma_start3A_189 : memref<1x624x128xf32, #tpu.memory_space<hbm>> -> memref<624x128xf32, #tpu.memory_space<hbm>>
      %dma_start3A_191 = arith.constant 0 : i32
      %dma_start3A_192 = tpu.memref_slice %arg6[%mul3A_183, %dma_start3A_191] : memref<10000x128xf32, #tpu.memory_space<vmem_shared>> -> memref<624x128xf32, #tpu.memory_space<vmem_shared>>
      tpu.enqueue_dma source(%dma_start3A_192 : memref<624x128xf32, #tpu.memory_space<vmem_shared>>) target(%dma_start3A_190 : memref<624x128xf32, #tpu.memory_space<hbm>>) target_semaphore(%run_scoped3A : memref<!tpu.dma_semaphore, #tpu.memory_space<semaphore_mem>>)
      %dma_wait3A_193 = arith.constant 0 : i32
      %dma_wait3A_194 = tpu.memref_slice %arg5[%arg0, %mul3A_185, %dma_wait3A_193] : memref<2x10000x128xf32, #tpu.memory_space<hbm>> -> memref<1x624x128xf32, #tpu.memory_space<hbm>>
      %dma_wait3A_195 = tpu.memref_squeeze %dma_wait3A_194 : memref<1x624x128xf32, #tpu.memory_space<hbm>> -> memref<624x128xf32, #tpu.memory_space<hbm>>
      %dma_wait3A_196 = arith.constant 0 : i32
      %dma_wait3A_197 = tpu.memref_slice %arg6[%mul3A_183, %dma_wait3A_196] : memref<10000x128xf32, #tpu.memory_space<vmem_shared>> -> memref<624x128xf32, #tpu.memory_space<vmem_shared>>
      tpu.wait_dma2 semaphore(%run_scoped3A : memref<!tpu.dma_semaphore, #tpu.memory_space<semaphore_mem>>) src(%dma_wait3A_197 : memref<624x128xf32, #tpu.memory_space<vmem_shared>>) dst(%dma_wait3A_195 : memref<624x128xf32, #tpu.memory_space<hbm>>)
      tpu.yield
    }) : () -> ()
    %eq3A = arith.constant 0 : i32
    %eq3A_186 = arith.cmpi eq, %arg1, %eq3A : i32
    %convert_element_type3A = arith.extui %eq3A_186 : i1 to i32
    %cond3A = arith.constant 0 : i32
    %cond3A_187 = arith.cmpi ne, %convert_element_type3A, %cond3A : i32
    scf.if %cond3A_187 {
      "tpu.region"() ({
        %run_scoped3A = tpu.sem_alloc : memref<!tpu.dma_semaphore, #tpu.memory_space<semaphore_mem>>
        %dma_start3A_188 = arith.constant 9984 : i32
        %dma_start3A_189 = arith.constant 0 : i32
        %dma_start3A_190 = tpu.memref_slice %arg5[%arg0, %dma_start3A_188, %dma_start3A_189] : memref<2x10000x128xf32, #tpu.memory_space<hbm>> -> memref<1x16x128xf32, #tpu.memory_space<hbm>>
        %dma_start3A_191 = tpu.memref_squeeze %dma_start3A_190 : memref<1x16x128xf32, #tpu.memory_space<hbm>> -> memref<16x128xf32, #tpu.memory_space<hbm>>
        %dma_start3A_192 = arith.constant 9984 : i32
        %dma_start3A_193 = arith.constant 0 : i32
        %dma_start3A_194 = tpu.memref_slice %arg6[%dma_start3A_192, %dma_start3A_193] : memref<10000x128xf32, #tpu.memory_space<vmem_shared>> -> memref<16x128xf32, #tpu.memory_space<vmem_shared>>
        tpu.enqueue_dma source(%dma_start3A_194 : memref<16x128xf32, #tpu.memory_space<vmem_shared>>) target(%dma_start3A_191 : memref<16x128xf32, #tpu.memory_space<hbm>>) target_semaphore(%run_scoped3A : memref<!tpu.dma_semaphore, #tpu.memory_space<semaphore_mem>>)
        %dma_wait3A_195 = arith.constant 9984 : i32
        %dma_wait3A_196 = arith.constant 0 : i32
        %dma_wait3A_197 = tpu.memref_slice %arg5[%arg0, %dma_wait3A_195, %dma_wait3A_196] : memref<2x10000x128xf32, #tpu.memory_space<hbm>> -> memref<1x16x128xf32, #tpu.memory_space<hbm>>
        %dma_wait3A_198 = tpu.memref_squeeze %dma_wait3A_197 : memref<1x16x128xf32, #tpu.memory_space<hbm>> -> memref<16x128xf32, #tpu.memory_space<hbm>>
        %dma_wait3A_199 = arith.constant 9984 : i32
        %dma_wait3A_200 = arith.constant 0 : i32
        %dma_wait3A_201 = tpu.memref_slice %arg6[%dma_wait3A_199, %dma_wait3A_200] : memref<10000x128xf32, #tpu.memory_space<vmem_shared>> -> memref<16x128xf32, #tpu.memory_space<vmem_shared>>
        tpu.wait_dma2 semaphore(%run_scoped3A : memref<!tpu.dma_semaphore, #tpu.memory_space<semaphore_mem>>) src(%dma_wait3A_201 : memref<16x128xf32, #tpu.memory_space<vmem_shared>>) dst(%dma_wait3A_198 : memref<16x128xf32, #tpu.memory_space<hbm>>)
        tpu.yield
      }) : () -> ()
    } else {
    }
    return
  }
}

module attributes {stable_mosaic.version = 14 : i64} {
  func.func @_dense_body(%arg0: i32, %arg1: memref<1000x128xf32, #tpu.memory_space<vmem>>, %arg2: memref<1000x128xf32, #tpu.memory_space<vmem>>, %arg3: memref<1000x256xf32, #tpu.memory_space<vmem>>, %arg4: memref<1000x256xf32, #tpu.memory_space<vmem>>, %arg5: memref<256x256xf32, #tpu.memory_space<vmem>>, %arg6: memref<1x256xf32, #tpu.memory_space<vmem>>, %arg7: memref<1x256xf32, #tpu.memory_space<vmem>>, %arg8: memref<1x256xf32, #tpu.memory_space<vmem>>, %arg9: memref<1000x256xf32, #tpu.memory_space<vmem>>) attributes {dimension_semantics = [#tpu.dimension_semantics<arbitrary>], iteration_bounds = array<i64: 10>, scalar_prefetch = 0 : i64, scratch_operands = 0 : i64, tpu.core_type = #tpu.core_type<tc>, window_params = [{transform_indices = @transform_0, window_bounds = array<i64: 1000, 128>}, {transform_indices = @transform_1, window_bounds = array<i64: 1000, 128>}, {transform_indices = @transform_2, window_bounds = array<i64: 1000, 256>}, {transform_indices = @transform_3, window_bounds = array<i64: 1000, 256>}, {pipeline_mode = #tpu.pipeline_mode<synchronous>, transform_indices = @transform_4, window_bounds = array<i64: 256, 256>}, {pipeline_mode = #tpu.pipeline_mode<synchronous>, transform_indices = @transform_5, window_bounds = array<i64: 1, 256>}, {pipeline_mode = #tpu.pipeline_mode<synchronous>, transform_indices = @transform_6, window_bounds = array<i64: 1, 256>}, {pipeline_mode = #tpu.pipeline_mode<synchronous>, transform_indices = @transform_7, window_bounds = array<i64: 1, 256>}, {transform_indices = @transform_8, window_bounds = array<i64: 1000, 256>}]} {
    %get3A = arith.constant 0 : index
    %get3A_0 = arith.constant 0 : index
    %get3A_1 = vector.load %arg1[%get3A, %get3A_0] : memref<1000x128xf32, #tpu.memory_space<vmem>>, vector<1000x128xf32>
    %get3A_2 = arith.constant 0 : index
    %get3A_3 = arith.constant 0 : index
    %get3A_4 = vector.load %arg2[%get3A_2, %get3A_3] : memref<1000x128xf32, #tpu.memory_space<vmem>>, vector<1000x128xf32>
    %concatenate3A = tpu.concatenate %get3A_1, %get3A_4 in 1 : vector<1000x128xf32>, vector<1000x128xf32> -> vector<1000x256xf32>
    %mul3A = arith.constant 0.899999976 : f32
    %mul3A_5 = vector.broadcast %mul3A : f32 to vector<1000x256xf32>
    %mul3A_6 = arith.mulf %mul3A_5, %concatenate3A : vector<1000x256xf32>
    %get3A_7 = arith.constant 0 : index
    %get3A_8 = arith.constant 0 : index
    %get3A_9 = vector.load %arg3[%get3A_7, %get3A_8] : memref<1000x256xf32, #tpu.memory_space<vmem>>, vector<1000x256xf32>
    %mul3A_10 = arith.constant 1.000000e-01 : f32
    %mul3A_11 = vector.broadcast %mul3A_10 : f32 to vector<1000x256xf32>
    %mul3A_12 = arith.mulf %mul3A_11, %get3A_9 : vector<1000x256xf32>
    %add3A = arith.addf %mul3A_6, %mul3A_12 : vector<1000x256xf32>
    %get3A_13 = arith.constant 0 : index
    %get3A_14 = arith.constant 0 : index
    %get3A_15 = vector.load %arg5[%get3A_13, %get3A_14] : memref<256x256xf32, #tpu.memory_space<vmem>>, vector<256x256xf32>
    %dot_general3A = arith.constant dense<0.000000e+00> : vector<1000x256xf32>
    %dot_general3A_16 = tpu.matmul %add3A, %get3A_15, %dot_general3A {dimension_numbers = #tpu.dot_dimension_numbers<[1], [0], [0], [1], [0, 0, 1, 1], [], []>, transpose_lhs_hint = false} : vector<1000x256xf32>, vector<256x256xf32>, vector<1000x256xf32> -> vector<1000x256xf32>
    %get3A_17 = arith.constant 0 : index
    %get3A_18 = arith.constant 0 : index
    %get3A_19 = vector.load %arg6[%get3A_17, %get3A_18] : memref<1x256xf32, #tpu.memory_space<vmem>>, vector<1x256xf32>
    %add3A_20 = vector.broadcast %get3A_19 : vector<1x256xf32> to vector<1000x256xf32>
    %add3A_21 = arith.addf %dot_general3A_16, %add3A_20 : vector<1000x256xf32>
    %mul3A_22 = arith.constant 5.000000e-01 : f32
    %mul3A_23 = vector.broadcast %mul3A_22 : f32 to vector<1000x256xf32>
    %mul3A_24 = arith.mulf %mul3A_23, %add3A : vector<1000x256xf32>
    %mul3A_25 = arith.constant 5.000000e-01 : f32
    %mul3A_26 = vector.broadcast %mul3A_25 : f32 to vector<1000x256xf32>
    %mul3A_27 = arith.mulf %mul3A_26, %add3A_21 : vector<1000x256xf32>
    %add3A_28 = arith.addf %mul3A_24, %mul3A_27 : vector<1000x256xf32>
    %mul3A_29 = arith.constant 5.000000e-01 : f32
    %mul3A_30 = vector.broadcast %mul3A_29 : f32 to vector<1000x256xf32>
    %mul3A_31 = arith.mulf %mul3A_30, %add3A_28 : vector<1000x256xf32>
    %mul3A_32 = arith.constant 0.707106769 : f32
    %mul3A_33 = vector.broadcast %mul3A_32 : f32 to vector<1000x256xf32>
    %mul3A_34 = arith.mulf %add3A_28, %mul3A_33 : vector<1000x256xf32>
    %abs3A = math.absf %mul3A_34 : vector<1000x256xf32>
    %mul3A_35 = arith.constant 0.327591091 : f32
    %mul3A_36 = vector.broadcast %mul3A_35 : f32 to vector<1000x256xf32>
    %mul3A_37 = arith.mulf %mul3A_36, %abs3A : vector<1000x256xf32>
    %add3A_38 = arith.constant 1.000000e+00 : f32
    %add3A_39 = vector.broadcast %add3A_38 : f32 to vector<1000x256xf32>
    %add3A_40 = arith.addf %add3A_39, %mul3A_37 : vector<1000x256xf32>
    %div3A = arith.constant 1.000000e+00 : f32
    %div3A_41 = vector.broadcast %div3A : f32 to vector<1000x256xf32>
    %div3A_42 = arith.divf %div3A_41, %add3A_40 : vector<1000x256xf32>
    %mul3A_43 = arith.constant 1.06140542 : f32
    %mul3A_44 = vector.broadcast %mul3A_43 : f32 to vector<1000x256xf32>
    %mul3A_45 = arith.mulf %mul3A_44, %div3A_42 : vector<1000x256xf32>
    %sub3A = arith.constant 1.45315206 : f32
    %sub3A_46 = vector.broadcast %sub3A : f32 to vector<1000x256xf32>
    %sub3A_47 = arith.subf %mul3A_45, %sub3A_46 : vector<1000x256xf32>
    %mul3A_48 = arith.mulf %sub3A_47, %div3A_42 : vector<1000x256xf32>
    %add3A_49 = arith.constant 1.42141378 : f32
    %add3A_50 = vector.broadcast %add3A_49 : f32 to vector<1000x256xf32>
    %add3A_51 = arith.addf %mul3A_48, %add3A_50 : vector<1000x256xf32>
    %mul3A_52 = arith.mulf %add3A_51, %div3A_42 : vector<1000x256xf32>
    %sub3A_53 = arith.constant 0.284496725 : f32
    %sub3A_54 = vector.broadcast %sub3A_53 : f32 to vector<1000x256xf32>
    %sub3A_55 = arith.subf %mul3A_52, %sub3A_54 : vector<1000x256xf32>
    %mul3A_56 = arith.mulf %sub3A_55, %div3A_42 : vector<1000x256xf32>
    %add3A_57 = arith.constant 0.254829586 : f32
    %add3A_58 = vector.broadcast %add3A_57 : f32 to vector<1000x256xf32>
    %add3A_59 = arith.addf %mul3A_56, %add3A_58 : vector<1000x256xf32>
    %mul3A_60 = arith.mulf %add3A_59, %div3A_42 : vector<1000x256xf32>
    %neg3A = arith.constant 0.000000e+00 : f32
    %neg3A_61 = vector.broadcast %neg3A : f32 to vector<1000x256xf32>
    %neg3A_62 = arith.subf %neg3A_61, %abs3A : vector<1000x256xf32>
    %mul3A_63 = arith.mulf %neg3A_62, %abs3A : vector<1000x256xf32>
    %exp3A = math.exp %mul3A_63 : vector<1000x256xf32>
    %mul3A_64 = arith.mulf %mul3A_60, %exp3A : vector<1000x256xf32>
    %sub3A_65 = arith.constant 1.000000e+00 : f32
    %sub3A_66 = vector.broadcast %sub3A_65 : f32 to vector<1000x256xf32>
    %sub3A_67 = arith.subf %sub3A_66, %mul3A_64 : vector<1000x256xf32>
    %sign3A = tpu.bitcast %mul3A_34 : vector<1000x256xf32> -> vector<1000x256xi32>
    %sign3A_68 = arith.constant -2147483648 : i32
    %sign3A_69 = vector.broadcast %sign3A_68 : i32 to vector<1000x256xi32>
    %sign3A_70 = arith.andi %sign3A, %sign3A_69 : vector<1000x256xi32>
    %sign3A_71 = arith.constant 1065353216 : i32
    %sign3A_72 = vector.broadcast %sign3A_71 : i32 to vector<1000x256xi32>
    %sign3A_73 = arith.ori %sign3A_72, %sign3A_70 : vector<1000x256xi32>
    %sign3A_74 = tpu.bitcast %sign3A_73 : vector<1000x256xi32> -> vector<1000x256xf32>
    %sign3A_75 = math.absf %mul3A_34 : vector<1000x256xf32>
    %sign3A_76 = arith.constant 0.000000e+00 : f32
    %sign3A_77 = vector.broadcast %sign3A_76 : f32 to vector<1000x256xf32>
    %sign3A_78 = arith.cmpf ogt, %sign3A_75, %sign3A_77 : vector<1000x256xf32>
    %sign3A_79 = arith.select %sign3A_78, %sign3A_74, %mul3A_34 : vector<1000x256xi1>, vector<1000x256xf32>
    %mul3A_80 = arith.mulf %sign3A_79, %sub3A_67 : vector<1000x256xf32>
    %add3A_81 = arith.constant 1.000000e+00 : f32
    %add3A_82 = vector.broadcast %add3A_81 : f32 to vector<1000x256xf32>
    %add3A_83 = arith.addf %add3A_82, %mul3A_80 : vector<1000x256xf32>
    %mul3A_84 = arith.mulf %mul3A_31, %add3A_83 : vector<1000x256xf32>
    %get3A_85 = arith.constant 0 : index
    %get3A_86 = arith.constant 0 : index
    %get3A_87 = vector.load %arg4[%get3A_85, %get3A_86] : memref<1000x256xf32, #tpu.memory_space<vmem>>, vector<1000x256xf32>
    %add3A_88 = arith.addf %mul3A_84, %get3A_87 : vector<1000x256xf32>
    %reduce_sum3A = arith.constant dense<0.000000e+00> : vector<1000xf32>
    %reduce_sum3A_89 = vector.multi_reduction <add>, %add3A_88, %reduce_sum3A [1] : vector<1000x256xf32> to vector<1000xf32>
    %broadcast_in_dim3A = vector.shape_cast %reduce_sum3A_89 : vector<1000xf32> to vector<1000x1xf32>
    %div3A_90 = arith.constant 2.560000e+02 : f32
    %div3A_91 = vector.broadcast %div3A_90 : f32 to vector<1000x1xf32>
    %div3A_92 = arith.divf %broadcast_in_dim3A, %div3A_91 : vector<1000x1xf32>
    %sub3A_93 = vector.broadcast %div3A_92 : vector<1000x1xf32> to vector<1000x256xf32>
    %sub3A_94 = arith.subf %add3A_88, %sub3A_93 : vector<1000x256xf32>
    %mul3A_95 = arith.mulf %sub3A_94, %sub3A_94 : vector<1000x256xf32>
    %reduce_sum3A_96 = arith.constant dense<0.000000e+00> : vector<1000xf32>
    %reduce_sum3A_97 = vector.multi_reduction <add>, %mul3A_95, %reduce_sum3A_96 [1] : vector<1000x256xf32> to vector<1000xf32>
    %broadcast_in_dim3A_98 = vector.shape_cast %reduce_sum3A_97 : vector<1000xf32> to vector<1000x1xf32>
    %div3A_99 = arith.constant 2.560000e+02 : f32
    %div3A_100 = vector.broadcast %div3A_99 : f32 to vector<1000x1xf32>
    %div3A_101 = arith.divf %broadcast_in_dim3A_98, %div3A_100 : vector<1000x1xf32>
    %add3A_102 = arith.constant 9.99999974E-6 : f32
    %add3A_103 = vector.broadcast %add3A_102 : f32 to vector<1000x1xf32>
    %add3A_104 = arith.addf %div3A_101, %add3A_103 : vector<1000x1xf32>
    %rsqrt3A = math.rsqrt %add3A_104 : vector<1000x1xf32>
    %mul3A_105 = vector.broadcast %rsqrt3A : vector<1000x1xf32> to vector<1000x256xf32>
    %mul3A_106 = arith.mulf %sub3A_94, %mul3A_105 : vector<1000x256xf32>
    %get3A_107 = arith.constant 0 : index
    %get3A_108 = arith.constant 0 : index
    %get3A_109 = vector.load %arg7[%get3A_107, %get3A_108] : memref<1x256xf32, #tpu.memory_space<vmem>>, vector<1x256xf32>
    %mul3A_110 = vector.broadcast %get3A_109 : vector<1x256xf32> to vector<1000x256xf32>
    %mul3A_111 = arith.mulf %mul3A_106, %mul3A_110 : vector<1000x256xf32>
    %get3A_112 = arith.constant 0 : index
    %get3A_113 = arith.constant 0 : index
    %get3A_114 = vector.load %arg8[%get3A_112, %get3A_113] : memref<1x256xf32, #tpu.memory_space<vmem>>, vector<1x256xf32>
    %add3A_115 = vector.broadcast %get3A_114 : vector<1x256xf32> to vector<1000x256xf32>
    %add3A_116 = arith.addf %mul3A_111, %add3A_115 : vector<1000x256xf32>
    %swap3A = arith.constant 0 : index
    %swap3A_117 = arith.constant 0 : index
    %swap3A_118 = vector.load %arg9[%swap3A, %swap3A_117] : memref<1000x256xf32, #tpu.memory_space<vmem>>, vector<1000x256xf32>
    tpu.vector_store %arg9[%swap3A, %swap3A_117], %add3A_116 {strides = array<i32>} : memref<1000x256xf32, #tpu.memory_space<vmem>>, vector<1000x256xf32>,
    return
  }
  func.func @transform_0(%arg0: i32) -> (i32, i32) {
    %c0_i32 = arith.constant 0 : i32
    %c0_i32_0 = arith.constant 0 : i32
    return %arg0, %c0_i32 : i32, i32
  }
  func.func @transform_1(%arg0: i32) -> (i32, i32) {
    %c0_i32 = arith.constant 0 : i32
    %c0_i32_0 = arith.constant 0 : i32
    return %arg0, %c0_i32 : i32, i32
  }
  func.func @transform_2(%arg0: i32) -> (i32, i32) {
    %c0_i32 = arith.constant 0 : i32
    %c0_i32_0 = arith.constant 0 : i32
    return %arg0, %c0_i32 : i32, i32
  }
  func.func @transform_3(%arg0: i32) -> (i32, i32) {
    %c0_i32 = arith.constant 0 : i32
    %c0_i32_0 = arith.constant 0 : i32
    return %arg0, %c0_i32 : i32, i32
  }
  func.func @transform_4(%arg0: i32) -> (i32, i32) {
    %c0_i32 = arith.constant 0 : i32
    %c0_i32_0 = arith.constant 0 : i32
    %c0_i32_1 = arith.constant 0 : i32
    return %c0_i32, %c0_i32_0 : i32, i32
  }
  func.func @transform_5(%arg0: i32) -> (i32, i32) {
    %c0_i32 = arith.constant 0 : i32
    %c0_i32_0 = arith.constant 0 : i32
    %c0_i32_1 = arith.constant 0 : i32
    return %c0_i32, %c0_i32_0 : i32, i32
  }
  func.func @transform_6(%arg0: i32) -> (i32, i32) {
    %c0_i32 = arith.constant 0 : i32
    %c0_i32_0 = arith.constant 0 : i32
    %c0_i32_1 = arith.constant 0 : i32
    return %c0_i32, %c0_i32_0 : i32, i32
  }
  func.func @transform_7(%arg0: i32) -> (i32, i32) {
    %c0_i32 = arith.constant 0 : i32
    %c0_i32_0 = arith.constant 0 : i32
    %c0_i32_1 = arith.constant 0 : i32
    return %c0_i32, %c0_i32_0 : i32, i32
  }
  func.func @transform_8(%arg0: i32) -> (i32, i32) {
    %c0_i32 = arith.constant 0 : i32
    %c0_i32_0 = arith.constant 0 : i32
    return %arg0, %c0_i32 : i32, i32
  }
}

</mosaic_0001>

<sc_bundles>
// kernel: kernel.4.cloned.1.call-start
scs
__scs_entry_jumppad:
0x0: {  	(pc) =	sbr.rel $0x88, $3  }
0x1: {  	(tag) =	ssettag $0x0;
	lr =	simm.s32 $0x1  }
0x2: {  	[smem:$0x3F99] =	sst lr;
	_ =	strace $0xD0000000  }
0x3: {  	_ = 	snop  }
0x4: {  	_ = 	snop  }
0x5: {  	_ = 	snop  }
0x6: {  	_ = 	snop  }
0x7: {  	_ = 	snop  }
__scs_overlays_trampoline_lowered:
0x8: {  	[smem:$0x3FA8] =	sst s0  }
0x9: {  	[smem:$0x3FA9] =	sst s1  }
0xa: {  	[smem:$0x3FAA] =	sst s2  }
0xb: {  	[smem:$0x3FAB] =	sst s3  }
0xc: {  	[smem:$0x3FAC] =	sst s4  }
0xd: {  	[smem:$0x3FAD] =	sst s5  }
0xe: {  	[smem:$0x3FAE] =	sst s6  }
0xf: {  	[smem:$0x3FAF] =	sst s7  }
0x10: {  	[smem:$0x3FB0] =	sst s8  }
0x11: {  	[smem:$0x3FB1] =	sst s9;
	s0 =	simm.s32 @!p0 $0x0  }
0x12: {  	s1 =	sld [smem:$0x3F97];
	s0 =	simm.s32 @p0 $0x1  }
0x13: {  	[smem:$0x3FB2] =	sst s0;
	s0 =	simm.s32 @!p1 $0x0  }
0x14: {  	s2 =	sld [smem:$0x3F96];
	s0 =	simm.s32 @p1 $0x1  }
0x15: {  	[smem:$0x3FB3] =	sst s0;
	s0 =	simm.s32 @!p2 $0x0  }
0x16: {  	s3 =	sld [smem:$0x3FDB];
	s0 =	simm.s32 @p2 $0x1  }
0x17: {  	s4 =	simm.s32 $0x1BF5;
	[smem:$0x3FB5] =	sst s0  }
0x18: {  	s0 =	sld [smem:$0x3F98];
	_ =	swait.ge [sflag:s4], $0x0  }
0x19: {  	s7 =	sld [smem:$0x3F99]  }
0x1a: {  	s8 =	sadd.s32 $0xFFFFE003, lr  }
0x1b: {  	s9 =	sadd.s32 $0xFFFFFEF7, lr;
	s5 =	simm.s32 $0xFFFFFFFF;
	p2 =	slt.u32 s8, $0xFFFFF086  }
0x1c: {  	p1 =	slt.u32 s9, $0xF7A;
	s5 =	simm.s32 @!p2 $0x0  }
0x1d: {  	s5 =	simm.s32 @p1 $0x1;
	p0 =	seq.s32 s7, s2  }
0x1e: {  	s7 =	smul.u32 @!p0 $0xF7A, s2;
	p2 =	seq.s32 @!p0 s5, $0x0  }
0x1f: {  	s9 =	smul.u32 $0xF7A, s1;
	s8 =	simm.s32 @!p0 $0x1BF5;
	p2 =	por !p2, p0  }
0x20: {  	[sflag:s8] =	ssyncset.s32 @!p0 $0xFFFFF086;
	s6 =	sadd.s32 @!p0 s3, s7;
	s7 =	simm.s32 @!p0 $0x108  }
0x21: {  	s3 =	sadd.s32 s3, s9;
	s6 =	sadd.s32 @!p0 $0x88, s6;
	s7 =	simm.s32 @p2 $0x1082  }
0x22: {  	[simem:s7], [sflag:s8] =	dma.local @!p0 [hbm:s6], $0xF7A  }
0x23: {  	s9 =	sor.u32 $0xD0000000, s2;
	s6 =	simm.s32 $0x108;
	_ =	swait.ge @!p0 [sflag:s8], $0x0  }
0x24: {  	s3 =	sadd.s32 $0x88, s3;
	s6 =	simm.s32 @!p1 $0x1082;
	[sflag:s4] =	ssyncset.s32 $0xFFFFF086  }
0x25: {  	[simem:s6], [sflag:s4] =	dma.local [hbm:s3], $0xF7A  }
0x26: {  	[smem:$0x3F99] =	sst s1;
	(tag) =	ssettag s2;
	_ =	strace s9  }
0x27: {  	s1 =	sld [smem:$0x3FA9]  }
0x28: {  	s2 =	sld [smem:$0x3FAA]  }
0x29: {  	s4 =	sld [smem:$0x3FAC]  }
0x2a: {  	p0 =	seq.s32 s5, $0x0;
	s5 =	sld [smem:$0x3FAD]  }
0x2b: {  	s6 =	sld [smem:$0x3FAE]  }
0x2c: {  	s7 =	sld [smem:$0x3FAF]  }
0x2d: {  	s3 =	simm.s32 $0x108;
	s8 =	sld [smem:$0x3FB0]  }
0x2e: {  	s3 =	simm.s32 @!p0 $0x1082;
	s9 =	sld [smem:$0x3FB1]  }
0x2f: {  	lr =	sadd.s32 s0, s3;
	s0 =	sld [smem:$0x3FA8]  }
0x30: {  	s3 =	sld [smem:$0x3FAB]  }
0x31: {  	[smem:$0x3FB4] =	sst s10  }
0x32: {  	s10 =	sld [smem:$0x3FB2];
	_ =	sdelay $0x3  }
0x33: {  	p0 =	seq.s32 s10, $0x1;
	s10 =	sld [smem:$0x3FB4];
	_ =	sdelay $0x3  }
0x34: {  	[smem:$0x3FB4] =	sst s10  }
0x35: {  	s10 =	sld [smem:$0x3FB3];
	_ =	sdelay $0x3  }
0x36: {  	p1 =	seq.s32 s10, $0x1;
	s10 =	sld [smem:$0x3FB4];
	_ =	sdelay $0x3  }
0x37: {  	[smem:$0x3FB4] =	sst s10  }
0x38: {  	s10 =	sld [smem:$0x3FB5]  }
0x39: {  	_ = 	snop;
	(pc) =	sbr.ind lr, $3  }
0x3a: {  	_ = 	snop  }
0x3b: {  	_ = 	snop  }
0x3c: {  	p2 =	seq.s32 s10, $0x1;
	s10 =	sld [smem:$0x3FB4]  }
0x3d: {  	_ =	shalt  }
0x3e: {  	_ =	shalt  }
0x3f: {  	_ =	shalt  }
0x40: {  	_ =	shalt  }
0x41: {  	_ =	shalt  }
0x42: {  	_ =	shalt  }
0x43: {  	_ =	shalt  }
0x44: {  	_ =	shalt  }
0x45: {  	_ =	shalt  }
0x46: {  	_ =	shalt  }
0x47: {  	_ =	shalt  }
0x48: {  	_ =	shalt  }
0x49: {  	_ =	shalt  }
0x4a: {  	_ =	shalt  }
0x4b: {  	_ =	shalt  }
0x4c: {  	_ =	shalt  }
0x4d: {  	_ =	shalt  }
0x4e: {  	_ =	shalt  }
0x4f: {  	_ =	shalt  }
0x50: {  	_ =	shalt  }
0x51: {  	_ =	shalt  }
0x52: {  	_ =	shalt  }
0x53: {  	_ =	shalt  }
0x54: {  	_ =	shalt  }
0x55: {  	_ =	shalt  }
0x56: {  	_ =	shalt  }
0x57: {  	_ =	shalt  }
0x58: {  	_ =	shalt  }
0x59: {  	_ =	shalt  }
0x5a: {  	_ =	shalt  }
0x5b: {  	_ =	shalt  }
0x5c: {  	_ =	shalt  }
0x5d: {  	_ =	shalt  }
0x5e: {  	_ =	shalt  }
0x5f: {  	_ =	shalt  }
0x60: {  	_ =	shalt  }
0x61: {  	_ =	shalt  }
0x62: {  	_ =	shalt  }
0x63: {  	_ =	shalt  }
0x64: {  	_ =	shalt  }
0x65: {  	_ =	shalt  }
0x66: {  	_ =	shalt  }
0x67: {  	_ =	shalt  }
0x68: {  	_ =	shalt  }
0x69: {  	_ =	shalt  }
0x6a: {  	_ =	shalt  }
0x6b: {  	_ =	shalt  }
0x6c: {  	_ =	shalt  }
0x6d: {  	_ =	shalt  }
0x6e: {  	_ =	shalt  }
0x6f: {  	_ =	shalt  }
0x70: {  	_ =	shalt  }
0x71: {  	_ =	shalt  }
0x72: {  	_ =	shalt  }
0x73: {  	_ =	shalt  }
0x74: {  	_ =	shalt  }
0x75: {  	_ =	shalt  }
0x76: {  	_ =	shalt  }
0x77: {  	_ =	shalt  }
0x78: {  	_ =	shalt  }
0x79: {  	_ =	shalt  }
0x7a: {  	_ =	shalt  }
0x7b: {  	_ =	shalt  }
0x7c: {  	_ =	shalt  }
0x7d: {  	_ =	shalt  }
0x7e: {  	_ =	shalt  }
0x7f: {  	_ =	shalt  }
0x80: {  	_ =	shalt  }
0x81: {  	_ =	shalt  }
0x82: {  	_ =	shalt  }
0x83: {  	_ =	shalt  }
0x84: {  	_ =	shalt  }
0x85: {  	_ =	shalt  }
0x86: {  	_ =	shalt  }
0x87: {  	_ =	shalt  }
.Lfunc_end0:
.L_simem_size_0:
called_computation_lowered:
.L_overlay_start_0:
0x88: {  	s2 =	sld [smem:$0x3FD9]  }
0x89: {  	s3 =	sld [smem:$0x3FFE];
	_ =	sdelay $0x1  }
0x8a: {  	s1 =	srdreg.scid  }
0x8b: {  	s0 =	sand.u32 $0x1, s1  }
0x8c: {  	s17 =	sshll.u32 s0, $0xA;
	s2 =	sadd.s32 s3, s2  }
0x8d: {  	s2 =	sadd.s32 s2, s17  }
0x8e: {  	[smem:$0x3FC0] =	sst s2  }
0x8f: {  	_ = 	snop  }
0x90: {  	s2 =	sld [smem:$0x3FD0];
	(tm) =	ssettm $0x1  }
0x91: {  	s18 =	sld [smem:$0x3FFB];
	_ =	sdelay $0x3  }
0x92: {  	_ =	strace s18  }
0x93: {  	s3 =	sld [smem:$0x3FFC];
	_ =	sdelay $0x3  }
0x94: {  	_ =	strace s3  }
0x95: {  	s3 =	sld [smem:$0x3FFD];
	_ =	sdelay $0x3  }
0x96: {  	_ =	strace s3  }
0x97: {  	_ =	strace $0x8FFFFFFF  }
0x98: {  	s19 =	sld [smem:$0x3FDB];
	_ =	sdelay $0x1  }
0x99: {  	s4 =	simm.s32 $_scs_section_size  }
0x9a: {  	s5 =	simm.s32 $_size__tile_overlayer_lowered;
	s6 =	simm.s32 $_tile_overlayer_lowered  }
0x9b: {  	s22 =	simm.s32 $0x1BFF;
	s21 =	sshll.u32 s6, $0x1;
	s3 =	sadd.s32 s4, s19  }
0x9c: {  	s7 =	simm.s32 $0x0;
	s20 =	sshll.u32 s5, $0x1;
	s5 =	sadd.s32 s21, s3  }
0x9d: {  	[timem:s7], [sflag:s22] =	dma.local [hbm:s5], s20  }
0x9e: {  	_ =	swait.ge [sflag:s22], s20  }
0x9f: {  	s4 =	ssub.s32 $0x0, s20;
	[sflag:s22] =	ssyncset.done $0x0  }
0xa0: {  	[sflag:s22] =	ssyncadd.s32 s4;
	_ =	sdelay $0x1  }
0xa1: {  	s23 =	simm.s32 $0x1B8B  }
0xa2: {  	_ =	swait.ge [sflag:s23], $0x1  }
0xa3: {  	[sflag:s23] =	ssyncset.done $0x0  }
0xa4: {  	s25 =	simm.s32 $0x1B8E;
	s24 =	sld [smem:$0x3FFE];
	[sflag:s23] =	ssyncadd.s32 $0xFFFFFFFF  }
0xa5: {  	s26 =	simm.s32 $execute0_lowered;
	[smem:$0x3FD2] =	sst s25  }
0xa6: {  	s5 =	sshll.u32 s26, $0x1;
	_ =	strace $0x80000046;
	[dreg:$0x1] =	wrdreg $0xFFFFFFFF  }
0xa7: {  	s28 =	simm.s32 $_size_execute0_lowered;
	s3 =	sadd.s32 s3, s5;
	[dreg:$0x0] =	wrdreg $0x0  }
0xa8: {  	s5 =	sshll.u32 s28, $0x1;
	[dreg:$0x2] =	wrdreg s3  }
0xa9: {  	[dreg:$0x3] =	wrdreg s5  }
0xaa: {  	[dreg:$0x4] =	wrdreg $0xC0  }
0xab: {  	_ =	task [dreg:s7], $0x5FFFF  }
0xac: {  	[dreg:$0x1] =	wrdreg $0xFFFFFFFF  }
0xad: {  	[dreg:$0x0] =	wrdreg $0x60  }
0xae: {  	[dreg:$0x2] =	wrdreg s2  }
0xaf: {  	[dreg:$0x3] =	wrdreg s24  }
0xb0: {  	[dreg:$0x4] =	wrdreg $0x0  }
0xb1: {  	[dreg:$0x5] =	wrdreg $0x9  }
0xb2: {  	_ =	task.clear_ibuf [dreg:s7], $0x6FFFF;
	_ =	strace $0x90000046  }
0xb3: {  	s29 =	simm.s32 $0x9;
	_ =	strace $0x80000048  }
0xb4: {  	_ =	swait.ge [sflag:s29], $0x1  }
0xb5: {  	[sflag:s29] =	ssyncadd.s32 $0xFFFFFFFF  }
0xb6: {  	_ =	strace $0x90000048  }
0xb7: {  	_ =	sfence  }
0xb8: {  	s30 =	sld [smem:$0x0];
	_ =	sdelay $0x2  }
0xb9: {  	s31 =	sshll.u32 s1, $0xD;
	s1 =	sshrl.u32 s1, $0x2  }
0xba: {  	s3 =	sand.u32 $0x4000, s31;
	s1 =	sadd.s32 s1, s30  }
0xbb: {  	s0 =	sor.u32 s3, s0;
	s1 =	sshll.u32 s1, $0x11  }
0xbc: {  	s0 =	sor.u32 s1, s0  }
0xbd: {  	s0 =	sadd.s32 $0x8F2B, s0  }
0xbe: {  	[sflag:s0] =	ssyncadd.remote.s32 $0x1  }
0xbf: {  	_ =	sfence.sel $0xFFFF  }
0xc0: {  	[dreg:$0x0] =	wrdreg $0xFFFFFFFF;
	(pc) =	sbr.abs _section_cstart, $3  }
0xc1: {  	[dreg:$0x1] =	wrdreg $0xFFFFFFFF  }
0xc2: {  	_ =	task.clear_ibuf [dreg:s7], $0x2FFFF;
	_ =	strace $0x9FFFFFFF  }
0xc3: {  	(tm) =	ssettm $0x7FFFFFFF  }
tec
execute0_lowered:
.L_overlay_start_1:
0x0: {  	(tag) =	ssettag $0x1  }
0x1: {  	s1 =	rddreg [dreg:$0x0]  }
0x2: {  	s0 =	rddreg [dreg:$0x1]  }
0x3: {  	s2 =	rddreg [dreg:$0x2];
	s3 =	simm.s32 $0x0;
	s4 =	srdreg.scid  }
0x4: {  	s12 =	stileid.u32;
	s28 =	simm.s32 $0x1B280;
	s29 =	simm.s32 $0x4  }
0x5: {  	s30 =	simm.s32 $0x6;
	s31 =	simm.s32 $0x7;
	s6 =	smul.u32 $0x500, s12  }
0x6: {  	[smem:$0x7FF] =	sst s3;
	s4 =	sand.u32 $0x1, s4;
	s9 =	smul.u32 $0x4E200, s12  }
0x7: {  	s5 =	sadd.s32 $0x6A00, s0;
	s25 =	smul.u32 $0x13800, s12;
	s7 =	sshll.u32 s4, $0x4  }
0x8: {  	s26 =	smul.u32 $0x4E000, s12;
	p0 =	sne.s32 s12, $0x0;
	s7 =	sor.u32 s12, s7  }
0x9: {  	s6 =	sadd.s32 s6, s0;
	s9 =	sshrl.u32 s9, $0x2;
	s11 =	smul.u32 $0xA00, s7  }
0xa: {  	s15 =	smul.u32 $0x50, s7;
	s7 =	sadd.s32 s9, s2;
	s6 =	sadd.s32 $0x1A00, s6  }
0xb: {  	_ =	strace $0x80000047;
	[dreg:$0x5] =	wrdreg s6;
	s17 =	sadd.s32 $0xC80, s7  }
0xc: {  	s8 =	ssub.s32 $0x2, s4;
	s18 =	sadd.s32 $0x1900, s7;
	[dreg:$0x7] =	wrdreg s17  }
0xd: {  	s4 =	smul.u32 $0x138800, s4;
	s19 =	sadd.s32 $0x2580, s7;
	[dreg:$0x8] =	wrdreg s18  }
0xe: {  	s10 =	sshrl.u32 s8, $0x1;
	s20 =	sadd.s32 $0x3200, s7;
	[dreg:$0x9] =	wrdreg s19  }
0xf: {  	s0 =	sadd.s32 $0x1AA00, s0;
	s21 =	sadd.s32 $0x3E80, s7;
	[dreg:$0xa] =	wrdreg s20  }
0x10: {  	s8 =	ssub.s32 s8, s10;
	s22 =	sadd.s32 $0x4B00, s7;
	[dreg:$0xb] =	wrdreg s21  }
0x11: {  	s23 =	sadd.s32 $0x5780, s7;
	s24 =	sadd.s32 $0x6400, s7;
	[dreg:$0xc] =	wrdreg s22  }
0x12: {  	s9 =	sadd.s32 $0x7080, s7;
	s6 =	sadd.s32 s25, s4;
	[dreg:$0xd] =	wrdreg s23  }
0x13: {  	s4 =	sshrl.u32 s4, $0x3;
	s13 =	sadd.s32 $0x7D00, s7;
	[dreg:$0xe] =	wrdreg s24  }
0x14: {  	s14 =	sadd.s32 $0x8980, s7;
	s25 =	sadd.s32 $0xFA00, s7;
	[dreg:$0xf] =	wrdreg s9  }
0x15: {  	s11 =	sadd.s32 s5, s11;
	s19 =	sor.u32 $0x2, s15;
	[dreg:$0x15] =	wrdreg s13  }
0x16: {  	s20 =	sor.u32 $0x3, s15;
	s6 =	sshrl.u32 s6, $0x3;
	[dreg:$0x16] =	wrdreg s14  }
0x17: {  	s9 =	sshrl.u32 s26, $0x2;
	s4 =	sadd.s32 s0, s4;
	[dreg:$0x1f] =	wrdreg s25  }
0x18: {  	s15 =	sadd.s32 $0x9600, s7;
	s17 =	sadd.s32 $0xAF00, s7;
	[dreg:$0x4] =	wrdreg s11  }
0x19: {  	s18 =	sadd.s32 $0xBB80, s7;
	s21 =	sadd.s32 $0xC800, s7;
	[dreg:$0x17] =	wrdreg s15  }
0x1a: {  	s22 =	sadd.s32 $0xD480, s7;
	s23 =	sadd.s32 $0xE100, s7;
	[dreg:$0x19] =	wrdreg s17  }
0x1b: {  	s24 =	sadd.s32 $0xED80, s7;
	s26 =	sadd.s32 $0x10680, s7;
	[dreg:$0x1a] =	wrdreg s18  }
0x1c: {  	s13 =	sadd.s32 $0x11300, s7;
	s14 =	sadd.s32 $0x11F80, s7;
	[dreg:$0x1b] =	wrdreg s21  }
0x1d: {  	s25 =	simm.s32 $0x17280;
	s16 =	sadd.s32 $0x20, s11;
	[dreg:$0x1c] =	wrdreg s22  }
0x1e: {  	s0 =	sadd.s32 s0, s6;
	s10 =	sadd.s32 s9, s2;
	[dreg:$0x1d] =	wrdreg s23  }
0x1f: {  	s4 =	sadd.s32 $0x27000, s4;
	s11 =	smax.u32 s8, $0x1;
	[dreg:$0x1e] =	wrdreg s24  }
0x20: {  	[smem:$0x7FD] =	sst s26;
	s15 =	sadd.s32 $0x12C00, s7;
	s17 =	simm.s32 $0x17180  }
0x21: {  	s18 =	simm.s32 $0x13880;
	s21 =	simm.s32 $0x8;
	[dreg:$0x6] =	wrdreg s16  }
0x22: {  	v0 =	vimm.f32 $0.0e+00;
	v1 =	vimm.s32 $0x0;
	s22 =	simm.s32 $0x1;
	s23 =	simm.s32 $0x2;
	[dreg:$0x10] =	wrdreg s0  }
.Ltmp0:
0x23: {  	v2 =	vimm.s32 $0x1;
	v3 =	vimm.s32 $0x2;
	v4 =	vimm.s32 $0x3;
	s24 =	simm.s32 $0x80;
	[dreg:$0x11] =	wrdreg s4;
	(pc) =	sbr.rel .LBB2_1-.Ltmp0, $4  }
0x24: {  	v5 =	vimm.s32 $0x4;
	v6 =	vimm.s32 $0x5;
	v7 =	vimm.s32 $0x6;
	s26 =	simm.s32 $0x3;
	[dreg:$0x12] =	wrdreg s11;
	s0 =	sshrl.u32 s10, $0x3  }
0x25: {  	v8 =	vimm.s32 $0x7;
	v9 =	vimm.s32 $0x8;
	v10 =	vimm.s32 $0x9;
	s4 =	sadd.s32 $0x138000, s2;
	s16 =	sadd.s32 $0xA280, s7;
	[dreg:$0x13] =	wrdreg s0  }
0x26: {  	v11 =	vimm.s32 $0xA;
	v12 =	vimm.s32 $0xB;
	v13 =	vimm.s32 $0xC;
	s6 =	simm.s32 $0x5;
	s0 =	sshrl.u32 @!p0 s4, $0x3;
	[dreg:$0x18] =	wrdreg s16  }
0x27: {  	v14 =	vimm.s32 $0xD;
	v15 =	vimm.s32 $0xE;
	v16 =	vimm.s32 $0xF;
	s16 =	simm.s32 $0x17080;
	[dreg:$0x14] =	wrdreg s0;
	s0 =	simm.s32 $0x0  }
.LBB2_10:
0x28: {  	_ =	swait.ge [sflag:s30], $0x4000  }
0x29: {  	[sflag:s30] =	ssyncset.done $0x0  }
0x2a: {  	[sflag:s30] =	ssyncadd.s32 $0xFFFFC000  }
0x2b: {  	_ =	swait.ge [sflag:s31], $0x4000  }
0x2c: {  	[sflag:s31] =	ssyncset.done $0x0  }
0x2d: {  	[sflag:s31] =	ssyncadd.s32 $0xFFFFC000  }
0x2e: {  	s4 =	stileid.u32;
	[bflag:$0x0] =	sbarrier.arrive $0xFFFF  }
0x2f: {  	s4 =	sshll.u32 s4, $0x6;
	s8 =	rddreg [dreg:$0x10]  }
0x30: {  	s4 =	sor.u32 $0x1C08, s4;
	s9 =	rddreg [dreg:$0x13]  }
0x31: {  	[hbm:s8], [sflag:s4] =	dma.local [spmem:s9], $0x2700  }
0x32: {  	_ =	swait.ge [sflag:s21], $0x2700  }
0x33: {  	[sflag:s21] =	ssyncset.done $0x0;
	s8 =	rddreg [dreg:$0x11]  }
0x34: {  	s9 =	rddreg [dreg:$0x14];
	[sflag:s21] =	ssyncadd.s32 $0xFFFFD900  }
0x35: {  	[hbm:s8], [sflag:s4] =	dma.local @!p0 [spmem:s9], $0x100  }
0x36: {  	s4 =	simm.s32 @!p0 $0x8  }
0x37: {  	_ =	swait.ge @!p0 [sflag:s4], $0x100  }
0x38: {  	s0 =	sadd.s32 $0x1, s0;
	s12 =	rddreg [dreg:$0x12]  }
0x39: {  	p1 =	sne.s32 s0, s12  }
.Ltmp1:
0x3a: {  	_ = 	snop;
	(pc) =	sbr.rel @!p1 .LBB2_11-.Ltmp1, $3  }
0x3b: {  	_ =	sdelay $0x1  }
0x3c: {  	[sflag:s4] =	ssyncset.done @!p0 $0x0  }
0x3d: {  	[sflag:s4] =	ssyncadd.s32 @!p0 $0xFFFFFF00  }
.LBB2_1:
0x3e: {  	s4 =	rddreg [dreg:$0x5];
	s8 =	simm.s32 $0x14880  }
0x3f: {  	[tilespmem:s8], [sflag:$0x1] =	stream.linear.gather [hbm4b:s4+s3], $0x2800, $0x38;
	[tilespmem:$0x1F280] =	vst v63  }
0x40: {  	s11 =	rddreg [dreg:$0x4]  }
0x41: {  	[tilespmem:s16], [sflag:$0x2] =	stream.linear.gather [hbm4b:s11+s3], $0x100, $0x38;
	[tilespmem:$0x1F280] =	vst v63  }
0x42: {  	s12 =	rddreg [dreg:$0x6];
	s4 =	simm.s32 $0x0;
	s8 =	simm.s32 $0x200  }
0x43: {  	[tilespmem:s17], [sflag:$0x3] =	stream.linear.gather [hbm4b:s12+s3], $0x100, $0x38;
	[tilespmem:$0x1F280] =	vst v63  }
.LBB2_2:
0x44: {  	p1 =	sne.s32 s8, $0x3000;
	[tilespmem:s4+$0x138F0] =	vst v0  }
0x45: {  	[tilespmem:s4+$0x13880] =	vst v0  }
0x46: {  	[tilespmem:s4+$0x13890] =	vst v0  }
.Ltmp2:
0x47: {  	[tilespmem:s4+$0x138A0] =	vst v0;
	(pc) =	sbr.rel @p1 .LBB2_2-.Ltmp2, $4  }
0x48: {  	[tilespmem:s4+$0x138B0] =	vst v0  }
0x49: {  	[tilespmem:s4+$0x138C0] =	vst v0  }
0x4a: {  	[tilespmem:s4+$0x138D0] =	vst v0  }
0x4b: {  	[tilespmem:s4+$0x138E0] =	vst v0;
	s4 =	sshra.s32 s8, $0x2;
	s8 =	sadd.s32 $0x200, s8  }
0x4c: {  	[tilespmem:s4+$0x138F0] =	vst v0  }
0x4d: {  	[tilespmem:s4+$0x13880] =	vst v0  }
0x4e: {  	[tilespmem:s4+$0x13890] =	vst v0  }
0x4f: {  	[tilespmem:s4+$0x138A0] =	vst v0  }
0x50: {  	[tilespmem:s4+$0x138B0] =	vst v0  }
0x51: {  	[tilespmem:s4+$0x138C0] =	vst v0  }
0x52: {  	[tilespmem:s4+$0x138D0] =	vst v0  }
0x53: {  	[tilespmem:s4+$0x138E0] =	vst v0  }
0x54: {  	[spmem:s7] =	stream.linear.scatter [tilespmem:s18], [sflag:$0x8], $0xC80, $0x38;
	[tilespmem:$0x1F280] =	vst v63  }
0x55: {  	_ =	swait.ge [sflag:s21], $0xC80  }
0x56: {  	[sflag:s21] =	ssyncset.done $0x0  }
0x57: {  	s12 =	rddreg [dreg:$0x7];
	[sflag:s21] =	ssyncadd.s32 $0xFFFFF380  }
0x58: {  	[spmem:s12] =	stream.linear.scatter [tilespmem:s18], [sflag:$0x8], $0xC80, $0x38;
	[tilespmem:$0x1F280] =	vst v63  }
0x59: {  	_ =	swait.ge [sflag:s21], $0xC80  }
0x5a: {  	[sflag:s21] =	ssyncset.done $0x0  }
0x5b: {  	s8 =	rddreg [dreg:$0x8];
	[sflag:s21] =	ssyncadd.s32 $0xFFFFF380  }
0x5c: {  	[spmem:s8] =	stream.linear.scatter [tilespmem:s18], [sflag:$0x8], $0xC80, $0x38;
	[tilespmem:$0x1F280] =	vst v63  }
0x5d: {  	_ =	swait.ge [sflag:s21], $0xC80  }
0x5e: {  	[sflag:s21] =	ssyncset.done $0x0  }
0x5f: {  	s9 =	rddreg [dreg:$0x9];
	[sflag:s21] =	ssyncadd.s32 $0xFFFFF380  }
0x60: {  	[spmem:s9] =	stream.linear.scatter [tilespmem:s18], [sflag:$0x8], $0xC80, $0x38;
	[tilespmem:$0x1F280] =	vst v63  }
0x61: {  	_ =	swait.ge [sflag:s21], $0xC80  }
0x62: {  	[sflag:s21] =	ssyncset.done $0x0  }
0x63: {  	s10 =	rddreg [dreg:$0xa];
	[sflag:s21] =	ssyncadd.s32 $0xFFFFF380  }
0x64: {  	[spmem:s10] =	stream.linear.scatter [tilespmem:s18], [sflag:$0x8], $0xC80, $0x38;
	[tilespmem:$0x1F280] =	vst v63  }
0x65: {  	_ =	swait.ge [sflag:s21], $0xC80  }
0x66: {  	[sflag:s21] =	ssyncset.done $0x0  }
0x67: {  	s11 =	rddreg [dreg:$0xb];
	[sflag:s21] =	ssyncadd.s32 $0xFFFFF380  }
0x68: {  	[spmem:s11] =	stream.linear.scatter [tilespmem:s18], [sflag:$0x8], $0xC80, $0x38;
	[tilespmem:$0x1F280] =	vst v63  }
0x69: {  	_ =	swait.ge [sflag:s21], $0xC80  }
0x6a: {  	[sflag:s21] =	ssyncset.done $0x0  }
0x6b: {  	s12 =	rddreg [dreg:$0xc];
	[sflag:s21] =	ssyncadd.s32 $0xFFFFF380  }
0x6c: {  	[spmem:s12] =	stream.linear.scatter [tilespmem:s18], [sflag:$0x8], $0xC80, $0x38;
	[tilespmem:$0x1F280] =	vst v63  }
0x6d: {  	_ =	swait.ge [sflag:s21], $0xC80  }
0x6e: {  	[sflag:s21] =	ssyncset.done $0x0  }
0x6f: {  	s8 =	rddreg [dreg:$0xd];
	[sflag:s21] =	ssyncadd.s32 $0xFFFFF380  }
0x70: {  	[spmem:s8] =	stream.linear.scatter [tilespmem:s18], [sflag:$0x8], $0xC80, $0x38;
	[tilespmem:$0x1F280] =	vst v63  }
0x71: {  	_ =	swait.ge [sflag:s21], $0xC80  }
0x72: {  	[sflag:s21] =	ssyncset.done $0x0  }
0x73: {  	s9 =	rddreg [dreg:$0xe];
	[sflag:s21] =	ssyncadd.s32 $0xFFFFF380  }
0x74: {  	[spmem:s9] =	stream.linear.scatter [tilespmem:s18], [sflag:$0x8], $0xC80, $0x38;
	[tilespmem:$0x1F280] =	vst v63  }
0x75: {  	_ =	swait.ge [sflag:s21], $0xC80  }
0x76: {  	[sflag:s21] =	ssyncset.done $0x0  }
0x77: {  	s10 =	rddreg [dreg:$0xf];
	[sflag:s21] =	ssyncadd.s32 $0xFFFFF380  }
0x78: {  	[spmem:s10] =	stream.linear.scatter [tilespmem:s18], [sflag:$0x8], $0xC80, $0x38;
	[tilespmem:$0x1F280] =	vst v63  }
0x79: {  	_ =	swait.ge [sflag:s21], $0xC80  }
0x7a: {  	[sflag:s21] =	ssyncset.done $0x0  }
0x7b: {  	s11 =	rddreg [dreg:$0x15];
	[sflag:s21] =	ssyncadd.s32 $0xFFFFF380  }
0x7c: {  	[spmem:s11] =	stream.linear.scatter [tilespmem:s18], [sflag:$0x8], $0xC80, $0x38;
	[tilespmem:$0x1F280] =	vst v63  }
0x7d: {  	_ =	swait.ge [sflag:s21], $0xC80  }
0x7e: {  	[sflag:s21] =	ssyncset.done $0x0  }
0x7f: {  	s12 =	rddreg [dreg:$0x16];
	[sflag:s21] =	ssyncadd.s32 $0xFFFFF380  }
0x80: {  	[spmem:s12] =	stream.linear.scatter [tilespmem:s18], [sflag:$0x8], $0xC80, $0x38;
	[tilespmem:$0x1F280] =	vst v63  }
0x81: {  	_ =	swait.ge [sflag:s21], $0xC80  }
0x82: {  	[sflag:s21] =	ssyncset.done $0x0  }
0x83: {  	s8 =	rddreg [dreg:$0x17];
	[sflag:s21] =	ssyncadd.s32 $0xFFFFF380  }
0x84: {  	[spmem:s8] =	stream.linear.scatter [tilespmem:s18], [sflag:$0x8], $0xC80, $0x38;
	[tilespmem:$0x1F280] =	vst v63  }
0x85: {  	_ =	swait.ge [sflag:s21], $0xC80  }
0x86: {  	[sflag:s21] =	ssyncset.done $0x0  }
0x87: {  	s9 =	rddreg [dreg:$0x18];
	[sflag:s21] =	ssyncadd.s32 $0xFFFFF380  }
0x88: {  	[spmem:s9] =	stream.linear.scatter [tilespmem:s18], [sflag:$0x8], $0xC80, $0x38;
	[tilespmem:$0x1F280] =	vst v63  }
0x89: {  	_ =	swait.ge [sflag:s21], $0xC80  }
0x8a: {  	[sflag:s21] =	ssyncset.done $0x0  }
0x8b: {  	s10 =	rddreg [dreg:$0x19];
	[sflag:s21] =	ssyncadd.s32 $0xFFFFF380  }
0x8c: {  	[spmem:s10] =	stream.linear.scatter [tilespmem:s18], [sflag:$0x8], $0xC80, $0x38;
	[tilespmem:$0x1F280] =	vst v63  }
0x8d: {  	_ =	swait.ge [sflag:s21], $0xC80  }
0x8e: {  	[sflag:s21] =	ssyncset.done $0x0  }
0x8f: {  	s11 =	rddreg [dreg:$0x1a];
	[sflag:s21] =	ssyncadd.s32 $0xFFFFF380  }
0x90: {  	[spmem:s11] =	stream.linear.scatter [tilespmem:s18], [sflag:$0x8], $0xC80, $0x38;
	[tilespmem:$0x1F280] =	vst v63  }
0x91: {  	_ =	swait.ge [sflag:s21], $0xC80  }
0x92: {  	[sflag:s21] =	ssyncset.done $0x0  }
0x93: {  	s12 =	rddreg [dreg:$0x1b];
	[sflag:s21] =	ssyncadd.s32 $0xFFFFF380  }
0x94: {  	[spmem:s12] =	stream.linear.scatter [tilespmem:s18], [sflag:$0x8], $0xC80, $0x38;
	[tilespmem:$0x1F280] =	vst v63  }
0x95: {  	_ =	swait.ge [sflag:s21], $0xC80  }
0x96: {  	[sflag:s21] =	ssyncset.done $0x0  }
0x97: {  	s8 =	rddreg [dreg:$0x1c];
	[sflag:s21] =	ssyncadd.s32 $0xFFFFF380  }
0x98: {  	[spmem:s8] =	stream.linear.scatter [tilespmem:s18], [sflag:$0x8], $0xC80, $0x38;
	[tilespmem:$0x1F280] =	vst v63  }
0x99: {  	_ =	swait.ge [sflag:s21], $0xC80  }
0x9a: {  	[sflag:s21] =	ssyncset.done $0x0  }
0x9b: {  	s9 =	rddreg [dreg:$0x1d];
	[sflag:s21] =	ssyncadd.s32 $0xFFFFF380  }
0x9c: {  	[spmem:s9] =	stream.linear.scatter [tilespmem:s18], [sflag:$0x8], $0xC80, $0x38;
	[tilespmem:$0x1F280] =	vst v63  }
0x9d: {  	_ =	swait.ge [sflag:s21], $0xC80  }
0x9e: {  	[sflag:s21] =	ssyncset.done $0x0  }
0x9f: {  	s10 =	rddreg [dreg:$0x1e];
	[sflag:s21] =	ssyncadd.s32 $0xFFFFF380  }
0xa0: {  	[spmem:s10] =	stream.linear.scatter [tilespmem:s18], [sflag:$0x8], $0xC80, $0x38;
	[tilespmem:$0x1F280] =	vst v63  }
0xa1: {  	_ =	swait.ge [sflag:s21], $0xC80  }
0xa2: {  	[sflag:s21] =	ssyncset.done $0x0  }
0xa3: {  	s11 =	rddreg [dreg:$0x1f];
	[sflag:s21] =	ssyncadd.s32 $0xFFFFF380  }
0xa4: {  	[spmem:s11] =	stream.linear.scatter [tilespmem:s18], [sflag:$0x8], $0xC80, $0x38;
	[tilespmem:$0x1F280] =	vst v63  }
0xa5: {  	_ =	swait.ge [sflag:s21], $0xC80  }
0xa6: {  	s12 =	sld [smem:$0x7FD]  }
0xa7: {  	[sflag:s21] =	ssyncset.done $0x0  }
0xa8: {  	[sflag:s21] =	ssyncadd.s32 $0xFFFFF380  }
0xa9: {  	[spmem:s12] =	stream.linear.scatter [tilespmem:s18], [sflag:$0x8], $0xC80, $0x38;
	[tilespmem:$0x1F280] =	vst v63  }
0xaa: {  	_ =	swait.ge [sflag:s21], $0xC80  }
0xab: {  	[sflag:s21] =	ssyncset.done $0x0  }
0xac: {  	[sflag:s21] =	ssyncadd.s32 $0xFFFFF380  }
0xad: {  	[spmem:s13] =	stream.linear.scatter [tilespmem:s18], [sflag:$0x8], $0xC80, $0x38;
	[tilespmem:$0x1F280] =	vst v63  }
0xae: {  	_ =	swait.ge [sflag:s21], $0xC80  }
0xaf: {  	[sflag:s21] =	ssyncset.done $0x0  }
0xb0: {  	[sflag:s21] =	ssyncadd.s32 $0xFFFFF380  }
0xb1: {  	[spmem:s14] =	stream.linear.scatter [tilespmem:s18], [sflag:$0x8], $0xC80, $0x38;
	[tilespmem:$0x1F280] =	vst v63  }
0xb2: {  	_ =	swait.ge [sflag:s21], $0xC80  }
0xb3: {  	[sflag:s21] =	ssyncset.done $0x0  }
0xb4: {  	[sflag:s21] =	ssyncadd.s32 $0xFFFFF380  }
0xb5: {  	[spmem:s15] =	stream.linear.scatter [tilespmem:s18], [sflag:$0x8], $0xC80, $0x38;
	[tilespmem:$0x1F280] =	vst v63  }
0xb6: {  	_ =	swait.ge [sflag:s21], $0xC80  }
0xb7: {  	[sflag:s21] =	ssyncset.done $0x0  }
0xb8: {  	[sflag:s21] =	ssyncadd.s32 $0xFFFFF380  }
0xb9: {  	_ =	swait.ge [sflag:s22], $0x2800  }
0xba: {  	[sflag:s22] =	ssyncset.done $0x0  }
0xbb: {  	[sflag:s22] =	ssyncadd.s32 $0xFFFFD800  }
0xbc: {  	[bflag:$0x0] =	sbarrier.arrive $0xFFFF  }
0xbd: {  	_ =	swait.ge [sflag:s23], $0x100  }
0xbe: {  	[sflag:s23] =	ssyncset.done $0x0  }
0xbf: {  	[sflag:s23] =	ssyncadd.s32 $0xFFFFFF00  }
0xc0: {  	[tilespmem:s25], [sflag:$0x4] =	stream.indirect.gather [hbm4b:s1+s24], $0x80, s16, s24, $0xb8;
	[tilespmem:$0x1F280] =	vst v63  }
0xc1: {  	_ =	swait.ge [sflag:s26], $0x100  }
0xc2: {  	[sflag:s26] =	ssyncset.done $0x0  }
0xc3: {  	s4 =	simm.s32 $0x0;
	[sflag:s26] =	ssyncadd.s32 $0xFFFFFF00  }
0xc4: {  	[tilespmem:s28], [sflag:$0x5] =	stream.indirect.gather [hbm4b:s1+s24], $0x80, s17, s24, $0xb8;
	[tilespmem:$0x1F280] =	vst v63  }
.LBB2_4:
0xc5: {  	_ =	swait.ge [sflag:s29], $0x4000  }
0xc6: {  	[sflag:s29] =	ssyncset.done $0x0  }
0xc7: {  	s8 =	simm.s32 $0x0;
	[sflag:s29] =	ssyncadd.s32 $0xFFFFC000  }
.LBB2_5:
0xc8: {  	s9 =	sshll.u32 s8, $0x4  }
0xc9: {  	s9 =	sand.u32 $0x3FFFFFF0, s9  }
0xca: {  	s12 =	sshll.u32 s8, $0xB;
	v17 =	vld [tilespmem:s9+$0x17100]  }
0xcb: {  	s9 =	sand.u32 $0x3FFFF800, s12  }
0xcc: {  	v18 =	vld [tilespmem:s9+$0x17280]  }
0xcd: {  	v19 =	vld [tilespmem:s9+$0x17290]  }
0xce: {  	v20 =	vld [tilespmem:s9+$0x172A0]  }
0xcf: {  	v22 =	vld [tilespmem:s9+$0x172B0];
	v21 =	vperm.xlane v17, v1  }
0xd0: {  	v23 =	vld [tilespmem:s9+$0x172C0]  }
0xd1: {  	v24 =	vld [tilespmem:s9+$0x172D0];
	v18 =	vmul.f32 v18, v21  }
0xd2: {  	v25 =	vld [tilespmem:s9+$0x172E0];
	v19 =	vmul.f32 v19, v21  }
0xd3: {  	v38 =	vld [tilespmem:s9+$0x172F0];
	[tilespmem:s9+$0x17280] =	vst v18;
	v18 =	vmul.f32 v20, v21  }
0xd4: {  	v39 =	vld [tilespmem:s9+$0x17300];
	[tilespmem:s9+$0x17290] =	vst v19;
	v19 =	vmul.f32 v22, v21  }
0xd5: {  	v40 =	vld [tilespmem:s9+$0x17310];
	[tilespmem:s9+$0x172A0] =	vst v18;
	v18 =	vmul.f32 v23, v21  }
0xd6: {  	v41 =	vld [tilespmem:s9+$0x17320];
	[tilespmem:s9+$0x172B0] =	vst v19;
	v19 =	vmul.f32 v24, v21  }
0xd7: {  	v26 =	vld [tilespmem:s9+$0x17330];
	v42 =	vperm.xlane v17, v2;
	[tilespmem:s9+$0x172C0] =	vst v18;
	v18 =	vmul.f32 v25, v21  }
0xd8: {  	v43 =	vld [tilespmem:s9+$0x17340];
	[tilespmem:s9+$0x172D0] =	vst v19;
	v19 =	vmul.f32 v38, v21  }
0xd9: {  	v44 =	vld [tilespmem:s9+$0x17350];
	[tilespmem:s9+$0x172E0] =	vst v18;
	v18 =	vmul.f32 v39, v42  }
0xda: {  	v45 =	vld [tilespmem:s9+$0x17360];
	[tilespmem:s9+$0x172F0] =	vst v19;
	v19 =	vmul.f32 v40, v42  }
0xdb: {  	v46 =	vld [tilespmem:s9+$0x17370];
	[tilespmem:s9+$0x17300] =	vst v18;
	v18 =	vmul.f32 v41, v42  }
0xdc: {  	v47 =	vld [tilespmem:s9+$0x17380];
	[tilespmem:s9+$0x17310] =	vst v19;
	v19 =	vmul.f32 v26, v42  }
0xdd: {  	v48 =	vld [tilespmem:s9+$0x17390];
	[tilespmem:s9+$0x17320] =	vst v18;
	v18 =	vmul.f32 v43, v42  }
0xde: {  	v49 =	vld [tilespmem:s9+$0x173A0];
	[tilespmem:s9+$0x17330] =	vst v19;
	v19 =	vmul.f32 v44, v42  }
0xdf: {  	v51 =	vld [tilespmem:s9+$0x173B0];
	v50 =	vperm.xlane v17, v3;
	[tilespmem:s9+$0x17340] =	vst v18;
	v18 =	vmul.f32 v45, v42  }
0xe0: {  	v52 =	vld [tilespmem:s9+$0x173C0];
	[tilespmem:s9+$0x17350] =	vst v19;
	v19 =	vmul.f32 v46, v42  }
0xe1: {  	v53 =	vld [tilespmem:s9+$0x173D0];
	[tilespmem:s9+$0x17360] =	vst v18;
	v18 =	vmul.f32 v47, v50  }
0xe2: {  	v54 =	vld [tilespmem:s9+$0x173E0];
	[tilespmem:s9+$0x17370] =	vst v19;
	v19 =	vmul.f32 v48, v50  }
0xe3: {  	v55 =	vld [tilespmem:s9+$0x173F0];
	[tilespmem:s9+$0x17380] =	vst v18;
	v18 =	vmul.f32 v49, v50  }
0xe4: {  	v56 =	vld [tilespmem:s9+$0x17400];
	[tilespmem:s9+$0x17390] =	vst v19;
	v19 =	vmul.f32 v51, v50  }
0xe5: {  	v57 =	vld [tilespmem:s9+$0x17410];
	[tilespmem:s9+$0x173A0] =	vst v18;
	v18 =	vmul.f32 v52, v50  }
0xe6: {  	v58 =	vld [tilespmem:s9+$0x17420];
	[tilespmem:s9+$0x173B0] =	vst v19;
	v19 =	vmul.f32 v53, v50  }
0xe7: {  	v60 =	vld [tilespmem:s9+$0x17430];
	v59 =	vperm.xlane v17, v4;
	[tilespmem:s9+$0x173C0] =	vst v18;
	v18 =	vmul.f32 v54, v50  }
0xe8: {  	v61 =	vld [tilespmem:s9+$0x17440];
	[tilespmem:s9+$0x173D0] =	vst v19;
	v19 =	vmul.f32 v55, v50  }
0xe9: {  	v62 =	vld [tilespmem:s9+$0x17450];
	[tilespmem:s9+$0x173E0] =	vst v18;
	v18 =	vmul.f32 v56, v59  }
0xea: {  	v63 =	vld [tilespmem:s9+$0x17460];
	[tilespmem:s9+$0x173F0] =	vst v19;
	v19 =	vmul.f32 v57, v59  }
0xeb: {  	v28 =	vld [tilespmem:s9+$0x17470];
	[tilespmem:s9+$0x17400] =	vst v18;
	v18 =	vmul.f32 v58, v59  }
0xec: {  	v29 =	vld [tilespmem:s9+$0x17480];
	[tilespmem:s9+$0x17410] =	vst v19;
	v19 =	vmul.f32 v60, v59  }
0xed: {  	v30 =	vld [tilespmem:s9+$0x17490];
	[tilespmem:s9+$0x17420] =	vst v18;
	v18 =	vmul.f32 v61, v59  }
0xee: {  	v31 =	vld [tilespmem:s9+$0x174A0];
	[tilespmem:s9+$0x17430] =	vst v19;
	v19 =	vmul.f32 v62, v59  }
0xef: {  	v33 =	vld [tilespmem:s9+$0x174B0];
	v32 =	vperm.xlane v17, v5;
	[tilespmem:s9+$0x17440] =	vst v18;
	v18 =	vmul.f32 v63, v59  }
0xf0: {  	v34 =	vld [tilespmem:s9+$0x174C0];
	[tilespmem:s9+$0x17450] =	vst v19;
	v19 =	vmul.f32 v28, v59  }
0xf1: {  	v35 =	vld [tilespmem:s9+$0x174D0];
	[tilespmem:s9+$0x17460] =	vst v18;
	v18 =	vmul.f32 v29, v32  }
0xf2: {  	v36 =	vld [tilespmem:s9+$0x174E0];
	[tilespmem:s9+$0x17470] =	vst v19;
	v19 =	vmul.f32 v30, v32  }
0xf3: {  	v37 =	vld [tilespmem:s9+$0x174F0];
	[tilespmem:s9+$0x17480] =	vst v18;
	v18 =	vmul.f32 v31, v32  }
0xf4: {  	v38 =	vld [tilespmem:s9+$0x17500];
	[tilespmem:s9+$0x17490] =	vst v19;
	v19 =	vmul.f32 v33, v32  }
0xf5: {  	v39 =	vld [tilespmem:s9+$0x17510];
	[tilespmem:s9+$0x174A0] =	vst v18;
	v18 =	vmul.f32 v34, v32  }
0xf6: {  	v40 =	vld [tilespmem:s9+$0x17520];
	[tilespmem:s9+$0x174B0] =	vst v19;
	v19 =	vmul.f32 v35, v32  }
0xf7: {  	v41 =	vperm.xlane v17, v6;
	v42 =	vld [tilespmem:s9+$0x17530];
	[tilespmem:s9+$0x174C0] =	vst v18;
	v18 =	vmul.f32 v36, v32  }
0xf8: {  	v43 =	vld [tilespmem:s9+$0x17540];
	[tilespmem:s9+$0x174D0] =	vst v19;
	v19 =	vmul.f32 v37, v32  }
0xf9: {  	v44 =	vld [tilespmem:s9+$0x17550];
	[tilespmem:s9+$0x174E0] =	vst v18;
	v18 =	vmul.f32 v38, v41  }
0xfa: {  	v45 =	vld [tilespmem:s9+$0x17560];
	[tilespmem:s9+$0x174F0] =	vst v19;
	v19 =	vmul.f32 v39, v41  }
0xfb: {  	v46 =	vld [tilespmem:s9+$0x17570];
	[tilespmem:s9+$0x17500] =	vst v18;
	v18 =	vmul.f32 v40, v41  }
0xfc: {  	v47 =	vld [tilespmem:s9+$0x17580];
	[tilespmem:s9+$0x17510] =	vst v19;
	v19 =	vmul.f32 v42, v41  }
0xfd: {  	v48 =	vld [tilespmem:s9+$0x17590];
	[tilespmem:s9+$0x17520] =	vst v18;
	v18 =	vmul.f32 v43, v41  }
0xfe: {  	v49 =	vld [tilespmem:s9+$0x175A0];
	[tilespmem:s9+$0x17530] =	vst v19;
	v19 =	vmul.f32 v44, v41  }
0xff: {  	v51 =	vld [tilespmem:s9+$0x175B0];
	v50 =	vperm.xlane v17, v7;
	[tilespmem:s9+$0x17540] =	vst v18;
	v18 =	vmul.f32 v45, v41  }
0x100: {  	v52 =	vld [tilespmem:s9+$0x175C0];
	[tilespmem:s9+$0x17550] =	vst v19;
	v19 =	vmul.f32 v46, v41  }
0x101: {  	v53 =	vld [tilespmem:s9+$0x175D0];
	[tilespmem:s9+$0x17560] =	vst v18;
	v18 =	vmul.f32 v47, v50  }
0x102: {  	v54 =	vld [tilespmem:s9+$0x175E0];
	[tilespmem:s9+$0x17570] =	vst v19;
	v19 =	vmul.f32 v48, v50  }
0x103: {  	v55 =	vld [tilespmem:s9+$0x175F0];
	[tilespmem:s9+$0x17580] =	vst v18;
	v18 =	vmul.f32 v49, v50  }
0x104: {  	v56 =	vld [tilespmem:s9+$0x17600];
	[tilespmem:s9+$0x17590] =	vst v19;
	v19 =	vmul.f32 v51, v50  }
0x105: {  	v57 =	vld [tilespmem:s9+$0x17610];
	[tilespmem:s9+$0x175A0] =	vst v18;
	v18 =	vmul.f32 v52, v50  }
0x106: {  	v58 =	vld [tilespmem:s9+$0x17620];
	[tilespmem:s9+$0x175B0] =	vst v19;
	v19 =	vmul.f32 v53, v50  }
0x107: {  	v60 =	vld [tilespmem:s9+$0x17630];
	v59 =	vperm.xlane v17, v8;
	[tilespmem:s9+$0x175C0] =	vst v18;
	v18 =	vmul.f32 v54, v50  }
0x108: {  	v61 =	vld [tilespmem:s9+$0x17640];
	[tilespmem:s9+$0x175D0] =	vst v19;
	v19 =	vmul.f32 v55, v50  }
0x109: {  	v62 =	vld [tilespmem:s9+$0x17650];
	[tilespmem:s9+$0x175E0] =	vst v18;
	v18 =	vmul.f32 v56, v59  }
0x10a: {  	v63 =	vld [tilespmem:s9+$0x17660];
	[tilespmem:s9+$0x175F0] =	vst v19;
	v19 =	vmul.f32 v57, v59  }
0x10b: {  	v28 =	vld [tilespmem:s9+$0x17670];
	[tilespmem:s9+$0x17600] =	vst v18;
	v18 =	vmul.f32 v58, v59  }
0x10c: {  	v29 =	vld [tilespmem:s9+$0x17680];
	[tilespmem:s9+$0x17610] =	vst v19;
	v19 =	vmul.f32 v60, v59  }
0x10d: {  	v30 =	vld [tilespmem:s9+$0x17690];
	[tilespmem:s9+$0x17620] =	vst v18;
	v18 =	vmul.f32 v61, v59  }
0x10e: {  	v31 =	vld [tilespmem:s9+$0x176A0];
	[tilespmem:s9+$0x17630] =	vst v19;
	v19 =	vmul.f32 v62, v59  }
0x10f: {  	v33 =	vld [tilespmem:s9+$0x176B0];
	v32 =	vperm.xlane v17, v9;
	[tilespmem:s9+$0x17640] =	vst v18;
	v18 =	vmul.f32 v63, v59  }
0x110: {  	v34 =	vld [tilespmem:s9+$0x176C0];
	[tilespmem:s9+$0x17650] =	vst v19;
	v19 =	vmul.f32 v28, v59  }
0x111: {  	v35 =	vld [tilespmem:s9+$0x176D0];
	[tilespmem:s9+$0x17660] =	vst v18;
	v18 =	vmul.f32 v29, v32  }
0x112: {  	v36 =	vld [tilespmem:s9+$0x176E0];
	[tilespmem:s9+$0x17670] =	vst v19;
	v19 =	vmul.f32 v30, v32  }
0x113: {  	v37 =	vld [tilespmem:s9+$0x176F0];
	[tilespmem:s9+$0x17680] =	vst v18;
	v18 =	vmul.f32 v31, v32  }
0x114: {  	v38 =	vld [tilespmem:s9+$0x17700];
	[tilespmem:s9+$0x17690] =	vst v19;
	v19 =	vmul.f32 v33, v32  }
0x115: {  	v39 =	vld [tilespmem:s9+$0x17710];
	[tilespmem:s9+$0x176A0] =	vst v18;
	v18 =	vmul.f32 v34, v32  }
0x116: {  	v40 =	vld [tilespmem:s9+$0x17720];
	[tilespmem:s9+$0x176B0] =	vst v19;
	v19 =	vmul.f32 v35, v32  }
0x117: {  	v42 =	vld [tilespmem:s9+$0x17730];
	v41 =	vperm.xlane v17, v10;
	[tilespmem:s9+$0x176C0] =	vst v18;
	v18 =	vmul.f32 v36, v32  }
0x118: {  	v43 =	vld [tilespmem:s9+$0x17740];
	[tilespmem:s9+$0x176D0] =	vst v19;
	v19 =	vmul.f32 v37, v32  }
0x119: {  	v44 =	vld [tilespmem:s9+$0x17750];
	[tilespmem:s9+$0x176E0] =	vst v18;
	v18 =	vmul.f32 v38, v41  }
0x11a: {  	v45 =	vld [tilespmem:s9+$0x17760];
	[tilespmem:s9+$0x176F0] =	vst v19;
	v19 =	vmul.f32 v39, v41  }
0x11b: {  	v46 =	vld [tilespmem:s9+$0x17770];
	[tilespmem:s9+$0x17700] =	vst v18;
	v18 =	vmul.f32 v40, v41  }
0x11c: {  	v47 =	vld [tilespmem:s9+$0x17780];
	[tilespmem:s9+$0x17710] =	vst v19;
	v19 =	vmul.f32 v42, v41  }
0x11d: {  	v48 =	vld [tilespmem:s9+$0x17790];
	[tilespmem:s9+$0x17720] =	vst v18;
	v18 =	vmul.f32 v43, v41  }
0x11e: {  	v49 =	vld [tilespmem:s9+$0x177A0];
	[tilespmem:s9+$0x17730] =	vst v19;
	v19 =	vmul.f32 v44, v41  }
0x11f: {  	v51 =	vld [tilespmem:s9+$0x177B0];
	v50 =	vperm.xlane v17, v11;
	[tilespmem:s9+$0x17740] =	vst v18;
	v18 =	vmul.f32 v45, v41  }
0x120: {  	v52 =	vld [tilespmem:s9+$0x177C0];
	[tilespmem:s9+$0x17750] =	vst v19;
	v19 =	vmul.f32 v46, v41  }
0x121: {  	v53 =	vld [tilespmem:s9+$0x177D0];
	[tilespmem:s9+$0x17760] =	vst v18;
	v18 =	vmul.f32 v47, v50  }
0x122: {  	v54 =	vld [tilespmem:s9+$0x177E0];
	[tilespmem:s9+$0x17770] =	vst v19;
	v19 =	vmul.f32 v48, v50  }
0x123: {  	v55 =	vld [tilespmem:s9+$0x177F0];
	[tilespmem:s9+$0x17780] =	vst v18;
	v18 =	vmul.f32 v49, v50  }
0x124: {  	v56 =	vld [tilespmem:s9+$0x17800];
	[tilespmem:s9+$0x17790] =	vst v19;
	v19 =	vmul.f32 v51, v50  }
0x125: {  	v57 =	vld [tilespmem:s9+$0x17810];
	[tilespmem:s9+$0x177A0] =	vst v18;
	v18 =	vmul.f32 v52, v50  }
0x126: {  	v58 =	vld [tilespmem:s9+$0x17820];
	[tilespmem:s9+$0x177B0] =	vst v19;
	v19 =	vmul.f32 v53, v50  }
0x127: {  	v60 =	vld [tilespmem:s9+$0x17830];
	v59 =	vperm.xlane v17, v12;
	[tilespmem:s9+$0x177C0] =	vst v18;
	v18 =	vmul.f32 v54, v50  }
0x128: {  	v61 =	vld [tilespmem:s9+$0x17840];
	[tilespmem:s9+$0x177D0] =	vst v19;
	v19 =	vmul.f32 v55, v50  }
0x129: {  	v62 =	vld [tilespmem:s9+$0x17850];
	[tilespmem:s9+$0x177E0] =	vst v18;
	v18 =	vmul.f32 v56, v59  }
0x12a: {  	v63 =	vld [tilespmem:s9+$0x17860];
	[tilespmem:s9+$0x177F0] =	vst v19;
	v19 =	vmul.f32 v57, v59  }
0x12b: {  	v28 =	vld [tilespmem:s9+$0x17870];
	[tilespmem:s9+$0x17800] =	vst v18;
	v18 =	vmul.f32 v58, v59  }
0x12c: {  	v29 =	vld [tilespmem:s9+$0x17880];
	[tilespmem:s9+$0x17810] =	vst v19;
	v19 =	vmul.f32 v60, v59  }
0x12d: {  	v30 =	vld [tilespmem:s9+$0x17890];
	[tilespmem:s9+$0x17820] =	vst v18;
	v18 =	vmul.f32 v61, v59  }
0x12e: {  	v31 =	vld [tilespmem:s9+$0x178A0];
	[tilespmem:s9+$0x17830] =	vst v19;
	v19 =	vmul.f32 v62, v59  }
0x12f: {  	v33 =	vld [tilespmem:s9+$0x178B0];
	v32 =	vperm.xlane v17, v13;
	[tilespmem:s9+$0x17840] =	vst v18;
	v18 =	vmul.f32 v63, v59  }
0x130: {  	v34 =	vld [tilespmem:s9+$0x178C0];
	[tilespmem:s9+$0x17850] =	vst v19;
	v19 =	vmul.f32 v28, v59  }
0x131: {  	v35 =	vld [tilespmem:s9+$0x178D0];
	[tilespmem:s9+$0x17860] =	vst v18;
	v18 =	vmul.f32 v29, v32  }
0x132: {  	v36 =	vld [tilespmem:s9+$0x178E0];
	[tilespmem:s9+$0x17870] =	vst v19;
	v19 =	vmul.f32 v30, v32  }
0x133: {  	v37 =	vld [tilespmem:s9+$0x178F0];
	[tilespmem:s9+$0x17880] =	vst v18;
	v18 =	vmul.f32 v31, v32  }
0x134: {  	v38 =	vld [tilespmem:s9+$0x17900];
	[tilespmem:s9+$0x17890] =	vst v19;
	v19 =	vmul.f32 v33, v32  }
0x135: {  	v39 =	vld [tilespmem:s9+$0x17910];
	[tilespmem:s9+$0x178A0] =	vst v18;
	v18 =	vmul.f32 v34, v32  }
0x136: {  	v40 =	vld [tilespmem:s9+$0x17920];
	[tilespmem:s9+$0x178B0] =	vst v19;
	v19 =	vmul.f32 v35, v32  }
0x137: {  	v42 =	vld [tilespmem:s9+$0x17930];
	v41 =	vperm.xlane v17, v14;
	[tilespmem:s9+$0x178C0] =	vst v18;
	v18 =	vmul.f32 v36, v32  }
0x138: {  	v43 =	vld [tilespmem:s9+$0x17940];
	[tilespmem:s9+$0x178D0] =	vst v19;
	v19 =	vmul.f32 v37, v32  }
0x139: {  	v44 =	vld [tilespmem:s9+$0x17950];
	[tilespmem:s9+$0x178E0] =	vst v18;
	v18 =	vmul.f32 v38, v41  }
0x13a: {  	v45 =	vld [tilespmem:s9+$0x17960];
	[tilespmem:s9+$0x178F0] =	vst v19;
	v19 =	vmul.f32 v39, v41  }
0x13b: {  	v46 =	vld [tilespmem:s9+$0x17970];
	[tilespmem:s9+$0x17900] =	vst v18;
	v18 =	vmul.f32 v40, v41  }
0x13c: {  	v47 =	vld [tilespmem:s9+$0x17980];
	[tilespmem:s9+$0x17910] =	vst v19;
	v19 =	vmul.f32 v42, v41  }
0x13d: {  	v48 =	vld [tilespmem:s9+$0x17990];
	[tilespmem:s9+$0x17920] =	vst v18;
	v18 =	vmul.f32 v43, v41  }
0x13e: {  	v49 =	vld [tilespmem:s9+$0x179A0];
	[tilespmem:s9+$0x17930] =	vst v19;
	v19 =	vmul.f32 v44, v41  }
0x13f: {  	v51 =	vld [tilespmem:s9+$0x179B0];
	v50 =	vperm.xlane v17, v15;
	[tilespmem:s9+$0x17940] =	vst v18;
	v18 =	vmul.f32 v45, v41  }
0x140: {  	v52 =	vld [tilespmem:s9+$0x179C0];
	[tilespmem:s9+$0x17950] =	vst v19;
	v19 =	vmul.f32 v46, v41  }
0x141: {  	v53 =	vld [tilespmem:s9+$0x179D0];
	[tilespmem:s9+$0x17960] =	vst v18;
	v18 =	vmul.f32 v47, v50  }
0x142: {  	v54 =	vld [tilespmem:s9+$0x179E0];
	[tilespmem:s9+$0x17970] =	vst v19;
	v19 =	vmul.f32 v48, v50  }
0x143: {  	v55 =	vld [tilespmem:s9+$0x179F0];
	[tilespmem:s9+$0x17980] =	vst v18;
	v18 =	vmul.f32 v49, v50  }
0x144: {  	v56 =	vld [tilespmem:s9+$0x17A00];
	[tilespmem:s9+$0x17990] =	vst v19;
	v19 =	vmul.f32 v51, v50  }
0x145: {  	v57 =	vld [tilespmem:s9+$0x17A10];
	[tilespmem:s9+$0x179A0] =	vst v18;
	v18 =	vmul.f32 v52, v50  }
0x146: {  	v58 =	vld [tilespmem:s9+$0x17A20];
	[tilespmem:s9+$0x179B0] =	vst v19;
	v19 =	vmul.f32 v53, v50  }
0x147: {  	v17 =	vperm.xlane v17, v16;
	v59 =	vld [tilespmem:s9+$0x17A30];
	[tilespmem:s9+$0x179C0] =	vst v18;
	v18 =	vmul.f32 v54, v50  }
0x148: {  	v60 =	vld [tilespmem:s9+$0x17A40];
	[tilespmem:s9+$0x179D0] =	vst v19;
	v19 =	vmul.f32 v55, v50  }
0x149: {  	v61 =	vld [tilespmem:s9+$0x17A50];
	[tilespmem:s9+$0x179E0] =	vst v18;
	v18 =	vmul.f32 v56, v17  }
0x14a: {  	v62 =	vld [tilespmem:s9+$0x17A60];
	[tilespmem:s9+$0x179F0] =	vst v19;
	v19 =	vmul.f32 v57, v17  }
0x14b: {  	v63 =	vld [tilespmem:s9+$0x17A70];
	[tilespmem:s9+$0x17A00] =	vst v18;
	v18 =	vmul.f32 v58, v17  }
0x14c: {  	[tilespmem:s9+$0x17A10] =	vst v19;
	v19 =	vmul.f32 v59, v17  }
0x14d: {  	p1 =	sne.s32 s8, $0x7;
	[tilespmem:s9+$0x17A20] =	vst v18;
	v18 =	vmul.f32 v60, v17  }
.Ltmp3:
0x14e: {  	[tilespmem:s9+$0x17A30] =	vst v19;
	v19 =	vmul.f32 v61, v17;
	(pc) =	sbr.rel @p1 .LBB2_5-.Ltmp3, $4  }
0x14f: {  	[tilespmem:s9+$0x17A40] =	vst v18;
	v18 =	vmul.f32 v62, v17  }
0x150: {  	[tilespmem:s9+$0x17A50] =	vst v19;
	v17 =	vmul.f32 v63, v17  }
0x151: {  	[tilespmem:s9+$0x17A60] =	vst v18  }
0x152: {  	s8 =	sadd.s32 $0x1, s8;
	[tilespmem:s9+$0x17A70] =	vst v17  }
0x153: {  	s8 =	sshll.u32 s4, $0x8  }
0x154: {  	s9 =	sand.u32 $0x3FFFFF00, s8  }
0x155: {  	p1 =	seq.s32 s4, $0x27;
	s8 =	sshll.u32 s4, $0x1;
	s10 =	sadd.s32 $0x14880, s9  }
0x156: {  	[spmem:s2] =	stream.indirect.scatter.add.f32 [tilespmem:s25], [sflag:$0x6], $0x80, s10, s24, $0xb8;
	[tilespmem:$0x1F280] =	vst v63  }
0x157: {  	s10 =	sadd.s32 @!p1 s8, s19  }
0x158: {  	_ =	swait.ge [sflag:s6], $0x4000;
	s10 =	sshll.u32 @!p1 s10, $0x5  }
0x159: {  	s11 =	simm.s32 @!p1 $0x0;
	[sflag:s6] =	ssyncset.done $0x0;
	s10 =	sand.u32 @!p1 $0x1FFFFFC0, s10  }
0x15a: {  	s12 =	simm.s32 @!p1 $0x17080;
	[sflag:s6] =	ssyncadd.s32 $0xFFFFC000;
	s10 =	sadd.s32 @!p1 s5, s10  }
0x15b: {  	[tilespmem:s12], [sflag:$0x2] =	stream.linear.gather @!p1 [hbm4b:s10+s11], $0x100, $0x38;
	[tilespmem:$0x1F280] =	vst v63  }
0x15c: {  	s10 =	simm.s32 $0x0  }
.LBB2_7:
0x15d: {  	s11 =	sshll.u32 s10, $0x4  }
0x15e: {  	s11 =	sand.u32 $0x3FFFFFF0, s11  }
0x15f: {  	s12 =	sshll.u32 s10, $0xB;
	v17 =	vld [tilespmem:s11+$0x17200]  }
0x160: {  	s11 =	sand.u32 $0x3FFFF800, s12  }
0x161: {  	v18 =	vld [tilespmem:s11+$0x1B280]  }
0x162: {  	v19 =	vld [tilespmem:s11+$0x1B290]  }
0x163: {  	v20 =	vld [tilespmem:s11+$0x1B2A0]  }
0x164: {  	v22 =	vld [tilespmem:s11+$0x1B2B0];
	v21 =	vperm.xlane v17, v1  }
0x165: {  	v23 =	vld [tilespmem:s11+$0x1B2C0]  }
0x166: {  	v24 =	vld [tilespmem:s11+$0x1B2D0];
	v18 =	vmul.f32 v18, v21  }
0x167: {  	v25 =	vld [tilespmem:s11+$0x1B2E0];
	v19 =	vmul.f32 v19, v21  }
0x168: {  	v38 =	vld [tilespmem:s11+$0x1B2F0];
	[tilespmem:s11+$0x1B280] =	vst v18;
	v18 =	vmul.f32 v20, v21  }
0x169: {  	v39 =	vld [tilespmem:s11+$0x1B300];
	[tilespmem:s11+$0x1B290] =	vst v19;
	v19 =	vmul.f32 v22, v21  }
0x16a: {  	v40 =	vld [tilespmem:s11+$0x1B310];
	[tilespmem:s11+$0x1B2A0] =	vst v18;
	v18 =	vmul.f32 v23, v21  }
0x16b: {  	v41 =	vld [tilespmem:s11+$0x1B320];
	[tilespmem:s11+$0x1B2B0] =	vst v19;
	v19 =	vmul.f32 v24, v21  }
0x16c: {  	v26 =	vld [tilespmem:s11+$0x1B330];
	v42 =	vperm.xlane v17, v2;
	[tilespmem:s11+$0x1B2C0] =	vst v18;
	v18 =	vmul.f32 v25, v21  }
0x16d: {  	v43 =	vld [tilespmem:s11+$0x1B340];
	[tilespmem:s11+$0x1B2D0] =	vst v19;
	v19 =	vmul.f32 v38, v21  }
0x16e: {  	v44 =	vld [tilespmem:s11+$0x1B350];
	[tilespmem:s11+$0x1B2E0] =	vst v18;
	v18 =	vmul.f32 v39, v42  }
0x16f: {  	v45 =	vld [tilespmem:s11+$0x1B360];
	[tilespmem:s11+$0x1B2F0] =	vst v19;
	v19 =	vmul.f32 v40, v42  }
0x170: {  	v46 =	vld [tilespmem:s11+$0x1B370];
	[tilespmem:s11+$0x1B300] =	vst v18;
	v18 =	vmul.f32 v41, v42  }
0x171: {  	v47 =	vld [tilespmem:s11+$0x1B380];
	[tilespmem:s11+$0x1B310] =	vst v19;
	v19 =	vmul.f32 v26, v42  }
0x172: {  	v48 =	vld [tilespmem:s11+$0x1B390];
	[tilespmem:s11+$0x1B320] =	vst v18;
	v18 =	vmul.f32 v43, v42  }
0x173: {  	v49 =	vld [tilespmem:s11+$0x1B3A0];
	[tilespmem:s11+$0x1B330] =	vst v19;
	v19 =	vmul.f32 v44, v42  }
0x174: {  	v51 =	vld [tilespmem:s11+$0x1B3B0];
	v50 =	vperm.xlane v17, v3;
	[tilespmem:s11+$0x1B340] =	vst v18;
	v18 =	vmul.f32 v45, v42  }
0x175: {  	v52 =	vld [tilespmem:s11+$0x1B3C0];
	[tilespmem:s11+$0x1B350] =	vst v19;
	v19 =	vmul.f32 v46, v42  }
0x176: {  	v53 =	vld [tilespmem:s11+$0x1B3D0];
	[tilespmem:s11+$0x1B360] =	vst v18;
	v18 =	vmul.f32 v47, v50  }
0x177: {  	v54 =	vld [tilespmem:s11+$0x1B3E0];
	[tilespmem:s11+$0x1B370] =	vst v19;
	v19 =	vmul.f32 v48, v50  }
0x178: {  	v55 =	vld [tilespmem:s11+$0x1B3F0];
	[tilespmem:s11+$0x1B380] =	vst v18;
	v18 =	vmul.f32 v49, v50  }
0x179: {  	v56 =	vld [tilespmem:s11+$0x1B400];
	[tilespmem:s11+$0x1B390] =	vst v19;
	v19 =	vmul.f32 v51, v50  }
0x17a: {  	v57 =	vld [tilespmem:s11+$0x1B410];
	[tilespmem:s11+$0x1B3A0] =	vst v18;
	v18 =	vmul.f32 v52, v50  }
0x17b: {  	v58 =	vld [tilespmem:s11+$0x1B420];
	[tilespmem:s11+$0x1B3B0] =	vst v19;
	v19 =	vmul.f32 v53, v50  }
0x17c: {  	v60 =	vld [tilespmem:s11+$0x1B430];
	v59 =	vperm.xlane v17, v4;
	[tilespmem:s11+$0x1B3C0] =	vst v18;
	v18 =	vmul.f32 v54, v50  }
0x17d: {  	v61 =	vld [tilespmem:s11+$0x1B440];
	[tilespmem:s11+$0x1B3D0] =	vst v19;
	v19 =	vmul.f32 v55, v50  }
0x17e: {  	v62 =	vld [tilespmem:s11+$0x1B450];
	[tilespmem:s11+$0x1B3E0] =	vst v18;
	v18 =	vmul.f32 v56, v59  }
0x17f: {  	v63 =	vld [tilespmem:s11+$0x1B460];
	[tilespmem:s11+$0x1B3F0] =	vst v19;
	v19 =	vmul.f32 v57, v59  }
0x180: {  	v28 =	vld [tilespmem:s11+$0x1B470];
	[tilespmem:s11+$0x1B400] =	vst v18;
	v18 =	vmul.f32 v58, v59  }
0x181: {  	v29 =	vld [tilespmem:s11+$0x1B480];
	[tilespmem:s11+$0x1B410] =	vst v19;
	v19 =	vmul.f32 v60, v59  }
0x182: {  	v30 =	vld [tilespmem:s11+$0x1B490];
	[tilespmem:s11+$0x1B420] =	vst v18;
	v18 =	vmul.f32 v61, v59  }
0x183: {  	v31 =	vld [tilespmem:s11+$0x1B4A0];
	[tilespmem:s11+$0x1B430] =	vst v19;
	v19 =	vmul.f32 v62, v59  }
0x184: {  	v33 =	vld [tilespmem:s11+$0x1B4B0];
	v32 =	vperm.xlane v17, v5;
	[tilespmem:s11+$0x1B440] =	vst v18;
	v18 =	vmul.f32 v63, v59  }
0x185: {  	v34 =	vld [tilespmem:s11+$0x1B4C0];
	[tilespmem:s11+$0x1B450] =	vst v19;
	v19 =	vmul.f32 v28, v59  }
0x186: {  	v35 =	vld [tilespmem:s11+$0x1B4D0];
	[tilespmem:s11+$0x1B460] =	vst v18;
	v18 =	vmul.f32 v29, v32  }
0x187: {  	v36 =	vld [tilespmem:s11+$0x1B4E0];
	[tilespmem:s11+$0x1B470] =	vst v19;
	v19 =	vmul.f32 v30, v32  }
0x188: {  	v37 =	vld [tilespmem:s11+$0x1B4F0];
	[tilespmem:s11+$0x1B480] =	vst v18;
	v18 =	vmul.f32 v31, v32  }
0x189: {  	v38 =	vld [tilespmem:s11+$0x1B500];
	[tilespmem:s11+$0x1B490] =	vst v19;
	v19 =	vmul.f32 v33, v32  }
0x18a: {  	v39 =	vld [tilespmem:s11+$0x1B510];
	[tilespmem:s11+$0x1B4A0] =	vst v18;
	v18 =	vmul.f32 v34, v32  }
0x18b: {  	v40 =	vld [tilespmem:s11+$0x1B520];
	[tilespmem:s11+$0x1B4B0] =	vst v19;
	v19 =	vmul.f32 v35, v32  }
0x18c: {  	v41 =	vperm.xlane v17, v6;
	v42 =	vld [tilespmem:s11+$0x1B530];
	[tilespmem:s11+$0x1B4C0] =	vst v18;
	v18 =	vmul.f32 v36, v32  }
0x18d: {  	v43 =	vld [tilespmem:s11+$0x1B540];
	[tilespmem:s11+$0x1B4D0] =	vst v19;
	v19 =	vmul.f32 v37, v32  }
0x18e: {  	v44 =	vld [tilespmem:s11+$0x1B550];
	[tilespmem:s11+$0x1B4E0] =	vst v18;
	v18 =	vmul.f32 v38, v41  }
0x18f: {  	v45 =	vld [tilespmem:s11+$0x1B560];
	[tilespmem:s11+$0x1B4F0] =	vst v19;
	v19 =	vmul.f32 v39, v41  }
0x190: {  	v46 =	vld [tilespmem:s11+$0x1B570];
	[tilespmem:s11+$0x1B500] =	vst v18;
	v18 =	vmul.f32 v40, v41  }
0x191: {  	v47 =	vld [tilespmem:s11+$0x1B580];
	[tilespmem:s11+$0x1B510] =	vst v19;
	v19 =	vmul.f32 v42, v41  }
0x192: {  	v48 =	vld [tilespmem:s11+$0x1B590];
	[tilespmem:s11+$0x1B520] =	vst v18;
	v18 =	vmul.f32 v43, v41  }
0x193: {  	v49 =	vld [tilespmem:s11+$0x1B5A0];
	[tilespmem:s11+$0x1B530] =	vst v19;
	v19 =	vmul.f32 v44, v41  }
0x194: {  	v51 =	vld [tilespmem:s11+$0x1B5B0];
	v50 =	vperm.xlane v17, v7;
	[tilespmem:s11+$0x1B540] =	vst v18;
	v18 =	vmul.f32 v45, v41  }
0x195: {  	v52 =	vld [tilespmem:s11+$0x1B5C0];
	[tilespmem:s11+$0x1B550] =	vst v19;
	v19 =	vmul.f32 v46, v41  }
0x196: {  	v53 =	vld [tilespmem:s11+$0x1B5D0];
	[tilespmem:s11+$0x1B560] =	vst v18;
	v18 =	vmul.f32 v47, v50  }
0x197: {  	v54 =	vld [tilespmem:s11+$0x1B5E0];
	[tilespmem:s11+$0x1B570] =	vst v19;
	v19 =	vmul.f32 v48, v50  }
0x198: {  	v55 =	vld [tilespmem:s11+$0x1B5F0];
	[tilespmem:s11+$0x1B580] =	vst v18;
	v18 =	vmul.f32 v49, v50  }
0x199: {  	v56 =	vld [tilespmem:s11+$0x1B600];
	[tilespmem:s11+$0x1B590] =	vst v19;
	v19 =	vmul.f32 v51, v50  }
0x19a: {  	v57 =	vld [tilespmem:s11+$0x1B610];
	[tilespmem:s11+$0x1B5A0] =	vst v18;
	v18 =	vmul.f32 v52, v50  }
0x19b: {  	v58 =	vld [tilespmem:s11+$0x1B620];
	[tilespmem:s11+$0x1B5B0] =	vst v19;
	v19 =	vmul.f32 v53, v50  }
0x19c: {  	v60 =	vld [tilespmem:s11+$0x1B630];
	v59 =	vperm.xlane v17, v8;
	[tilespmem:s11+$0x1B5C0] =	vst v18;
	v18 =	vmul.f32 v54, v50  }
0x19d: {  	v61 =	vld [tilespmem:s11+$0x1B640];
	[tilespmem:s11+$0x1B5D0] =	vst v19;
	v19 =	vmul.f32 v55, v50  }
0x19e: {  	v62 =	vld [tilespmem:s11+$0x1B650];
	[tilespmem:s11+$0x1B5E0] =	vst v18;
	v18 =	vmul.f32 v56, v59  }
0x19f: {  	v63 =	vld [tilespmem:s11+$0x1B660];
	[tilespmem:s11+$0x1B5F0] =	vst v19;
	v19 =	vmul.f32 v57, v59  }
0x1a0: {  	v28 =	vld [tilespmem:s11+$0x1B670];
	[tilespmem:s11+$0x1B600] =	vst v18;
	v18 =	vmul.f32 v58, v59  }
0x1a1: {  	v29 =	vld [tilespmem:s11+$0x1B680];
	[tilespmem:s11+$0x1B610] =	vst v19;
	v19 =	vmul.f32 v60, v59  }
0x1a2: {  	v30 =	vld [tilespmem:s11+$0x1B690];
	[tilespmem:s11+$0x1B620] =	vst v18;
	v18 =	vmul.f32 v61, v59  }
0x1a3: {  	v31 =	vld [tilespmem:s11+$0x1B6A0];
	[tilespmem:s11+$0x1B630] =	vst v19;
	v19 =	vmul.f32 v62, v59  }
0x1a4: {  	v33 =	vld [tilespmem:s11+$0x1B6B0];
	v32 =	vperm.xlane v17, v9;
	[tilespmem:s11+$0x1B640] =	vst v18;
	v18 =	vmul.f32 v63, v59  }
0x1a5: {  	v34 =	vld [tilespmem:s11+$0x1B6C0];
	[tilespmem:s11+$0x1B650] =	vst v19;
	v19 =	vmul.f32 v28, v59  }
0x1a6: {  	v35 =	vld [tilespmem:s11+$0x1B6D0];
	[tilespmem:s11+$0x1B660] =	vst v18;
	v18 =	vmul.f32 v29, v32  }
0x1a7: {  	v36 =	vld [tilespmem:s11+$0x1B6E0];
	[tilespmem:s11+$0x1B670] =	vst v19;
	v19 =	vmul.f32 v30, v32  }
0x1a8: {  	v37 =	vld [tilespmem:s11+$0x1B6F0];
	[tilespmem:s11+$0x1B680] =	vst v18;
	v18 =	vmul.f32 v31, v32  }
0x1a9: {  	v38 =	vld [tilespmem:s11+$0x1B700];
	[tilespmem:s11+$0x1B690] =	vst v19;
	v19 =	vmul.f32 v33, v32  }
0x1aa: {  	v39 =	vld [tilespmem:s11+$0x1B710];
	[tilespmem:s11+$0x1B6A0] =	vst v18;
	v18 =	vmul.f32 v34, v32  }
0x1ab: {  	v40 =	vld [tilespmem:s11+$0x1B720];
	[tilespmem:s11+$0x1B6B0] =	vst v19;
	v19 =	vmul.f32 v35, v32  }
0x1ac: {  	v42 =	vld [tilespmem:s11+$0x1B730];
	v41 =	vperm.xlane v17, v10;
	[tilespmem:s11+$0x1B6C0] =	vst v18;
	v18 =	vmul.f32 v36, v32  }
0x1ad: {  	v43 =	vld [tilespmem:s11+$0x1B740];
	[tilespmem:s11+$0x1B6D0] =	vst v19;
	v19 =	vmul.f32 v37, v32  }
0x1ae: {  	v44 =	vld [tilespmem:s11+$0x1B750];
	[tilespmem:s11+$0x1B6E0] =	vst v18;
	v18 =	vmul.f32 v38, v41  }
0x1af: {  	v45 =	vld [tilespmem:s11+$0x1B760];
	[tilespmem:s11+$0x1B6F0] =	vst v19;
	v19 =	vmul.f32 v39, v41  }
0x1b0: {  	v46 =	vld [tilespmem:s11+$0x1B770];
	[tilespmem:s11+$0x1B700] =	vst v18;
	v18 =	vmul.f32 v40, v41  }
0x1b1: {  	v47 =	vld [tilespmem:s11+$0x1B780];
	[tilespmem:s11+$0x1B710] =	vst v19;
	v19 =	vmul.f32 v42, v41  }
0x1b2: {  	v48 =	vld [tilespmem:s11+$0x1B790];
	[tilespmem:s11+$0x1B720] =	vst v18;
	v18 =	vmul.f32 v43, v41  }
0x1b3: {  	v49 =	vld [tilespmem:s11+$0x1B7A0];
	[tilespmem:s11+$0x1B730] =	vst v19;
	v19 =	vmul.f32 v44, v41  }
0x1b4: {  	v51 =	vld [tilespmem:s11+$0x1B7B0];
	v50 =	vperm.xlane v17, v11;
	[tilespmem:s11+$0x1B740] =	vst v18;
	v18 =	vmul.f32 v45, v41  }
0x1b5: {  	v52 =	vld [tilespmem:s11+$0x1B7C0];
	[tilespmem:s11+$0x1B750] =	vst v19;
	v19 =	vmul.f32 v46, v41  }
0x1b6: {  	v53 =	vld [tilespmem:s11+$0x1B7D0];
	[tilespmem:s11+$0x1B760] =	vst v18;
	v18 =	vmul.f32 v47, v50  }
0x1b7: {  	v54 =	vld [tilespmem:s11+$0x1B7E0];
	[tilespmem:s11+$0x1B770] =	vst v19;
	v19 =	vmul.f32 v48, v50  }
0x1b8: {  	v55 =	vld [tilespmem:s11+$0x1B7F0];
	[tilespmem:s11+$0x1B780] =	vst v18;
	v18 =	vmul.f32 v49, v50  }
0x1b9: {  	v56 =	vld [tilespmem:s11+$0x1B800];
	[tilespmem:s11+$0x1B790] =	vst v19;
	v19 =	vmul.f32 v51, v50  }
0x1ba: {  	v57 =	vld [tilespmem:s11+$0x1B810];
	[tilespmem:s11+$0x1B7A0] =	vst v18;
	v18 =	vmul.f32 v52, v50  }
0x1bb: {  	v58 =	vld [tilespmem:s11+$0x1B820];
	[tilespmem:s11+$0x1B7B0] =	vst v19;
	v19 =	vmul.f32 v53, v50  }
0x1bc: {  	v60 =	vld [tilespmem:s11+$0x1B830];
	v59 =	vperm.xlane v17, v12;
	[tilespmem:s11+$0x1B7C0] =	vst v18;
	v18 =	vmul.f32 v54, v50  }
0x1bd: {  	v61 =	vld [tilespmem:s11+$0x1B840];
	[tilespmem:s11+$0x1B7D0] =	vst v19;
	v19 =	vmul.f32 v55, v50  }
0x1be: {  	v62 =	vld [tilespmem:s11+$0x1B850];
	[tilespmem:s11+$0x1B7E0] =	vst v18;
	v18 =	vmul.f32 v56, v59  }
0x1bf: {  	v63 =	vld [tilespmem:s11+$0x1B860];
	[tilespmem:s11+$0x1B7F0] =	vst v19;
	v19 =	vmul.f32 v57, v59  }
0x1c0: {  	v28 =	vld [tilespmem:s11+$0x1B870];
	[tilespmem:s11+$0x1B800] =	vst v18;
	v18 =	vmul.f32 v58, v59  }
0x1c1: {  	v29 =	vld [tilespmem:s11+$0x1B880];
	[tilespmem:s11+$0x1B810] =	vst v19;
	v19 =	vmul.f32 v60, v59  }
0x1c2: {  	v30 =	vld [tilespmem:s11+$0x1B890];
	[tilespmem:s11+$0x1B820] =	vst v18;
	v18 =	vmul.f32 v61, v59  }
0x1c3: {  	v31 =	vld [tilespmem:s11+$0x1B8A0];
	[tilespmem:s11+$0x1B830] =	vst v19;
	v19 =	vmul.f32 v62, v59  }
0x1c4: {  	v33 =	vld [tilespmem:s11+$0x1B8B0];
	v32 =	vperm.xlane v17, v13;
	[tilespmem:s11+$0x1B840] =	vst v18;
	v18 =	vmul.f32 v63, v59  }
0x1c5: {  	v34 =	vld [tilespmem:s11+$0x1B8C0];
	[tilespmem:s11+$0x1B850] =	vst v19;
	v19 =	vmul.f32 v28, v59  }
0x1c6: {  	v35 =	vld [tilespmem:s11+$0x1B8D0];
	[tilespmem:s11+$0x1B860] =	vst v18;
	v18 =	vmul.f32 v29, v32  }
0x1c7: {  	v36 =	vld [tilespmem:s11+$0x1B8E0];
	[tilespmem:s11+$0x1B870] =	vst v19;
	v19 =	vmul.f32 v30, v32  }
0x1c8: {  	v37 =	vld [tilespmem:s11+$0x1B8F0];
	[tilespmem:s11+$0x1B880] =	vst v18;
	v18 =	vmul.f32 v31, v32  }
0x1c9: {  	v38 =	vld [tilespmem:s11+$0x1B900];
	[tilespmem:s11+$0x1B890] =	vst v19;
	v19 =	vmul.f32 v33, v32  }
0x1ca: {  	v39 =	vld [tilespmem:s11+$0x1B910];
	[tilespmem:s11+$0x1B8A0] =	vst v18;
	v18 =	vmul.f32 v34, v32  }
0x1cb: {  	v40 =	vld [tilespmem:s11+$0x1B920];
	[tilespmem:s11+$0x1B8B0] =	vst v19;
	v19 =	vmul.f32 v35, v32  }
0x1cc: {  	v42 =	vld [tilespmem:s11+$0x1B930];
	v41 =	vperm.xlane v17, v14;
	[tilespmem:s11+$0x1B8C0] =	vst v18;
	v18 =	vmul.f32 v36, v32  }
0x1cd: {  	v43 =	vld [tilespmem:s11+$0x1B940];
	[tilespmem:s11+$0x1B8D0] =	vst v19;
	v19 =	vmul.f32 v37, v32  }
0x1ce: {  	v44 =	vld [tilespmem:s11+$0x1B950];
	[tilespmem:s11+$0x1B8E0] =	vst v18;
	v18 =	vmul.f32 v38, v41  }
0x1cf: {  	v45 =	vld [tilespmem:s11+$0x1B960];
	[tilespmem:s11+$0x1B8F0] =	vst v19;
	v19 =	vmul.f32 v39, v41  }
0x1d0: {  	v46 =	vld [tilespmem:s11+$0x1B970];
	[tilespmem:s11+$0x1B900] =	vst v18;
	v18 =	vmul.f32 v40, v41  }
0x1d1: {  	v47 =	vld [tilespmem:s11+$0x1B980];
	[tilespmem:s11+$0x1B910] =	vst v19;
	v19 =	vmul.f32 v42, v41  }
0x1d2: {  	v48 =	vld [tilespmem:s11+$0x1B990];
	[tilespmem:s11+$0x1B920] =	vst v18;
	v18 =	vmul.f32 v43, v41  }
0x1d3: {  	v49 =	vld [tilespmem:s11+$0x1B9A0];
	[tilespmem:s11+$0x1B930] =	vst v19;
	v19 =	vmul.f32 v44, v41  }
0x1d4: {  	v51 =	vld [tilespmem:s11+$0x1B9B0];
	v50 =	vperm.xlane v17, v15;
	[tilespmem:s11+$0x1B940] =	vst v18;
	v18 =	vmul.f32 v45, v41  }
0x1d5: {  	v52 =	vld [tilespmem:s11+$0x1B9C0];
	[tilespmem:s11+$0x1B950] =	vst v19;
	v19 =	vmul.f32 v46, v41  }
0x1d6: {  	v53 =	vld [tilespmem:s11+$0x1B9D0];
	[tilespmem:s11+$0x1B960] =	vst v18;
	v18 =	vmul.f32 v47, v50  }
0x1d7: {  	v54 =	vld [tilespmem:s11+$0x1B9E0];
	[tilespmem:s11+$0x1B970] =	vst v19;
	v19 =	vmul.f32 v48, v50  }
0x1d8: {  	v55 =	vld [tilespmem:s11+$0x1B9F0];
	[tilespmem:s11+$0x1B980] =	vst v18;
	v18 =	vmul.f32 v49, v50  }
0x1d9: {  	v56 =	vld [tilespmem:s11+$0x1BA00];
	[tilespmem:s11+$0x1B990] =	vst v19;
	v19 =	vmul.f32 v51, v50  }
0x1da: {  	v57 =	vld [tilespmem:s11+$0x1BA10];
	[tilespmem:s11+$0x1B9A0] =	vst v18;
	v18 =	vmul.f32 v52, v50  }
0x1db: {  	v58 =	vld [tilespmem:s11+$0x1BA20];
	[tilespmem:s11+$0x1B9B0] =	vst v19;
	v19 =	vmul.f32 v53, v50  }
0x1dc: {  	v17 =	vperm.xlane v17, v16;
	v59 =	vld [tilespmem:s11+$0x1BA30];
	[tilespmem:s11+$0x1B9C0] =	vst v18;
	v18 =	vmul.f32 v54, v50  }
0x1dd: {  	v60 =	vld [tilespmem:s11+$0x1BA40];
	[tilespmem:s11+$0x1B9D0] =	vst v19;
	v19 =	vmul.f32 v55, v50  }
0x1de: {  	v61 =	vld [tilespmem:s11+$0x1BA50];
	[tilespmem:s11+$0x1B9E0] =	vst v18;
	v18 =	vmul.f32 v56, v17  }
0x1df: {  	v62 =	vld [tilespmem:s11+$0x1BA60];
	[tilespmem:s11+$0x1B9F0] =	vst v19;
	v19 =	vmul.f32 v57, v17  }
0x1e0: {  	v63 =	vld [tilespmem:s11+$0x1BA70];
	[tilespmem:s11+$0x1BA00] =	vst v18;
	v18 =	vmul.f32 v58, v17  }
0x1e1: {  	[tilespmem:s11+$0x1BA10] =	vst v19;
	v19 =	vmul.f32 v59, v17  }
0x1e2: {  	p2 =	sne.s32 s10, $0x7;
	[tilespmem:s11+$0x1BA20] =	vst v18;
	v18 =	vmul.f32 v60, v17  }
.Ltmp4:
0x1e3: {  	[tilespmem:s11+$0x1BA30] =	vst v19;
	v19 =	vmul.f32 v61, v17;
	(pc) =	sbr.rel @p2 .LBB2_7-.Ltmp4, $4  }
0x1e4: {  	[tilespmem:s11+$0x1BA40] =	vst v18;
	v18 =	vmul.f32 v62, v17  }
0x1e5: {  	[tilespmem:s11+$0x1BA50] =	vst v19;
	v17 =	vmul.f32 v63, v17  }
0x1e6: {  	[tilespmem:s11+$0x1BA60] =	vst v18  }
0x1e7: {  	s10 =	sadd.s32 $0x1, s10;
	[tilespmem:s11+$0x1BA70] =	vst v17  }
.Ltmp5:
0x1e8: {  	(pc) =	sbr.rel @p1 .LBB2_10-.Ltmp5, $3  }
0x1e9: {  	_ =	sdelay $0x1  }
0x1ea: {  	s9 =	sadd.s32 $0x14900, s9  }
0x1eb: {  	[spmem:s2] =	stream.indirect.scatter.add.f32 [tilespmem:s28], [sflag:$0x7], $0x80, s9, s24, $0xb8;
	[tilespmem:$0x1F280] =	vst v63  }
0x1ec: {  	s8 =	sadd.s32 s8, s20  }
0x1ed: {  	s8 =	sshll.u32 s8, $0x5  }
0x1ee: {  	s8 =	sand.u32 $0x1FFFFFE0, s8  }
0x1ef: {  	s8 =	sadd.s32 s5, s8  }
0x1f0: {  	[tilespmem:s17], [sflag:$0x3] =	stream.linear.gather [hbm4b:s8+s3], $0x100, $0x38;
	[tilespmem:$0x1F280] =	vst v63  }
0x1f1: {  	_ =	swait.ge [sflag:s30], $0x4000  }
0x1f2: {  	[sflag:s30] =	ssyncset.done $0x0  }
0x1f3: {  	[sflag:s30] =	ssyncadd.s32 $0xFFFFC000  }
0x1f4: {  	_ =	swait.ge [sflag:s23], $0x100  }
0x1f5: {  	[sflag:s23] =	ssyncset.done $0x0  }
0x1f6: {  	[sflag:s23] =	ssyncadd.s32 $0xFFFFFF00  }
0x1f7: {  	[tilespmem:s25], [sflag:$0x4] =	stream.indirect.gather [hbm4b:s1+s24], $0x80, s16, s24, $0xb8;
	[tilespmem:$0x1F280] =	vst v63  }
0x1f8: {  	_ =	swait.ge [sflag:s31], $0x4000  }
0x1f9: {  	[sflag:s31] =	ssyncset.done $0x0  }
.Ltmp6:
0x1fa: {  	[sflag:s31] =	ssyncadd.s32 $0xFFFFC000;
	(pc) =	sbr.rel .LBB2_4-.Ltmp6, $4  }
0x1fb: {  	_ =	swait.ge [sflag:s26], $0x100  }
0x1fc: {  	[sflag:s26] =	ssyncset.done $0x0  }
0x1fd: {  	s4 =	sadd.s32 $0x1, s4;
	[sflag:s26] =	ssyncadd.s32 $0xFFFFFF00  }
0x1fe: {  	[tilespmem:s28], [sflag:$0x5] =	stream.indirect.gather [hbm4b:s1+s24], $0x80, s17, s24, $0xb8;
	[tilespmem:$0x1F280] =	vst v63  }
.LBB2_11:
0x1ff: {  	_ =	sfence.sel $0x180000  }
0x200: {  	[bflag:$0x0] =	sbarrier.arrive $0xFFFF  }
0x201: {  	_ =	strace $0x90000047  }
0x202: {  	[bflag:$0x2] =	sbarrier.arrive $0xFFFF  }
0x203: {  	s0 =	rddreg [dreg:$0x3]  }
0x204: {  	s0 =	sadd.s32 @!p0 $0x100000, s0  }
0x205: {  	[sflag:s0] =	ssyncadd.tile.s32 @!p0 $0x1;
	_ =	shalt  }
.Lfunc_end2:
_tile_overlayer_lowered:
.L_overlay_start_2:
0x206: {  	(tag) =	ssettag $0x2  }
0x207: {  	s0 =	rddreg [dreg:$0x0];
	s2 =	stileid.u32  }
0x208: {  	s1 =	rddreg [dreg:$0x1];
	p0 =	sne.s32 s2, $0x0  }
0x209: {  	s3 =	rddreg [dreg:$0x2];
	[bflag:$0x3] =	sbarrier.arrive $0xFFFF;
	s2 =	simm.s32 @!p0 $0x1C08  }
0x20a: {  	[timem:s3], [sflag:s2] =	dma.local @!p0 [hbm:s0], s1  }
0x20b: {  	s0 =	simm.s32 @!p0 $0x8  }
0x20c: {  	_ =	swait.ge @!p0 [sflag:s0], s1  }
0x20d: {  	s1 =	ssub.s32 @!p0 $0x0, s1;
	[sflag:s0] =	ssyncset.done @!p0 $0x0  }
0x20e: {  	[sflag:s0] =	ssyncadd.s32 @!p0 s1  }
0x20f: {  	[bflag:$0x3] =	sbarrier.arrive $0xFFFF  }
0x210: {  	_ =	shalt  }

</sc_bundles>
